<compile_context>
chip_gen: v7x
topology: tpu7x:2x2x1
jax: 0.10.2.dev20260603
libtpu: 0.0.44.dev20260713+nightly
codegen_flags: <defaults>
</compile_context>

<pallas_src>
import functools

import jax
import jax.numpy as jnp
from jax import lax
from jax.experimental import pallas as pl
from jax.experimental.pallas import tpu as pltpu
from jax.experimental.pallas import tpu_sc as plsc

FIELD0 = 1000000
B = 4096
IO_DIM = 2048
EMBED_DIM = 64
TROWS = 2 * FIELD0
LGRP = TROWS // 128

_NC, _NS, _L = 2, 16, 16
_NW = _NC * _NS
_BPW = B // _NW

_BT = 512
_NT = B // _BT


def _sc_gather_body(xT_hbm, tflat_hbm, out_hbm,
                    uu_v, ui_v, addr_v, rows_v, sem):
    wid = lax.axis_index("s") * _NC + lax.axis_index("c")
    base = wid * _BPW
    pltpu.sync_copy(xT_hbm.at[0, pl.ds(base, _BPW)], uu_v)
    pltpu.sync_copy(xT_hbm.at[1, pl.ds(base, _BPW)], ui_v)
    for j in range(_BPW // _L):
        sl = pl.ds(j * _L, _L)
        ru = uu_v[sl]
        uu_v[sl] = (lax.shift_left(lax.shift_right_logical(ru, 7), 10)
                    + (ru & 127))
        ri = ui_v[sl] + FIELD0
        ui_v[sl] = (lax.shift_left(lax.shift_right_logical(ri, 7), 10)
                    + (ri & 127))

    def _emit(e, carry):
        te = (lax.shift_right_logical(e, 3) * (LGRP * 1024)
              + (e & 7) * 128)
        for j in range(_BPW // _L):
            u_sl = pl.ds(j * _L, _L)
            addr_v[pl.ds(e * _BPW + j * _L, _L)] = uu_v[u_sl] + te
            addr_v[pl.ds((e + EMBED_DIM) * _BPW + j * _L, _L)] = (
                ui_v[u_sl] + te)
        return carry

    lax.fori_loop(0, EMBED_DIM, _emit, 0)

    copies = []
    for d in range(2 * EMBED_DIM):
        copies.append(pltpu.async_copy(
            tflat_hbm.at[addr_v.at[pl.ds(d * _BPW, _BPW)]],
            rows_v.at[d], sem))
    for c in copies:
        c.wait()
    pltpu.sync_copy(rows_v, out_hbm.at[:, pl.ds(base, _BPW)])


_sc_gather = functools.partial(
    pl.kernel,
    mesh=plsc.VectorSubcoreMesh(
        core_axis_name="c", subcore_axis_name="s",
        num_cores=_NC, num_subcores=_NS),
    out_type=jax.ShapeDtypeStruct((2 * EMBED_DIM, B), jnp.float32),
    scratch_types=[
        pltpu.VMEM((_BPW,), jnp.int32),
        pltpu.VMEM((_BPW,), jnp.int32),
        pltpu.VMEM((2 * EMBED_DIM * _BPW,), jnp.int32),
        pltpu.VMEM((2 * EMBED_DIM, _BPW), jnp.float32),
        pltpu.SemaphoreType.DMA,
    ],
)(_sc_gather_body)


def _tc1_body(ux_ref, ix_ref, ueWT_ref, ueb_ref, ieWT_ref, ieb_ref,
              W1_ref, b1_ref, out_ref):
    cT = (((1,), (1,)), ((), ()))
    uz = jnp.maximum(
        lax.dot_general(ux_ref[...], ueWT_ref[...], cT,
                        preferred_element_type=jnp.float32)
        + ueb_ref[...], 0.0)
    iz = jnp.maximum(
        lax.dot_general(ix_ref[...], ieWT_ref[...], cT,
                        preferred_element_type=jnp.float32)
        + ieb_ref[...], 0.0)
    out_ref[...] = (
        jnp.dot(uz, W1_ref[0:64, :], preferred_element_type=jnp.float32)
        + jnp.dot(iz, W1_ref[128:192, :], preferred_element_type=jnp.float32)
        + b1_ref[...])


def _tc1_call(user_x, item_x, ue_WT, ue_b, ie_WT, ie_b, W1, b1):
    full = lambda shape: pl.BlockSpec(shape, lambda t: (0, 0))
    return pl.pallas_call(
        _tc1_body,
        grid=(_NT,),
        in_specs=[
            pl.BlockSpec((_BT, IO_DIM), lambda t: (t, 0)),
            pl.BlockSpec((_BT, IO_DIM), lambda t: (t, 0)),
            full((64, IO_DIM)), full((1, 64)),
            full((64, IO_DIM)), full((1, 64)),
            full((256, 256)), full((1, 256)),
        ],
        out_specs=pl.BlockSpec((_BT, 256), lambda t: (t, 0)),
        out_shape=jax.ShapeDtypeStruct((B, 256), jnp.float32),
    )(user_x, item_x, ue_WT, ue_b, ie_WT, ie_b, W1, b1)


def _tc2_body(p1_ref, embT_ref, W1_ref, g1_ref, be1_ref,
              W2_ref, b2_ref, g2_ref, be2_ref, W3_ref, b3_ref, out_ref):
    cdims = (((0,), (0,)), ((), ()))
    bf = jnp.bfloat16
    embc = (lax.dot_general(embT_ref[0:64, :].astype(bf),
                            W1_ref[64:128, :].astype(bf), cdims,
                            preferred_element_type=jnp.float32)
            + lax.dot_general(embT_ref[64:128, :].astype(bf),
                              W1_ref[192:256, :].astype(bf), cdims,
                              preferred_element_type=jnp.float32))
    hp = p1_ref[...] + embc
    m1 = jnp.mean(hp, axis=0, keepdims=True)
    v1 = jnp.mean((hp - m1) ** 2, axis=0, keepdims=True)
    h1 = jnp.maximum(
        g1_ref[...] * (hp - m1) * lax.rsqrt(v1 + 1e-5) + be1_ref[...], 0.0)
    h2pre = (jnp.dot(h1.astype(bf), W2_ref[...].astype(bf),
                     preferred_element_type=jnp.float32)
             + b2_ref[...])
    m2 = jnp.mean(h2pre, axis=0, keepdims=True)
    v2 = jnp.mean((h2pre - m2) ** 2, axis=0, keepdims=True)
    h2 = jnp.maximum(
        g2_ref[...] * (h2pre - m2) * lax.rsqrt(v2 + 1e-5) + be2_ref[...], 0.0)
    out_ref[...] = jnp.maximum(
        lax.dot_general(W3_ref[...], h2, (((0,), (1,)), ((), ())),
                        preferred_element_type=jnp.float32).reshape(1, B)
        + b3_ref[...], 0.0)


def _tc2_call(p1, embT, W1, g1, be1, W2, b2, g2, be2, W3, b3):
    return pl.pallas_call(
        _tc2_body,
        out_shape=jax.ShapeDtypeStruct((1, B), jnp.float32),
    )(p1, embT, W1, g1, be1, W2, b2, g2, be2, W3, b3)


def kernel(x, user_x, item_x, emb_table, ue_W, ue_b, ie_W, ie_b,
           W1, b1, g1, be1, W2, b2, g2, be2, W3, b3):
    xT = x.astype(jnp.int32).T
    tflat = (emb_table.T.reshape(8, 8, LGRP, 128)
             .transpose(0, 2, 1, 3).reshape(TROWS * EMBED_DIM))
    embT = _sc_gather(xT, tflat)
    r2 = lambda a: a.reshape(1, -1)
    p1 = _tc1_call(user_x, item_x, ue_W.T, r2(ue_b), ie_W.T, r2(ie_b),
                   W1, r2(b1))
    yT = _tc2_call(p1, embT, W1, r2(g1), r2(be1),
                   W2, r2(b2), r2(g2), r2(be2), W3, r2(b3))
    return yT.reshape(B, 1)

# --- scband reference (transcript-rebuilt; emitter-appended) ---
"""Pipeline reference for scband-ncfppmodel-83940840833475 (READ-ONLY COPY).

The authoritative reference and input builder live on the scoring server;
editing this copy changes nothing except your own understanding.
"""

import jax, jax.numpy as jnp
import numpy as np

FIELD_DIMS = [1000000, 1000000]
EMBED_DIM = 64
IO_DIM = 2048
LATENT = 64
HIDDEN = [256, 128]
B = 4096


def setup_inputs(seed: int = 0) -> dict:
    key = jax.random.key(seed)
    ks = [jax.random.fold_in(key, i) for i in range(20)]
    x = jax.random.randint(ks[0], (B, 2), 0, FIELD_DIMS[0]).astype(jnp.int64) if jax.config.jax_enable_x64 else jax.random.randint(ks[0], (B, 2), 0, FIELD_DIMS[0]).astype(jnp.int32)
    user_x = jax.random.normal(ks[1], (B, IO_DIM), dtype=jnp.float32)
    item_x = jax.random.normal(ks[2], (B, IO_DIM), dtype=jnp.float32)
    emb_table = jax.random.normal(ks[3], (sum(FIELD_DIMS), EMBED_DIM), dtype=jnp.float32) * 0.01
    ue_W = jax.random.normal(ks[4], (IO_DIM, LATENT), dtype=jnp.float32) * (1.0 / np.sqrt(IO_DIM))
    ue_b = jnp.zeros((LATENT,), dtype=jnp.float32)
    ie_W = jax.random.normal(ks[5], (IO_DIM, LATENT), dtype=jnp.float32) * (1.0 / np.sqrt(IO_DIM))
    ie_b = jnp.zeros((LATENT,), dtype=jnp.float32)
    in_dim = EMBED_DIM * 2 + LATENT * 2
    W1 = jax.random.normal(ks[6], (in_dim, HIDDEN[0]), dtype=jnp.float32) * (1.0 / np.sqrt(in_dim))
    b1 = jnp.zeros((HIDDEN[0],), dtype=jnp.float32)
    g1 = jnp.ones((HIDDEN[0],), dtype=jnp.float32)
    be1 = jnp.zeros((HIDDEN[0],), dtype=jnp.float32)
    W2 = jax.random.normal(ks[7], (HIDDEN[0], HIDDEN[1]), dtype=jnp.float32) * (1.0 / np.sqrt(HIDDEN[0]))
    b2 = jnp.zeros((HIDDEN[1],), dtype=jnp.float32)
    g2 = jnp.ones((HIDDEN[1],), dtype=jnp.float32)
    be2 = jnp.zeros((HIDDEN[1],), dtype=jnp.float32)
    W3 = jax.random.normal(ks[8], (HIDDEN[1], 1), dtype=jnp.float32) * (1.0 / np.sqrt(HIDDEN[1]))
    b3 = jnp.zeros((1,), dtype=jnp.float32)
    return {"x": x, "user_x": user_x, "item_x": item_x, "emb_table": emb_table,
            "ue_W": ue_W, "ue_b": ue_b, "ie_W": ie_W, "ie_b": ie_b,
            "W1": W1, "b1": b1, "g1": g1, "be1": be1,
            "W2": W2, "b2": b2, "g2": g2, "be2": be2,
            "W3": W3, "b3": b3}


def _bn(h, g, b):
    m = jnp.mean(h, axis=0, keepdims=True)
    v = jnp.var(h, axis=0, keepdims=True)
    return g * (h - m) / jnp.sqrt(v + 1e-5) + b


def reference(x, user_x, item_x, emb_table, ue_W, ue_b, ie_W, ie_b,
              W1, b1, g1, be1, W2, b2, g2, be2, W3, b3):
    # FeaturesEmbedding: add per-field offsets, single fused table gather
    offsets = jnp.array([0, FIELD_DIMS[0]], dtype=x.dtype)
    idx = x + offsets[None, :]
    x_embed = jnp.take(emb_table, idx, axis=0)  # [B, 2, EMBED_DIM]
    user_embed = x_embed[:, 0, :]
    item_embed = x_embed[:, 1, :]
    # SDAE encoders
    user_z = jax.nn.relu(user_x @ ue_W + ue_b)
    item_z = jax.nn.relu(item_x @ ie_W + ie_b)
    user_repr = jnp.concatenate([user_z, user_embed], axis=1)
    item_repr = jnp.concatenate([item_z, item_embed], axis=1)
    concat = jnp.concatenate([user_repr, item_repr], axis=1)
    # MultilayerPerceptrons with batch_norm + relu (dropout = identity at eval)
    h = jax.nn.relu(_bn(concat @ W1 + b1, g1, be1))
    h = jax.nn.relu(_bn(h @ W2 + b2, g2, be2))
    y = jax.nn.relu(h @ W3 + b3)
    return y

if __name__ == "__main__":
    import jax
    _d = setup_inputs()
    print(jax.jit(kernel)(*tuple(_d.values())))

</pallas_src>

<mosaic_0001>
#map = affine_map<(d0, d1) -> (0, 0)>
#map1 = affine_map<(d0, d1) -> (0)>
module attributes {stable_mosaic.version = 14 : i64} {
  func.func @_sc_gather_body(%arg0: i32, %arg1: i32, %arg2: memref<2x4096xi32, #tpu.memory_space<hbm>>, %arg3: memref<128000000xf32, #tpu.memory_space<hbm>>, %arg4: memref<128x4096xf32, #tpu.memory_space<hbm>>, %arg5: memref<128xi32, #tpu.memory_space<vmem>>, %arg6: memref<128xi32, #tpu.memory_space<vmem>>, %arg7: memref<16384xi32, #tpu.memory_space<vmem>>, %arg8: memref<128x128xf32, #tpu.memory_space<vmem>>, %arg9: memref<!tpu.dma_semaphore, #tpu.memory_space<semaphore_mem>>) attributes {dimension_semantics = [#tpu.dimension_semantics<core_parallel>, #tpu.dimension_semantics<subcore_parallel>], iteration_bounds = array<i64: 2, 16>, scalar_prefetch = 0 : i64, scratch_operands = 5 : i64, tpu.core_type = #tpu.core_type<sc_vector_subcore>, window_params = [{transform_indices = #map}, {transform_indices = #map1}, {transform_indices = #map}]} {
    %mul3A = arith.constant 2 : i32
    %mul3A_0 = arith.muli %arg1, %mul3A : i32
    %add3A = arith.addi %mul3A_0, %arg0 : i32
    %mul3A_1 = arith.constant 128 : i32
    %mul3A_2 = arith.muli %add3A, %mul3A_1 : i32
    %run_scoped3A = arith.constant 0 : i32
    "tpu.region"() ({
      %run_scoped3A_2346 = tpu.sem_alloc : memref<!tpu.dma_semaphore, #tpu.memory_space<semaphore_mem>>
      %dma_start3A_2347 = tpu.memref_slice %arg2[%run_scoped3A, %mul3A_2] : memref<2x4096xi32, #tpu.memory_space<hbm>> -> memref<1x128xi32, #tpu.memory_space<hbm>>
      %dma_start3A_2348 = tpu.memref_squeeze %dma_start3A_2347 : memref<1x128xi32, #tpu.memory_space<hbm>> -> memref<128xi32, #tpu.memory_space<hbm>>
      %dma_start3A_2349 = tpu.memref_slice %arg2[%run_scoped3A, %mul3A_2] : memref<2x4096xi32, #tpu.memory_space<hbm>> -> memref<1x128xi32, #tpu.memory_space<hbm>>
      %dma_start3A_2350 = tpu.memref_squeeze %dma_start3A_2349 : memref<1x128xi32, #tpu.memory_space<hbm>> -> memref<128xi32, #tpu.memory_space<hbm>>
      tpu.enqueue_dma source(%dma_start3A_2350 : memref<128xi32, #tpu.memory_space<hbm>>) target(%arg5 : memref<128xi32, #tpu.memory_space<vmem>>) target_semaphore(%run_scoped3A_2346 : memref<!tpu.dma_semaphore, #tpu.memory_space<semaphore_mem>>)
      %dma_wait3A_2351 = tpu.memref_slice %arg2[%run_scoped3A, %mul3A_2] : memref<2x4096xi32, #tpu.memory_space<hbm>> -> memref<1x128xi32, #tpu.memory_space<hbm>>
      %dma_wait3A_2352 = tpu.memref_squeeze %dma_wait3A_2351 : memref<1x128xi32, #tpu.memory_space<hbm>> -> memref<128xi32, #tpu.memory_space<hbm>>
      %dma_wait3A_2353 = tpu.memref_slice %arg2[%run_scoped3A, %mul3A_2] : memref<2x4096xi32, #tpu.memory_space<hbm>> -> memref<1x128xi32, #tpu.memory_space<hbm>>
      %dma_wait3A_2354 = tpu.memref_squeeze %dma_wait3A_2353 : memref<1x128xi32, #tpu.memory_space<hbm>> -> memref<128xi32, #tpu.memory_space<hbm>>
      tpu.wait_dma2 semaphore(%run_scoped3A_2346 : memref<!tpu.dma_semaphore, #tpu.memory_space<semaphore_mem>>) src(%dma_wait3A_2354 : memref<128xi32, #tpu.memory_space<hbm>>) dst(%arg5 : memref<128xi32, #tpu.memory_space<vmem>>)
      tpu.yield
    }) : () -> ()
    %run_scoped3A_3 = arith.constant 1 : i32
    "tpu.region"() ({
      %run_scoped3A_2346 = tpu.sem_alloc : memref<!tpu.dma_semaphore, #tpu.memory_space<semaphore_mem>>
      %dma_start3A_2347 = tpu.memref_slice %arg2[%run_scoped3A_3, %mul3A_2] : memref<2x4096xi32, #tpu.memory_space<hbm>> -> memref<1x128xi32, #tpu.memory_space<hbm>>
      %dma_start3A_2348 = tpu.memref_squeeze %dma_start3A_2347 : memref<1x128xi32, #tpu.memory_space<hbm>> -> memref<128xi32, #tpu.memory_space<hbm>>
      %dma_start3A_2349 = tpu.memref_slice %arg2[%run_scoped3A_3, %mul3A_2] : memref<2x4096xi32, #tpu.memory_space<hbm>> -> memref<1x128xi32, #tpu.memory_space<hbm>>
      %dma_start3A_2350 = tpu.memref_squeeze %dma_start3A_2349 : memref<1x128xi32, #tpu.memory_space<hbm>> -> memref<128xi32, #tpu.memory_space<hbm>>
      tpu.enqueue_dma source(%dma_start3A_2350 : memref<128xi32, #tpu.memory_space<hbm>>) target(%arg6 : memref<128xi32, #tpu.memory_space<vmem>>) target_semaphore(%run_scoped3A_2346 : memref<!tpu.dma_semaphore, #tpu.memory_space<semaphore_mem>>)
      %dma_wait3A_2351 = tpu.memref_slice %arg2[%run_scoped3A_3, %mul3A_2] : memref<2x4096xi32, #tpu.memory_space<hbm>> -> memref<1x128xi32, #tpu.memory_space<hbm>>
      %dma_wait3A_2352 = tpu.memref_squeeze %dma_wait3A_2351 : memref<1x128xi32, #tpu.memory_space<hbm>> -> memref<128xi32, #tpu.memory_space<hbm>>
      %dma_wait3A_2353 = tpu.memref_slice %arg2[%run_scoped3A_3, %mul3A_2] : memref<2x4096xi32, #tpu.memory_space<hbm>> -> memref<1x128xi32, #tpu.memory_space<hbm>>
      %dma_wait3A_2354 = tpu.memref_squeeze %dma_wait3A_2353 : memref<1x128xi32, #tpu.memory_space<hbm>> -> memref<128xi32, #tpu.memory_space<hbm>>
      tpu.wait_dma2 semaphore(%run_scoped3A_2346 : memref<!tpu.dma_semaphore, #tpu.memory_space<semaphore_mem>>) src(%dma_wait3A_2354 : memref<128xi32, #tpu.memory_space<hbm>>) dst(%arg6 : memref<128xi32, #tpu.memory_space<vmem>>)
      tpu.yield
    }) : () -> ()
    %get3A = arith.constant 0 : index
    %get3A_4 = tpu.vector_load %arg5[%get3A] {strides = array<i32>} : memref<128xi32, #tpu.memory_space<vmem>>, vector<16xi32>,
    %get3A_5 = vector.shape_cast %get3A_4 : vector<16xi32> to vector<16xi32>
    %shift_right_logical3A = arith.constant 7 : i32
    %shift_right_logical3A_6 = vector.broadcast %shift_right_logical3A : i32 to vector<16xi32>
    %shift_right_logical3A_7 = arith.shrui %get3A_5, %shift_right_logical3A_6 : vector<16xi32>
    %shift_left3A = arith.constant 10 : i32
    %shift_left3A_8 = vector.broadcast %shift_left3A : i32 to vector<16xi32>
    %shift_left3A_9 = arith.shli %shift_right_logical3A_7, %shift_left3A_8 : vector<16xi32>
    %and3A = arith.constant 127 : i32
    %and3A_10 = vector.broadcast %and3A : i32 to vector<16xi32>
    %and3A_11 = arith.andi %get3A_5, %and3A_10 : vector<16xi32>
    %add3A_12 = arith.addi %shift_left3A_9, %and3A_11 : vector<16xi32>
    %swap3A = arith.constant 0 : index
    %swap3A_13 = tpu.vector_load %arg5[%swap3A] {strides = array<i32>} : memref<128xi32, #tpu.memory_space<vmem>>, vector<16xi32>,
    %swap3A_14 = vector.shape_cast %swap3A_13 : vector<16xi32> to vector<16xi32>
    %swap3A_15 = vector.shape_cast %add3A_12 : vector<16xi32> to vector<16xi32>
    tpu.vector_store %arg5[%swap3A], %swap3A_15 {strides = array<i32>} : memref<128xi32, #tpu.memory_space<vmem>>, vector<16xi32>,
    %get3A_16 = arith.constant 0 : index
    %get3A_17 = tpu.vector_load %arg6[%get3A_16] {strides = array<i32>} : memref<128xi32, #tpu.memory_space<vmem>>, vector<16xi32>,
    %get3A_18 = vector.shape_cast %get3A_17 : vector<16xi32> to vector<16xi32>
    %add3A_19 = arith.constant 1000000 : i32
    %add3A_20 = vector.broadcast %add3A_19 : i32 to vector<16xi32>
    %add3A_21 = arith.addi %get3A_18, %add3A_20 : vector<16xi32>
    %shift_right_logical3A_22 = arith.constant 7 : i32
    %shift_right_logical3A_23 = vector.broadcast %shift_right_logical3A_22 : i32 to vector<16xi32>
    %shift_right_logical3A_24 = arith.shrui %add3A_21, %shift_right_logical3A_23 : vector<16xi32>
    %shift_left3A_25 = arith.constant 10 : i32
    %shift_left3A_26 = vector.broadcast %shift_left3A_25 : i32 to vector<16xi32>
    %shift_left3A_27 = arith.shli %shift_right_logical3A_24, %shift_left3A_26 : vector<16xi32>
    %and3A_28 = arith.constant 127 : i32
    %and3A_29 = vector.broadcast %and3A_28 : i32 to vector<16xi32>
    %and3A_30 = arith.andi %add3A_21, %and3A_29 : vector<16xi32>
    %add3A_31 = arith.addi %shift_left3A_27, %and3A_30 : vector<16xi32>
    %swap3A_32 = arith.constant 0 : index
    %swap3A_33 = tpu.vector_load %arg6[%swap3A_32] {strides = array<i32>} : memref<128xi32, #tpu.memory_space<vmem>>, vector<16xi32>,
    %swap3A_34 = vector.shape_cast %swap3A_33 : vector<16xi32> to vector<16xi32>
    %swap3A_35 = vector.shape_cast %add3A_31 : vector<16xi32> to vector<16xi32>
    tpu.vector_store %arg6[%swap3A_32], %swap3A_35 {strides = array<i32>} : memref<128xi32, #tpu.memory_space<vmem>>, vector<16xi32>,
    %get3A_36 = arith.constant 16 : index
    %get3A_37 = tpu.vector_load %arg5[%get3A_36] {strides = array<i32>} : memref<128xi32, #tpu.memory_space<vmem>>, vector<16xi32>,
    %get3A_38 = vector.shape_cast %get3A_37 : vector<16xi32> to vector<16xi32>
    %shift_right_logical3A_39 = arith.constant 7 : i32
    %shift_right_logical3A_40 = vector.broadcast %shift_right_logical3A_39 : i32 to vector<16xi32>
    %shift_right_logical3A_41 = arith.shrui %get3A_38, %shift_right_logical3A_40 : vector<16xi32>
    %shift_left3A_42 = arith.constant 10 : i32
    %shift_left3A_43 = vector.broadcast %shift_left3A_42 : i32 to vector<16xi32>
    %shift_left3A_44 = arith.shli %shift_right_logical3A_41, %shift_left3A_43 : vector<16xi32>
    %and3A_45 = arith.constant 127 : i32
    %and3A_46 = vector.broadcast %and3A_45 : i32 to vector<16xi32>
    %and3A_47 = arith.andi %get3A_38, %and3A_46 : vector<16xi32>
    %add3A_48 = arith.addi %shift_left3A_44, %and3A_47 : vector<16xi32>
    %swap3A_49 = arith.constant 16 : index
    %swap3A_50 = tpu.vector_load %arg5[%swap3A_49] {strides = array<i32>} : memref<128xi32, #tpu.memory_space<vmem>>, vector<16xi32>,
    %swap3A_51 = vector.shape_cast %swap3A_50 : vector<16xi32> to vector<16xi32>
    %swap3A_52 = vector.shape_cast %add3A_48 : vector<16xi32> to vector<16xi32>
    tpu.vector_store %arg5[%swap3A_49], %swap3A_52 {strides = array<i32>} : memref<128xi32, #tpu.memory_space<vmem>>, vector<16xi32>,
    %get3A_53 = arith.constant 16 : index
    %get3A_54 = tpu.vector_load %arg6[%get3A_53] {strides = array<i32>} : memref<128xi32, #tpu.memory_space<vmem>>, vector<16xi32>,
    %get3A_55 = vector.shape_cast %get3A_54 : vector<16xi32> to vector<16xi32>
    %add3A_56 = arith.constant 1000000 : i32
    %add3A_57 = vector.broadcast %add3A_56 : i32 to vector<16xi32>
    %add3A_58 = arith.addi %get3A_55, %add3A_57 : vector<16xi32>
    %shift_right_logical3A_59 = arith.constant 7 : i32
    %shift_right_logical3A_60 = vector.broadcast %shift_right_logical3A_59 : i32 to vector<16xi32>
    %shift_right_logical3A_61 = arith.shrui %add3A_58, %shift_right_logical3A_60 : vector<16xi32>
    %shift_left3A_62 = arith.constant 10 : i32
    %shift_left3A_63 = vector.broadcast %shift_left3A_62 : i32 to vector<16xi32>
    %shift_left3A_64 = arith.shli %shift_right_logical3A_61, %shift_left3A_63 : vector<16xi32>
    %and3A_65 = arith.constant 127 : i32
    %and3A_66 = vector.broadcast %and3A_65 : i32 to vector<16xi32>
    %and3A_67 = arith.andi %add3A_58, %and3A_66 : vector<16xi32>
    %add3A_68 = arith.addi %shift_left3A_64, %and3A_67 : vector<16xi32>
    %swap3A_69 = arith.constant 16 : index
    %swap3A_70 = tpu.vector_load %arg6[%swap3A_69] {strides = array<i32>} : memref<128xi32, #tpu.memory_space<vmem>>, vector<16xi32>,
    %swap3A_71 = vector.shape_cast %swap3A_70 : vector<16xi32> to vector<16xi32>
    %swap3A_72 = vector.shape_cast %add3A_68 : vector<16xi32> to vector<16xi32>
    tpu.vector_store %arg6[%swap3A_69], %swap3A_72 {strides = array<i32>} : memref<128xi32, #tpu.memory_space<vmem>>, vector<16xi32>,
    %get3A_73 = arith.constant 32 : index
    %get3A_74 = tpu.vector_load %arg5[%get3A_73] {strides = array<i32>} : memref<128xi32, #tpu.memory_space<vmem>>, vector<16xi32>,
    %get3A_75 = vector.shape_cast %get3A_74 : vector<16xi32> to vector<16xi32>
    %shift_right_logical3A_76 = arith.constant 7 : i32
    %shift_right_logical3A_77 = vector.broadcast %shift_right_logical3A_76 : i32 to vector<16xi32>
    %shift_right_logical3A_78 = arith.shrui %get3A_75, %shift_right_logical3A_77 : vector<16xi32>
    %shift_left3A_79 = arith.constant 10 : i32
    %shift_left3A_80 = vector.broadcast %shift_left3A_79 : i32 to vector<16xi32>
    %shift_left3A_81 = arith.shli %shift_right_logical3A_78, %shift_left3A_80 : vector<16xi32>
    %and3A_82 = arith.constant 127 : i32
    %and3A_83 = vector.broadcast %and3A_82 : i32 to vector<16xi32>
    %and3A_84 = arith.andi %get3A_75, %and3A_83 : vector<16xi32>
    %add3A_85 = arith.addi %shift_left3A_81, %and3A_84 : vector<16xi32>
    %swap3A_86 = arith.constant 32 : index
    %swap3A_87 = tpu.vector_load %arg5[%swap3A_86] {strides = array<i32>} : memref<128xi32, #tpu.memory_space<vmem>>, vector<16xi32>,
    %swap3A_88 = vector.shape_cast %swap3A_87 : vector<16xi32> to vector<16xi32>
    %swap3A_89 = vector.shape_cast %add3A_85 : vector<16xi32> to vector<16xi32>
    tpu.vector_store %arg5[%swap3A_86], %swap3A_89 {strides = array<i32>} : memref<128xi32, #tpu.memory_space<vmem>>, vector<16xi32>,
    %get3A_90 = arith.constant 32 : index
    %get3A_91 = tpu.vector_load %arg6[%get3A_90] {strides = array<i32>} : memref<128xi32, #tpu.memory_space<vmem>>, vector<16xi32>,
    %get3A_92 = vector.shape_cast %get3A_91 : vector<16xi32> to vector<16xi32>
    %add3A_93 = arith.constant 1000000 : i32
    %add3A_94 = vector.broadcast %add3A_93 : i32 to vector<16xi32>
    %add3A_95 = arith.addi %get3A_92, %add3A_94 : vector<16xi32>
    %shift_right_logical3A_96 = arith.constant 7 : i32
    %shift_right_logical3A_97 = vector.broadcast %shift_right_logical3A_96 : i32 to vector<16xi32>
    %shift_right_logical3A_98 = arith.shrui %add3A_95, %shift_right_logical3A_97 : vector<16xi32>
    %shift_left3A_99 = arith.constant 10 : i32
    %shift_left3A_100 = vector.broadcast %shift_left3A_99 : i32 to vector<16xi32>
    %shift_left3A_101 = arith.shli %shift_right_logical3A_98, %shift_left3A_100 : vector<16xi32>
    %and3A_102 = arith.constant 127 : i32
    %and3A_103 = vector.broadcast %and3A_102 : i32 to vector<16xi32>
    %and3A_104 = arith.andi %add3A_95, %and3A_103 : vector<16xi32>
    %add3A_105 = arith.addi %shift_left3A_101, %and3A_104 : vector<16xi32>
    %swap3A_106 = arith.constant 32 : index
    %swap3A_107 = tpu.vector_load %arg6[%swap3A_106] {strides = array<i32>} : memref<128xi32, #tpu.memory_space<vmem>>, vector<16xi32>,
    %swap3A_108 = vector.shape_cast %swap3A_107 : vector<16xi32> to vector<16xi32>
    %swap3A_109 = vector.shape_cast %add3A_105 : vector<16xi32> to vector<16xi32>
    tpu.vector_store %arg6[%swap3A_106], %swap3A_109 {strides = array<i32>} : memref<128xi32, #tpu.memory_space<vmem>>, vector<16xi32>,
    %get3A_110 = arith.constant 48 : index
    %get3A_111 = tpu.vector_load %arg5[%get3A_110] {strides = array<i32>} : memref<128xi32, #tpu.memory_space<vmem>>, vector<16xi32>,
    %get3A_112 = vector.shape_cast %get3A_111 : vector<16xi32> to vector<16xi32>
    %shift_right_logical3A_113 = arith.constant 7 : i32
    %shift_right_logical3A_114 = vector.broadcast %shift_right_logical3A_113 : i32 to vector<16xi32>
    %shift_right_logical3A_115 = arith.shrui %get3A_112, %shift_right_logical3A_114 : vector<16xi32>
    %shift_left3A_116 = arith.constant 10 : i32
    %shift_left3A_117 = vector.broadcast %shift_left3A_116 : i32 to vector<16xi32>
    %shift_left3A_118 = arith.shli %shift_right_logical3A_115, %shift_left3A_117 : vector<16xi32>
    %and3A_119 = arith.constant 127 : i32
    %and3A_120 = vector.broadcast %and3A_119 : i32 to vector<16xi32>
    %and3A_121 = arith.andi %get3A_112, %and3A_120 : vector<16xi32>
    %add3A_122 = arith.addi %shift_left3A_118, %and3A_121 : vector<16xi32>
    %swap3A_123 = arith.constant 48 : index
    %swap3A_124 = tpu.vector_load %arg5[%swap3A_123] {strides = array<i32>} : memref<128xi32, #tpu.memory_space<vmem>>, vector<16xi32>,
    %swap3A_125 = vector.shape_cast %swap3A_124 : vector<16xi32> to vector<16xi32>
    %swap3A_126 = vector.shape_cast %add3A_122 : vector<16xi32> to vector<16xi32>
    tpu.vector_store %arg5[%swap3A_123], %swap3A_126 {strides = array<i32>} : memref<128xi32, #tpu.memory_space<vmem>>, vector<16xi32>,
    %get3A_127 = arith.constant 48 : index
    %get3A_128 = tpu.vector_load %arg6[%get3A_127] {strides = array<i32>} : memref<128xi32, #tpu.memory_space<vmem>>, vector<16xi32>,
    %get3A_129 = vector.shape_cast %get3A_128 : vector<16xi32> to vector<16xi32>
    %add3A_130 = arith.constant 1000000 : i32
    %add3A_131 = vector.broadcast %add3A_130 : i32 to vector<16xi32>
    %add3A_132 = arith.addi %get3A_129, %add3A_131 : vector<16xi32>
    %shift_right_logical3A_133 = arith.constant 7 : i32
    %shift_right_logical3A_134 = vector.broadcast %shift_right_logical3A_133 : i32 to vector<16xi32>
    %shift_right_logical3A_135 = arith.shrui %add3A_132, %shift_right_logical3A_134 : vector<16xi32>
    %shift_left3A_136 = arith.constant 10 : i32
    %shift_left3A_137 = vector.broadcast %shift_left3A_136 : i32 to vector<16xi32>
    %shift_left3A_138 = arith.shli %shift_right_logical3A_135, %shift_left3A_137 : vector<16xi32>
    %and3A_139 = arith.constant 127 : i32
    %and3A_140 = vector.broadcast %and3A_139 : i32 to vector<16xi32>
    %and3A_141 = arith.andi %add3A_132, %and3A_140 : vector<16xi32>
    %add3A_142 = arith.addi %shift_left3A_138, %and3A_141 : vector<16xi32>
    %swap3A_143 = arith.constant 48 : index
    %swap3A_144 = tpu.vector_load %arg6[%swap3A_143] {strides = array<i32>} : memref<128xi32, #tpu.memory_space<vmem>>, vector<16xi32>,
    %swap3A_145 = vector.shape_cast %swap3A_144 : vector<16xi32> to vector<16xi32>
    %swap3A_146 = vector.shape_cast %add3A_142 : vector<16xi32> to vector<16xi32>
    tpu.vector_store %arg6[%swap3A_143], %swap3A_146 {strides = array<i32>} : memref<128xi32, #tpu.memory_space<vmem>>, vector<16xi32>,
    %get3A_147 = arith.constant 64 : index
    %get3A_148 = tpu.vector_load %arg5[%get3A_147] {strides = array<i32>} : memref<128xi32, #tpu.memory_space<vmem>>, vector<16xi32>,
    %get3A_149 = vector.shape_cast %get3A_148 : vector<16xi32> to vector<16xi32>
    %shift_right_logical3A_150 = arith.constant 7 : i32
    %shift_right_logical3A_151 = vector.broadcast %shift_right_logical3A_150 : i32 to vector<16xi32>
    %shift_right_logical3A_152 = arith.shrui %get3A_149, %shift_right_logical3A_151 : vector<16xi32>
    %shift_left3A_153 = arith.constant 10 : i32
    %shift_left3A_154 = vector.broadcast %shift_left3A_153 : i32 to vector<16xi32>
    %shift_left3A_155 = arith.shli %shift_right_logical3A_152, %shift_left3A_154 : vector<16xi32>
    %and3A_156 = arith.constant 127 : i32
    %and3A_157 = vector.broadcast %and3A_156 : i32 to vector<16xi32>
    %and3A_158 = arith.andi %get3A_149, %and3A_157 : vector<16xi32>
    %add3A_159 = arith.addi %shift_left3A_155, %and3A_158 : vector<16xi32>
    %swap3A_160 = arith.constant 64 : index
    %swap3A_161 = tpu.vector_load %arg5[%swap3A_160] {strides = array<i32>} : memref<128xi32, #tpu.memory_space<vmem>>, vector<16xi32>,
    %swap3A_162 = vector.shape_cast %swap3A_161 : vector<16xi32> to vector<16xi32>
    %swap3A_163 = vector.shape_cast %add3A_159 : vector<16xi32> to vector<16xi32>
    tpu.vector_store %arg5[%swap3A_160], %swap3A_163 {strides = array<i32>} : memref<128xi32, #tpu.memory_space<vmem>>, vector<16xi32>,
    %get3A_164 = arith.constant 64 : index
    %get3A_165 = tpu.vector_load %arg6[%get3A_164] {strides = array<i32>} : memref<128xi32, #tpu.memory_space<vmem>>, vector<16xi32>,
    %get3A_166 = vector.shape_cast %get3A_165 : vector<16xi32> to vector<16xi32>
    %add3A_167 = arith.constant 1000000 : i32
    %add3A_168 = vector.broadcast %add3A_167 : i32 to vector<16xi32>
    %add3A_169 = arith.addi %get3A_166, %add3A_168 : vector<16xi32>
    %shift_right_logical3A_170 = arith.constant 7 : i32
    %shift_right_logical3A_171 = vector.broadcast %shift_right_logical3A_170 : i32 to vector<16xi32>
    %shift_right_logical3A_172 = arith.shrui %add3A_169, %shift_right_logical3A_171 : vector<16xi32>
    %shift_left3A_173 = arith.constant 10 : i32
    %shift_left3A_174 = vector.broadcast %shift_left3A_173 : i32 to vector<16xi32>
    %shift_left3A_175 = arith.shli %shift_right_logical3A_172, %shift_left3A_174 : vector<16xi32>
    %and3A_176 = arith.constant 127 : i32
    %and3A_177 = vector.broadcast %and3A_176 : i32 to vector<16xi32>
    %and3A_178 = arith.andi %add3A_169, %and3A_177 : vector<16xi32>
    %add3A_179 = arith.addi %shift_left3A_175, %and3A_178 : vector<16xi32>
    %swap3A_180 = arith.constant 64 : index
    %swap3A_181 = tpu.vector_load %arg6[%swap3A_180] {strides = array<i32>} : memref<128xi32, #tpu.memory_space<vmem>>, vector<16xi32>,
    %swap3A_182 = vector.shape_cast %swap3A_181 : vector<16xi32> to vector<16xi32>
    %swap3A_183 = vector.shape_cast %add3A_179 : vector<16xi32> to vector<16xi32>
    tpu.vector_store %arg6[%swap3A_180], %swap3A_183 {strides = array<i32>} : memref<128xi32, #tpu.memory_space<vmem>>, vector<16xi32>,
    %get3A_184 = arith.constant 80 : index
    %get3A_185 = tpu.vector_load %arg5[%get3A_184] {strides = array<i32>} : memref<128xi32, #tpu.memory_space<vmem>>, vector<16xi32>,
    %get3A_186 = vector.shape_cast %get3A_185 : vector<16xi32> to vector<16xi32>
    %shift_right_logical3A_187 = arith.constant 7 : i32
    %shift_right_logical3A_188 = vector.broadcast %shift_right_logical3A_187 : i32 to vector<16xi32>
    %shift_right_logical3A_189 = arith.shrui %get3A_186, %shift_right_logical3A_188 : vector<16xi32>
    %shift_left3A_190 = arith.constant 10 : i32
    %shift_left3A_191 = vector.broadcast %shift_left3A_190 : i32 to vector<16xi32>
    %shift_left3A_192 = arith.shli %shift_right_logical3A_189, %shift_left3A_191 : vector<16xi32>
    %and3A_193 = arith.constant 127 : i32
    %and3A_194 = vector.broadcast %and3A_193 : i32 to vector<16xi32>
    %and3A_195 = arith.andi %get3A_186, %and3A_194 : vector<16xi32>
    %add3A_196 = arith.addi %shift_left3A_192, %and3A_195 : vector<16xi32>
    %swap3A_197 = arith.constant 80 : index
    %swap3A_198 = tpu.vector_load %arg5[%swap3A_197] {strides = array<i32>} : memref<128xi32, #tpu.memory_space<vmem>>, vector<16xi32>,
    %swap3A_199 = vector.shape_cast %swap3A_198 : vector<16xi32> to vector<16xi32>
    %swap3A_200 = vector.shape_cast %add3A_196 : vector<16xi32> to vector<16xi32>
    tpu.vector_store %arg5[%swap3A_197], %swap3A_200 {strides = array<i32>} : memref<128xi32, #tpu.memory_space<vmem>>, vector<16xi32>,
    %get3A_201 = arith.constant 80 : index
    %get3A_202 = tpu.vector_load %arg6[%get3A_201] {strides = array<i32>} : memref<128xi32, #tpu.memory_space<vmem>>, vector<16xi32>,
    %get3A_203 = vector.shape_cast %get3A_202 : vector<16xi32> to vector<16xi32>
    %add3A_204 = arith.constant 1000000 : i32
    %add3A_205 = vector.broadcast %add3A_204 : i32 to vector<16xi32>
    %add3A_206 = arith.addi %get3A_203, %add3A_205 : vector<16xi32>
    %shift_right_logical3A_207 = arith.constant 7 : i32
    %shift_right_logical3A_208 = vector.broadcast %shift_right_logical3A_207 : i32 to vector<16xi32>
    %shift_right_logical3A_209 = arith.shrui %add3A_206, %shift_right_logical3A_208 : vector<16xi32>
    %shift_left3A_210 = arith.constant 10 : i32
    %shift_left3A_211 = vector.broadcast %shift_left3A_210 : i32 to vector<16xi32>
    %shift_left3A_212 = arith.shli %shift_right_logical3A_209, %shift_left3A_211 : vector<16xi32>
    %and3A_213 = arith.constant 127 : i32
    %and3A_214 = vector.broadcast %and3A_213 : i32 to vector<16xi32>
    %and3A_215 = arith.andi %add3A_206, %and3A_214 : vector<16xi32>
    %add3A_216 = arith.addi %shift_left3A_212, %and3A_215 : vector<16xi32>
    %swap3A_217 = arith.constant 80 : index
    %swap3A_218 = tpu.vector_load %arg6[%swap3A_217] {strides = array<i32>} : memref<128xi32, #tpu.memory_space<vmem>>, vector<16xi32>,
    %swap3A_219 = vector.shape_cast %swap3A_218 : vector<16xi32> to vector<16xi32>
    %swap3A_220 = vector.shape_cast %add3A_216 : vector<16xi32> to vector<16xi32>
    tpu.vector_store %arg6[%swap3A_217], %swap3A_220 {strides = array<i32>} : memref<128xi32, #tpu.memory_space<vmem>>, vector<16xi32>,
    %get3A_221 = arith.constant 96 : index
    %get3A_222 = tpu.vector_load %arg5[%get3A_221] {strides = array<i32>} : memref<128xi32, #tpu.memory_space<vmem>>, vector<16xi32>,
    %get3A_223 = vector.shape_cast %get3A_222 : vector<16xi32> to vector<16xi32>
    %shift_right_logical3A_224 = arith.constant 7 : i32
    %shift_right_logical3A_225 = vector.broadcast %shift_right_logical3A_224 : i32 to vector<16xi32>
    %shift_right_logical3A_226 = arith.shrui %get3A_223, %shift_right_logical3A_225 : vector<16xi32>
    %shift_left3A_227 = arith.constant 10 : i32
    %shift_left3A_228 = vector.broadcast %shift_left3A_227 : i32 to vector<16xi32>
    %shift_left3A_229 = arith.shli %shift_right_logical3A_226, %shift_left3A_228 : vector<16xi32>
    %and3A_230 = arith.constant 127 : i32
    %and3A_231 = vector.broadcast %and3A_230 : i32 to vector<16xi32>
    %and3A_232 = arith.andi %get3A_223, %and3A_231 : vector<16xi32>
    %add3A_233 = arith.addi %shift_left3A_229, %and3A_232 : vector<16xi32>
    %swap3A_234 = arith.constant 96 : index
    %swap3A_235 = tpu.vector_load %arg5[%swap3A_234] {strides = array<i32>} : memref<128xi32, #tpu.memory_space<vmem>>, vector<16xi32>,
    %swap3A_236 = vector.shape_cast %swap3A_235 : vector<16xi32> to vector<16xi32>
    %swap3A_237 = vector.shape_cast %add3A_233 : vector<16xi32> to vector<16xi32>
    tpu.vector_store %arg5[%swap3A_234], %swap3A_237 {strides = array<i32>} : memref<128xi32, #tpu.memory_space<vmem>>, vector<16xi32>,
    %get3A_238 = arith.constant 96 : index
    %get3A_239 = tpu.vector_load %arg6[%get3A_238] {strides = array<i32>} : memref<128xi32, #tpu.memory_space<vmem>>, vector<16xi32>,
    %get3A_240 = vector.shape_cast %get3A_239 : vector<16xi32> to vector<16xi32>
    %add3A_241 = arith.constant 1000000 : i32
    %add3A_242 = vector.broadcast %add3A_241 : i32 to vector<16xi32>
    %add3A_243 = arith.addi %get3A_240, %add3A_242 : vector<16xi32>
    %shift_right_logical3A_244 = arith.constant 7 : i32
    %shift_right_logical3A_245 = vector.broadcast %shift_right_logical3A_244 : i32 to vector<16xi32>
    %shift_right_logical3A_246 = arith.shrui %add3A_243, %shift_right_logical3A_245 : vector<16xi32>
    %shift_left3A_247 = arith.constant 10 : i32
    %shift_left3A_248 = vector.broadcast %shift_left3A_247 : i32 to vector<16xi32>
    %shift_left3A_249 = arith.shli %shift_right_logical3A_246, %shift_left3A_248 : vector<16xi32>
    %and3A_250 = arith.constant 127 : i32
    %and3A_251 = vector.broadcast %and3A_250 : i32 to vector<16xi32>
    %and3A_252 = arith.andi %add3A_243, %and3A_251 : vector<16xi32>
    %add3A_253 = arith.addi %shift_left3A_249, %and3A_252 : vector<16xi32>
    %swap3A_254 = arith.constant 96 : index
    %swap3A_255 = tpu.vector_load %arg6[%swap3A_254] {strides = array<i32>} : memref<128xi32, #tpu.memory_space<vmem>>, vector<16xi32>,
    %swap3A_256 = vector.shape_cast %swap3A_255 : vector<16xi32> to vector<16xi32>
    %swap3A_257 = vector.shape_cast %add3A_253 : vector<16xi32> to vector<16xi32>
    tpu.vector_store %arg6[%swap3A_254], %swap3A_257 {strides = array<i32>} : memref<128xi32, #tpu.memory_space<vmem>>, vector<16xi32>,
    %get3A_258 = arith.constant 112 : index
    %get3A_259 = tpu.vector_load %arg5[%get3A_258] {strides = array<i32>} : memref<128xi32, #tpu.memory_space<vmem>>, vector<16xi32>,
    %get3A_260 = vector.shape_cast %get3A_259 : vector<16xi32> to vector<16xi32>
    %shift_right_logical3A_261 = arith.constant 7 : i32
    %shift_right_logical3A_262 = vector.broadcast %shift_right_logical3A_261 : i32 to vector<16xi32>
    %shift_right_logical3A_263 = arith.shrui %get3A_260, %shift_right_logical3A_262 : vector<16xi32>
    %shift_left3A_264 = arith.constant 10 : i32
    %shift_left3A_265 = vector.broadcast %shift_left3A_264 : i32 to vector<16xi32>
    %shift_left3A_266 = arith.shli %shift_right_logical3A_263, %shift_left3A_265 : vector<16xi32>
    %and3A_267 = arith.constant 127 : i32
    %and3A_268 = vector.broadcast %and3A_267 : i32 to vector<16xi32>
    %and3A_269 = arith.andi %get3A_260, %and3A_268 : vector<16xi32>
    %add3A_270 = arith.addi %shift_left3A_266, %and3A_269 : vector<16xi32>
    %swap3A_271 = arith.constant 112 : index
    %swap3A_272 = tpu.vector_load %arg5[%swap3A_271] {strides = array<i32>} : memref<128xi32, #tpu.memory_space<vmem>>, vector<16xi32>,
    %swap3A_273 = vector.shape_cast %swap3A_272 : vector<16xi32> to vector<16xi32>
    %swap3A_274 = vector.shape_cast %add3A_270 : vector<16xi32> to vector<16xi32>
    tpu.vector_store %arg5[%swap3A_271], %swap3A_274 {strides = array<i32>} : memref<128xi32, #tpu.memory_space<vmem>>, vector<16xi32>,
    %get3A_275 = arith.constant 112 : index
    %get3A_276 = tpu.vector_load %arg6[%get3A_275] {strides = array<i32>} : memref<128xi32, #tpu.memory_space<vmem>>, vector<16xi32>,
    %get3A_277 = vector.shape_cast %get3A_276 : vector<16xi32> to vector<16xi32>
    %add3A_278 = arith.constant 1000000 : i32
    %add3A_279 = vector.broadcast %add3A_278 : i32 to vector<16xi32>
    %add3A_280 = arith.addi %get3A_277, %add3A_279 : vector<16xi32>
    %shift_right_logical3A_281 = arith.constant 7 : i32
    %shift_right_logical3A_282 = vector.broadcast %shift_right_logical3A_281 : i32 to vector<16xi32>
    %shift_right_logical3A_283 = arith.shrui %add3A_280, %shift_right_logical3A_282 : vector<16xi32>
    %shift_left3A_284 = arith.constant 10 : i32
    %shift_left3A_285 = vector.broadcast %shift_left3A_284 : i32 to vector<16xi32>
    %shift_left3A_286 = arith.shli %shift_right_logical3A_283, %shift_left3A_285 : vector<16xi32>
    %and3A_287 = arith.constant 127 : i32
    %and3A_288 = vector.broadcast %and3A_287 : i32 to vector<16xi32>
    %and3A_289 = arith.andi %add3A_280, %and3A_288 : vector<16xi32>
    %add3A_290 = arith.addi %shift_left3A_286, %and3A_289 : vector<16xi32>
    %swap3A_291 = arith.constant 112 : index
    %swap3A_292 = tpu.vector_load %arg6[%swap3A_291] {strides = array<i32>} : memref<128xi32, #tpu.memory_space<vmem>>, vector<16xi32>,
    %swap3A_293 = vector.shape_cast %swap3A_292 : vector<16xi32> to vector<16xi32>
    %swap3A_294 = vector.shape_cast %add3A_290 : vector<16xi32> to vector<16xi32>
    tpu.vector_store %arg6[%swap3A_291], %swap3A_294 {strides = array<i32>} : memref<128xi32, #tpu.memory_space<vmem>>, vector<16xi32>,
    %scan3A = arith.constant 0 : i32
    %scan3A_295 = arith.constant 0 : i32
    %scan3A_296 = arith.constant 64 : i32
    %scan3A_297 = arith.addi %scan3A_295, %scan3A_296 : i32
    %scan3A_298 = arith.constant 1 : i32
    scf.for %scan3A_2346 = %scan3A_295 to %scan3A_297 step %scan3A_298  : i32 {
      %shift_right_logical3A_2347 = arith.constant 3 : i32
      %shift_right_logical3A_2348 = arith.shrui %scan3A_2346, %shift_right_logical3A_2347 : i32
      %mul3A_2349 = arith.constant 16000000 : i32
      %mul3A_2350 = arith.muli %shift_right_logical3A_2348, %mul3A_2349 : i32
      %and3A_2351 = arith.constant 7 : i32
      %and3A_2352 = arith.andi %scan3A_2346, %and3A_2351 : i32
      %mul3A_2353 = arith.constant 128 : i32
      %mul3A_2354 = arith.muli %and3A_2352, %mul3A_2353 : i32
      %add3A_2355 = arith.addi %mul3A_2350, %mul3A_2354 : i32
      %get3A_2356 = arith.constant 0 : index
      %get3A_2357 = tpu.vector_load %arg5[%get3A_2356] {strides = array<i32>} : memref<128xi32, #tpu.memory_space<vmem>>, vector<16xi32>,
      %get3A_2358 = vector.shape_cast %get3A_2357 : vector<16xi32> to vector<16xi32>
      %add3A_2359 = vector.broadcast %add3A_2355 : i32 to vector<16xi32>
      %add3A_2360 = arith.addi %get3A_2358, %add3A_2359 : vector<16xi32>
      %mul3A_2361 = arith.constant 128 : i32
      %mul3A_2362 = arith.muli %scan3A_2346, %mul3A_2361 : i32
      %add3A_2363 = arith.constant 0 : i32
      %add3A_2364 = arith.addi %mul3A_2362, %add3A_2363 : i32
      %swap3A_2365 = arith.index_cast %add3A_2364 : i32 to index
      %swap3A_2366 = tpu.vector_load %arg7[%swap3A_2365] {strides = array<i32>} : memref<16384xi32, #tpu.memory_space<vmem>>, vector<16xi32>,
      %swap3A_2367 = vector.shape_cast %swap3A_2366 : vector<16xi32> to vector<16xi32>
      %swap3A_2368 = vector.shape_cast %add3A_2360 : vector<16xi32> to vector<16xi32>
      tpu.vector_store %arg7[%swap3A_2365], %swap3A_2368 {strides = array<i32>} : memref<16384xi32, #tpu.memory_space<vmem>>, vector<16xi32>,
      %get3A_2369 = arith.constant 0 : index
      %get3A_2370 = tpu.vector_load %arg6[%get3A_2369] {strides = array<i32>} : memref<128xi32, #tpu.memory_space<vmem>>, vector<16xi32>,
      %get3A_2371 = vector.shape_cast %get3A_2370 : vector<16xi32> to vector<16xi32>
      %add3A_2372 = vector.broadcast %add3A_2355 : i32 to vector<16xi32>
      %add3A_2373 = arith.addi %get3A_2371, %add3A_2372 : vector<16xi32>
      %add3A_2374 = arith.constant 64 : i32
      %add3A_2375 = arith.addi %scan3A_2346, %add3A_2374 : i32
      %mul3A_2376 = arith.constant 128 : i32
      %mul3A_2377 = arith.muli %add3A_2375, %mul3A_2376 : i32
      %add3A_2378 = arith.constant 0 : i32
      %add3A_2379 = arith.addi %mul3A_2377, %add3A_2378 : i32
      %swap3A_2380 = arith.index_cast %add3A_2379 : i32 to index
      %swap3A_2381 = tpu.vector_load %arg7[%swap3A_2380] {strides = array<i32>} : memref<16384xi32, #tpu.memory_space<vmem>>, vector<16xi32>,
      %swap3A_2382 = vector.shape_cast %swap3A_2381 : vector<16xi32> to vector<16xi32>
      %swap3A_2383 = vector.shape_cast %add3A_2373 : vector<16xi32> to vector<16xi32>
      tpu.vector_store %arg7[%swap3A_2380], %swap3A_2383 {strides = array<i32>} : memref<16384xi32, #tpu.memory_space<vmem>>, vector<16xi32>,
      %get3A_2384 = arith.constant 16 : index
      %get3A_2385 = tpu.vector_load %arg5[%get3A_2384] {strides = array<i32>} : memref<128xi32, #tpu.memory_space<vmem>>, vector<16xi32>,
      %get3A_2386 = vector.shape_cast %get3A_2385 : vector<16xi32> to vector<16xi32>
      %add3A_2387 = vector.broadcast %add3A_2355 : i32 to vector<16xi32>
      %add3A_2388 = arith.addi %get3A_2386, %add3A_2387 : vector<16xi32>
      %mul3A_2389 = arith.constant 128 : i32
      %mul3A_2390 = arith.muli %scan3A_2346, %mul3A_2389 : i32
      %add3A_2391 = arith.constant 16 : i32
      %add3A_2392 = arith.addi %mul3A_2390, %add3A_2391 : i32
      %swap3A_2393 = arith.index_cast %add3A_2392 : i32 to index
      %swap3A_2394 = tpu.vector_load %arg7[%swap3A_2393] {strides = array<i32>} : memref<16384xi32, #tpu.memory_space<vmem>>, vector<16xi32>,
      %swap3A_2395 = vector.shape_cast %swap3A_2394 : vector<16xi32> to vector<16xi32>
      %swap3A_2396 = vector.shape_cast %add3A_2388 : vector<16xi32> to vector<16xi32>
      tpu.vector_store %arg7[%swap3A_2393], %swap3A_2396 {strides = array<i32>} : memref<16384xi32, #tpu.memory_space<vmem>>, vector<16xi32>,
      %get3A_2397 = arith.constant 16 : index
      %get3A_2398 = tpu.vector_load %arg6[%get3A_2397] {strides = array<i32>} : memref<128xi32, #tpu.memory_space<vmem>>, vector<16xi32>,
      %get3A_2399 = vector.shape_cast %get3A_2398 : vector<16xi32> to vector<16xi32>
      %add3A_2400 = vector.broadcast %add3A_2355 : i32 to vector<16xi32>
      %add3A_2401 = arith.addi %get3A_2399, %add3A_2400 : vector<16xi32>
      %add3A_2402 = arith.constant 64 : i32
      %add3A_2403 = arith.addi %scan3A_2346, %add3A_2402 : i32
      %mul3A_2404 = arith.constant 128 : i32
      %mul3A_2405 = arith.muli %add3A_2403, %mul3A_2404 : i32
      %add3A_2406 = arith.constant 16 : i32
      %add3A_2407 = arith.addi %mul3A_2405, %add3A_2406 : i32
      %swap3A_2408 = arith.index_cast %add3A_2407 : i32 to index
      %swap3A_2409 = tpu.vector_load %arg7[%swap3A_2408] {strides = array<i32>} : memref<16384xi32, #tpu.memory_space<vmem>>, vector<16xi32>,
      %swap3A_2410 = vector.shape_cast %swap3A_2409 : vector<16xi32> to vector<16xi32>
      %swap3A_2411 = vector.shape_cast %add3A_2401 : vector<16xi32> to vector<16xi32>
      tpu.vector_store %arg7[%swap3A_2408], %swap3A_2411 {strides = array<i32>} : memref<16384xi32, #tpu.memory_space<vmem>>, vector<16xi32>,
      %get3A_2412 = arith.constant 32 : index
      %get3A_2413 = tpu.vector_load %arg5[%get3A_2412] {strides = array<i32>} : memref<128xi32, #tpu.memory_space<vmem>>, vector<16xi32>,
      %get3A_2414 = vector.shape_cast %get3A_2413 : vector<16xi32> to vector<16xi32>
      %add3A_2415 = vector.broadcast %add3A_2355 : i32 to vector<16xi32>
      %add3A_2416 = arith.addi %get3A_2414, %add3A_2415 : vector<16xi32>
      %mul3A_2417 = arith.constant 128 : i32
      %mul3A_2418 = arith.muli %scan3A_2346, %mul3A_2417 : i32
      %add3A_2419 = arith.constant 32 : i32
      %add3A_2420 = arith.addi %mul3A_2418, %add3A_2419 : i32
      %swap3A_2421 = arith.index_cast %add3A_2420 : i32 to index
      %swap3A_2422 = tpu.vector_load %arg7[%swap3A_2421] {strides = array<i32>} : memref<16384xi32, #tpu.memory_space<vmem>>, vector<16xi32>,
      %swap3A_2423 = vector.shape_cast %swap3A_2422 : vector<16xi32> to vector<16xi32>
      %swap3A_2424 = vector.shape_cast %add3A_2416 : vector<16xi32> to vector<16xi32>
      tpu.vector_store %arg7[%swap3A_2421], %swap3A_2424 {strides = array<i32>} : memref<16384xi32, #tpu.memory_space<vmem>>, vector<16xi32>,
      %get3A_2425 = arith.constant 32 : index
      %get3A_2426 = tpu.vector_load %arg6[%get3A_2425] {strides = array<i32>} : memref<128xi32, #tpu.memory_space<vmem>>, vector<16xi32>,
      %get3A_2427 = vector.shape_cast %get3A_2426 : vector<16xi32> to vector<16xi32>
      %add3A_2428 = vector.broadcast %add3A_2355 : i32 to vector<16xi32>
      %add3A_2429 = arith.addi %get3A_2427, %add3A_2428 : vector<16xi32>
      %add3A_2430 = arith.constant 64 : i32
      %add3A_2431 = arith.addi %scan3A_2346, %add3A_2430 : i32
      %mul3A_2432 = arith.constant 128 : i32
      %mul3A_2433 = arith.muli %add3A_2431, %mul3A_2432 : i32
      %add3A_2434 = arith.constant 32 : i32
      %add3A_2435 = arith.addi %mul3A_2433, %add3A_2434 : i32
      %swap3A_2436 = arith.index_cast %add3A_2435 : i32 to index
      %swap3A_2437 = tpu.vector_load %arg7[%swap3A_2436] {strides = array<i32>} : memref<16384xi32, #tpu.memory_space<vmem>>, vector<16xi32>,
      %swap3A_2438 = vector.shape_cast %swap3A_2437 : vector<16xi32> to vector<16xi32>
      %swap3A_2439 = vector.shape_cast %add3A_2429 : vector<16xi32> to vector<16xi32>
      tpu.vector_store %arg7[%swap3A_2436], %swap3A_2439 {strides = array<i32>} : memref<16384xi32, #tpu.memory_space<vmem>>, vector<16xi32>,
      %get3A_2440 = arith.constant 48 : index
      %get3A_2441 = tpu.vector_load %arg5[%get3A_2440] {strides = array<i32>} : memref<128xi32, #tpu.memory_space<vmem>>, vector<16xi32>,
      %get3A_2442 = vector.shape_cast %get3A_2441 : vector<16xi32> to vector<16xi32>
      %add3A_2443 = vector.broadcast %add3A_2355 : i32 to vector<16xi32>
      %add3A_2444 = arith.addi %get3A_2442, %add3A_2443 : vector<16xi32>
      %mul3A_2445 = arith.constant 128 : i32
      %mul3A_2446 = arith.muli %scan3A_2346, %mul3A_2445 : i32
      %add3A_2447 = arith.constant 48 : i32
      %add3A_2448 = arith.addi %mul3A_2446, %add3A_2447 : i32
      %swap3A_2449 = arith.index_cast %add3A_2448 : i32 to index
      %swap3A_2450 = tpu.vector_load %arg7[%swap3A_2449] {strides = array<i32>} : memref<16384xi32, #tpu.memory_space<vmem>>, vector<16xi32>,
      %swap3A_2451 = vector.shape_cast %swap3A_2450 : vector<16xi32> to vector<16xi32>
      %swap3A_2452 = vector.shape_cast %add3A_2444 : vector<16xi32> to vector<16xi32>
      tpu.vector_store %arg7[%swap3A_2449], %swap3A_2452 {strides = array<i32>} : memref<16384xi32, #tpu.memory_space<vmem>>, vector<16xi32>,
      %get3A_2453 = arith.constant 48 : index
      %get3A_2454 = tpu.vector_load %arg6[%get3A_2453] {strides = array<i32>} : memref<128xi32, #tpu.memory_space<vmem>>, vector<16xi32>,
      %get3A_2455 = vector.shape_cast %get3A_2454 : vector<16xi32> to vector<16xi32>
      %add3A_2456 = vector.broadcast %add3A_2355 : i32 to vector<16xi32>
      %add3A_2457 = arith.addi %get3A_2455, %add3A_2456 : vector<16xi32>
      %add3A_2458 = arith.constant 64 : i32
      %add3A_2459 = arith.addi %scan3A_2346, %add3A_2458 : i32
      %mul3A_2460 = arith.constant 128 : i32
      %mul3A_2461 = arith.muli %add3A_2459, %mul3A_2460 : i32
      %add3A_2462 = arith.constant 48 : i32
      %add3A_2463 = arith.addi %mul3A_2461, %add3A_2462 : i32
      %swap3A_2464 = arith.index_cast %add3A_2463 : i32 to index
      %swap3A_2465 = tpu.vector_load %arg7[%swap3A_2464] {strides = array<i32>} : memref<16384xi32, #tpu.memory_space<vmem>>, vector<16xi32>,
      %swap3A_2466 = vector.shape_cast %swap3A_2465 : vector<16xi32> to vector<16xi32>
      %swap3A_2467 = vector.shape_cast %add3A_2457 : vector<16xi32> to vector<16xi32>
      tpu.vector_store %arg7[%swap3A_2464], %swap3A_2467 {strides = array<i32>} : memref<16384xi32, #tpu.memory_space<vmem>>, vector<16xi32>,
      %get3A_2468 = arith.constant 64 : index
      %get3A_2469 = tpu.vector_load %arg5[%get3A_2468] {strides = array<i32>} : memref<128xi32, #tpu.memory_space<vmem>>, vector<16xi32>,
      %get3A_2470 = vector.shape_cast %get3A_2469 : vector<16xi32> to vector<16xi32>
      %add3A_2471 = vector.broadcast %add3A_2355 : i32 to vector<16xi32>
      %add3A_2472 = arith.addi %get3A_2470, %add3A_2471 : vector<16xi32>
      %mul3A_2473 = arith.constant 128 : i32
      %mul3A_2474 = arith.muli %scan3A_2346, %mul3A_2473 : i32
      %add3A_2475 = arith.constant 64 : i32
      %add3A_2476 = arith.addi %mul3A_2474, %add3A_2475 : i32
      %swap3A_2477 = arith.index_cast %add3A_2476 : i32 to index
      %swap3A_2478 = tpu.vector_load %arg7[%swap3A_2477] {strides = array<i32>} : memref<16384xi32, #tpu.memory_space<vmem>>, vector<16xi32>,
      %swap3A_2479 = vector.shape_cast %swap3A_2478 : vector<16xi32> to vector<16xi32>
      %swap3A_2480 = vector.shape_cast %add3A_2472 : vector<16xi32> to vector<16xi32>
      tpu.vector_store %arg7[%swap3A_2477], %swap3A_2480 {strides = array<i32>} : memref<16384xi32, #tpu.memory_space<vmem>>, vector<16xi32>,
      %get3A_2481 = arith.constant 64 : index
      %get3A_2482 = tpu.vector_load %arg6[%get3A_2481] {strides = array<i32>} : memref<128xi32, #tpu.memory_space<vmem>>, vector<16xi32>,
      %get3A_2483 = vector.shape_cast %get3A_2482 : vector<16xi32> to vector<16xi32>
      %add3A_2484 = vector.broadcast %add3A_2355 : i32 to vector<16xi32>
      %add3A_2485 = arith.addi %get3A_2483, %add3A_2484 : vector<16xi32>
      %add3A_2486 = arith.constant 64 : i32
      %add3A_2487 = arith.addi %scan3A_2346, %add3A_2486 : i32
      %mul3A_2488 = arith.constant 128 : i32
      %mul3A_2489 = arith.muli %add3A_2487, %mul3A_2488 : i32
      %add3A_2490 = arith.constant 64 : i32
      %add3A_2491 = arith.addi %mul3A_2489, %add3A_2490 : i32
      %swap3A_2492 = arith.index_cast %add3A_2491 : i32 to index
      %swap3A_2493 = tpu.vector_load %arg7[%swap3A_2492] {strides = array<i32>} : memref<16384xi32, #tpu.memory_space<vmem>>, vector<16xi32>,
      %swap3A_2494 = vector.shape_cast %swap3A_2493 : vector<16xi32> to vector<16xi32>
      %swap3A_2495 = vector.shape_cast %add3A_2485 : vector<16xi32> to vector<16xi32>
      tpu.vector_store %arg7[%swap3A_2492], %swap3A_2495 {strides = array<i32>} : memref<16384xi32, #tpu.memory_space<vmem>>, vector<16xi32>,
      %get3A_2496 = arith.constant 80 : index
      %get3A_2497 = tpu.vector_load %arg5[%get3A_2496] {strides = array<i32>} : memref<128xi32, #tpu.memory_space<vmem>>, vector<16xi32>,
      %get3A_2498 = vector.shape_cast %get3A_2497 : vector<16xi32> to vector<16xi32>
      %add3A_2499 = vector.broadcast %add3A_2355 : i32 to vector<16xi32>
      %add3A_2500 = arith.addi %get3A_2498, %add3A_2499 : vector<16xi32>
      %mul3A_2501 = arith.constant 128 : i32
      %mul3A_2502 = arith.muli %scan3A_2346, %mul3A_2501 : i32
      %add3A_2503 = arith.constant 80 : i32
      %add3A_2504 = arith.addi %mul3A_2502, %add3A_2503 : i32
      %swap3A_2505 = arith.index_cast %add3A_2504 : i32 to index
      %swap3A_2506 = tpu.vector_load %arg7[%swap3A_2505] {strides = array<i32>} : memref<16384xi32, #tpu.memory_space<vmem>>, vector<16xi32>,
      %swap3A_2507 = vector.shape_cast %swap3A_2506 : vector<16xi32> to vector<16xi32>
      %swap3A_2508 = vector.shape_cast %add3A_2500 : vector<16xi32> to vector<16xi32>
      tpu.vector_store %arg7[%swap3A_2505], %swap3A_2508 {strides = array<i32>} : memref<16384xi32, #tpu.memory_space<vmem>>, vector<16xi32>,
      %get3A_2509 = arith.constant 80 : index
      %get3A_2510 = tpu.vector_load %arg6[%get3A_2509] {strides = array<i32>} : memref<128xi32, #tpu.memory_space<vmem>>, vector<16xi32>,
      %get3A_2511 = vector.shape_cast %get3A_2510 : vector<16xi32> to vector<16xi32>
      %add3A_2512 = vector.broadcast %add3A_2355 : i32 to vector<16xi32>
      %add3A_2513 = arith.addi %get3A_2511, %add3A_2512 : vector<16xi32>
      %add3A_2514 = arith.constant 64 : i32
      %add3A_2515 = arith.addi %scan3A_2346, %add3A_2514 : i32
      %mul3A_2516 = arith.constant 128 : i32
      %mul3A_2517 = arith.muli %add3A_2515, %mul3A_2516 : i32
      %add3A_2518 = arith.constant 80 : i32
      %add3A_2519 = arith.addi %mul3A_2517, %add3A_2518 : i32
      %swap3A_2520 = arith.index_cast %add3A_2519 : i32 to index
      %swap3A_2521 = tpu.vector_load %arg7[%swap3A_2520] {strides = array<i32>} : memref<16384xi32, #tpu.memory_space<vmem>>, vector<16xi32>,
      %swap3A_2522 = vector.shape_cast %swap3A_2521 : vector<16xi32> to vector<16xi32>
      %swap3A_2523 = vector.shape_cast %add3A_2513 : vector<16xi32> to vector<16xi32>
      tpu.vector_store %arg7[%swap3A_2520], %swap3A_2523 {strides = array<i32>} : memref<16384xi32, #tpu.memory_space<vmem>>, vector<16xi32>,
      %get3A_2524 = arith.constant 96 : index
      %get3A_2525 = tpu.vector_load %arg5[%get3A_2524] {strides = array<i32>} : memref<128xi32, #tpu.memory_space<vmem>>, vector<16xi32>,
      %get3A_2526 = vector.shape_cast %get3A_2525 : vector<16xi32> to vector<16xi32>
      %add3A_2527 = vector.broadcast %add3A_2355 : i32 to vector<16xi32>
      %add3A_2528 = arith.addi %get3A_2526, %add3A_2527 : vector<16xi32>
      %mul3A_2529 = arith.constant 128 : i32
      %mul3A_2530 = arith.muli %scan3A_2346, %mul3A_2529 : i32
      %add3A_2531 = arith.constant 96 : i32
      %add3A_2532 = arith.addi %mul3A_2530, %add3A_2531 : i32
      %swap3A_2533 = arith.index_cast %add3A_2532 : i32 to index
      %swap3A_2534 = tpu.vector_load %arg7[%swap3A_2533] {strides = array<i32>} : memref<16384xi32, #tpu.memory_space<vmem>>, vector<16xi32>,
      %swap3A_2535 = vector.shape_cast %swap3A_2534 : vector<16xi32> to vector<16xi32>
      %swap3A_2536 = vector.shape_cast %add3A_2528 : vector<16xi32> to vector<16xi32>
      tpu.vector_store %arg7[%swap3A_2533], %swap3A_2536 {strides = array<i32>} : memref<16384xi32, #tpu.memory_space<vmem>>, vector<16xi32>,
      %get3A_2537 = arith.constant 96 : index
      %get3A_2538 = tpu.vector_load %arg6[%get3A_2537] {strides = array<i32>} : memref<128xi32, #tpu.memory_space<vmem>>, vector<16xi32>,
      %get3A_2539 = vector.shape_cast %get3A_2538 : vector<16xi32> to vector<16xi32>
      %add3A_2540 = vector.broadcast %add3A_2355 : i32 to vector<16xi32>
      %add3A_2541 = arith.addi %get3A_2539, %add3A_2540 : vector<16xi32>
      %add3A_2542 = arith.constant 64 : i32
      %add3A_2543 = arith.addi %scan3A_2346, %add3A_2542 : i32
      %mul3A_2544 = arith.constant 128 : i32
      %mul3A_2545 = arith.muli %add3A_2543, %mul3A_2544 : i32
      %add3A_2546 = arith.constant 96 : i32
      %add3A_2547 = arith.addi %mul3A_2545, %add3A_2546 : i32
      %swap3A_2548 = arith.index_cast %add3A_2547 : i32 to index
      %swap3A_2549 = tpu.vector_load %arg7[%swap3A_2548] {strides = array<i32>} : memref<16384xi32, #tpu.memory_space<vmem>>, vector<16xi32>,
      %swap3A_2550 = vector.shape_cast %swap3A_2549 : vector<16xi32> to vector<16xi32>
      %swap3A_2551 = vector.shape_cast %add3A_2541 : vector<16xi32> to vector<16xi32>
      tpu.vector_store %arg7[%swap3A_2548], %swap3A_2551 {strides = array<i32>} : memref<16384xi32, #tpu.memory_space<vmem>>, vector<16xi32>,
      %get3A_2552 = arith.constant 112 : index
      %get3A_2553 = tpu.vector_load %arg5[%get3A_2552] {strides = array<i32>} : memref<128xi32, #tpu.memory_space<vmem>>, vector<16xi32>,
      %get3A_2554 = vector.shape_cast %get3A_2553 : vector<16xi32> to vector<16xi32>
      %add3A_2555 = vector.broadcast %add3A_2355 : i32 to vector<16xi32>
      %add3A_2556 = arith.addi %get3A_2554, %add3A_2555 : vector<16xi32>
      %mul3A_2557 = arith.constant 128 : i32
      %mul3A_2558 = arith.muli %scan3A_2346, %mul3A_2557 : i32
      %add3A_2559 = arith.constant 112 : i32
      %add3A_2560 = arith.addi %mul3A_2558, %add3A_2559 : i32
      %swap3A_2561 = arith.index_cast %add3A_2560 : i32 to index
      %swap3A_2562 = tpu.vector_load %arg7[%swap3A_2561] {strides = array<i32>} : memref<16384xi32, #tpu.memory_space<vmem>>, vector<16xi32>,
      %swap3A_2563 = vector.shape_cast %swap3A_2562 : vector<16xi32> to vector<16xi32>
      %swap3A_2564 = vector.shape_cast %add3A_2556 : vector<16xi32> to vector<16xi32>
      tpu.vector_store %arg7[%swap3A_2561], %swap3A_2564 {strides = array<i32>} : memref<16384xi32, #tpu.memory_space<vmem>>, vector<16xi32>,
      %get3A_2565 = arith.constant 112 : index
      %get3A_2566 = tpu.vector_load %arg6[%get3A_2565] {strides = array<i32>} : memref<128xi32, #tpu.memory_space<vmem>>, vector<16xi32>,
      %get3A_2567 = vector.shape_cast %get3A_2566 : vector<16xi32> to vector<16xi32>
      %add3A_2568 = vector.broadcast %add3A_2355 : i32 to vector<16xi32>
      %add3A_2569 = arith.addi %get3A_2567, %add3A_2568 : vector<16xi32>
      %add3A_2570 = arith.constant 64 : i32
      %add3A_2571 = arith.addi %scan3A_2346, %add3A_2570 : i32
      %mul3A_2572 = arith.constant 128 : i32
      %mul3A_2573 = arith.muli %add3A_2571, %mul3A_2572 : i32
      %add3A_2574 = arith.constant 112 : i32
      %add3A_2575 = arith.addi %mul3A_2573, %add3A_2574 : i32
      %swap3A_2576 = arith.index_cast %add3A_2575 : i32 to index
      %swap3A_2577 = tpu.vector_load %arg7[%swap3A_2576] {strides = array<i32>} : memref<16384xi32, #tpu.memory_space<vmem>>, vector<16xi32>,
      %swap3A_2578 = vector.shape_cast %swap3A_2577 : vector<16xi32> to vector<16xi32>
      %swap3A_2579 = vector.shape_cast %add3A_2569 : vector<16xi32> to vector<16xi32>
      tpu.vector_store %arg7[%swap3A_2576], %swap3A_2579 {strides = array<i32>} : memref<16384xi32, #tpu.memory_space<vmem>>, vector<16xi32>,
    }
    %scan3A_299 = arith.constant 64 : i32
    %dma_start3A = arith.constant 0 : i32
    %dma_start3A_300 = arith.constant 0 : i32
    %dma_start3A_301 = tpu.memref_slice %arg8[%dma_start3A, %dma_start3A_300] : memref<128x128xf32, #tpu.memory_space<vmem>> -> memref<1x128xf32, #tpu.memory_space<vmem>>
    %dma_start3A_302 = tpu.memref_squeeze %dma_start3A_301 : memref<1x128xf32, #tpu.memory_space<vmem>> -> memref<128xf32, #tpu.memory_space<vmem>>
    %dma_start3A_303 = arith.constant 0 : i32
    %dma_start3A_304 = tpu.memref_slice %arg7[%dma_start3A_303] : memref<16384xi32, #tpu.memory_space<vmem>> -> memref<128xi32, #tpu.memory_space<vmem>>
    %dma_start3A_305 = arith.constant 0 : i32
    %dma_start3A_306 = tpu.memref_slice %arg3[%dma_start3A_305] : memref<128000000xf32, #tpu.memory_space<hbm>> -> memref<128000000xf32, #tpu.memory_space<hbm>>
    tpu.enqueue_indirect_dma source(%dma_start3A_306 : memref<128000000xf32, #tpu.memory_space<hbm>>) target(%dma_start3A_302 : memref<128xf32, #tpu.memory_space<vmem>>) offsets(%dma_start3A_304 : memref<128xi32, #tpu.memory_space<vmem>>) semaphore(%arg9 : memref<!tpu.dma_semaphore, #tpu.memory_space<semaphore_mem>>)
    %dma_start3A_307 = arith.constant 1 : i32
    %dma_start3A_308 = arith.constant 0 : i32
    %dma_start3A_309 = tpu.memref_slice %arg8[%dma_start3A_307, %dma_start3A_308] : memref<128x128xf32, #tpu.memory_space<vmem>> -> memref<1x128xf32, #tpu.memory_space<vmem>>
    %dma_start3A_310 = tpu.memref_squeeze %dma_start3A_309 : memref<1x128xf32, #tpu.memory_space<vmem>> -> memref<128xf32, #tpu.memory_space<vmem>>
    %dma_start3A_311 = arith.constant 128 : i32
    %dma_start3A_312 = tpu.memref_slice %arg7[%dma_start3A_311] : memref<16384xi32, #tpu.memory_space<vmem>> -> memref<128xi32, #tpu.memory_space<vmem>>
    %dma_start3A_313 = arith.constant 0 : i32
    %dma_start3A_314 = tpu.memref_slice %arg3[%dma_start3A_313] : memref<128000000xf32, #tpu.memory_space<hbm>> -> memref<128000000xf32, #tpu.memory_space<hbm>>
    tpu.enqueue_indirect_dma source(%dma_start3A_314 : memref<128000000xf32, #tpu.memory_space<hbm>>) target(%dma_start3A_310 : memref<128xf32, #tpu.memory_space<vmem>>) offsets(%dma_start3A_312 : memref<128xi32, #tpu.memory_space<vmem>>) semaphore(%arg9 : memref<!tpu.dma_semaphore, #tpu.memory_space<semaphore_mem>>)
    %dma_start3A_315 = arith.constant 2 : i32
    %dma_start3A_316 = arith.constant 0 : i32
    %dma_start3A_317 = tpu.memref_slice %arg8[%dma_start3A_315, %dma_start3A_316] : memref<128x128xf32, #tpu.memory_space<vmem>> -> memref<1x128xf32, #tpu.memory_space<vmem>>
    %dma_start3A_318 = tpu.memref_squeeze %dma_start3A_317 : memref<1x128xf32, #tpu.memory_space<vmem>> -> memref<128xf32, #tpu.memory_space<vmem>>
    %dma_start3A_319 = arith.constant 256 : i32
    %dma_start3A_320 = tpu.memref_slice %arg7[%dma_start3A_319] : memref<16384xi32, #tpu.memory_space<vmem>> -> memref<128xi32, #tpu.memory_space<vmem>>
    %dma_start3A_321 = arith.constant 0 : i32
    %dma_start3A_322 = tpu.memref_slice %arg3[%dma_start3A_321] : memref<128000000xf32, #tpu.memory_space<hbm>> -> memref<128000000xf32, #tpu.memory_space<hbm>>
    tpu.enqueue_indirect_dma source(%dma_start3A_322 : memref<128000000xf32, #tpu.memory_space<hbm>>) target(%dma_start3A_318 : memref<128xf32, #tpu.memory_space<vmem>>) offsets(%dma_start3A_320 : memref<128xi32, #tpu.memory_space<vmem>>) semaphore(%arg9 : memref<!tpu.dma_semaphore, #tpu.memory_space<semaphore_mem>>)
    %dma_start3A_323 = arith.constant 3 : i32
    %dma_start3A_324 = arith.constant 0 : i32
    %dma_start3A_325 = tpu.memref_slice %arg8[%dma_start3A_323, %dma_start3A_324] : memref<128x128xf32, #tpu.memory_space<vmem>> -> memref<1x128xf32, #tpu.memory_space<vmem>>
    %dma_start3A_326 = tpu.memref_squeeze %dma_start3A_325 : memref<1x128xf32, #tpu.memory_space<vmem>> -> memref<128xf32, #tpu.memory_space<vmem>>
    %dma_start3A_327 = arith.constant 384 : i32
    %dma_start3A_328 = tpu.memref_slice %arg7[%dma_start3A_327] : memref<16384xi32, #tpu.memory_space<vmem>> -> memref<128xi32, #tpu.memory_space<vmem>>
    %dma_start3A_329 = arith.constant 0 : i32
    %dma_start3A_330 = tpu.memref_slice %arg3[%dma_start3A_329] : memref<128000000xf32, #tpu.memory_space<hbm>> -> memref<128000000xf32, #tpu.memory_space<hbm>>
    tpu.enqueue_indirect_dma source(%dma_start3A_330 : memref<128000000xf32, #tpu.memory_space<hbm>>) target(%dma_start3A_326 : memref<128xf32, #tpu.memory_space<vmem>>) offsets(%dma_start3A_328 : memref<128xi32, #tpu.memory_space<vmem>>) semaphore(%arg9 : memref<!tpu.dma_semaphore, #tpu.memory_space<semaphore_mem>>)
    %dma_start3A_331 = arith.constant 4 : i32
    %dma_start3A_332 = arith.constant 0 : i32
    %dma_start3A_333 = tpu.memref_slice %arg8[%dma_start3A_331, %dma_start3A_332] : memref<128x128xf32, #tpu.memory_space<vmem>> -> memref<1x128xf32, #tpu.memory_space<vmem>>
    %dma_start3A_334 = tpu.memref_squeeze %dma_start3A_333 : memref<1x128xf32, #tpu.memory_space<vmem>> -> memref<128xf32, #tpu.memory_space<vmem>>
    %dma_start3A_335 = arith.constant 512 : i32
    %dma_start3A_336 = tpu.memref_slice %arg7[%dma_start3A_335] : memref<16384xi32, #tpu.memory_space<vmem>> -> memref<128xi32, #tpu.memory_space<vmem>>
    %dma_start3A_337 = arith.constant 0 : i32
    %dma_start3A_338 = tpu.memref_slice %arg3[%dma_start3A_337] : memref<128000000xf32, #tpu.memory_space<hbm>> -> memref<128000000xf32, #tpu.memory_space<hbm>>
    tpu.enqueue_indirect_dma source(%dma_start3A_338 : memref<128000000xf32, #tpu.memory_space<hbm>>) target(%dma_start3A_334 : memref<128xf32, #tpu.memory_space<vmem>>) offsets(%dma_start3A_336 : memref<128xi32, #tpu.memory_space<vmem>>) semaphore(%arg9 : memref<!tpu.dma_semaphore, #tpu.memory_space<semaphore_mem>>)
    %dma_start3A_339 = arith.constant 5 : i32
    %dma_start3A_340 = arith.constant 0 : i32
    %dma_start3A_341 = tpu.memref_slice %arg8[%dma_start3A_339, %dma_start3A_340] : memref<128x128xf32, #tpu.memory_space<vmem>> -> memref<1x128xf32, #tpu.memory_space<vmem>>
    %dma_start3A_342 = tpu.memref_squeeze %dma_start3A_341 : memref<1x128xf32, #tpu.memory_space<vmem>> -> memref<128xf32, #tpu.memory_space<vmem>>
    %dma_start3A_343 = arith.constant 640 : i32
    %dma_start3A_344 = tpu.memref_slice %arg7[%dma_start3A_343] : memref<16384xi32, #tpu.memory_space<vmem>> -> memref<128xi32, #tpu.memory_space<vmem>>
    %dma_start3A_345 = arith.constant 0 : i32
    %dma_start3A_346 = tpu.memref_slice %arg3[%dma_start3A_345] : memref<128000000xf32, #tpu.memory_space<hbm>> -> memref<128000000xf32, #tpu.memory_space<hbm>>
    tpu.enqueue_indirect_dma source(%dma_start3A_346 : memref<128000000xf32, #tpu.memory_space<hbm>>) target(%dma_start3A_342 : memref<128xf32, #tpu.memory_space<vmem>>) offsets(%dma_start3A_344 : memref<128xi32, #tpu.memory_space<vmem>>) semaphore(%arg9 : memref<!tpu.dma_semaphore, #tpu.memory_space<semaphore_mem>>)
    %dma_start3A_347 = arith.constant 6 : i32
    %dma_start3A_348 = arith.constant 0 : i32
    %dma_start3A_349 = tpu.memref_slice %arg8[%dma_start3A_347, %dma_start3A_348] : memref<128x128xf32, #tpu.memory_space<vmem>> -> memref<1x128xf32, #tpu.memory_space<vmem>>
    %dma_start3A_350 = tpu.memref_squeeze %dma_start3A_349 : memref<1x128xf32, #tpu.memory_space<vmem>> -> memref<128xf32, #tpu.memory_space<vmem>>
    %dma_start3A_351 = arith.constant 768 : i32
    %dma_start3A_352 = tpu.memref_slice %arg7[%dma_start3A_351] : memref<16384xi32, #tpu.memory_space<vmem>> -> memref<128xi32, #tpu.memory_space<vmem>>
    %dma_start3A_353 = arith.constant 0 : i32
    %dma_start3A_354 = tpu.memref_slice %arg3[%dma_start3A_353] : memref<128000000xf32, #tpu.memory_space<hbm>> -> memref<128000000xf32, #tpu.memory_space<hbm>>
    tpu.enqueue_indirect_dma source(%dma_start3A_354 : memref<128000000xf32, #tpu.memory_space<hbm>>) target(%dma_start3A_350 : memref<128xf32, #tpu.memory_space<vmem>>) offsets(%dma_start3A_352 : memref<128xi32, #tpu.memory_space<vmem>>) semaphore(%arg9 : memref<!tpu.dma_semaphore, #tpu.memory_space<semaphore_mem>>)
    %dma_start3A_355 = arith.constant 7 : i32
    %dma_start3A_356 = arith.constant 0 : i32
    %dma_start3A_357 = tpu.memref_slice %arg8[%dma_start3A_355, %dma_start3A_356] : memref<128x128xf32, #tpu.memory_space<vmem>> -> memref<1x128xf32, #tpu.memory_space<vmem>>
    %dma_start3A_358 = tpu.memref_squeeze %dma_start3A_357 : memref<1x128xf32, #tpu.memory_space<vmem>> -> memref<128xf32, #tpu.memory_space<vmem>>
    %dma_start3A_359 = arith.constant 896 : i32
    %dma_start3A_360 = tpu.memref_slice %arg7[%dma_start3A_359] : memref<16384xi32, #tpu.memory_space<vmem>> -> memref<128xi32, #tpu.memory_space<vmem>>
    %dma_start3A_361 = arith.constant 0 : i32
    %dma_start3A_362 = tpu.memref_slice %arg3[%dma_start3A_361] : memref<128000000xf32, #tpu.memory_space<hbm>> -> memref<128000000xf32, #tpu.memory_space<hbm>>
    tpu.enqueue_indirect_dma source(%dma_start3A_362 : memref<128000000xf32, #tpu.memory_space<hbm>>) target(%dma_start3A_358 : memref<128xf32, #tpu.memory_space<vmem>>) offsets(%dma_start3A_360 : memref<128xi32, #tpu.memory_space<vmem>>) semaphore(%arg9 : memref<!tpu.dma_semaphore, #tpu.memory_space<semaphore_mem>>)
    %dma_start3A_363 = arith.constant 8 : i32
    %dma_start3A_364 = arith.constant 0 : i32
    %dma_start3A_365 = tpu.memref_slice %arg8[%dma_start3A_363, %dma_start3A_364] : memref<128x128xf32, #tpu.memory_space<vmem>> -> memref<1x128xf32, #tpu.memory_space<vmem>>
    %dma_start3A_366 = tpu.memref_squeeze %dma_start3A_365 : memref<1x128xf32, #tpu.memory_space<vmem>> -> memref<128xf32, #tpu.memory_space<vmem>>
    %dma_start3A_367 = arith.constant 1024 : i32
    %dma_start3A_368 = tpu.memref_slice %arg7[%dma_start3A_367] : memref<16384xi32, #tpu.memory_space<vmem>> -> memref<128xi32, #tpu.memory_space<vmem>>
    %dma_start3A_369 = arith.constant 0 : i32
    %dma_start3A_370 = tpu.memref_slice %arg3[%dma_start3A_369] : memref<128000000xf32, #tpu.memory_space<hbm>> -> memref<128000000xf32, #tpu.memory_space<hbm>>
    tpu.enqueue_indirect_dma source(%dma_start3A_370 : memref<128000000xf32, #tpu.memory_space<hbm>>) target(%dma_start3A_366 : memref<128xf32, #tpu.memory_space<vmem>>) offsets(%dma_start3A_368 : memref<128xi32, #tpu.memory_space<vmem>>) semaphore(%arg9 : memref<!tpu.dma_semaphore, #tpu.memory_space<semaphore_mem>>)
    %dma_start3A_371 = arith.constant 9 : i32
    %dma_start3A_372 = arith.constant 0 : i32
    %dma_start3A_373 = tpu.memref_slice %arg8[%dma_start3A_371, %dma_start3A_372] : memref<128x128xf32, #tpu.memory_space<vmem>> -> memref<1x128xf32, #tpu.memory_space<vmem>>
    %dma_start3A_374 = tpu.memref_squeeze %dma_start3A_373 : memref<1x128xf32, #tpu.memory_space<vmem>> -> memref<128xf32, #tpu.memory_space<vmem>>
    %dma_start3A_375 = arith.constant 1152 : i32
    %dma_start3A_376 = tpu.memref_slice %arg7[%dma_start3A_375] : memref<16384xi32, #tpu.memory_space<vmem>> -> memref<128xi32, #tpu.memory_space<vmem>>
    %dma_start3A_377 = arith.constant 0 : i32
    %dma_start3A_378 = tpu.memref_slice %arg3[%dma_start3A_377] : memref<128000000xf32, #tpu.memory_space<hbm>> -> memref<128000000xf32, #tpu.memory_space<hbm>>
    tpu.enqueue_indirect_dma source(%dma_start3A_378 : memref<128000000xf32, #tpu.memory_space<hbm>>) target(%dma_start3A_374 : memref<128xf32, #tpu.memory_space<vmem>>) offsets(%dma_start3A_376 : memref<128xi32, #tpu.memory_space<vmem>>) semaphore(%arg9 : memref<!tpu.dma_semaphore, #tpu.memory_space<semaphore_mem>>)
    %dma_start3A_379 = arith.constant 10 : i32
    %dma_start3A_380 = arith.constant 0 : i32
    %dma_start3A_381 = tpu.memref_slice %arg8[%dma_start3A_379, %dma_start3A_380] : memref<128x128xf32, #tpu.memory_space<vmem>> -> memref<1x128xf32, #tpu.memory_space<vmem>>
    %dma_start3A_382 = tpu.memref_squeeze %dma_start3A_381 : memref<1x128xf32, #tpu.memory_space<vmem>> -> memref<128xf32, #tpu.memory_space<vmem>>
    %dma_start3A_383 = arith.constant 1280 : i32
    %dma_start3A_384 = tpu.memref_slice %arg7[%dma_start3A_383] : memref<16384xi32, #tpu.memory_space<vmem>> -> memref<128xi32, #tpu.memory_space<vmem>>
    %dma_start3A_385 = arith.constant 0 : i32
    %dma_start3A_386 = tpu.memref_slice %arg3[%dma_start3A_385] : memref<128000000xf32, #tpu.memory_space<hbm>> -> memref<128000000xf32, #tpu.memory_space<hbm>>
    tpu.enqueue_indirect_dma source(%dma_start3A_386 : memref<128000000xf32, #tpu.memory_space<hbm>>) target(%dma_start3A_382 : memref<128xf32, #tpu.memory_space<vmem>>) offsets(%dma_start3A_384 : memref<128xi32, #tpu.memory_space<vmem>>) semaphore(%arg9 : memref<!tpu.dma_semaphore, #tpu.memory_space<semaphore_mem>>)
    %dma_start3A_387 = arith.constant 11 : i32
    %dma_start3A_388 = arith.constant 0 : i32
    %dma_start3A_389 = tpu.memref_slice %arg8[%dma_start3A_387, %dma_start3A_388] : memref<128x128xf32, #tpu.memory_space<vmem>> -> memref<1x128xf32, #tpu.memory_space<vmem>>
    %dma_start3A_390 = tpu.memref_squeeze %dma_start3A_389 : memref<1x128xf32, #tpu.memory_space<vmem>> -> memref<128xf32, #tpu.memory_space<vmem>>
    %dma_start3A_391 = arith.constant 1408 : i32
    %dma_start3A_392 = tpu.memref_slice %arg7[%dma_start3A_391] : memref<16384xi32, #tpu.memory_space<vmem>> -> memref<128xi32, #tpu.memory_space<vmem>>
    %dma_start3A_393 = arith.constant 0 : i32
    %dma_start3A_394 = tpu.memref_slice %arg3[%dma_start3A_393] : memref<128000000xf32, #tpu.memory_space<hbm>> -> memref<128000000xf32, #tpu.memory_space<hbm>>
    tpu.enqueue_indirect_dma source(%dma_start3A_394 : memref<128000000xf32, #tpu.memory_space<hbm>>) target(%dma_start3A_390 : memref<128xf32, #tpu.memory_space<vmem>>) offsets(%dma_start3A_392 : memref<128xi32, #tpu.memory_space<vmem>>) semaphore(%arg9 : memref<!tpu.dma_semaphore, #tpu.memory_space<semaphore_mem>>)
    %dma_start3A_395 = arith.constant 12 : i32
    %dma_start3A_396 = arith.constant 0 : i32
    %dma_start3A_397 = tpu.memref_slice %arg8[%dma_start3A_395, %dma_start3A_396] : memref<128x128xf32, #tpu.memory_space<vmem>> -> memref<1x128xf32, #tpu.memory_space<vmem>>
    %dma_start3A_398 = tpu.memref_squeeze %dma_start3A_397 : memref<1x128xf32, #tpu.memory_space<vmem>> -> memref<128xf32, #tpu.memory_space<vmem>>
    %dma_start3A_399 = arith.constant 1536 : i32
    %dma_start3A_400 = tpu.memref_slice %arg7[%dma_start3A_399] : memref<16384xi32, #tpu.memory_space<vmem>> -> memref<128xi32, #tpu.memory_space<vmem>>
    %dma_start3A_401 = arith.constant 0 : i32
    %dma_start3A_402 = tpu.memref_slice %arg3[%dma_start3A_401] : memref<128000000xf32, #tpu.memory_space<hbm>> -> memref<128000000xf32, #tpu.memory_space<hbm>>
    tpu.enqueue_indirect_dma source(%dma_start3A_402 : memref<128000000xf32, #tpu.memory_space<hbm>>) target(%dma_start3A_398 : memref<128xf32, #tpu.memory_space<vmem>>) offsets(%dma_start3A_400 : memref<128xi32, #tpu.memory_space<vmem>>) semaphore(%arg9 : memref<!tpu.dma_semaphore, #tpu.memory_space<semaphore_mem>>)
    %dma_start3A_403 = arith.constant 13 : i32
    %dma_start3A_404 = arith.constant 0 : i32
    %dma_start3A_405 = tpu.memref_slice %arg8[%dma_start3A_403, %dma_start3A_404] : memref<128x128xf32, #tpu.memory_space<vmem>> -> memref<1x128xf32, #tpu.memory_space<vmem>>
    %dma_start3A_406 = tpu.memref_squeeze %dma_start3A_405 : memref<1x128xf32, #tpu.memory_space<vmem>> -> memref<128xf32, #tpu.memory_space<vmem>>
    %dma_start3A_407 = arith.constant 1664 : i32
    %dma_start3A_408 = tpu.memref_slice %arg7[%dma_start3A_407] : memref<16384xi32, #tpu.memory_space<vmem>> -> memref<128xi32, #tpu.memory_space<vmem>>
    %dma_start3A_409 = arith.constant 0 : i32
    %dma_start3A_410 = tpu.memref_slice %arg3[%dma_start3A_409] : memref<128000000xf32, #tpu.memory_space<hbm>> -> memref<128000000xf32, #tpu.memory_space<hbm>>
    tpu.enqueue_indirect_dma source(%dma_start3A_410 : memref<128000000xf32, #tpu.memory_space<hbm>>) target(%dma_start3A_406 : memref<128xf32, #tpu.memory_space<vmem>>) offsets(%dma_start3A_408 : memref<128xi32, #tpu.memory_space<vmem>>) semaphore(%arg9 : memref<!tpu.dma_semaphore, #tpu.memory_space<semaphore_mem>>)
    %dma_start3A_411 = arith.constant 14 : i32
    %dma_start3A_412 = arith.constant 0 : i32
    %dma_start3A_413 = tpu.memref_slice %arg8[%dma_start3A_411, %dma_start3A_412] : memref<128x128xf32, #tpu.memory_space<vmem>> -> memref<1x128xf32, #tpu.memory_space<vmem>>
    %dma_start3A_414 = tpu.memref_squeeze %dma_start3A_413 : memref<1x128xf32, #tpu.memory_space<vmem>> -> memref<128xf32, #tpu.memory_space<vmem>>
    %dma_start3A_415 = arith.constant 1792 : i32
    %dma_start3A_416 = tpu.memref_slice %arg7[%dma_start3A_415] : memref<16384xi32, #tpu.memory_space<vmem>> -> memref<128xi32, #tpu.memory_space<vmem>>
    %dma_start3A_417 = arith.constant 0 : i32
    %dma_start3A_418 = tpu.memref_slice %arg3[%dma_start3A_417] : memref<128000000xf32, #tpu.memory_space<hbm>> -> memref<128000000xf32, #tpu.memory_space<hbm>>
    tpu.enqueue_indirect_dma source(%dma_start3A_418 : memref<128000000xf32, #tpu.memory_space<hbm>>) target(%dma_start3A_414 : memref<128xf32, #tpu.memory_space<vmem>>) offsets(%dma_start3A_416 : memref<128xi32, #tpu.memory_space<vmem>>) semaphore(%arg9 : memref<!tpu.dma_semaphore, #tpu.memory_space<semaphore_mem>>)
    %dma_start3A_419 = arith.constant 15 : i32
    %dma_start3A_420 = arith.constant 0 : i32
    %dma_start3A_421 = tpu.memref_slice %arg8[%dma_start3A_419, %dma_start3A_420] : memref<128x128xf32, #tpu.memory_space<vmem>> -> memref<1x128xf32, #tpu.memory_space<vmem>>
    %dma_start3A_422 = tpu.memref_squeeze %dma_start3A_421 : memref<1x128xf32, #tpu.memory_space<vmem>> -> memref<128xf32, #tpu.memory_space<vmem>>
    %dma_start3A_423 = arith.constant 1920 : i32
    %dma_start3A_424 = tpu.memref_slice %arg7[%dma_start3A_423] : memref<16384xi32, #tpu.memory_space<vmem>> -> memref<128xi32, #tpu.memory_space<vmem>>
    %dma_start3A_425 = arith.constant 0 : i32
    %dma_start3A_426 = tpu.memref_slice %arg3[%dma_start3A_425] : memref<128000000xf32, #tpu.memory_space<hbm>> -> memref<128000000xf32, #tpu.memory_space<hbm>>
    tpu.enqueue_indirect_dma source(%dma_start3A_426 : memref<128000000xf32, #tpu.memory_space<hbm>>) target(%dma_start3A_422 : memref<128xf32, #tpu.memory_space<vmem>>) offsets(%dma_start3A_424 : memref<128xi32, #tpu.memory_space<vmem>>) semaphore(%arg9 : memref<!tpu.dma_semaphore, #tpu.memory_space<semaphore_mem>>)
    %dma_start3A_427 = arith.constant 16 : i32
    %dma_start3A_428 = arith.constant 0 : i32
    %dma_start3A_429 = tpu.memref_slice %arg8[%dma_start3A_427, %dma_start3A_428] : memref<128x128xf32, #tpu.memory_space<vmem>> -> memref<1x128xf32, #tpu.memory_space<vmem>>
    %dma_start3A_430 = tpu.memref_squeeze %dma_start3A_429 : memref<1x128xf32, #tpu.memory_space<vmem>> -> memref<128xf32, #tpu.memory_space<vmem>>
    %dma_start3A_431 = arith.constant 2048 : i32
    %dma_start3A_432 = tpu.memref_slice %arg7[%dma_start3A_431] : memref<16384xi32, #tpu.memory_space<vmem>> -> memref<128xi32, #tpu.memory_space<vmem>>
    %dma_start3A_433 = arith.constant 0 : i32
    %dma_start3A_434 = tpu.memref_slice %arg3[%dma_start3A_433] : memref<128000000xf32, #tpu.memory_space<hbm>> -> memref<128000000xf32, #tpu.memory_space<hbm>>
    tpu.enqueue_indirect_dma source(%dma_start3A_434 : memref<128000000xf32, #tpu.memory_space<hbm>>) target(%dma_start3A_430 : memref<128xf32, #tpu.memory_space<vmem>>) offsets(%dma_start3A_432 : memref<128xi32, #tpu.memory_space<vmem>>) semaphore(%arg9 : memref<!tpu.dma_semaphore, #tpu.memory_space<semaphore_mem>>)
    %dma_start3A_435 = arith.constant 17 : i32
    %dma_start3A_436 = arith.constant 0 : i32
    %dma_start3A_437 = tpu.memref_slice %arg8[%dma_start3A_435, %dma_start3A_436] : memref<128x128xf32, #tpu.memory_space<vmem>> -> memref<1x128xf32, #tpu.memory_space<vmem>>
    %dma_start3A_438 = tpu.memref_squeeze %dma_start3A_437 : memref<1x128xf32, #tpu.memory_space<vmem>> -> memref<128xf32, #tpu.memory_space<vmem>>
    %dma_start3A_439 = arith.constant 2176 : i32
    %dma_start3A_440 = tpu.memref_slice %arg7[%dma_start3A_439] : memref<16384xi32, #tpu.memory_space<vmem>> -> memref<128xi32, #tpu.memory_space<vmem>>
    %dma_start3A_441 = arith.constant 0 : i32
    %dma_start3A_442 = tpu.memref_slice %arg3[%dma_start3A_441] : memref<128000000xf32, #tpu.memory_space<hbm>> -> memref<128000000xf32, #tpu.memory_space<hbm>>
    tpu.enqueue_indirect_dma source(%dma_start3A_442 : memref<128000000xf32, #tpu.memory_space<hbm>>) target(%dma_start3A_438 : memref<128xf32, #tpu.memory_space<vmem>>) offsets(%dma_start3A_440 : memref<128xi32, #tpu.memory_space<vmem>>) semaphore(%arg9 : memref<!tpu.dma_semaphore, #tpu.memory_space<semaphore_mem>>)
    %dma_start3A_443 = arith.constant 18 : i32
    %dma_start3A_444 = arith.constant 0 : i32
    %dma_start3A_445 = tpu.memref_slice %arg8[%dma_start3A_443, %dma_start3A_444] : memref<128x128xf32, #tpu.memory_space<vmem>> -> memref<1x128xf32, #tpu.memory_space<vmem>>
    %dma_start3A_446 = tpu.memref_squeeze %dma_start3A_445 : memref<1x128xf32, #tpu.memory_space<vmem>> -> memref<128xf32, #tpu.memory_space<vmem>>
    %dma_start3A_447 = arith.constant 2304 : i32
    %dma_start3A_448 = tpu.memref_slice %arg7[%dma_start3A_447] : memref<16384xi32, #tpu.memory_space<vmem>> -> memref<128xi32, #tpu.memory_space<vmem>>
    %dma_start3A_449 = arith.constant 0 : i32
    %dma_start3A_450 = tpu.memref_slice %arg3[%dma_start3A_449] : memref<128000000xf32, #tpu.memory_space<hbm>> -> memref<128000000xf32, #tpu.memory_space<hbm>>
    tpu.enqueue_indirect_dma source(%dma_start3A_450 : memref<128000000xf32, #tpu.memory_space<hbm>>) target(%dma_start3A_446 : memref<128xf32, #tpu.memory_space<vmem>>) offsets(%dma_start3A_448 : memref<128xi32, #tpu.memory_space<vmem>>) semaphore(%arg9 : memref<!tpu.dma_semaphore, #tpu.memory_space<semaphore_mem>>)
    %dma_start3A_451 = arith.constant 19 : i32
    %dma_start3A_452 = arith.constant 0 : i32
    %dma_start3A_453 = tpu.memref_slice %arg8[%dma_start3A_451, %dma_start3A_452] : memref<128x128xf32, #tpu.memory_space<vmem>> -> memref<1x128xf32, #tpu.memory_space<vmem>>
    %dma_start3A_454 = tpu.memref_squeeze %dma_start3A_453 : memref<1x128xf32, #tpu.memory_space<vmem>> -> memref<128xf32, #tpu.memory_space<vmem>>
    %dma_start3A_455 = arith.constant 2432 : i32
    %dma_start3A_456 = tpu.memref_slice %arg7[%dma_start3A_455] : memref<16384xi32, #tpu.memory_space<vmem>> -> memref<128xi32, #tpu.memory_space<vmem>>
    %dma_start3A_457 = arith.constant 0 : i32
    %dma_start3A_458 = tpu.memref_slice %arg3[%dma_start3A_457] : memref<128000000xf32, #tpu.memory_space<hbm>> -> memref<128000000xf32, #tpu.memory_space<hbm>>
    tpu.enqueue_indirect_dma source(%dma_start3A_458 : memref<128000000xf32, #tpu.memory_space<hbm>>) target(%dma_start3A_454 : memref<128xf32, #tpu.memory_space<vmem>>) offsets(%dma_start3A_456 : memref<128xi32, #tpu.memory_space<vmem>>) semaphore(%arg9 : memref<!tpu.dma_semaphore, #tpu.memory_space<semaphore_mem>>)
    %dma_start3A_459 = arith.constant 20 : i32
    %dma_start3A_460 = arith.constant 0 : i32
    %dma_start3A_461 = tpu.memref_slice %arg8[%dma_start3A_459, %dma_start3A_460] : memref<128x128xf32, #tpu.memory_space<vmem>> -> memref<1x128xf32, #tpu.memory_space<vmem>>
    %dma_start3A_462 = tpu.memref_squeeze %dma_start3A_461 : memref<1x128xf32, #tpu.memory_space<vmem>> -> memref<128xf32, #tpu.memory_space<vmem>>
    %dma_start3A_463 = arith.constant 2560 : i32
    %dma_start3A_464 = tpu.memref_slice %arg7[%dma_start3A_463] : memref<16384xi32, #tpu.memory_space<vmem>> -> memref<128xi32, #tpu.memory_space<vmem>>
    %dma_start3A_465 = arith.constant 0 : i32
    %dma_start3A_466 = tpu.memref_slice %arg3[%dma_start3A_465] : memref<128000000xf32, #tpu.memory_space<hbm>> -> memref<128000000xf32, #tpu.memory_space<hbm>>
    tpu.enqueue_indirect_dma source(%dma_start3A_466 : memref<128000000xf32, #tpu.memory_space<hbm>>) target(%dma_start3A_462 : memref<128xf32, #tpu.memory_space<vmem>>) offsets(%dma_start3A_464 : memref<128xi32, #tpu.memory_space<vmem>>) semaphore(%arg9 : memref<!tpu.dma_semaphore, #tpu.memory_space<semaphore_mem>>)
    %dma_start3A_467 = arith.constant 21 : i32
    %dma_start3A_468 = arith.constant 0 : i32
    %dma_start3A_469 = tpu.memref_slice %arg8[%dma_start3A_467, %dma_start3A_468] : memref<128x128xf32, #tpu.memory_space<vmem>> -> memref<1x128xf32, #tpu.memory_space<vmem>>
    %dma_start3A_470 = tpu.memref_squeeze %dma_start3A_469 : memref<1x128xf32, #tpu.memory_space<vmem>> -> memref<128xf32, #tpu.memory_space<vmem>>
    %dma_start3A_471 = arith.constant 2688 : i32
    %dma_start3A_472 = tpu.memref_slice %arg7[%dma_start3A_471] : memref<16384xi32, #tpu.memory_space<vmem>> -> memref<128xi32, #tpu.memory_space<vmem>>
    %dma_start3A_473 = arith.constant 0 : i32
    %dma_start3A_474 = tpu.memref_slice %arg3[%dma_start3A_473] : memref<128000000xf32, #tpu.memory_space<hbm>> -> memref<128000000xf32, #tpu.memory_space<hbm>>
    tpu.enqueue_indirect_dma source(%dma_start3A_474 : memref<128000000xf32, #tpu.memory_space<hbm>>) target(%dma_start3A_470 : memref<128xf32, #tpu.memory_space<vmem>>) offsets(%dma_start3A_472 : memref<128xi32, #tpu.memory_space<vmem>>) semaphore(%arg9 : memref<!tpu.dma_semaphore, #tpu.memory_space<semaphore_mem>>)
    %dma_start3A_475 = arith.constant 22 : i32
    %dma_start3A_476 = arith.constant 0 : i32
    %dma_start3A_477 = tpu.memref_slice %arg8[%dma_start3A_475, %dma_start3A_476] : memref<128x128xf32, #tpu.memory_space<vmem>> -> memref<1x128xf32, #tpu.memory_space<vmem>>
    %dma_start3A_478 = tpu.memref_squeeze %dma_start3A_477 : memref<1x128xf32, #tpu.memory_space<vmem>> -> memref<128xf32, #tpu.memory_space<vmem>>
    %dma_start3A_479 = arith.constant 2816 : i32
    %dma_start3A_480 = tpu.memref_slice %arg7[%dma_start3A_479] : memref<16384xi32, #tpu.memory_space<vmem>> -> memref<128xi32, #tpu.memory_space<vmem>>
    %dma_start3A_481 = arith.constant 0 : i32
    %dma_start3A_482 = tpu.memref_slice %arg3[%dma_start3A_481] : memref<128000000xf32, #tpu.memory_space<hbm>> -> memref<128000000xf32, #tpu.memory_space<hbm>>
    tpu.enqueue_indirect_dma source(%dma_start3A_482 : memref<128000000xf32, #tpu.memory_space<hbm>>) target(%dma_start3A_478 : memref<128xf32, #tpu.memory_space<vmem>>) offsets(%dma_start3A_480 : memref<128xi32, #tpu.memory_space<vmem>>) semaphore(%arg9 : memref<!tpu.dma_semaphore, #tpu.memory_space<semaphore_mem>>)
    %dma_start3A_483 = arith.constant 23 : i32
    %dma_start3A_484 = arith.constant 0 : i32
    %dma_start3A_485 = tpu.memref_slice %arg8[%dma_start3A_483, %dma_start3A_484] : memref<128x128xf32, #tpu.memory_space<vmem>> -> memref<1x128xf32, #tpu.memory_space<vmem>>
    %dma_start3A_486 = tpu.memref_squeeze %dma_start3A_485 : memref<1x128xf32, #tpu.memory_space<vmem>> -> memref<128xf32, #tpu.memory_space<vmem>>
    %dma_start3A_487 = arith.constant 2944 : i32
    %dma_start3A_488 = tpu.memref_slice %arg7[%dma_start3A_487] : memref<16384xi32, #tpu.memory_space<vmem>> -> memref<128xi32, #tpu.memory_space<vmem>>
    %dma_start3A_489 = arith.constant 0 : i32
    %dma_start3A_490 = tpu.memref_slice %arg3[%dma_start3A_489] : memref<128000000xf32, #tpu.memory_space<hbm>> -> memref<128000000xf32, #tpu.memory_space<hbm>>
    tpu.enqueue_indirect_dma source(%dma_start3A_490 : memref<128000000xf32, #tpu.memory_space<hbm>>) target(%dma_start3A_486 : memref<128xf32, #tpu.memory_space<vmem>>) offsets(%dma_start3A_488 : memref<128xi32, #tpu.memory_space<vmem>>) semaphore(%arg9 : memref<!tpu.dma_semaphore, #tpu.memory_space<semaphore_mem>>)
    %dma_start3A_491 = arith.constant 24 : i32
    %dma_start3A_492 = arith.constant 0 : i32
    %dma_start3A_493 = tpu.memref_slice %arg8[%dma_start3A_491, %dma_start3A_492] : memref<128x128xf32, #tpu.memory_space<vmem>> -> memref<1x128xf32, #tpu.memory_space<vmem>>
    %dma_start3A_494 = tpu.memref_squeeze %dma_start3A_493 : memref<1x128xf32, #tpu.memory_space<vmem>> -> memref<128xf32, #tpu.memory_space<vmem>>
    %dma_start3A_495 = arith.constant 3072 : i32
    %dma_start3A_496 = tpu.memref_slice %arg7[%dma_start3A_495] : memref<16384xi32, #tpu.memory_space<vmem>> -> memref<128xi32, #tpu.memory_space<vmem>>
    %dma_start3A_497 = arith.constant 0 : i32
    %dma_start3A_498 = tpu.memref_slice %arg3[%dma_start3A_497] : memref<128000000xf32, #tpu.memory_space<hbm>> -> memref<128000000xf32, #tpu.memory_space<hbm>>
    tpu.enqueue_indirect_dma source(%dma_start3A_498 : memref<128000000xf32, #tpu.memory_space<hbm>>) target(%dma_start3A_494 : memref<128xf32, #tpu.memory_space<vmem>>) offsets(%dma_start3A_496 : memref<128xi32, #tpu.memory_space<vmem>>) semaphore(%arg9 : memref<!tpu.dma_semaphore, #tpu.memory_space<semaphore_mem>>)
    %dma_start3A_499 = arith.constant 25 : i32
    %dma_start3A_500 = arith.constant 0 : i32
    %dma_start3A_501 = tpu.memref_slice %arg8[%dma_start3A_499, %dma_start3A_500] : memref<128x128xf32, #tpu.memory_space<vmem>> -> memref<1x128xf32, #tpu.memory_space<vmem>>
    %dma_start3A_502 = tpu.memref_squeeze %dma_start3A_501 : memref<1x128xf32, #tpu.memory_space<vmem>> -> memref<128xf32, #tpu.memory_space<vmem>>
    %dma_start3A_503 = arith.constant 3200 : i32
    %dma_start3A_504 = tpu.memref_slice %arg7[%dma_start3A_503] : memref<16384xi32, #tpu.memory_space<vmem>> -> memref<128xi32, #tpu.memory_space<vmem>>
    %dma_start3A_505 = arith.constant 0 : i32
    %dma_start3A_506 = tpu.memref_slice %arg3[%dma_start3A_505] : memref<128000000xf32, #tpu.memory_space<hbm>> -> memref<128000000xf32, #tpu.memory_space<hbm>>
    tpu.enqueue_indirect_dma source(%dma_start3A_506 : memref<128000000xf32, #tpu.memory_space<hbm>>) target(%dma_start3A_502 : memref<128xf32, #tpu.memory_space<vmem>>) offsets(%dma_start3A_504 : memref<128xi32, #tpu.memory_space<vmem>>) semaphore(%arg9 : memref<!tpu.dma_semaphore, #tpu.memory_space<semaphore_mem>>)
    %dma_start3A_507 = arith.constant 26 : i32
    %dma_start3A_508 = arith.constant 0 : i32
    %dma_start3A_509 = tpu.memref_slice %arg8[%dma_start3A_507, %dma_start3A_508] : memref<128x128xf32, #tpu.memory_space<vmem>> -> memref<1x128xf32, #tpu.memory_space<vmem>>
    %dma_start3A_510 = tpu.memref_squeeze %dma_start3A_509 : memref<1x128xf32, #tpu.memory_space<vmem>> -> memref<128xf32, #tpu.memory_space<vmem>>
    %dma_start3A_511 = arith.constant 3328 : i32
    %dma_start3A_512 = tpu.memref_slice %arg7[%dma_start3A_511] : memref<16384xi32, #tpu.memory_space<vmem>> -> memref<128xi32, #tpu.memory_space<vmem>>
    %dma_start3A_513 = arith.constant 0 : i32
    %dma_start3A_514 = tpu.memref_slice %arg3[%dma_start3A_513] : memref<128000000xf32, #tpu.memory_space<hbm>> -> memref<128000000xf32, #tpu.memory_space<hbm>>
    tpu.enqueue_indirect_dma source(%dma_start3A_514 : memref<128000000xf32, #tpu.memory_space<hbm>>) target(%dma_start3A_510 : memref<128xf32, #tpu.memory_space<vmem>>) offsets(%dma_start3A_512 : memref<128xi32, #tpu.memory_space<vmem>>) semaphore(%arg9 : memref<!tpu.dma_semaphore, #tpu.memory_space<semaphore_mem>>)
    %dma_start3A_515 = arith.constant 27 : i32
    %dma_start3A_516 = arith.constant 0 : i32
    %dma_start3A_517 = tpu.memref_slice %arg8[%dma_start3A_515, %dma_start3A_516] : memref<128x128xf32, #tpu.memory_space<vmem>> -> memref<1x128xf32, #tpu.memory_space<vmem>>
    %dma_start3A_518 = tpu.memref_squeeze %dma_start3A_517 : memref<1x128xf32, #tpu.memory_space<vmem>> -> memref<128xf32, #tpu.memory_space<vmem>>
    %dma_start3A_519 = arith.constant 3456 : i32
    %dma_start3A_520 = tpu.memref_slice %arg7[%dma_start3A_519] : memref<16384xi32, #tpu.memory_space<vmem>> -> memref<128xi32, #tpu.memory_space<vmem>>
    %dma_start3A_521 = arith.constant 0 : i32
    %dma_start3A_522 = tpu.memref_slice %arg3[%dma_start3A_521] : memref<128000000xf32, #tpu.memory_space<hbm>> -> memref<128000000xf32, #tpu.memory_space<hbm>>
    tpu.enqueue_indirect_dma source(%dma_start3A_522 : memref<128000000xf32, #tpu.memory_space<hbm>>) target(%dma_start3A_518 : memref<128xf32, #tpu.memory_space<vmem>>) offsets(%dma_start3A_520 : memref<128xi32, #tpu.memory_space<vmem>>) semaphore(%arg9 : memref<!tpu.dma_semaphore, #tpu.memory_space<semaphore_mem>>)
    %dma_start3A_523 = arith.constant 28 : i32
    %dma_start3A_524 = arith.constant 0 : i32
    %dma_start3A_525 = tpu.memref_slice %arg8[%dma_start3A_523, %dma_start3A_524] : memref<128x128xf32, #tpu.memory_space<vmem>> -> memref<1x128xf32, #tpu.memory_space<vmem>>
    %dma_start3A_526 = tpu.memref_squeeze %dma_start3A_525 : memref<1x128xf32, #tpu.memory_space<vmem>> -> memref<128xf32, #tpu.memory_space<vmem>>
    %dma_start3A_527 = arith.constant 3584 : i32
    %dma_start3A_528 = tpu.memref_slice %arg7[%dma_start3A_527] : memref<16384xi32, #tpu.memory_space<vmem>> -> memref<128xi32, #tpu.memory_space<vmem>>
    %dma_start3A_529 = arith.constant 0 : i32
    %dma_start3A_530 = tpu.memref_slice %arg3[%dma_start3A_529] : memref<128000000xf32, #tpu.memory_space<hbm>> -> memref<128000000xf32, #tpu.memory_space<hbm>>
    tpu.enqueue_indirect_dma source(%dma_start3A_530 : memref<128000000xf32, #tpu.memory_space<hbm>>) target(%dma_start3A_526 : memref<128xf32, #tpu.memory_space<vmem>>) offsets(%dma_start3A_528 : memref<128xi32, #tpu.memory_space<vmem>>) semaphore(%arg9 : memref<!tpu.dma_semaphore, #tpu.memory_space<semaphore_mem>>)
    %dma_start3A_531 = arith.constant 29 : i32
    %dma_start3A_532 = arith.constant 0 : i32
    %dma_start3A_533 = tpu.memref_slice %arg8[%dma_start3A_531, %dma_start3A_532] : memref<128x128xf32, #tpu.memory_space<vmem>> -> memref<1x128xf32, #tpu.memory_space<vmem>>
    %dma_start3A_534 = tpu.memref_squeeze %dma_start3A_533 : memref<1x128xf32, #tpu.memory_space<vmem>> -> memref<128xf32, #tpu.memory_space<vmem>>
    %dma_start3A_535 = arith.constant 3712 : i32
    %dma_start3A_536 = tpu.memref_slice %arg7[%dma_start3A_535] : memref<16384xi32, #tpu.memory_space<vmem>> -> memref<128xi32, #tpu.memory_space<vmem>>
    %dma_start3A_537 = arith.constant 0 : i32
    %dma_start3A_538 = tpu.memref_slice %arg3[%dma_start3A_537] : memref<128000000xf32, #tpu.memory_space<hbm>> -> memref<128000000xf32, #tpu.memory_space<hbm>>
    tpu.enqueue_indirect_dma source(%dma_start3A_538 : memref<128000000xf32, #tpu.memory_space<hbm>>) target(%dma_start3A_534 : memref<128xf32, #tpu.memory_space<vmem>>) offsets(%dma_start3A_536 : memref<128xi32, #tpu.memory_space<vmem>>) semaphore(%arg9 : memref<!tpu.dma_semaphore, #tpu.memory_space<semaphore_mem>>)
    %dma_start3A_539 = arith.constant 30 : i32
    %dma_start3A_540 = arith.constant 0 : i32
    %dma_start3A_541 = tpu.memref_slice %arg8[%dma_start3A_539, %dma_start3A_540] : memref<128x128xf32, #tpu.memory_space<vmem>> -> memref<1x128xf32, #tpu.memory_space<vmem>>
    %dma_start3A_542 = tpu.memref_squeeze %dma_start3A_541 : memref<1x128xf32, #tpu.memory_space<vmem>> -> memref<128xf32, #tpu.memory_space<vmem>>
    %dma_start3A_543 = arith.constant 3840 : i32
    %dma_start3A_544 = tpu.memref_slice %arg7[%dma_start3A_543] : memref<16384xi32, #tpu.memory_space<vmem>> -> memref<128xi32, #tpu.memory_space<vmem>>
    %dma_start3A_545 = arith.constant 0 : i32
    %dma_start3A_546 = tpu.memref_slice %arg3[%dma_start3A_545] : memref<128000000xf32, #tpu.memory_space<hbm>> -> memref<128000000xf32, #tpu.memory_space<hbm>>
    tpu.enqueue_indirect_dma source(%dma_start3A_546 : memref<128000000xf32, #tpu.memory_space<hbm>>) target(%dma_start3A_542 : memref<128xf32, #tpu.memory_space<vmem>>) offsets(%dma_start3A_544 : memref<128xi32, #tpu.memory_space<vmem>>) semaphore(%arg9 : memref<!tpu.dma_semaphore, #tpu.memory_space<semaphore_mem>>)
    %dma_start3A_547 = arith.constant 31 : i32
    %dma_start3A_548 = arith.constant 0 : i32
    %dma_start3A_549 = tpu.memref_slice %arg8[%dma_start3A_547, %dma_start3A_548] : memref<128x128xf32, #tpu.memory_space<vmem>> -> memref<1x128xf32, #tpu.memory_space<vmem>>
    %dma_start3A_550 = tpu.memref_squeeze %dma_start3A_549 : memref<1x128xf32, #tpu.memory_space<vmem>> -> memref<128xf32, #tpu.memory_space<vmem>>
    %dma_start3A_551 = arith.constant 3968 : i32
    %dma_start3A_552 = tpu.memref_slice %arg7[%dma_start3A_551] : memref<16384xi32, #tpu.memory_space<vmem>> -> memref<128xi32, #tpu.memory_space<vmem>>
    %dma_start3A_553 = arith.constant 0 : i32
    %dma_start3A_554 = tpu.memref_slice %arg3[%dma_start3A_553] : memref<128000000xf32, #tpu.memory_space<hbm>> -> memref<128000000xf32, #tpu.memory_space<hbm>>
    tpu.enqueue_indirect_dma source(%dma_start3A_554 : memref<128000000xf32, #tpu.memory_space<hbm>>) target(%dma_start3A_550 : memref<128xf32, #tpu.memory_space<vmem>>) offsets(%dma_start3A_552 : memref<128xi32, #tpu.memory_space<vmem>>) semaphore(%arg9 : memref<!tpu.dma_semaphore, #tpu.memory_space<semaphore_mem>>)
    %dma_start3A_555 = arith.constant 32 : i32
    %dma_start3A_556 = arith.constant 0 : i32
    %dma_start3A_557 = tpu.memref_slice %arg8[%dma_start3A_555, %dma_start3A_556] : memref<128x128xf32, #tpu.memory_space<vmem>> -> memref<1x128xf32, #tpu.memory_space<vmem>>
    %dma_start3A_558 = tpu.memref_squeeze %dma_start3A_557 : memref<1x128xf32, #tpu.memory_space<vmem>> -> memref<128xf32, #tpu.memory_space<vmem>>
    %dma_start3A_559 = arith.constant 4096 : i32
    %dma_start3A_560 = tpu.memref_slice %arg7[%dma_start3A_559] : memref<16384xi32, #tpu.memory_space<vmem>> -> memref<128xi32, #tpu.memory_space<vmem>>
    %dma_start3A_561 = arith.constant 0 : i32
    %dma_start3A_562 = tpu.memref_slice %arg3[%dma_start3A_561] : memref<128000000xf32, #tpu.memory_space<hbm>> -> memref<128000000xf32, #tpu.memory_space<hbm>>
    tpu.enqueue_indirect_dma source(%dma_start3A_562 : memref<128000000xf32, #tpu.memory_space<hbm>>) target(%dma_start3A_558 : memref<128xf32, #tpu.memory_space<vmem>>) offsets(%dma_start3A_560 : memref<128xi32, #tpu.memory_space<vmem>>) semaphore(%arg9 : memref<!tpu.dma_semaphore, #tpu.memory_space<semaphore_mem>>)
    %dma_start3A_563 = arith.constant 33 : i32
    %dma_start3A_564 = arith.constant 0 : i32
    %dma_start3A_565 = tpu.memref_slice %arg8[%dma_start3A_563, %dma_start3A_564] : memref<128x128xf32, #tpu.memory_space<vmem>> -> memref<1x128xf32, #tpu.memory_space<vmem>>
    %dma_start3A_566 = tpu.memref_squeeze %dma_start3A_565 : memref<1x128xf32, #tpu.memory_space<vmem>> -> memref<128xf32, #tpu.memory_space<vmem>>
    %dma_start3A_567 = arith.constant 4224 : i32
    %dma_start3A_568 = tpu.memref_slice %arg7[%dma_start3A_567] : memref<16384xi32, #tpu.memory_space<vmem>> -> memref<128xi32, #tpu.memory_space<vmem>>
    %dma_start3A_569 = arith.constant 0 : i32
    %dma_start3A_570 = tpu.memref_slice %arg3[%dma_start3A_569] : memref<128000000xf32, #tpu.memory_space<hbm>> -> memref<128000000xf32, #tpu.memory_space<hbm>>
    tpu.enqueue_indirect_dma source(%dma_start3A_570 : memref<128000000xf32, #tpu.memory_space<hbm>>) target(%dma_start3A_566 : memref<128xf32, #tpu.memory_space<vmem>>) offsets(%dma_start3A_568 : memref<128xi32, #tpu.memory_space<vmem>>) semaphore(%arg9 : memref<!tpu.dma_semaphore, #tpu.memory_space<semaphore_mem>>)
    %dma_start3A_571 = arith.constant 34 : i32
    %dma_start3A_572 = arith.constant 0 : i32
    %dma_start3A_573 = tpu.memref_slice %arg8[%dma_start3A_571, %dma_start3A_572] : memref<128x128xf32, #tpu.memory_space<vmem>> -> memref<1x128xf32, #tpu.memory_space<vmem>>
    %dma_start3A_574 = tpu.memref_squeeze %dma_start3A_573 : memref<1x128xf32, #tpu.memory_space<vmem>> -> memref<128xf32, #tpu.memory_space<vmem>>
    %dma_start3A_575 = arith.constant 4352 : i32
    %dma_start3A_576 = tpu.memref_slice %arg7[%dma_start3A_575] : memref<16384xi32, #tpu.memory_space<vmem>> -> memref<128xi32, #tpu.memory_space<vmem>>
    %dma_start3A_577 = arith.constant 0 : i32
    %dma_start3A_578 = tpu.memref_slice %arg3[%dma_start3A_577] : memref<128000000xf32, #tpu.memory_space<hbm>> -> memref<128000000xf32, #tpu.memory_space<hbm>>
    tpu.enqueue_indirect_dma source(%dma_start3A_578 : memref<128000000xf32, #tpu.memory_space<hbm>>) target(%dma_start3A_574 : memref<128xf32, #tpu.memory_space<vmem>>) offsets(%dma_start3A_576 : memref<128xi32, #tpu.memory_space<vmem>>) semaphore(%arg9 : memref<!tpu.dma_semaphore, #tpu.memory_space<semaphore_mem>>)
    %dma_start3A_579 = arith.constant 35 : i32
    %dma_start3A_580 = arith.constant 0 : i32
    %dma_start3A_581 = tpu.memref_slice %arg8[%dma_start3A_579, %dma_start3A_580] : memref<128x128xf32, #tpu.memory_space<vmem>> -> memref<1x128xf32, #tpu.memory_space<vmem>>
    %dma_start3A_582 = tpu.memref_squeeze %dma_start3A_581 : memref<1x128xf32, #tpu.memory_space<vmem>> -> memref<128xf32, #tpu.memory_space<vmem>>
    %dma_start3A_583 = arith.constant 4480 : i32
    %dma_start3A_584 = tpu.memref_slice %arg7[%dma_start3A_583] : memref<16384xi32, #tpu.memory_space<vmem>> -> memref<128xi32, #tpu.memory_space<vmem>>
    %dma_start3A_585 = arith.constant 0 : i32
    %dma_start3A_586 = tpu.memref_slice %arg3[%dma_start3A_585] : memref<128000000xf32, #tpu.memory_space<hbm>> -> memref<128000000xf32, #tpu.memory_space<hbm>>
    tpu.enqueue_indirect_dma source(%dma_start3A_586 : memref<128000000xf32, #tpu.memory_space<hbm>>) target(%dma_start3A_582 : memref<128xf32, #tpu.memory_space<vmem>>) offsets(%dma_start3A_584 : memref<128xi32, #tpu.memory_space<vmem>>) semaphore(%arg9 : memref<!tpu.dma_semaphore, #tpu.memory_space<semaphore_mem>>)
    %dma_start3A_587 = arith.constant 36 : i32
    %dma_start3A_588 = arith.constant 0 : i32
    %dma_start3A_589 = tpu.memref_slice %arg8[%dma_start3A_587, %dma_start3A_588] : memref<128x128xf32, #tpu.memory_space<vmem>> -> memref<1x128xf32, #tpu.memory_space<vmem>>
    %dma_start3A_590 = tpu.memref_squeeze %dma_start3A_589 : memref<1x128xf32, #tpu.memory_space<vmem>> -> memref<128xf32, #tpu.memory_space<vmem>>
    %dma_start3A_591 = arith.constant 4608 : i32
    %dma_start3A_592 = tpu.memref_slice %arg7[%dma_start3A_591] : memref<16384xi32, #tpu.memory_space<vmem>> -> memref<128xi32, #tpu.memory_space<vmem>>
    %dma_start3A_593 = arith.constant 0 : i32
    %dma_start3A_594 = tpu.memref_slice %arg3[%dma_start3A_593] : memref<128000000xf32, #tpu.memory_space<hbm>> -> memref<128000000xf32, #tpu.memory_space<hbm>>
    tpu.enqueue_indirect_dma source(%dma_start3A_594 : memref<128000000xf32, #tpu.memory_space<hbm>>) target(%dma_start3A_590 : memref<128xf32, #tpu.memory_space<vmem>>) offsets(%dma_start3A_592 : memref<128xi32, #tpu.memory_space<vmem>>) semaphore(%arg9 : memref<!tpu.dma_semaphore, #tpu.memory_space<semaphore_mem>>)
    %dma_start3A_595 = arith.constant 37 : i32
    %dma_start3A_596 = arith.constant 0 : i32
    %dma_start3A_597 = tpu.memref_slice %arg8[%dma_start3A_595, %dma_start3A_596] : memref<128x128xf32, #tpu.memory_space<vmem>> -> memref<1x128xf32, #tpu.memory_space<vmem>>
    %dma_start3A_598 = tpu.memref_squeeze %dma_start3A_597 : memref<1x128xf32, #tpu.memory_space<vmem>> -> memref<128xf32, #tpu.memory_space<vmem>>
    %dma_start3A_599 = arith.constant 4736 : i32
    %dma_start3A_600 = tpu.memref_slice %arg7[%dma_start3A_599] : memref<16384xi32, #tpu.memory_space<vmem>> -> memref<128xi32, #tpu.memory_space<vmem>>
    %dma_start3A_601 = arith.constant 0 : i32
    %dma_start3A_602 = tpu.memref_slice %arg3[%dma_start3A_601] : memref<128000000xf32, #tpu.memory_space<hbm>> -> memref<128000000xf32, #tpu.memory_space<hbm>>
    tpu.enqueue_indirect_dma source(%dma_start3A_602 : memref<128000000xf32, #tpu.memory_space<hbm>>) target(%dma_start3A_598 : memref<128xf32, #tpu.memory_space<vmem>>) offsets(%dma_start3A_600 : memref<128xi32, #tpu.memory_space<vmem>>) semaphore(%arg9 : memref<!tpu.dma_semaphore, #tpu.memory_space<semaphore_mem>>)
    %dma_start3A_603 = arith.constant 38 : i32
    %dma_start3A_604 = arith.constant 0 : i32
    %dma_start3A_605 = tpu.memref_slice %arg8[%dma_start3A_603, %dma_start3A_604] : memref<128x128xf32, #tpu.memory_space<vmem>> -> memref<1x128xf32, #tpu.memory_space<vmem>>
    %dma_start3A_606 = tpu.memref_squeeze %dma_start3A_605 : memref<1x128xf32, #tpu.memory_space<vmem>> -> memref<128xf32, #tpu.memory_space<vmem>>
    %dma_start3A_607 = arith.constant 4864 : i32
    %dma_start3A_608 = tpu.memref_slice %arg7[%dma_start3A_607] : memref<16384xi32, #tpu.memory_space<vmem>> -> memref<128xi32, #tpu.memory_space<vmem>>
    %dma_start3A_609 = arith.constant 0 : i32
    %dma_start3A_610 = tpu.memref_slice %arg3[%dma_start3A_609] : memref<128000000xf32, #tpu.memory_space<hbm>> -> memref<128000000xf32, #tpu.memory_space<hbm>>
    tpu.enqueue_indirect_dma source(%dma_start3A_610 : memref<128000000xf32, #tpu.memory_space<hbm>>) target(%dma_start3A_606 : memref<128xf32, #tpu.memory_space<vmem>>) offsets(%dma_start3A_608 : memref<128xi32, #tpu.memory_space<vmem>>) semaphore(%arg9 : memref<!tpu.dma_semaphore, #tpu.memory_space<semaphore_mem>>)
    %dma_start3A_611 = arith.constant 39 : i32
    %dma_start3A_612 = arith.constant 0 : i32
    %dma_start3A_613 = tpu.memref_slice %arg8[%dma_start3A_611, %dma_start3A_612] : memref<128x128xf32, #tpu.memory_space<vmem>> -> memref<1x128xf32, #tpu.memory_space<vmem>>
    %dma_start3A_614 = tpu.memref_squeeze %dma_start3A_613 : memref<1x128xf32, #tpu.memory_space<vmem>> -> memref<128xf32, #tpu.memory_space<vmem>>
    %dma_start3A_615 = arith.constant 4992 : i32
    %dma_start3A_616 = tpu.memref_slice %arg7[%dma_start3A_615] : memref<16384xi32, #tpu.memory_space<vmem>> -> memref<128xi32, #tpu.memory_space<vmem>>
    %dma_start3A_617 = arith.constant 0 : i32
    %dma_start3A_618 = tpu.memref_slice %arg3[%dma_start3A_617] : memref<128000000xf32, #tpu.memory_space<hbm>> -> memref<128000000xf32, #tpu.memory_space<hbm>>
    tpu.enqueue_indirect_dma source(%dma_start3A_618 : memref<128000000xf32, #tpu.memory_space<hbm>>) target(%dma_start3A_614 : memref<128xf32, #tpu.memory_space<vmem>>) offsets(%dma_start3A_616 : memref<128xi32, #tpu.memory_space<vmem>>) semaphore(%arg9 : memref<!tpu.dma_semaphore, #tpu.memory_space<semaphore_mem>>)
    %dma_start3A_619 = arith.constant 40 : i32
    %dma_start3A_620 = arith.constant 0 : i32
    %dma_start3A_621 = tpu.memref_slice %arg8[%dma_start3A_619, %dma_start3A_620] : memref<128x128xf32, #tpu.memory_space<vmem>> -> memref<1x128xf32, #tpu.memory_space<vmem>>
    %dma_start3A_622 = tpu.memref_squeeze %dma_start3A_621 : memref<1x128xf32, #tpu.memory_space<vmem>> -> memref<128xf32, #tpu.memory_space<vmem>>
    %dma_start3A_623 = arith.constant 5120 : i32
    %dma_start3A_624 = tpu.memref_slice %arg7[%dma_start3A_623] : memref<16384xi32, #tpu.memory_space<vmem>> -> memref<128xi32, #tpu.memory_space<vmem>>
    %dma_start3A_625 = arith.constant 0 : i32
    %dma_start3A_626 = tpu.memref_slice %arg3[%dma_start3A_625] : memref<128000000xf32, #tpu.memory_space<hbm>> -> memref<128000000xf32, #tpu.memory_space<hbm>>
    tpu.enqueue_indirect_dma source(%dma_start3A_626 : memref<128000000xf32, #tpu.memory_space<hbm>>) target(%dma_start3A_622 : memref<128xf32, #tpu.memory_space<vmem>>) offsets(%dma_start3A_624 : memref<128xi32, #tpu.memory_space<vmem>>) semaphore(%arg9 : memref<!tpu.dma_semaphore, #tpu.memory_space<semaphore_mem>>)
    %dma_start3A_627 = arith.constant 41 : i32
    %dma_start3A_628 = arith.constant 0 : i32
    %dma_start3A_629 = tpu.memref_slice %arg8[%dma_start3A_627, %dma_start3A_628] : memref<128x128xf32, #tpu.memory_space<vmem>> -> memref<1x128xf32, #tpu.memory_space<vmem>>
    %dma_start3A_630 = tpu.memref_squeeze %dma_start3A_629 : memref<1x128xf32, #tpu.memory_space<vmem>> -> memref<128xf32, #tpu.memory_space<vmem>>
    %dma_start3A_631 = arith.constant 5248 : i32
    %dma_start3A_632 = tpu.memref_slice %arg7[%dma_start3A_631] : memref<16384xi32, #tpu.memory_space<vmem>> -> memref<128xi32, #tpu.memory_space<vmem>>
    %dma_start3A_633 = arith.constant 0 : i32
    %dma_start3A_634 = tpu.memref_slice %arg3[%dma_start3A_633] : memref<128000000xf32, #tpu.memory_space<hbm>> -> memref<128000000xf32, #tpu.memory_space<hbm>>
    tpu.enqueue_indirect_dma source(%dma_start3A_634 : memref<128000000xf32, #tpu.memory_space<hbm>>) target(%dma_start3A_630 : memref<128xf32, #tpu.memory_space<vmem>>) offsets(%dma_start3A_632 : memref<128xi32, #tpu.memory_space<vmem>>) semaphore(%arg9 : memref<!tpu.dma_semaphore, #tpu.memory_space<semaphore_mem>>)
    %dma_start3A_635 = arith.constant 42 : i32
    %dma_start3A_636 = arith.constant 0 : i32
    %dma_start3A_637 = tpu.memref_slice %arg8[%dma_start3A_635, %dma_start3A_636] : memref<128x128xf32, #tpu.memory_space<vmem>> -> memref<1x128xf32, #tpu.memory_space<vmem>>
    %dma_start3A_638 = tpu.memref_squeeze %dma_start3A_637 : memref<1x128xf32, #tpu.memory_space<vmem>> -> memref<128xf32, #tpu.memory_space<vmem>>
    %dma_start3A_639 = arith.constant 5376 : i32
    %dma_start3A_640 = tpu.memref_slice %arg7[%dma_start3A_639] : memref<16384xi32, #tpu.memory_space<vmem>> -> memref<128xi32, #tpu.memory_space<vmem>>
    %dma_start3A_641 = arith.constant 0 : i32
    %dma_start3A_642 = tpu.memref_slice %arg3[%dma_start3A_641] : memref<128000000xf32, #tpu.memory_space<hbm>> -> memref<128000000xf32, #tpu.memory_space<hbm>>
    tpu.enqueue_indirect_dma source(%dma_start3A_642 : memref<128000000xf32, #tpu.memory_space<hbm>>) target(%dma_start3A_638 : memref<128xf32, #tpu.memory_space<vmem>>) offsets(%dma_start3A_640 : memref<128xi32, #tpu.memory_space<vmem>>) semaphore(%arg9 : memref<!tpu.dma_semaphore, #tpu.memory_space<semaphore_mem>>)
    %dma_start3A_643 = arith.constant 43 : i32
    %dma_start3A_644 = arith.constant 0 : i32
    %dma_start3A_645 = tpu.memref_slice %arg8[%dma_start3A_643, %dma_start3A_644] : memref<128x128xf32, #tpu.memory_space<vmem>> -> memref<1x128xf32, #tpu.memory_space<vmem>>
    %dma_start3A_646 = tpu.memref_squeeze %dma_start3A_645 : memref<1x128xf32, #tpu.memory_space<vmem>> -> memref<128xf32, #tpu.memory_space<vmem>>
    %dma_start3A_647 = arith.constant 5504 : i32
    %dma_start3A_648 = tpu.memref_slice %arg7[%dma_start3A_647] : memref<16384xi32, #tpu.memory_space<vmem>> -> memref<128xi32, #tpu.memory_space<vmem>>
    %dma_start3A_649 = arith.constant 0 : i32
    %dma_start3A_650 = tpu.memref_slice %arg3[%dma_start3A_649] : memref<128000000xf32, #tpu.memory_space<hbm>> -> memref<128000000xf32, #tpu.memory_space<hbm>>
    tpu.enqueue_indirect_dma source(%dma_start3A_650 : memref<128000000xf32, #tpu.memory_space<hbm>>) target(%dma_start3A_646 : memref<128xf32, #tpu.memory_space<vmem>>) offsets(%dma_start3A_648 : memref<128xi32, #tpu.memory_space<vmem>>) semaphore(%arg9 : memref<!tpu.dma_semaphore, #tpu.memory_space<semaphore_mem>>)
    %dma_start3A_651 = arith.constant 44 : i32
    %dma_start3A_652 = arith.constant 0 : i32
    %dma_start3A_653 = tpu.memref_slice %arg8[%dma_start3A_651, %dma_start3A_652] : memref<128x128xf32, #tpu.memory_space<vmem>> -> memref<1x128xf32, #tpu.memory_space<vmem>>
    %dma_start3A_654 = tpu.memref_squeeze %dma_start3A_653 : memref<1x128xf32, #tpu.memory_space<vmem>> -> memref<128xf32, #tpu.memory_space<vmem>>
    %dma_start3A_655 = arith.constant 5632 : i32
    %dma_start3A_656 = tpu.memref_slice %arg7[%dma_start3A_655] : memref<16384xi32, #tpu.memory_space<vmem>> -> memref<128xi32, #tpu.memory_space<vmem>>
    %dma_start3A_657 = arith.constant 0 : i32
    %dma_start3A_658 = tpu.memref_slice %arg3[%dma_start3A_657] : memref<128000000xf32, #tpu.memory_space<hbm>> -> memref<128000000xf32, #tpu.memory_space<hbm>>
    tpu.enqueue_indirect_dma source(%dma_start3A_658 : memref<128000000xf32, #tpu.memory_space<hbm>>) target(%dma_start3A_654 : memref<128xf32, #tpu.memory_space<vmem>>) offsets(%dma_start3A_656 : memref<128xi32, #tpu.memory_space<vmem>>) semaphore(%arg9 : memref<!tpu.dma_semaphore, #tpu.memory_space<semaphore_mem>>)
    %dma_start3A_659 = arith.constant 45 : i32
    %dma_start3A_660 = arith.constant 0 : i32
    %dma_start3A_661 = tpu.memref_slice %arg8[%dma_start3A_659, %dma_start3A_660] : memref<128x128xf32, #tpu.memory_space<vmem>> -> memref<1x128xf32, #tpu.memory_space<vmem>>
    %dma_start3A_662 = tpu.memref_squeeze %dma_start3A_661 : memref<1x128xf32, #tpu.memory_space<vmem>> -> memref<128xf32, #tpu.memory_space<vmem>>
    %dma_start3A_663 = arith.constant 5760 : i32
    %dma_start3A_664 = tpu.memref_slice %arg7[%dma_start3A_663] : memref<16384xi32, #tpu.memory_space<vmem>> -> memref<128xi32, #tpu.memory_space<vmem>>
    %dma_start3A_665 = arith.constant 0 : i32
    %dma_start3A_666 = tpu.memref_slice %arg3[%dma_start3A_665] : memref<128000000xf32, #tpu.memory_space<hbm>> -> memref<128000000xf32, #tpu.memory_space<hbm>>
    tpu.enqueue_indirect_dma source(%dma_start3A_666 : memref<128000000xf32, #tpu.memory_space<hbm>>) target(%dma_start3A_662 : memref<128xf32, #tpu.memory_space<vmem>>) offsets(%dma_start3A_664 : memref<128xi32, #tpu.memory_space<vmem>>) semaphore(%arg9 : memref<!tpu.dma_semaphore, #tpu.memory_space<semaphore_mem>>)
    %dma_start3A_667 = arith.constant 46 : i32
    %dma_start3A_668 = arith.constant 0 : i32
    %dma_start3A_669 = tpu.memref_slice %arg8[%dma_start3A_667, %dma_start3A_668] : memref<128x128xf32, #tpu.memory_space<vmem>> -> memref<1x128xf32, #tpu.memory_space<vmem>>
    %dma_start3A_670 = tpu.memref_squeeze %dma_start3A_669 : memref<1x128xf32, #tpu.memory_space<vmem>> -> memref<128xf32, #tpu.memory_space<vmem>>
    %dma_start3A_671 = arith.constant 5888 : i32
    %dma_start3A_672 = tpu.memref_slice %arg7[%dma_start3A_671] : memref<16384xi32, #tpu.memory_space<vmem>> -> memref<128xi32, #tpu.memory_space<vmem>>
    %dma_start3A_673 = arith.constant 0 : i32
    %dma_start3A_674 = tpu.memref_slice %arg3[%dma_start3A_673] : memref<128000000xf32, #tpu.memory_space<hbm>> -> memref<128000000xf32, #tpu.memory_space<hbm>>
    tpu.enqueue_indirect_dma source(%dma_start3A_674 : memref<128000000xf32, #tpu.memory_space<hbm>>) target(%dma_start3A_670 : memref<128xf32, #tpu.memory_space<vmem>>) offsets(%dma_start3A_672 : memref<128xi32, #tpu.memory_space<vmem>>) semaphore(%arg9 : memref<!tpu.dma_semaphore, #tpu.memory_space<semaphore_mem>>)
    %dma_start3A_675 = arith.constant 47 : i32
    %dma_start3A_676 = arith.constant 0 : i32
    %dma_start3A_677 = tpu.memref_slice %arg8[%dma_start3A_675, %dma_start3A_676] : memref<128x128xf32, #tpu.memory_space<vmem>> -> memref<1x128xf32, #tpu.memory_space<vmem>>
    %dma_start3A_678 = tpu.memref_squeeze %dma_start3A_677 : memref<1x128xf32, #tpu.memory_space<vmem>> -> memref<128xf32, #tpu.memory_space<vmem>>
    %dma_start3A_679 = arith.constant 6016 : i32
    %dma_start3A_680 = tpu.memref_slice %arg7[%dma_start3A_679] : memref<16384xi32, #tpu.memory_space<vmem>> -> memref<128xi32, #tpu.memory_space<vmem>>
    %dma_start3A_681 = arith.constant 0 : i32
    %dma_start3A_682 = tpu.memref_slice %arg3[%dma_start3A_681] : memref<128000000xf32, #tpu.memory_space<hbm>> -> memref<128000000xf32, #tpu.memory_space<hbm>>
    tpu.enqueue_indirect_dma source(%dma_start3A_682 : memref<128000000xf32, #tpu.memory_space<hbm>>) target(%dma_start3A_678 : memref<128xf32, #tpu.memory_space<vmem>>) offsets(%dma_start3A_680 : memref<128xi32, #tpu.memory_space<vmem>>) semaphore(%arg9 : memref<!tpu.dma_semaphore, #tpu.memory_space<semaphore_mem>>)
    %dma_start3A_683 = arith.constant 48 : i32
    %dma_start3A_684 = arith.constant 0 : i32
    %dma_start3A_685 = tpu.memref_slice %arg8[%dma_start3A_683, %dma_start3A_684] : memref<128x128xf32, #tpu.memory_space<vmem>> -> memref<1x128xf32, #tpu.memory_space<vmem>>
    %dma_start3A_686 = tpu.memref_squeeze %dma_start3A_685 : memref<1x128xf32, #tpu.memory_space<vmem>> -> memref<128xf32, #tpu.memory_space<vmem>>
    %dma_start3A_687 = arith.constant 6144 : i32
    %dma_start3A_688 = tpu.memref_slice %arg7[%dma_start3A_687] : memref<16384xi32, #tpu.memory_space<vmem>> -> memref<128xi32, #tpu.memory_space<vmem>>
    %dma_start3A_689 = arith.constant 0 : i32
    %dma_start3A_690 = tpu.memref_slice %arg3[%dma_start3A_689] : memref<128000000xf32, #tpu.memory_space<hbm>> -> memref<128000000xf32, #tpu.memory_space<hbm>>
    tpu.enqueue_indirect_dma source(%dma_start3A_690 : memref<128000000xf32, #tpu.memory_space<hbm>>) target(%dma_start3A_686 : memref<128xf32, #tpu.memory_space<vmem>>) offsets(%dma_start3A_688 : memref<128xi32, #tpu.memory_space<vmem>>) semaphore(%arg9 : memref<!tpu.dma_semaphore, #tpu.memory_space<semaphore_mem>>)
    %dma_start3A_691 = arith.constant 49 : i32
    %dma_start3A_692 = arith.constant 0 : i32
    %dma_start3A_693 = tpu.memref_slice %arg8[%dma_start3A_691, %dma_start3A_692] : memref<128x128xf32, #tpu.memory_space<vmem>> -> memref<1x128xf32, #tpu.memory_space<vmem>>
    %dma_start3A_694 = tpu.memref_squeeze %dma_start3A_693 : memref<1x128xf32, #tpu.memory_space<vmem>> -> memref<128xf32, #tpu.memory_space<vmem>>
    %dma_start3A_695 = arith.constant 6272 : i32
    %dma_start3A_696 = tpu.memref_slice %arg7[%dma_start3A_695] : memref<16384xi32, #tpu.memory_space<vmem>> -> memref<128xi32, #tpu.memory_space<vmem>>
    %dma_start3A_697 = arith.constant 0 : i32
    %dma_start3A_698 = tpu.memref_slice %arg3[%dma_start3A_697] : memref<128000000xf32, #tpu.memory_space<hbm>> -> memref<128000000xf32, #tpu.memory_space<hbm>>
    tpu.enqueue_indirect_dma source(%dma_start3A_698 : memref<128000000xf32, #tpu.memory_space<hbm>>) target(%dma_start3A_694 : memref<128xf32, #tpu.memory_space<vmem>>) offsets(%dma_start3A_696 : memref<128xi32, #tpu.memory_space<vmem>>) semaphore(%arg9 : memref<!tpu.dma_semaphore, #tpu.memory_space<semaphore_mem>>)
    %dma_start3A_699 = arith.constant 50 : i32
    %dma_start3A_700 = arith.constant 0 : i32
    %dma_start3A_701 = tpu.memref_slice %arg8[%dma_start3A_699, %dma_start3A_700] : memref<128x128xf32, #tpu.memory_space<vmem>> -> memref<1x128xf32, #tpu.memory_space<vmem>>
    %dma_start3A_702 = tpu.memref_squeeze %dma_start3A_701 : memref<1x128xf32, #tpu.memory_space<vmem>> -> memref<128xf32, #tpu.memory_space<vmem>>
    %dma_start3A_703 = arith.constant 6400 : i32
    %dma_start3A_704 = tpu.memref_slice %arg7[%dma_start3A_703] : memref<16384xi32, #tpu.memory_space<vmem>> -> memref<128xi32, #tpu.memory_space<vmem>>
    %dma_start3A_705 = arith.constant 0 : i32
    %dma_start3A_706 = tpu.memref_slice %arg3[%dma_start3A_705] : memref<128000000xf32, #tpu.memory_space<hbm>> -> memref<128000000xf32, #tpu.memory_space<hbm>>
    tpu.enqueue_indirect_dma source(%dma_start3A_706 : memref<128000000xf32, #tpu.memory_space<hbm>>) target(%dma_start3A_702 : memref<128xf32, #tpu.memory_space<vmem>>) offsets(%dma_start3A_704 : memref<128xi32, #tpu.memory_space<vmem>>) semaphore(%arg9 : memref<!tpu.dma_semaphore, #tpu.memory_space<semaphore_mem>>)
    %dma_start3A_707 = arith.constant 51 : i32
    %dma_start3A_708 = arith.constant 0 : i32
    %dma_start3A_709 = tpu.memref_slice %arg8[%dma_start3A_707, %dma_start3A_708] : memref<128x128xf32, #tpu.memory_space<vmem>> -> memref<1x128xf32, #tpu.memory_space<vmem>>
    %dma_start3A_710 = tpu.memref_squeeze %dma_start3A_709 : memref<1x128xf32, #tpu.memory_space<vmem>> -> memref<128xf32, #tpu.memory_space<vmem>>
    %dma_start3A_711 = arith.constant 6528 : i32
    %dma_start3A_712 = tpu.memref_slice %arg7[%dma_start3A_711] : memref<16384xi32, #tpu.memory_space<vmem>> -> memref<128xi32, #tpu.memory_space<vmem>>
    %dma_start3A_713 = arith.constant 0 : i32
    %dma_start3A_714 = tpu.memref_slice %arg3[%dma_start3A_713] : memref<128000000xf32, #tpu.memory_space<hbm>> -> memref<128000000xf32, #tpu.memory_space<hbm>>
    tpu.enqueue_indirect_dma source(%dma_start3A_714 : memref<128000000xf32, #tpu.memory_space<hbm>>) target(%dma_start3A_710 : memref<128xf32, #tpu.memory_space<vmem>>) offsets(%dma_start3A_712 : memref<128xi32, #tpu.memory_space<vmem>>) semaphore(%arg9 : memref<!tpu.dma_semaphore, #tpu.memory_space<semaphore_mem>>)
    %dma_start3A_715 = arith.constant 52 : i32
    %dma_start3A_716 = arith.constant 0 : i32
    %dma_start3A_717 = tpu.memref_slice %arg8[%dma_start3A_715, %dma_start3A_716] : memref<128x128xf32, #tpu.memory_space<vmem>> -> memref<1x128xf32, #tpu.memory_space<vmem>>
    %dma_start3A_718 = tpu.memref_squeeze %dma_start3A_717 : memref<1x128xf32, #tpu.memory_space<vmem>> -> memref<128xf32, #tpu.memory_space<vmem>>
    %dma_start3A_719 = arith.constant 6656 : i32
    %dma_start3A_720 = tpu.memref_slice %arg7[%dma_start3A_719] : memref<16384xi32, #tpu.memory_space<vmem>> -> memref<128xi32, #tpu.memory_space<vmem>>
    %dma_start3A_721 = arith.constant 0 : i32
    %dma_start3A_722 = tpu.memref_slice %arg3[%dma_start3A_721] : memref<128000000xf32, #tpu.memory_space<hbm>> -> memref<128000000xf32, #tpu.memory_space<hbm>>
    tpu.enqueue_indirect_dma source(%dma_start3A_722 : memref<128000000xf32, #tpu.memory_space<hbm>>) target(%dma_start3A_718 : memref<128xf32, #tpu.memory_space<vmem>>) offsets(%dma_start3A_720 : memref<128xi32, #tpu.memory_space<vmem>>) semaphore(%arg9 : memref<!tpu.dma_semaphore, #tpu.memory_space<semaphore_mem>>)
    %dma_start3A_723 = arith.constant 53 : i32
    %dma_start3A_724 = arith.constant 0 : i32
    %dma_start3A_725 = tpu.memref_slice %arg8[%dma_start3A_723, %dma_start3A_724] : memref<128x128xf32, #tpu.memory_space<vmem>> -> memref<1x128xf32, #tpu.memory_space<vmem>>
    %dma_start3A_726 = tpu.memref_squeeze %dma_start3A_725 : memref<1x128xf32, #tpu.memory_space<vmem>> -> memref<128xf32, #tpu.memory_space<vmem>>
    %dma_start3A_727 = arith.constant 6784 : i32
    %dma_start3A_728 = tpu.memref_slice %arg7[%dma_start3A_727] : memref<16384xi32, #tpu.memory_space<vmem>> -> memref<128xi32, #tpu.memory_space<vmem>>
    %dma_start3A_729 = arith.constant 0 : i32
    %dma_start3A_730 = tpu.memref_slice %arg3[%dma_start3A_729] : memref<128000000xf32, #tpu.memory_space<hbm>> -> memref<128000000xf32, #tpu.memory_space<hbm>>
    tpu.enqueue_indirect_dma source(%dma_start3A_730 : memref<128000000xf32, #tpu.memory_space<hbm>>) target(%dma_start3A_726 : memref<128xf32, #tpu.memory_space<vmem>>) offsets(%dma_start3A_728 : memref<128xi32, #tpu.memory_space<vmem>>) semaphore(%arg9 : memref<!tpu.dma_semaphore, #tpu.memory_space<semaphore_mem>>)
    %dma_start3A_731 = arith.constant 54 : i32
    %dma_start3A_732 = arith.constant 0 : i32
    %dma_start3A_733 = tpu.memref_slice %arg8[%dma_start3A_731, %dma_start3A_732] : memref<128x128xf32, #tpu.memory_space<vmem>> -> memref<1x128xf32, #tpu.memory_space<vmem>>
    %dma_start3A_734 = tpu.memref_squeeze %dma_start3A_733 : memref<1x128xf32, #tpu.memory_space<vmem>> -> memref<128xf32, #tpu.memory_space<vmem>>
    %dma_start3A_735 = arith.constant 6912 : i32
    %dma_start3A_736 = tpu.memref_slice %arg7[%dma_start3A_735] : memref<16384xi32, #tpu.memory_space<vmem>> -> memref<128xi32, #tpu.memory_space<vmem>>
    %dma_start3A_737 = arith.constant 0 : i32
    %dma_start3A_738 = tpu.memref_slice %arg3[%dma_start3A_737] : memref<128000000xf32, #tpu.memory_space<hbm>> -> memref<128000000xf32, #tpu.memory_space<hbm>>
    tpu.enqueue_indirect_dma source(%dma_start3A_738 : memref<128000000xf32, #tpu.memory_space<hbm>>) target(%dma_start3A_734 : memref<128xf32, #tpu.memory_space<vmem>>) offsets(%dma_start3A_736 : memref<128xi32, #tpu.memory_space<vmem>>) semaphore(%arg9 : memref<!tpu.dma_semaphore, #tpu.memory_space<semaphore_mem>>)
    %dma_start3A_739 = arith.constant 55 : i32
    %dma_start3A_740 = arith.constant 0 : i32
    %dma_start3A_741 = tpu.memref_slice %arg8[%dma_start3A_739, %dma_start3A_740] : memref<128x128xf32, #tpu.memory_space<vmem>> -> memref<1x128xf32, #tpu.memory_space<vmem>>
    %dma_start3A_742 = tpu.memref_squeeze %dma_start3A_741 : memref<1x128xf32, #tpu.memory_space<vmem>> -> memref<128xf32, #tpu.memory_space<vmem>>
    %dma_start3A_743 = arith.constant 7040 : i32
    %dma_start3A_744 = tpu.memref_slice %arg7[%dma_start3A_743] : memref<16384xi32, #tpu.memory_space<vmem>> -> memref<128xi32, #tpu.memory_space<vmem>>
    %dma_start3A_745 = arith.constant 0 : i32
    %dma_start3A_746 = tpu.memref_slice %arg3[%dma_start3A_745] : memref<128000000xf32, #tpu.memory_space<hbm>> -> memref<128000000xf32, #tpu.memory_space<hbm>>
    tpu.enqueue_indirect_dma source(%dma_start3A_746 : memref<128000000xf32, #tpu.memory_space<hbm>>) target(%dma_start3A_742 : memref<128xf32, #tpu.memory_space<vmem>>) offsets(%dma_start3A_744 : memref<128xi32, #tpu.memory_space<vmem>>) semaphore(%arg9 : memref<!tpu.dma_semaphore, #tpu.memory_space<semaphore_mem>>)
    %dma_start3A_747 = arith.constant 56 : i32
    %dma_start3A_748 = arith.constant 0 : i32
    %dma_start3A_749 = tpu.memref_slice %arg8[%dma_start3A_747, %dma_start3A_748] : memref<128x128xf32, #tpu.memory_space<vmem>> -> memref<1x128xf32, #tpu.memory_space<vmem>>
    %dma_start3A_750 = tpu.memref_squeeze %dma_start3A_749 : memref<1x128xf32, #tpu.memory_space<vmem>> -> memref<128xf32, #tpu.memory_space<vmem>>
    %dma_start3A_751 = arith.constant 7168 : i32
    %dma_start3A_752 = tpu.memref_slice %arg7[%dma_start3A_751] : memref<16384xi32, #tpu.memory_space<vmem>> -> memref<128xi32, #tpu.memory_space<vmem>>
    %dma_start3A_753 = arith.constant 0 : i32
    %dma_start3A_754 = tpu.memref_slice %arg3[%dma_start3A_753] : memref<128000000xf32, #tpu.memory_space<hbm>> -> memref<128000000xf32, #tpu.memory_space<hbm>>
    tpu.enqueue_indirect_dma source(%dma_start3A_754 : memref<128000000xf32, #tpu.memory_space<hbm>>) target(%dma_start3A_750 : memref<128xf32, #tpu.memory_space<vmem>>) offsets(%dma_start3A_752 : memref<128xi32, #tpu.memory_space<vmem>>) semaphore(%arg9 : memref<!tpu.dma_semaphore, #tpu.memory_space<semaphore_mem>>)
    %dma_start3A_755 = arith.constant 57 : i32
    %dma_start3A_756 = arith.constant 0 : i32
    %dma_start3A_757 = tpu.memref_slice %arg8[%dma_start3A_755, %dma_start3A_756] : memref<128x128xf32, #tpu.memory_space<vmem>> -> memref<1x128xf32, #tpu.memory_space<vmem>>
    %dma_start3A_758 = tpu.memref_squeeze %dma_start3A_757 : memref<1x128xf32, #tpu.memory_space<vmem>> -> memref<128xf32, #tpu.memory_space<vmem>>
    %dma_start3A_759 = arith.constant 7296 : i32
    %dma_start3A_760 = tpu.memref_slice %arg7[%dma_start3A_759] : memref<16384xi32, #tpu.memory_space<vmem>> -> memref<128xi32, #tpu.memory_space<vmem>>
    %dma_start3A_761 = arith.constant 0 : i32
    %dma_start3A_762 = tpu.memref_slice %arg3[%dma_start3A_761] : memref<128000000xf32, #tpu.memory_space<hbm>> -> memref<128000000xf32, #tpu.memory_space<hbm>>
    tpu.enqueue_indirect_dma source(%dma_start3A_762 : memref<128000000xf32, #tpu.memory_space<hbm>>) target(%dma_start3A_758 : memref<128xf32, #tpu.memory_space<vmem>>) offsets(%dma_start3A_760 : memref<128xi32, #tpu.memory_space<vmem>>) semaphore(%arg9 : memref<!tpu.dma_semaphore, #tpu.memory_space<semaphore_mem>>)
    %dma_start3A_763 = arith.constant 58 : i32
    %dma_start3A_764 = arith.constant 0 : i32
    %dma_start3A_765 = tpu.memref_slice %arg8[%dma_start3A_763, %dma_start3A_764] : memref<128x128xf32, #tpu.memory_space<vmem>> -> memref<1x128xf32, #tpu.memory_space<vmem>>
    %dma_start3A_766 = tpu.memref_squeeze %dma_start3A_765 : memref<1x128xf32, #tpu.memory_space<vmem>> -> memref<128xf32, #tpu.memory_space<vmem>>
    %dma_start3A_767 = arith.constant 7424 : i32
    %dma_start3A_768 = tpu.memref_slice %arg7[%dma_start3A_767] : memref<16384xi32, #tpu.memory_space<vmem>> -> memref<128xi32, #tpu.memory_space<vmem>>
    %dma_start3A_769 = arith.constant 0 : i32
    %dma_start3A_770 = tpu.memref_slice %arg3[%dma_start3A_769] : memref<128000000xf32, #tpu.memory_space<hbm>> -> memref<128000000xf32, #tpu.memory_space<hbm>>
    tpu.enqueue_indirect_dma source(%dma_start3A_770 : memref<128000000xf32, #tpu.memory_space<hbm>>) target(%dma_start3A_766 : memref<128xf32, #tpu.memory_space<vmem>>) offsets(%dma_start3A_768 : memref<128xi32, #tpu.memory_space<vmem>>) semaphore(%arg9 : memref<!tpu.dma_semaphore, #tpu.memory_space<semaphore_mem>>)
    %dma_start3A_771 = arith.constant 59 : i32
    %dma_start3A_772 = arith.constant 0 : i32
    %dma_start3A_773 = tpu.memref_slice %arg8[%dma_start3A_771, %dma_start3A_772] : memref<128x128xf32, #tpu.memory_space<vmem>> -> memref<1x128xf32, #tpu.memory_space<vmem>>
    %dma_start3A_774 = tpu.memref_squeeze %dma_start3A_773 : memref<1x128xf32, #tpu.memory_space<vmem>> -> memref<128xf32, #tpu.memory_space<vmem>>
    %dma_start3A_775 = arith.constant 7552 : i32
    %dma_start3A_776 = tpu.memref_slice %arg7[%dma_start3A_775] : memref<16384xi32, #tpu.memory_space<vmem>> -> memref<128xi32, #tpu.memory_space<vmem>>
    %dma_start3A_777 = arith.constant 0 : i32
    %dma_start3A_778 = tpu.memref_slice %arg3[%dma_start3A_777] : memref<128000000xf32, #tpu.memory_space<hbm>> -> memref<128000000xf32, #tpu.memory_space<hbm>>
    tpu.enqueue_indirect_dma source(%dma_start3A_778 : memref<128000000xf32, #tpu.memory_space<hbm>>) target(%dma_start3A_774 : memref<128xf32, #tpu.memory_space<vmem>>) offsets(%dma_start3A_776 : memref<128xi32, #tpu.memory_space<vmem>>) semaphore(%arg9 : memref<!tpu.dma_semaphore, #tpu.memory_space<semaphore_mem>>)
    %dma_start3A_779 = arith.constant 60 : i32
    %dma_start3A_780 = arith.constant 0 : i32
    %dma_start3A_781 = tpu.memref_slice %arg8[%dma_start3A_779, %dma_start3A_780] : memref<128x128xf32, #tpu.memory_space<vmem>> -> memref<1x128xf32, #tpu.memory_space<vmem>>
    %dma_start3A_782 = tpu.memref_squeeze %dma_start3A_781 : memref<1x128xf32, #tpu.memory_space<vmem>> -> memref<128xf32, #tpu.memory_space<vmem>>
    %dma_start3A_783 = arith.constant 7680 : i32
    %dma_start3A_784 = tpu.memref_slice %arg7[%dma_start3A_783] : memref<16384xi32, #tpu.memory_space<vmem>> -> memref<128xi32, #tpu.memory_space<vmem>>
    %dma_start3A_785 = arith.constant 0 : i32
    %dma_start3A_786 = tpu.memref_slice %arg3[%dma_start3A_785] : memref<128000000xf32, #tpu.memory_space<hbm>> -> memref<128000000xf32, #tpu.memory_space<hbm>>
    tpu.enqueue_indirect_dma source(%dma_start3A_786 : memref<128000000xf32, #tpu.memory_space<hbm>>) target(%dma_start3A_782 : memref<128xf32, #tpu.memory_space<vmem>>) offsets(%dma_start3A_784 : memref<128xi32, #tpu.memory_space<vmem>>) semaphore(%arg9 : memref<!tpu.dma_semaphore, #tpu.memory_space<semaphore_mem>>)
    %dma_start3A_787 = arith.constant 61 : i32
    %dma_start3A_788 = arith.constant 0 : i32
    %dma_start3A_789 = tpu.memref_slice %arg8[%dma_start3A_787, %dma_start3A_788] : memref<128x128xf32, #tpu.memory_space<vmem>> -> memref<1x128xf32, #tpu.memory_space<vmem>>
    %dma_start3A_790 = tpu.memref_squeeze %dma_start3A_789 : memref<1x128xf32, #tpu.memory_space<vmem>> -> memref<128xf32, #tpu.memory_space<vmem>>
    %dma_start3A_791 = arith.constant 7808 : i32
    %dma_start3A_792 = tpu.memref_slice %arg7[%dma_start3A_791] : memref<16384xi32, #tpu.memory_space<vmem>> -> memref<128xi32, #tpu.memory_space<vmem>>
    %dma_start3A_793 = arith.constant 0 : i32
    %dma_start3A_794 = tpu.memref_slice %arg3[%dma_start3A_793] : memref<128000000xf32, #tpu.memory_space<hbm>> -> memref<128000000xf32, #tpu.memory_space<hbm>>
    tpu.enqueue_indirect_dma source(%dma_start3A_794 : memref<128000000xf32, #tpu.memory_space<hbm>>) target(%dma_start3A_790 : memref<128xf32, #tpu.memory_space<vmem>>) offsets(%dma_start3A_792 : memref<128xi32, #tpu.memory_space<vmem>>) semaphore(%arg9 : memref<!tpu.dma_semaphore, #tpu.memory_space<semaphore_mem>>)
    %dma_start3A_795 = arith.constant 62 : i32
    %dma_start3A_796 = arith.constant 0 : i32
    %dma_start3A_797 = tpu.memref_slice %arg8[%dma_start3A_795, %dma_start3A_796] : memref<128x128xf32, #tpu.memory_space<vmem>> -> memref<1x128xf32, #tpu.memory_space<vmem>>
    %dma_start3A_798 = tpu.memref_squeeze %dma_start3A_797 : memref<1x128xf32, #tpu.memory_space<vmem>> -> memref<128xf32, #tpu.memory_space<vmem>>
    %dma_start3A_799 = arith.constant 7936 : i32
    %dma_start3A_800 = tpu.memref_slice %arg7[%dma_start3A_799] : memref<16384xi32, #tpu.memory_space<vmem>> -> memref<128xi32, #tpu.memory_space<vmem>>
    %dma_start3A_801 = arith.constant 0 : i32
    %dma_start3A_802 = tpu.memref_slice %arg3[%dma_start3A_801] : memref<128000000xf32, #tpu.memory_space<hbm>> -> memref<128000000xf32, #tpu.memory_space<hbm>>
    tpu.enqueue_indirect_dma source(%dma_start3A_802 : memref<128000000xf32, #tpu.memory_space<hbm>>) target(%dma_start3A_798 : memref<128xf32, #tpu.memory_space<vmem>>) offsets(%dma_start3A_800 : memref<128xi32, #tpu.memory_space<vmem>>) semaphore(%arg9 : memref<!tpu.dma_semaphore, #tpu.memory_space<semaphore_mem>>)
    %dma_start3A_803 = arith.constant 63 : i32
    %dma_start3A_804 = arith.constant 0 : i32
    %dma_start3A_805 = tpu.memref_slice %arg8[%dma_start3A_803, %dma_start3A_804] : memref<128x128xf32, #tpu.memory_space<vmem>> -> memref<1x128xf32, #tpu.memory_space<vmem>>
    %dma_start3A_806 = tpu.memref_squeeze %dma_start3A_805 : memref<1x128xf32, #tpu.memory_space<vmem>> -> memref<128xf32, #tpu.memory_space<vmem>>
    %dma_start3A_807 = arith.constant 8064 : i32
    %dma_start3A_808 = tpu.memref_slice %arg7[%dma_start3A_807] : memref<16384xi32, #tpu.memory_space<vmem>> -> memref<128xi32, #tpu.memory_space<vmem>>
    %dma_start3A_809 = arith.constant 0 : i32
    %dma_start3A_810 = tpu.memref_slice %arg3[%dma_start3A_809] : memref<128000000xf32, #tpu.memory_space<hbm>> -> memref<128000000xf32, #tpu.memory_space<hbm>>
    tpu.enqueue_indirect_dma source(%dma_start3A_810 : memref<128000000xf32, #tpu.memory_space<hbm>>) target(%dma_start3A_806 : memref<128xf32, #tpu.memory_space<vmem>>) offsets(%dma_start3A_808 : memref<128xi32, #tpu.memory_space<vmem>>) semaphore(%arg9 : memref<!tpu.dma_semaphore, #tpu.memory_space<semaphore_mem>>)
    %dma_start3A_811 = arith.constant 64 : i32
    %dma_start3A_812 = arith.constant 0 : i32
    %dma_start3A_813 = tpu.memref_slice %arg8[%dma_start3A_811, %dma_start3A_812] : memref<128x128xf32, #tpu.memory_space<vmem>> -> memref<1x128xf32, #tpu.memory_space<vmem>>
    %dma_start3A_814 = tpu.memref_squeeze %dma_start3A_813 : memref<1x128xf32, #tpu.memory_space<vmem>> -> memref<128xf32, #tpu.memory_space<vmem>>
    %dma_start3A_815 = arith.constant 8192 : i32
    %dma_start3A_816 = tpu.memref_slice %arg7[%dma_start3A_815] : memref<16384xi32, #tpu.memory_space<vmem>> -> memref<128xi32, #tpu.memory_space<vmem>>
    %dma_start3A_817 = arith.constant 0 : i32
    %dma_start3A_818 = tpu.memref_slice %arg3[%dma_start3A_817] : memref<128000000xf32, #tpu.memory_space<hbm>> -> memref<128000000xf32, #tpu.memory_space<hbm>>
    tpu.enqueue_indirect_dma source(%dma_start3A_818 : memref<128000000xf32, #tpu.memory_space<hbm>>) target(%dma_start3A_814 : memref<128xf32, #tpu.memory_space<vmem>>) offsets(%dma_start3A_816 : memref<128xi32, #tpu.memory_space<vmem>>) semaphore(%arg9 : memref<!tpu.dma_semaphore, #tpu.memory_space<semaphore_mem>>)
    %dma_start3A_819 = arith.constant 65 : i32
    %dma_start3A_820 = arith.constant 0 : i32
    %dma_start3A_821 = tpu.memref_slice %arg8[%dma_start3A_819, %dma_start3A_820] : memref<128x128xf32, #tpu.memory_space<vmem>> -> memref<1x128xf32, #tpu.memory_space<vmem>>
    %dma_start3A_822 = tpu.memref_squeeze %dma_start3A_821 : memref<1x128xf32, #tpu.memory_space<vmem>> -> memref<128xf32, #tpu.memory_space<vmem>>
    %dma_start3A_823 = arith.constant 8320 : i32
    %dma_start3A_824 = tpu.memref_slice %arg7[%dma_start3A_823] : memref<16384xi32, #tpu.memory_space<vmem>> -> memref<128xi32, #tpu.memory_space<vmem>>
    %dma_start3A_825 = arith.constant 0 : i32
    %dma_start3A_826 = tpu.memref_slice %arg3[%dma_start3A_825] : memref<128000000xf32, #tpu.memory_space<hbm>> -> memref<128000000xf32, #tpu.memory_space<hbm>>
    tpu.enqueue_indirect_dma source(%dma_start3A_826 : memref<128000000xf32, #tpu.memory_space<hbm>>) target(%dma_start3A_822 : memref<128xf32, #tpu.memory_space<vmem>>) offsets(%dma_start3A_824 : memref<128xi32, #tpu.memory_space<vmem>>) semaphore(%arg9 : memref<!tpu.dma_semaphore, #tpu.memory_space<semaphore_mem>>)
    %dma_start3A_827 = arith.constant 66 : i32
    %dma_start3A_828 = arith.constant 0 : i32
    %dma_start3A_829 = tpu.memref_slice %arg8[%dma_start3A_827, %dma_start3A_828] : memref<128x128xf32, #tpu.memory_space<vmem>> -> memref<1x128xf32, #tpu.memory_space<vmem>>
    %dma_start3A_830 = tpu.memref_squeeze %dma_start3A_829 : memref<1x128xf32, #tpu.memory_space<vmem>> -> memref<128xf32, #tpu.memory_space<vmem>>
    %dma_start3A_831 = arith.constant 8448 : i32
    %dma_start3A_832 = tpu.memref_slice %arg7[%dma_start3A_831] : memref<16384xi32, #tpu.memory_space<vmem>> -> memref<128xi32, #tpu.memory_space<vmem>>
    %dma_start3A_833 = arith.constant 0 : i32
    %dma_start3A_834 = tpu.memref_slice %arg3[%dma_start3A_833] : memref<128000000xf32, #tpu.memory_space<hbm>> -> memref<128000000xf32, #tpu.memory_space<hbm>>
    tpu.enqueue_indirect_dma source(%dma_start3A_834 : memref<128000000xf32, #tpu.memory_space<hbm>>) target(%dma_start3A_830 : memref<128xf32, #tpu.memory_space<vmem>>) offsets(%dma_start3A_832 : memref<128xi32, #tpu.memory_space<vmem>>) semaphore(%arg9 : memref<!tpu.dma_semaphore, #tpu.memory_space<semaphore_mem>>)
    %dma_start3A_835 = arith.constant 67 : i32
    %dma_start3A_836 = arith.constant 0 : i32
    %dma_start3A_837 = tpu.memref_slice %arg8[%dma_start3A_835, %dma_start3A_836] : memref<128x128xf32, #tpu.memory_space<vmem>> -> memref<1x128xf32, #tpu.memory_space<vmem>>
    %dma_start3A_838 = tpu.memref_squeeze %dma_start3A_837 : memref<1x128xf32, #tpu.memory_space<vmem>> -> memref<128xf32, #tpu.memory_space<vmem>>
    %dma_start3A_839 = arith.constant 8576 : i32
    %dma_start3A_840 = tpu.memref_slice %arg7[%dma_start3A_839] : memref<16384xi32, #tpu.memory_space<vmem>> -> memref<128xi32, #tpu.memory_space<vmem>>
    %dma_start3A_841 = arith.constant 0 : i32
    %dma_start3A_842 = tpu.memref_slice %arg3[%dma_start3A_841] : memref<128000000xf32, #tpu.memory_space<hbm>> -> memref<128000000xf32, #tpu.memory_space<hbm>>
    tpu.enqueue_indirect_dma source(%dma_start3A_842 : memref<128000000xf32, #tpu.memory_space<hbm>>) target(%dma_start3A_838 : memref<128xf32, #tpu.memory_space<vmem>>) offsets(%dma_start3A_840 : memref<128xi32, #tpu.memory_space<vmem>>) semaphore(%arg9 : memref<!tpu.dma_semaphore, #tpu.memory_space<semaphore_mem>>)
    %dma_start3A_843 = arith.constant 68 : i32
    %dma_start3A_844 = arith.constant 0 : i32
    %dma_start3A_845 = tpu.memref_slice %arg8[%dma_start3A_843, %dma_start3A_844] : memref<128x128xf32, #tpu.memory_space<vmem>> -> memref<1x128xf32, #tpu.memory_space<vmem>>
    %dma_start3A_846 = tpu.memref_squeeze %dma_start3A_845 : memref<1x128xf32, #tpu.memory_space<vmem>> -> memref<128xf32, #tpu.memory_space<vmem>>
    %dma_start3A_847 = arith.constant 8704 : i32
    %dma_start3A_848 = tpu.memref_slice %arg7[%dma_start3A_847] : memref<16384xi32, #tpu.memory_space<vmem>> -> memref<128xi32, #tpu.memory_space<vmem>>
    %dma_start3A_849 = arith.constant 0 : i32
    %dma_start3A_850 = tpu.memref_slice %arg3[%dma_start3A_849] : memref<128000000xf32, #tpu.memory_space<hbm>> -> memref<128000000xf32, #tpu.memory_space<hbm>>
    tpu.enqueue_indirect_dma source(%dma_start3A_850 : memref<128000000xf32, #tpu.memory_space<hbm>>) target(%dma_start3A_846 : memref<128xf32, #tpu.memory_space<vmem>>) offsets(%dma_start3A_848 : memref<128xi32, #tpu.memory_space<vmem>>) semaphore(%arg9 : memref<!tpu.dma_semaphore, #tpu.memory_space<semaphore_mem>>)
    %dma_start3A_851 = arith.constant 69 : i32
    %dma_start3A_852 = arith.constant 0 : i32
    %dma_start3A_853 = tpu.memref_slice %arg8[%dma_start3A_851, %dma_start3A_852] : memref<128x128xf32, #tpu.memory_space<vmem>> -> memref<1x128xf32, #tpu.memory_space<vmem>>
    %dma_start3A_854 = tpu.memref_squeeze %dma_start3A_853 : memref<1x128xf32, #tpu.memory_space<vmem>> -> memref<128xf32, #tpu.memory_space<vmem>>
    %dma_start3A_855 = arith.constant 8832 : i32
    %dma_start3A_856 = tpu.memref_slice %arg7[%dma_start3A_855] : memref<16384xi32, #tpu.memory_space<vmem>> -> memref<128xi32, #tpu.memory_space<vmem>>
    %dma_start3A_857 = arith.constant 0 : i32
    %dma_start3A_858 = tpu.memref_slice %arg3[%dma_start3A_857] : memref<128000000xf32, #tpu.memory_space<hbm>> -> memref<128000000xf32, #tpu.memory_space<hbm>>
    tpu.enqueue_indirect_dma source(%dma_start3A_858 : memref<128000000xf32, #tpu.memory_space<hbm>>) target(%dma_start3A_854 : memref<128xf32, #tpu.memory_space<vmem>>) offsets(%dma_start3A_856 : memref<128xi32, #tpu.memory_space<vmem>>) semaphore(%arg9 : memref<!tpu.dma_semaphore, #tpu.memory_space<semaphore_mem>>)
    %dma_start3A_859 = arith.constant 70 : i32
    %dma_start3A_860 = arith.constant 0 : i32
    %dma_start3A_861 = tpu.memref_slice %arg8[%dma_start3A_859, %dma_start3A_860] : memref<128x128xf32, #tpu.memory_space<vmem>> -> memref<1x128xf32, #tpu.memory_space<vmem>>
    %dma_start3A_862 = tpu.memref_squeeze %dma_start3A_861 : memref<1x128xf32, #tpu.memory_space<vmem>> -> memref<128xf32, #tpu.memory_space<vmem>>
    %dma_start3A_863 = arith.constant 8960 : i32
    %dma_start3A_864 = tpu.memref_slice %arg7[%dma_start3A_863] : memref<16384xi32, #tpu.memory_space<vmem>> -> memref<128xi32, #tpu.memory_space<vmem>>
    %dma_start3A_865 = arith.constant 0 : i32
    %dma_start3A_866 = tpu.memref_slice %arg3[%dma_start3A_865] : memref<128000000xf32, #tpu.memory_space<hbm>> -> memref<128000000xf32, #tpu.memory_space<hbm>>
    tpu.enqueue_indirect_dma source(%dma_start3A_866 : memref<128000000xf32, #tpu.memory_space<hbm>>) target(%dma_start3A_862 : memref<128xf32, #tpu.memory_space<vmem>>) offsets(%dma_start3A_864 : memref<128xi32, #tpu.memory_space<vmem>>) semaphore(%arg9 : memref<!tpu.dma_semaphore, #tpu.memory_space<semaphore_mem>>)
    %dma_start3A_867 = arith.constant 71 : i32
    %dma_start3A_868 = arith.constant 0 : i32
    %dma_start3A_869 = tpu.memref_slice %arg8[%dma_start3A_867, %dma_start3A_868] : memref<128x128xf32, #tpu.memory_space<vmem>> -> memref<1x128xf32, #tpu.memory_space<vmem>>
    %dma_start3A_870 = tpu.memref_squeeze %dma_start3A_869 : memref<1x128xf32, #tpu.memory_space<vmem>> -> memref<128xf32, #tpu.memory_space<vmem>>
    %dma_start3A_871 = arith.constant 9088 : i32
    %dma_start3A_872 = tpu.memref_slice %arg7[%dma_start3A_871] : memref<16384xi32, #tpu.memory_space<vmem>> -> memref<128xi32, #tpu.memory_space<vmem>>
    %dma_start3A_873 = arith.constant 0 : i32
    %dma_start3A_874 = tpu.memref_slice %arg3[%dma_start3A_873] : memref<128000000xf32, #tpu.memory_space<hbm>> -> memref<128000000xf32, #tpu.memory_space<hbm>>
    tpu.enqueue_indirect_dma source(%dma_start3A_874 : memref<128000000xf32, #tpu.memory_space<hbm>>) target(%dma_start3A_870 : memref<128xf32, #tpu.memory_space<vmem>>) offsets(%dma_start3A_872 : memref<128xi32, #tpu.memory_space<vmem>>) semaphore(%arg9 : memref<!tpu.dma_semaphore, #tpu.memory_space<semaphore_mem>>)
    %dma_start3A_875 = arith.constant 72 : i32
    %dma_start3A_876 = arith.constant 0 : i32
    %dma_start3A_877 = tpu.memref_slice %arg8[%dma_start3A_875, %dma_start3A_876] : memref<128x128xf32, #tpu.memory_space<vmem>> -> memref<1x128xf32, #tpu.memory_space<vmem>>
    %dma_start3A_878 = tpu.memref_squeeze %dma_start3A_877 : memref<1x128xf32, #tpu.memory_space<vmem>> -> memref<128xf32, #tpu.memory_space<vmem>>
    %dma_start3A_879 = arith.constant 9216 : i32
    %dma_start3A_880 = tpu.memref_slice %arg7[%dma_start3A_879] : memref<16384xi32, #tpu.memory_space<vmem>> -> memref<128xi32, #tpu.memory_space<vmem>>
    %dma_start3A_881 = arith.constant 0 : i32
    %dma_start3A_882 = tpu.memref_slice %arg3[%dma_start3A_881] : memref<128000000xf32, #tpu.memory_space<hbm>> -> memref<128000000xf32, #tpu.memory_space<hbm>>
    tpu.enqueue_indirect_dma source(%dma_start3A_882 : memref<128000000xf32, #tpu.memory_space<hbm>>) target(%dma_start3A_878 : memref<128xf32, #tpu.memory_space<vmem>>) offsets(%dma_start3A_880 : memref<128xi32, #tpu.memory_space<vmem>>) semaphore(%arg9 : memref<!tpu.dma_semaphore, #tpu.memory_space<semaphore_mem>>)
    %dma_start3A_883 = arith.constant 73 : i32
    %dma_start3A_884 = arith.constant 0 : i32
    %dma_start3A_885 = tpu.memref_slice %arg8[%dma_start3A_883, %dma_start3A_884] : memref<128x128xf32, #tpu.memory_space<vmem>> -> memref<1x128xf32, #tpu.memory_space<vmem>>
    %dma_start3A_886 = tpu.memref_squeeze %dma_start3A_885 : memref<1x128xf32, #tpu.memory_space<vmem>> -> memref<128xf32, #tpu.memory_space<vmem>>
    %dma_start3A_887 = arith.constant 9344 : i32
    %dma_start3A_888 = tpu.memref_slice %arg7[%dma_start3A_887] : memref<16384xi32, #tpu.memory_space<vmem>> -> memref<128xi32, #tpu.memory_space<vmem>>
    %dma_start3A_889 = arith.constant 0 : i32
    %dma_start3A_890 = tpu.memref_slice %arg3[%dma_start3A_889] : memref<128000000xf32, #tpu.memory_space<hbm>> -> memref<128000000xf32, #tpu.memory_space<hbm>>
    tpu.enqueue_indirect_dma source(%dma_start3A_890 : memref<128000000xf32, #tpu.memory_space<hbm>>) target(%dma_start3A_886 : memref<128xf32, #tpu.memory_space<vmem>>) offsets(%dma_start3A_888 : memref<128xi32, #tpu.memory_space<vmem>>) semaphore(%arg9 : memref<!tpu.dma_semaphore, #tpu.memory_space<semaphore_mem>>)
    %dma_start3A_891 = arith.constant 74 : i32
    %dma_start3A_892 = arith.constant 0 : i32
    %dma_start3A_893 = tpu.memref_slice %arg8[%dma_start3A_891, %dma_start3A_892] : memref<128x128xf32, #tpu.memory_space<vmem>> -> memref<1x128xf32, #tpu.memory_space<vmem>>
    %dma_start3A_894 = tpu.memref_squeeze %dma_start3A_893 : memref<1x128xf32, #tpu.memory_space<vmem>> -> memref<128xf32, #tpu.memory_space<vmem>>
    %dma_start3A_895 = arith.constant 9472 : i32
    %dma_start3A_896 = tpu.memref_slice %arg7[%dma_start3A_895] : memref<16384xi32, #tpu.memory_space<vmem>> -> memref<128xi32, #tpu.memory_space<vmem>>
    %dma_start3A_897 = arith.constant 0 : i32
    %dma_start3A_898 = tpu.memref_slice %arg3[%dma_start3A_897] : memref<128000000xf32, #tpu.memory_space<hbm>> -> memref<128000000xf32, #tpu.memory_space<hbm>>
    tpu.enqueue_indirect_dma source(%dma_start3A_898 : memref<128000000xf32, #tpu.memory_space<hbm>>) target(%dma_start3A_894 : memref<128xf32, #tpu.memory_space<vmem>>) offsets(%dma_start3A_896 : memref<128xi32, #tpu.memory_space<vmem>>) semaphore(%arg9 : memref<!tpu.dma_semaphore, #tpu.memory_space<semaphore_mem>>)
    %dma_start3A_899 = arith.constant 75 : i32
    %dma_start3A_900 = arith.constant 0 : i32
    %dma_start3A_901 = tpu.memref_slice %arg8[%dma_start3A_899, %dma_start3A_900] : memref<128x128xf32, #tpu.memory_space<vmem>> -> memref<1x128xf32, #tpu.memory_space<vmem>>
    %dma_start3A_902 = tpu.memref_squeeze %dma_start3A_901 : memref<1x128xf32, #tpu.memory_space<vmem>> -> memref<128xf32, #tpu.memory_space<vmem>>
    %dma_start3A_903 = arith.constant 9600 : i32
    %dma_start3A_904 = tpu.memref_slice %arg7[%dma_start3A_903] : memref<16384xi32, #tpu.memory_space<vmem>> -> memref<128xi32, #tpu.memory_space<vmem>>
    %dma_start3A_905 = arith.constant 0 : i32
    %dma_start3A_906 = tpu.memref_slice %arg3[%dma_start3A_905] : memref<128000000xf32, #tpu.memory_space<hbm>> -> memref<128000000xf32, #tpu.memory_space<hbm>>
    tpu.enqueue_indirect_dma source(%dma_start3A_906 : memref<128000000xf32, #tpu.memory_space<hbm>>) target(%dma_start3A_902 : memref<128xf32, #tpu.memory_space<vmem>>) offsets(%dma_start3A_904 : memref<128xi32, #tpu.memory_space<vmem>>) semaphore(%arg9 : memref<!tpu.dma_semaphore, #tpu.memory_space<semaphore_mem>>)
    %dma_start3A_907 = arith.constant 76 : i32
    %dma_start3A_908 = arith.constant 0 : i32
    %dma_start3A_909 = tpu.memref_slice %arg8[%dma_start3A_907, %dma_start3A_908] : memref<128x128xf32, #tpu.memory_space<vmem>> -> memref<1x128xf32, #tpu.memory_space<vmem>>
    %dma_start3A_910 = tpu.memref_squeeze %dma_start3A_909 : memref<1x128xf32, #tpu.memory_space<vmem>> -> memref<128xf32, #tpu.memory_space<vmem>>
    %dma_start3A_911 = arith.constant 9728 : i32
    %dma_start3A_912 = tpu.memref_slice %arg7[%dma_start3A_911] : memref<16384xi32, #tpu.memory_space<vmem>> -> memref<128xi32, #tpu.memory_space<vmem>>
    %dma_start3A_913 = arith.constant 0 : i32
    %dma_start3A_914 = tpu.memref_slice %arg3[%dma_start3A_913] : memref<128000000xf32, #tpu.memory_space<hbm>> -> memref<128000000xf32, #tpu.memory_space<hbm>>
    tpu.enqueue_indirect_dma source(%dma_start3A_914 : memref<128000000xf32, #tpu.memory_space<hbm>>) target(%dma_start3A_910 : memref<128xf32, #tpu.memory_space<vmem>>) offsets(%dma_start3A_912 : memref<128xi32, #tpu.memory_space<vmem>>) semaphore(%arg9 : memref<!tpu.dma_semaphore, #tpu.memory_space<semaphore_mem>>)
    %dma_start3A_915 = arith.constant 77 : i32
    %dma_start3A_916 = arith.constant 0 : i32
    %dma_start3A_917 = tpu.memref_slice %arg8[%dma_start3A_915, %dma_start3A_916] : memref<128x128xf32, #tpu.memory_space<vmem>> -> memref<1x128xf32, #tpu.memory_space<vmem>>
    %dma_start3A_918 = tpu.memref_squeeze %dma_start3A_917 : memref<1x128xf32, #tpu.memory_space<vmem>> -> memref<128xf32, #tpu.memory_space<vmem>>
    %dma_start3A_919 = arith.constant 9856 : i32
    %dma_start3A_920 = tpu.memref_slice %arg7[%dma_start3A_919] : memref<16384xi32, #tpu.memory_space<vmem>> -> memref<128xi32, #tpu.memory_space<vmem>>
    %dma_start3A_921 = arith.constant 0 : i32
    %dma_start3A_922 = tpu.memref_slice %arg3[%dma_start3A_921] : memref<128000000xf32, #tpu.memory_space<hbm>> -> memref<128000000xf32, #tpu.memory_space<hbm>>
    tpu.enqueue_indirect_dma source(%dma_start3A_922 : memref<128000000xf32, #tpu.memory_space<hbm>>) target(%dma_start3A_918 : memref<128xf32, #tpu.memory_space<vmem>>) offsets(%dma_start3A_920 : memref<128xi32, #tpu.memory_space<vmem>>) semaphore(%arg9 : memref<!tpu.dma_semaphore, #tpu.memory_space<semaphore_mem>>)
    %dma_start3A_923 = arith.constant 78 : i32
    %dma_start3A_924 = arith.constant 0 : i32
    %dma_start3A_925 = tpu.memref_slice %arg8[%dma_start3A_923, %dma_start3A_924] : memref<128x128xf32, #tpu.memory_space<vmem>> -> memref<1x128xf32, #tpu.memory_space<vmem>>
    %dma_start3A_926 = tpu.memref_squeeze %dma_start3A_925 : memref<1x128xf32, #tpu.memory_space<vmem>> -> memref<128xf32, #tpu.memory_space<vmem>>
    %dma_start3A_927 = arith.constant 9984 : i32
    %dma_start3A_928 = tpu.memref_slice %arg7[%dma_start3A_927] : memref<16384xi32, #tpu.memory_space<vmem>> -> memref<128xi32, #tpu.memory_space<vmem>>
    %dma_start3A_929 = arith.constant 0 : i32
    %dma_start3A_930 = tpu.memref_slice %arg3[%dma_start3A_929] : memref<128000000xf32, #tpu.memory_space<hbm>> -> memref<128000000xf32, #tpu.memory_space<hbm>>
    tpu.enqueue_indirect_dma source(%dma_start3A_930 : memref<128000000xf32, #tpu.memory_space<hbm>>) target(%dma_start3A_926 : memref<128xf32, #tpu.memory_space<vmem>>) offsets(%dma_start3A_928 : memref<128xi32, #tpu.memory_space<vmem>>) semaphore(%arg9 : memref<!tpu.dma_semaphore, #tpu.memory_space<semaphore_mem>>)
    %dma_start3A_931 = arith.constant 79 : i32
    %dma_start3A_932 = arith.constant 0 : i32
    %dma_start3A_933 = tpu.memref_slice %arg8[%dma_start3A_931, %dma_start3A_932] : memref<128x128xf32, #tpu.memory_space<vmem>> -> memref<1x128xf32, #tpu.memory_space<vmem>>
    %dma_start3A_934 = tpu.memref_squeeze %dma_start3A_933 : memref<1x128xf32, #tpu.memory_space<vmem>> -> memref<128xf32, #tpu.memory_space<vmem>>
    %dma_start3A_935 = arith.constant 10112 : i32
    %dma_start3A_936 = tpu.memref_slice %arg7[%dma_start3A_935] : memref<16384xi32, #tpu.memory_space<vmem>> -> memref<128xi32, #tpu.memory_space<vmem>>
    %dma_start3A_937 = arith.constant 0 : i32
    %dma_start3A_938 = tpu.memref_slice %arg3[%dma_start3A_937] : memref<128000000xf32, #tpu.memory_space<hbm>> -> memref<128000000xf32, #tpu.memory_space<hbm>>
    tpu.enqueue_indirect_dma source(%dma_start3A_938 : memref<128000000xf32, #tpu.memory_space<hbm>>) target(%dma_start3A_934 : memref<128xf32, #tpu.memory_space<vmem>>) offsets(%dma_start3A_936 : memref<128xi32, #tpu.memory_space<vmem>>) semaphore(%arg9 : memref<!tpu.dma_semaphore, #tpu.memory_space<semaphore_mem>>)
    %dma_start3A_939 = arith.constant 80 : i32
    %dma_start3A_940 = arith.constant 0 : i32
    %dma_start3A_941 = tpu.memref_slice %arg8[%dma_start3A_939, %dma_start3A_940] : memref<128x128xf32, #tpu.memory_space<vmem>> -> memref<1x128xf32, #tpu.memory_space<vmem>>
    %dma_start3A_942 = tpu.memref_squeeze %dma_start3A_941 : memref<1x128xf32, #tpu.memory_space<vmem>> -> memref<128xf32, #tpu.memory_space<vmem>>
    %dma_start3A_943 = arith.constant 10240 : i32
    %dma_start3A_944 = tpu.memref_slice %arg7[%dma_start3A_943] : memref<16384xi32, #tpu.memory_space<vmem>> -> memref<128xi32, #tpu.memory_space<vmem>>
    %dma_start3A_945 = arith.constant 0 : i32
    %dma_start3A_946 = tpu.memref_slice %arg3[%dma_start3A_945] : memref<128000000xf32, #tpu.memory_space<hbm>> -> memref<128000000xf32, #tpu.memory_space<hbm>>
    tpu.enqueue_indirect_dma source(%dma_start3A_946 : memref<128000000xf32, #tpu.memory_space<hbm>>) target(%dma_start3A_942 : memref<128xf32, #tpu.memory_space<vmem>>) offsets(%dma_start3A_944 : memref<128xi32, #tpu.memory_space<vmem>>) semaphore(%arg9 : memref<!tpu.dma_semaphore, #tpu.memory_space<semaphore_mem>>)
    %dma_start3A_947 = arith.constant 81 : i32
    %dma_start3A_948 = arith.constant 0 : i32
    %dma_start3A_949 = tpu.memref_slice %arg8[%dma_start3A_947, %dma_start3A_948] : memref<128x128xf32, #tpu.memory_space<vmem>> -> memref<1x128xf32, #tpu.memory_space<vmem>>
    %dma_start3A_950 = tpu.memref_squeeze %dma_start3A_949 : memref<1x128xf32, #tpu.memory_space<vmem>> -> memref<128xf32, #tpu.memory_space<vmem>>
    %dma_start3A_951 = arith.constant 10368 : i32
    %dma_start3A_952 = tpu.memref_slice %arg7[%dma_start3A_951] : memref<16384xi32, #tpu.memory_space<vmem>> -> memref<128xi32, #tpu.memory_space<vmem>>
    %dma_start3A_953 = arith.constant 0 : i32
    %dma_start3A_954 = tpu.memref_slice %arg3[%dma_start3A_953] : memref<128000000xf32, #tpu.memory_space<hbm>> -> memref<128000000xf32, #tpu.memory_space<hbm>>
    tpu.enqueue_indirect_dma source(%dma_start3A_954 : memref<128000000xf32, #tpu.memory_space<hbm>>) target(%dma_start3A_950 : memref<128xf32, #tpu.memory_space<vmem>>) offsets(%dma_start3A_952 : memref<128xi32, #tpu.memory_space<vmem>>) semaphore(%arg9 : memref<!tpu.dma_semaphore, #tpu.memory_space<semaphore_mem>>)
    %dma_start3A_955 = arith.constant 82 : i32
    %dma_start3A_956 = arith.constant 0 : i32
    %dma_start3A_957 = tpu.memref_slice %arg8[%dma_start3A_955, %dma_start3A_956] : memref<128x128xf32, #tpu.memory_space<vmem>> -> memref<1x128xf32, #tpu.memory_space<vmem>>
    %dma_start3A_958 = tpu.memref_squeeze %dma_start3A_957 : memref<1x128xf32, #tpu.memory_space<vmem>> -> memref<128xf32, #tpu.memory_space<vmem>>
    %dma_start3A_959 = arith.constant 10496 : i32
    %dma_start3A_960 = tpu.memref_slice %arg7[%dma_start3A_959] : memref<16384xi32, #tpu.memory_space<vmem>> -> memref<128xi32, #tpu.memory_space<vmem>>
    %dma_start3A_961 = arith.constant 0 : i32
    %dma_start3A_962 = tpu.memref_slice %arg3[%dma_start3A_961] : memref<128000000xf32, #tpu.memory_space<hbm>> -> memref<128000000xf32, #tpu.memory_space<hbm>>
    tpu.enqueue_indirect_dma source(%dma_start3A_962 : memref<128000000xf32, #tpu.memory_space<hbm>>) target(%dma_start3A_958 : memref<128xf32, #tpu.memory_space<vmem>>) offsets(%dma_start3A_960 : memref<128xi32, #tpu.memory_space<vmem>>) semaphore(%arg9 : memref<!tpu.dma_semaphore, #tpu.memory_space<semaphore_mem>>)
    %dma_start3A_963 = arith.constant 83 : i32
    %dma_start3A_964 = arith.constant 0 : i32
    %dma_start3A_965 = tpu.memref_slice %arg8[%dma_start3A_963, %dma_start3A_964] : memref<128x128xf32, #tpu.memory_space<vmem>> -> memref<1x128xf32, #tpu.memory_space<vmem>>
    %dma_start3A_966 = tpu.memref_squeeze %dma_start3A_965 : memref<1x128xf32, #tpu.memory_space<vmem>> -> memref<128xf32, #tpu.memory_space<vmem>>
    %dma_start3A_967 = arith.constant 10624 : i32
    %dma_start3A_968 = tpu.memref_slice %arg7[%dma_start3A_967] : memref<16384xi32, #tpu.memory_space<vmem>> -> memref<128xi32, #tpu.memory_space<vmem>>
    %dma_start3A_969 = arith.constant 0 : i32
    %dma_start3A_970 = tpu.memref_slice %arg3[%dma_start3A_969] : memref<128000000xf32, #tpu.memory_space<hbm>> -> memref<128000000xf32, #tpu.memory_space<hbm>>
    tpu.enqueue_indirect_dma source(%dma_start3A_970 : memref<128000000xf32, #tpu.memory_space<hbm>>) target(%dma_start3A_966 : memref<128xf32, #tpu.memory_space<vmem>>) offsets(%dma_start3A_968 : memref<128xi32, #tpu.memory_space<vmem>>) semaphore(%arg9 : memref<!tpu.dma_semaphore, #tpu.memory_space<semaphore_mem>>)
    %dma_start3A_971 = arith.constant 84 : i32
    %dma_start3A_972 = arith.constant 0 : i32
    %dma_start3A_973 = tpu.memref_slice %arg8[%dma_start3A_971, %dma_start3A_972] : memref<128x128xf32, #tpu.memory_space<vmem>> -> memref<1x128xf32, #tpu.memory_space<vmem>>
    %dma_start3A_974 = tpu.memref_squeeze %dma_start3A_973 : memref<1x128xf32, #tpu.memory_space<vmem>> -> memref<128xf32, #tpu.memory_space<vmem>>
    %dma_start3A_975 = arith.constant 10752 : i32
    %dma_start3A_976 = tpu.memref_slice %arg7[%dma_start3A_975] : memref<16384xi32, #tpu.memory_space<vmem>> -> memref<128xi32, #tpu.memory_space<vmem>>
    %dma_start3A_977 = arith.constant 0 : i32
    %dma_start3A_978 = tpu.memref_slice %arg3[%dma_start3A_977] : memref<128000000xf32, #tpu.memory_space<hbm>> -> memref<128000000xf32, #tpu.memory_space<hbm>>
    tpu.enqueue_indirect_dma source(%dma_start3A_978 : memref<128000000xf32, #tpu.memory_space<hbm>>) target(%dma_start3A_974 : memref<128xf32, #tpu.memory_space<vmem>>) offsets(%dma_start3A_976 : memref<128xi32, #tpu.memory_space<vmem>>) semaphore(%arg9 : memref<!tpu.dma_semaphore, #tpu.memory_space<semaphore_mem>>)
    %dma_start3A_979 = arith.constant 85 : i32
    %dma_start3A_980 = arith.constant 0 : i32
    %dma_start3A_981 = tpu.memref_slice %arg8[%dma_start3A_979, %dma_start3A_980] : memref<128x128xf32, #tpu.memory_space<vmem>> -> memref<1x128xf32, #tpu.memory_space<vmem>>
    %dma_start3A_982 = tpu.memref_squeeze %dma_start3A_981 : memref<1x128xf32, #tpu.memory_space<vmem>> -> memref<128xf32, #tpu.memory_space<vmem>>
    %dma_start3A_983 = arith.constant 10880 : i32
    %dma_start3A_984 = tpu.memref_slice %arg7[%dma_start3A_983] : memref<16384xi32, #tpu.memory_space<vmem>> -> memref<128xi32, #tpu.memory_space<vmem>>
    %dma_start3A_985 = arith.constant 0 : i32
    %dma_start3A_986 = tpu.memref_slice %arg3[%dma_start3A_985] : memref<128000000xf32, #tpu.memory_space<hbm>> -> memref<128000000xf32, #tpu.memory_space<hbm>>
    tpu.enqueue_indirect_dma source(%dma_start3A_986 : memref<128000000xf32, #tpu.memory_space<hbm>>) target(%dma_start3A_982 : memref<128xf32, #tpu.memory_space<vmem>>) offsets(%dma_start3A_984 : memref<128xi32, #tpu.memory_space<vmem>>) semaphore(%arg9 : memref<!tpu.dma_semaphore, #tpu.memory_space<semaphore_mem>>)
    %dma_start3A_987 = arith.constant 86 : i32
    %dma_start3A_988 = arith.constant 0 : i32
    %dma_start3A_989 = tpu.memref_slice %arg8[%dma_start3A_987, %dma_start3A_988] : memref<128x128xf32, #tpu.memory_space<vmem>> -> memref<1x128xf32, #tpu.memory_space<vmem>>
    %dma_start3A_990 = tpu.memref_squeeze %dma_start3A_989 : memref<1x128xf32, #tpu.memory_space<vmem>> -> memref<128xf32, #tpu.memory_space<vmem>>
    %dma_start3A_991 = arith.constant 11008 : i32
    %dma_start3A_992 = tpu.memref_slice %arg7[%dma_start3A_991] : memref<16384xi32, #tpu.memory_space<vmem>> -> memref<128xi32, #tpu.memory_space<vmem>>
    %dma_start3A_993 = arith.constant 0 : i32
    %dma_start3A_994 = tpu.memref_slice %arg3[%dma_start3A_993] : memref<128000000xf32, #tpu.memory_space<hbm>> -> memref<128000000xf32, #tpu.memory_space<hbm>>
    tpu.enqueue_indirect_dma source(%dma_start3A_994 : memref<128000000xf32, #tpu.memory_space<hbm>>) target(%dma_start3A_990 : memref<128xf32, #tpu.memory_space<vmem>>) offsets(%dma_start3A_992 : memref<128xi32, #tpu.memory_space<vmem>>) semaphore(%arg9 : memref<!tpu.dma_semaphore, #tpu.memory_space<semaphore_mem>>)
    %dma_start3A_995 = arith.constant 87 : i32
    %dma_start3A_996 = arith.constant 0 : i32
    %dma_start3A_997 = tpu.memref_slice %arg8[%dma_start3A_995, %dma_start3A_996] : memref<128x128xf32, #tpu.memory_space<vmem>> -> memref<1x128xf32, #tpu.memory_space<vmem>>
    %dma_start3A_998 = tpu.memref_squeeze %dma_start3A_997 : memref<1x128xf32, #tpu.memory_space<vmem>> -> memref<128xf32, #tpu.memory_space<vmem>>
    %dma_start3A_999 = arith.constant 11136 : i32
    %dma_start3A_1000 = tpu.memref_slice %arg7[%dma_start3A_999] : memref<16384xi32, #tpu.memory_space<vmem>> -> memref<128xi32, #tpu.memory_space<vmem>>
    %dma_start3A_1001 = arith.constant 0 : i32
    %dma_start3A_1002 = tpu.memref_slice %arg3[%dma_start3A_1001] : memref<128000000xf32, #tpu.memory_space<hbm>> -> memref<128000000xf32, #tpu.memory_space<hbm>>
    tpu.enqueue_indirect_dma source(%dma_start3A_1002 : memref<128000000xf32, #tpu.memory_space<hbm>>) target(%dma_start3A_998 : memref<128xf32, #tpu.memory_space<vmem>>) offsets(%dma_start3A_1000 : memref<128xi32, #tpu.memory_space<vmem>>) semaphore(%arg9 : memref<!tpu.dma_semaphore, #tpu.memory_space<semaphore_mem>>)
    %dma_start3A_1003 = arith.constant 88 : i32
    %dma_start3A_1004 = arith.constant 0 : i32
    %dma_start3A_1005 = tpu.memref_slice %arg8[%dma_start3A_1003, %dma_start3A_1004] : memref<128x128xf32, #tpu.memory_space<vmem>> -> memref<1x128xf32, #tpu.memory_space<vmem>>
    %dma_start3A_1006 = tpu.memref_squeeze %dma_start3A_1005 : memref<1x128xf32, #tpu.memory_space<vmem>> -> memref<128xf32, #tpu.memory_space<vmem>>
    %dma_start3A_1007 = arith.constant 11264 : i32
    %dma_start3A_1008 = tpu.memref_slice %arg7[%dma_start3A_1007] : memref<16384xi32, #tpu.memory_space<vmem>> -> memref<128xi32, #tpu.memory_space<vmem>>
    %dma_start3A_1009 = arith.constant 0 : i32
    %dma_start3A_1010 = tpu.memref_slice %arg3[%dma_start3A_1009] : memref<128000000xf32, #tpu.memory_space<hbm>> -> memref<128000000xf32, #tpu.memory_space<hbm>>
    tpu.enqueue_indirect_dma source(%dma_start3A_1010 : memref<128000000xf32, #tpu.memory_space<hbm>>) target(%dma_start3A_1006 : memref<128xf32, #tpu.memory_space<vmem>>) offsets(%dma_start3A_1008 : memref<128xi32, #tpu.memory_space<vmem>>) semaphore(%arg9 : memref<!tpu.dma_semaphore, #tpu.memory_space<semaphore_mem>>)
    %dma_start3A_1011 = arith.constant 89 : i32
    %dma_start3A_1012 = arith.constant 0 : i32
    %dma_start3A_1013 = tpu.memref_slice %arg8[%dma_start3A_1011, %dma_start3A_1012] : memref<128x128xf32, #tpu.memory_space<vmem>> -> memref<1x128xf32, #tpu.memory_space<vmem>>
    %dma_start3A_1014 = tpu.memref_squeeze %dma_start3A_1013 : memref<1x128xf32, #tpu.memory_space<vmem>> -> memref<128xf32, #tpu.memory_space<vmem>>
    %dma_start3A_1015 = arith.constant 11392 : i32
    %dma_start3A_1016 = tpu.memref_slice %arg7[%dma_start3A_1015] : memref<16384xi32, #tpu.memory_space<vmem>> -> memref<128xi32, #tpu.memory_space<vmem>>
    %dma_start3A_1017 = arith.constant 0 : i32
    %dma_start3A_1018 = tpu.memref_slice %arg3[%dma_start3A_1017] : memref<128000000xf32, #tpu.memory_space<hbm>> -> memref<128000000xf32, #tpu.memory_space<hbm>>
    tpu.enqueue_indirect_dma source(%dma_start3A_1018 : memref<128000000xf32, #tpu.memory_space<hbm>>) target(%dma_start3A_1014 : memref<128xf32, #tpu.memory_space<vmem>>) offsets(%dma_start3A_1016 : memref<128xi32, #tpu.memory_space<vmem>>) semaphore(%arg9 : memref<!tpu.dma_semaphore, #tpu.memory_space<semaphore_mem>>)
    %dma_start3A_1019 = arith.constant 90 : i32
    %dma_start3A_1020 = arith.constant 0 : i32
    %dma_start3A_1021 = tpu.memref_slice %arg8[%dma_start3A_1019, %dma_start3A_1020] : memref<128x128xf32, #tpu.memory_space<vmem>> -> memref<1x128xf32, #tpu.memory_space<vmem>>
    %dma_start3A_1022 = tpu.memref_squeeze %dma_start3A_1021 : memref<1x128xf32, #tpu.memory_space<vmem>> -> memref<128xf32, #tpu.memory_space<vmem>>
    %dma_start3A_1023 = arith.constant 11520 : i32
    %dma_start3A_1024 = tpu.memref_slice %arg7[%dma_start3A_1023] : memref<16384xi32, #tpu.memory_space<vmem>> -> memref<128xi32, #tpu.memory_space<vmem>>
    %dma_start3A_1025 = arith.constant 0 : i32
    %dma_start3A_1026 = tpu.memref_slice %arg3[%dma_start3A_1025] : memref<128000000xf32, #tpu.memory_space<hbm>> -> memref<128000000xf32, #tpu.memory_space<hbm>>
    tpu.enqueue_indirect_dma source(%dma_start3A_1026 : memref<128000000xf32, #tpu.memory_space<hbm>>) target(%dma_start3A_1022 : memref<128xf32, #tpu.memory_space<vmem>>) offsets(%dma_start3A_1024 : memref<128xi32, #tpu.memory_space<vmem>>) semaphore(%arg9 : memref<!tpu.dma_semaphore, #tpu.memory_space<semaphore_mem>>)
    %dma_start3A_1027 = arith.constant 91 : i32
    %dma_start3A_1028 = arith.constant 0 : i32
    %dma_start3A_1029 = tpu.memref_slice %arg8[%dma_start3A_1027, %dma_start3A_1028] : memref<128x128xf32, #tpu.memory_space<vmem>> -> memref<1x128xf32, #tpu.memory_space<vmem>>
    %dma_start3A_1030 = tpu.memref_squeeze %dma_start3A_1029 : memref<1x128xf32, #tpu.memory_space<vmem>> -> memref<128xf32, #tpu.memory_space<vmem>>
    %dma_start3A_1031 = arith.constant 11648 : i32
    %dma_start3A_1032 = tpu.memref_slice %arg7[%dma_start3A_1031] : memref<16384xi32, #tpu.memory_space<vmem>> -> memref<128xi32, #tpu.memory_space<vmem>>
    %dma_start3A_1033 = arith.constant 0 : i32
    %dma_start3A_1034 = tpu.memref_slice %arg3[%dma_start3A_1033] : memref<128000000xf32, #tpu.memory_space<hbm>> -> memref<128000000xf32, #tpu.memory_space<hbm>>
    tpu.enqueue_indirect_dma source(%dma_start3A_1034 : memref<128000000xf32, #tpu.memory_space<hbm>>) target(%dma_start3A_1030 : memref<128xf32, #tpu.memory_space<vmem>>) offsets(%dma_start3A_1032 : memref<128xi32, #tpu.memory_space<vmem>>) semaphore(%arg9 : memref<!tpu.dma_semaphore, #tpu.memory_space<semaphore_mem>>)
    %dma_start3A_1035 = arith.constant 92 : i32
    %dma_start3A_1036 = arith.constant 0 : i32
    %dma_start3A_1037 = tpu.memref_slice %arg8[%dma_start3A_1035, %dma_start3A_1036] : memref<128x128xf32, #tpu.memory_space<vmem>> -> memref<1x128xf32, #tpu.memory_space<vmem>>
    %dma_start3A_1038 = tpu.memref_squeeze %dma_start3A_1037 : memref<1x128xf32, #tpu.memory_space<vmem>> -> memref<128xf32, #tpu.memory_space<vmem>>
    %dma_start3A_1039 = arith.constant 11776 : i32
    %dma_start3A_1040 = tpu.memref_slice %arg7[%dma_start3A_1039] : memref<16384xi32, #tpu.memory_space<vmem>> -> memref<128xi32, #tpu.memory_space<vmem>>
    %dma_start3A_1041 = arith.constant 0 : i32
    %dma_start3A_1042 = tpu.memref_slice %arg3[%dma_start3A_1041] : memref<128000000xf32, #tpu.memory_space<hbm>> -> memref<128000000xf32, #tpu.memory_space<hbm>>
    tpu.enqueue_indirect_dma source(%dma_start3A_1042 : memref<128000000xf32, #tpu.memory_space<hbm>>) target(%dma_start3A_1038 : memref<128xf32, #tpu.memory_space<vmem>>) offsets(%dma_start3A_1040 : memref<128xi32, #tpu.memory_space<vmem>>) semaphore(%arg9 : memref<!tpu.dma_semaphore, #tpu.memory_space<semaphore_mem>>)
    %dma_start3A_1043 = arith.constant 93 : i32
    %dma_start3A_1044 = arith.constant 0 : i32
    %dma_start3A_1045 = tpu.memref_slice %arg8[%dma_start3A_1043, %dma_start3A_1044] : memref<128x128xf32, #tpu.memory_space<vmem>> -> memref<1x128xf32, #tpu.memory_space<vmem>>
    %dma_start3A_1046 = tpu.memref_squeeze %dma_start3A_1045 : memref<1x128xf32, #tpu.memory_space<vmem>> -> memref<128xf32, #tpu.memory_space<vmem>>
    %dma_start3A_1047 = arith.constant 11904 : i32
    %dma_start3A_1048 = tpu.memref_slice %arg7[%dma_start3A_1047] : memref<16384xi32, #tpu.memory_space<vmem>> -> memref<128xi32, #tpu.memory_space<vmem>>
    %dma_start3A_1049 = arith.constant 0 : i32
    %dma_start3A_1050 = tpu.memref_slice %arg3[%dma_start3A_1049] : memref<128000000xf32, #tpu.memory_space<hbm>> -> memref<128000000xf32, #tpu.memory_space<hbm>>
    tpu.enqueue_indirect_dma source(%dma_start3A_1050 : memref<128000000xf32, #tpu.memory_space<hbm>>) target(%dma_start3A_1046 : memref<128xf32, #tpu.memory_space<vmem>>) offsets(%dma_start3A_1048 : memref<128xi32, #tpu.memory_space<vmem>>) semaphore(%arg9 : memref<!tpu.dma_semaphore, #tpu.memory_space<semaphore_mem>>)
    %dma_start3A_1051 = arith.constant 94 : i32
    %dma_start3A_1052 = arith.constant 0 : i32
    %dma_start3A_1053 = tpu.memref_slice %arg8[%dma_start3A_1051, %dma_start3A_1052] : memref<128x128xf32, #tpu.memory_space<vmem>> -> memref<1x128xf32, #tpu.memory_space<vmem>>
    %dma_start3A_1054 = tpu.memref_squeeze %dma_start3A_1053 : memref<1x128xf32, #tpu.memory_space<vmem>> -> memref<128xf32, #tpu.memory_space<vmem>>
    %dma_start3A_1055 = arith.constant 12032 : i32
    %dma_start3A_1056 = tpu.memref_slice %arg7[%dma_start3A_1055] : memref<16384xi32, #tpu.memory_space<vmem>> -> memref<128xi32, #tpu.memory_space<vmem>>
    %dma_start3A_1057 = arith.constant 0 : i32
    %dma_start3A_1058 = tpu.memref_slice %arg3[%dma_start3A_1057] : memref<128000000xf32, #tpu.memory_space<hbm>> -> memref<128000000xf32, #tpu.memory_space<hbm>>
    tpu.enqueue_indirect_dma source(%dma_start3A_1058 : memref<128000000xf32, #tpu.memory_space<hbm>>) target(%dma_start3A_1054 : memref<128xf32, #tpu.memory_space<vmem>>) offsets(%dma_start3A_1056 : memref<128xi32, #tpu.memory_space<vmem>>) semaphore(%arg9 : memref<!tpu.dma_semaphore, #tpu.memory_space<semaphore_mem>>)
    %dma_start3A_1059 = arith.constant 95 : i32
    %dma_start3A_1060 = arith.constant 0 : i32
    %dma_start3A_1061 = tpu.memref_slice %arg8[%dma_start3A_1059, %dma_start3A_1060] : memref<128x128xf32, #tpu.memory_space<vmem>> -> memref<1x128xf32, #tpu.memory_space<vmem>>
    %dma_start3A_1062 = tpu.memref_squeeze %dma_start3A_1061 : memref<1x128xf32, #tpu.memory_space<vmem>> -> memref<128xf32, #tpu.memory_space<vmem>>
    %dma_start3A_1063 = arith.constant 12160 : i32
    %dma_start3A_1064 = tpu.memref_slice %arg7[%dma_start3A_1063] : memref<16384xi32, #tpu.memory_space<vmem>> -> memref<128xi32, #tpu.memory_space<vmem>>
    %dma_start3A_1065 = arith.constant 0 : i32
    %dma_start3A_1066 = tpu.memref_slice %arg3[%dma_start3A_1065] : memref<128000000xf32, #tpu.memory_space<hbm>> -> memref<128000000xf32, #tpu.memory_space<hbm>>
    tpu.enqueue_indirect_dma source(%dma_start3A_1066 : memref<128000000xf32, #tpu.memory_space<hbm>>) target(%dma_start3A_1062 : memref<128xf32, #tpu.memory_space<vmem>>) offsets(%dma_start3A_1064 : memref<128xi32, #tpu.memory_space<vmem>>) semaphore(%arg9 : memref<!tpu.dma_semaphore, #tpu.memory_space<semaphore_mem>>)
    %dma_start3A_1067 = arith.constant 96 : i32
    %dma_start3A_1068 = arith.constant 0 : i32
    %dma_start3A_1069 = tpu.memref_slice %arg8[%dma_start3A_1067, %dma_start3A_1068] : memref<128x128xf32, #tpu.memory_space<vmem>> -> memref<1x128xf32, #tpu.memory_space<vmem>>
    %dma_start3A_1070 = tpu.memref_squeeze %dma_start3A_1069 : memref<1x128xf32, #tpu.memory_space<vmem>> -> memref<128xf32, #tpu.memory_space<vmem>>
    %dma_start3A_1071 = arith.constant 12288 : i32
    %dma_start3A_1072 = tpu.memref_slice %arg7[%dma_start3A_1071] : memref<16384xi32, #tpu.memory_space<vmem>> -> memref<128xi32, #tpu.memory_space<vmem>>
    %dma_start3A_1073 = arith.constant 0 : i32
    %dma_start3A_1074 = tpu.memref_slice %arg3[%dma_start3A_1073] : memref<128000000xf32, #tpu.memory_space<hbm>> -> memref<128000000xf32, #tpu.memory_space<hbm>>
    tpu.enqueue_indirect_dma source(%dma_start3A_1074 : memref<128000000xf32, #tpu.memory_space<hbm>>) target(%dma_start3A_1070 : memref<128xf32, #tpu.memory_space<vmem>>) offsets(%dma_start3A_1072 : memref<128xi32, #tpu.memory_space<vmem>>) semaphore(%arg9 : memref<!tpu.dma_semaphore, #tpu.memory_space<semaphore_mem>>)
    %dma_start3A_1075 = arith.constant 97 : i32
    %dma_start3A_1076 = arith.constant 0 : i32
    %dma_start3A_1077 = tpu.memref_slice %arg8[%dma_start3A_1075, %dma_start3A_1076] : memref<128x128xf32, #tpu.memory_space<vmem>> -> memref<1x128xf32, #tpu.memory_space<vmem>>
    %dma_start3A_1078 = tpu.memref_squeeze %dma_start3A_1077 : memref<1x128xf32, #tpu.memory_space<vmem>> -> memref<128xf32, #tpu.memory_space<vmem>>
    %dma_start3A_1079 = arith.constant 12416 : i32
    %dma_start3A_1080 = tpu.memref_slice %arg7[%dma_start3A_1079] : memref<16384xi32, #tpu.memory_space<vmem>> -> memref<128xi32, #tpu.memory_space<vmem>>
    %dma_start3A_1081 = arith.constant 0 : i32
    %dma_start3A_1082 = tpu.memref_slice %arg3[%dma_start3A_1081] : memref<128000000xf32, #tpu.memory_space<hbm>> -> memref<128000000xf32, #tpu.memory_space<hbm>>
    tpu.enqueue_indirect_dma source(%dma_start3A_1082 : memref<128000000xf32, #tpu.memory_space<hbm>>) target(%dma_start3A_1078 : memref<128xf32, #tpu.memory_space<vmem>>) offsets(%dma_start3A_1080 : memref<128xi32, #tpu.memory_space<vmem>>) semaphore(%arg9 : memref<!tpu.dma_semaphore, #tpu.memory_space<semaphore_mem>>)
    %dma_start3A_1083 = arith.constant 98 : i32
    %dma_start3A_1084 = arith.constant 0 : i32
    %dma_start3A_1085 = tpu.memref_slice %arg8[%dma_start3A_1083, %dma_start3A_1084] : memref<128x128xf32, #tpu.memory_space<vmem>> -> memref<1x128xf32, #tpu.memory_space<vmem>>
    %dma_start3A_1086 = tpu.memref_squeeze %dma_start3A_1085 : memref<1x128xf32, #tpu.memory_space<vmem>> -> memref<128xf32, #tpu.memory_space<vmem>>
    %dma_start3A_1087 = arith.constant 12544 : i32
    %dma_start3A_1088 = tpu.memref_slice %arg7[%dma_start3A_1087] : memref<16384xi32, #tpu.memory_space<vmem>> -> memref<128xi32, #tpu.memory_space<vmem>>
    %dma_start3A_1089 = arith.constant 0 : i32
    %dma_start3A_1090 = tpu.memref_slice %arg3[%dma_start3A_1089] : memref<128000000xf32, #tpu.memory_space<hbm>> -> memref<128000000xf32, #tpu.memory_space<hbm>>
    tpu.enqueue_indirect_dma source(%dma_start3A_1090 : memref<128000000xf32, #tpu.memory_space<hbm>>) target(%dma_start3A_1086 : memref<128xf32, #tpu.memory_space<vmem>>) offsets(%dma_start3A_1088 : memref<128xi32, #tpu.memory_space<vmem>>) semaphore(%arg9 : memref<!tpu.dma_semaphore, #tpu.memory_space<semaphore_mem>>)
    %dma_start3A_1091 = arith.constant 99 : i32
    %dma_start3A_1092 = arith.constant 0 : i32
    %dma_start3A_1093 = tpu.memref_slice %arg8[%dma_start3A_1091, %dma_start3A_1092] : memref<128x128xf32, #tpu.memory_space<vmem>> -> memref<1x128xf32, #tpu.memory_space<vmem>>
    %dma_start3A_1094 = tpu.memref_squeeze %dma_start3A_1093 : memref<1x128xf32, #tpu.memory_space<vmem>> -> memref<128xf32, #tpu.memory_space<vmem>>
    %dma_start3A_1095 = arith.constant 12672 : i32
    %dma_start3A_1096 = tpu.memref_slice %arg7[%dma_start3A_1095] : memref<16384xi32, #tpu.memory_space<vmem>> -> memref<128xi32, #tpu.memory_space<vmem>>
    %dma_start3A_1097 = arith.constant 0 : i32
    %dma_start3A_1098 = tpu.memref_slice %arg3[%dma_start3A_1097] : memref<128000000xf32, #tpu.memory_space<hbm>> -> memref<128000000xf32, #tpu.memory_space<hbm>>
    tpu.enqueue_indirect_dma source(%dma_start3A_1098 : memref<128000000xf32, #tpu.memory_space<hbm>>) target(%dma_start3A_1094 : memref<128xf32, #tpu.memory_space<vmem>>) offsets(%dma_start3A_1096 : memref<128xi32, #tpu.memory_space<vmem>>) semaphore(%arg9 : memref<!tpu.dma_semaphore, #tpu.memory_space<semaphore_mem>>)
    %dma_start3A_1099 = arith.constant 100 : i32
    %dma_start3A_1100 = arith.constant 0 : i32
    %dma_start3A_1101 = tpu.memref_slice %arg8[%dma_start3A_1099, %dma_start3A_1100] : memref<128x128xf32, #tpu.memory_space<vmem>> -> memref<1x128xf32, #tpu.memory_space<vmem>>
    %dma_start3A_1102 = tpu.memref_squeeze %dma_start3A_1101 : memref<1x128xf32, #tpu.memory_space<vmem>> -> memref<128xf32, #tpu.memory_space<vmem>>
    %dma_start3A_1103 = arith.constant 12800 : i32
    %dma_start3A_1104 = tpu.memref_slice %arg7[%dma_start3A_1103] : memref<16384xi32, #tpu.memory_space<vmem>> -> memref<128xi32, #tpu.memory_space<vmem>>
    %dma_start3A_1105 = arith.constant 0 : i32
    %dma_start3A_1106 = tpu.memref_slice %arg3[%dma_start3A_1105] : memref<128000000xf32, #tpu.memory_space<hbm>> -> memref<128000000xf32, #tpu.memory_space<hbm>>
    tpu.enqueue_indirect_dma source(%dma_start3A_1106 : memref<128000000xf32, #tpu.memory_space<hbm>>) target(%dma_start3A_1102 : memref<128xf32, #tpu.memory_space<vmem>>) offsets(%dma_start3A_1104 : memref<128xi32, #tpu.memory_space<vmem>>) semaphore(%arg9 : memref<!tpu.dma_semaphore, #tpu.memory_space<semaphore_mem>>)
    %dma_start3A_1107 = arith.constant 101 : i32
    %dma_start3A_1108 = arith.constant 0 : i32
    %dma_start3A_1109 = tpu.memref_slice %arg8[%dma_start3A_1107, %dma_start3A_1108] : memref<128x128xf32, #tpu.memory_space<vmem>> -> memref<1x128xf32, #tpu.memory_space<vmem>>
    %dma_start3A_1110 = tpu.memref_squeeze %dma_start3A_1109 : memref<1x128xf32, #tpu.memory_space<vmem>> -> memref<128xf32, #tpu.memory_space<vmem>>
    %dma_start3A_1111 = arith.constant 12928 : i32
    %dma_start3A_1112 = tpu.memref_slice %arg7[%dma_start3A_1111] : memref<16384xi32, #tpu.memory_space<vmem>> -> memref<128xi32, #tpu.memory_space<vmem>>
    %dma_start3A_1113 = arith.constant 0 : i32
    %dma_start3A_1114 = tpu.memref_slice %arg3[%dma_start3A_1113] : memref<128000000xf32, #tpu.memory_space<hbm>> -> memref<128000000xf32, #tpu.memory_space<hbm>>
    tpu.enqueue_indirect_dma source(%dma_start3A_1114 : memref<128000000xf32, #tpu.memory_space<hbm>>) target(%dma_start3A_1110 : memref<128xf32, #tpu.memory_space<vmem>>) offsets(%dma_start3A_1112 : memref<128xi32, #tpu.memory_space<vmem>>) semaphore(%arg9 : memref<!tpu.dma_semaphore, #tpu.memory_space<semaphore_mem>>)
    %dma_start3A_1115 = arith.constant 102 : i32
    %dma_start3A_1116 = arith.constant 0 : i32
    %dma_start3A_1117 = tpu.memref_slice %arg8[%dma_start3A_1115, %dma_start3A_1116] : memref<128x128xf32, #tpu.memory_space<vmem>> -> memref<1x128xf32, #tpu.memory_space<vmem>>
    %dma_start3A_1118 = tpu.memref_squeeze %dma_start3A_1117 : memref<1x128xf32, #tpu.memory_space<vmem>> -> memref<128xf32, #tpu.memory_space<vmem>>
    %dma_start3A_1119 = arith.constant 13056 : i32
    %dma_start3A_1120 = tpu.memref_slice %arg7[%dma_start3A_1119] : memref<16384xi32, #tpu.memory_space<vmem>> -> memref<128xi32, #tpu.memory_space<vmem>>
    %dma_start3A_1121 = arith.constant 0 : i32
    %dma_start3A_1122 = tpu.memref_slice %arg3[%dma_start3A_1121] : memref<128000000xf32, #tpu.memory_space<hbm>> -> memref<128000000xf32, #tpu.memory_space<hbm>>
    tpu.enqueue_indirect_dma source(%dma_start3A_1122 : memref<128000000xf32, #tpu.memory_space<hbm>>) target(%dma_start3A_1118 : memref<128xf32, #tpu.memory_space<vmem>>) offsets(%dma_start3A_1120 : memref<128xi32, #tpu.memory_space<vmem>>) semaphore(%arg9 : memref<!tpu.dma_semaphore, #tpu.memory_space<semaphore_mem>>)
    %dma_start3A_1123 = arith.constant 103 : i32
    %dma_start3A_1124 = arith.constant 0 : i32
    %dma_start3A_1125 = tpu.memref_slice %arg8[%dma_start3A_1123, %dma_start3A_1124] : memref<128x128xf32, #tpu.memory_space<vmem>> -> memref<1x128xf32, #tpu.memory_space<vmem>>
    %dma_start3A_1126 = tpu.memref_squeeze %dma_start3A_1125 : memref<1x128xf32, #tpu.memory_space<vmem>> -> memref<128xf32, #tpu.memory_space<vmem>>
    %dma_start3A_1127 = arith.constant 13184 : i32
    %dma_start3A_1128 = tpu.memref_slice %arg7[%dma_start3A_1127] : memref<16384xi32, #tpu.memory_space<vmem>> -> memref<128xi32, #tpu.memory_space<vmem>>
    %dma_start3A_1129 = arith.constant 0 : i32
    %dma_start3A_1130 = tpu.memref_slice %arg3[%dma_start3A_1129] : memref<128000000xf32, #tpu.memory_space<hbm>> -> memref<128000000xf32, #tpu.memory_space<hbm>>
    tpu.enqueue_indirect_dma source(%dma_start3A_1130 : memref<128000000xf32, #tpu.memory_space<hbm>>) target(%dma_start3A_1126 : memref<128xf32, #tpu.memory_space<vmem>>) offsets(%dma_start3A_1128 : memref<128xi32, #tpu.memory_space<vmem>>) semaphore(%arg9 : memref<!tpu.dma_semaphore, #tpu.memory_space<semaphore_mem>>)
    %dma_start3A_1131 = arith.constant 104 : i32
    %dma_start3A_1132 = arith.constant 0 : i32
    %dma_start3A_1133 = tpu.memref_slice %arg8[%dma_start3A_1131, %dma_start3A_1132] : memref<128x128xf32, #tpu.memory_space<vmem>> -> memref<1x128xf32, #tpu.memory_space<vmem>>
    %dma_start3A_1134 = tpu.memref_squeeze %dma_start3A_1133 : memref<1x128xf32, #tpu.memory_space<vmem>> -> memref<128xf32, #tpu.memory_space<vmem>>
    %dma_start3A_1135 = arith.constant 13312 : i32
    %dma_start3A_1136 = tpu.memref_slice %arg7[%dma_start3A_1135] : memref<16384xi32, #tpu.memory_space<vmem>> -> memref<128xi32, #tpu.memory_space<vmem>>
    %dma_start3A_1137 = arith.constant 0 : i32
    %dma_start3A_1138 = tpu.memref_slice %arg3[%dma_start3A_1137] : memref<128000000xf32, #tpu.memory_space<hbm>> -> memref<128000000xf32, #tpu.memory_space<hbm>>
    tpu.enqueue_indirect_dma source(%dma_start3A_1138 : memref<128000000xf32, #tpu.memory_space<hbm>>) target(%dma_start3A_1134 : memref<128xf32, #tpu.memory_space<vmem>>) offsets(%dma_start3A_1136 : memref<128xi32, #tpu.memory_space<vmem>>) semaphore(%arg9 : memref<!tpu.dma_semaphore, #tpu.memory_space<semaphore_mem>>)
    %dma_start3A_1139 = arith.constant 105 : i32
    %dma_start3A_1140 = arith.constant 0 : i32
    %dma_start3A_1141 = tpu.memref_slice %arg8[%dma_start3A_1139, %dma_start3A_1140] : memref<128x128xf32, #tpu.memory_space<vmem>> -> memref<1x128xf32, #tpu.memory_space<vmem>>
    %dma_start3A_1142 = tpu.memref_squeeze %dma_start3A_1141 : memref<1x128xf32, #tpu.memory_space<vmem>> -> memref<128xf32, #tpu.memory_space<vmem>>
    %dma_start3A_1143 = arith.constant 13440 : i32
    %dma_start3A_1144 = tpu.memref_slice %arg7[%dma_start3A_1143] : memref<16384xi32, #tpu.memory_space<vmem>> -> memref<128xi32, #tpu.memory_space<vmem>>
    %dma_start3A_1145 = arith.constant 0 : i32
    %dma_start3A_1146 = tpu.memref_slice %arg3[%dma_start3A_1145] : memref<128000000xf32, #tpu.memory_space<hbm>> -> memref<128000000xf32, #tpu.memory_space<hbm>>
    tpu.enqueue_indirect_dma source(%dma_start3A_1146 : memref<128000000xf32, #tpu.memory_space<hbm>>) target(%dma_start3A_1142 : memref<128xf32, #tpu.memory_space<vmem>>) offsets(%dma_start3A_1144 : memref<128xi32, #tpu.memory_space<vmem>>) semaphore(%arg9 : memref<!tpu.dma_semaphore, #tpu.memory_space<semaphore_mem>>)
    %dma_start3A_1147 = arith.constant 106 : i32
    %dma_start3A_1148 = arith.constant 0 : i32
    %dma_start3A_1149 = tpu.memref_slice %arg8[%dma_start3A_1147, %dma_start3A_1148] : memref<128x128xf32, #tpu.memory_space<vmem>> -> memref<1x128xf32, #tpu.memory_space<vmem>>
    %dma_start3A_1150 = tpu.memref_squeeze %dma_start3A_1149 : memref<1x128xf32, #tpu.memory_space<vmem>> -> memref<128xf32, #tpu.memory_space<vmem>>
    %dma_start3A_1151 = arith.constant 13568 : i32
    %dma_start3A_1152 = tpu.memref_slice %arg7[%dma_start3A_1151] : memref<16384xi32, #tpu.memory_space<vmem>> -> memref<128xi32, #tpu.memory_space<vmem>>
    %dma_start3A_1153 = arith.constant 0 : i32
    %dma_start3A_1154 = tpu.memref_slice %arg3[%dma_start3A_1153] : memref<128000000xf32, #tpu.memory_space<hbm>> -> memref<128000000xf32, #tpu.memory_space<hbm>>
    tpu.enqueue_indirect_dma source(%dma_start3A_1154 : memref<128000000xf32, #tpu.memory_space<hbm>>) target(%dma_start3A_1150 : memref<128xf32, #tpu.memory_space<vmem>>) offsets(%dma_start3A_1152 : memref<128xi32, #tpu.memory_space<vmem>>) semaphore(%arg9 : memref<!tpu.dma_semaphore, #tpu.memory_space<semaphore_mem>>)
    %dma_start3A_1155 = arith.constant 107 : i32
    %dma_start3A_1156 = arith.constant 0 : i32
    %dma_start3A_1157 = tpu.memref_slice %arg8[%dma_start3A_1155, %dma_start3A_1156] : memref<128x128xf32, #tpu.memory_space<vmem>> -> memref<1x128xf32, #tpu.memory_space<vmem>>
    %dma_start3A_1158 = tpu.memref_squeeze %dma_start3A_1157 : memref<1x128xf32, #tpu.memory_space<vmem>> -> memref<128xf32, #tpu.memory_space<vmem>>
    %dma_start3A_1159 = arith.constant 13696 : i32
    %dma_start3A_1160 = tpu.memref_slice %arg7[%dma_start3A_1159] : memref<16384xi32, #tpu.memory_space<vmem>> -> memref<128xi32, #tpu.memory_space<vmem>>
    %dma_start3A_1161 = arith.constant 0 : i32
    %dma_start3A_1162 = tpu.memref_slice %arg3[%dma_start3A_1161] : memref<128000000xf32, #tpu.memory_space<hbm>> -> memref<128000000xf32, #tpu.memory_space<hbm>>
    tpu.enqueue_indirect_dma source(%dma_start3A_1162 : memref<128000000xf32, #tpu.memory_space<hbm>>) target(%dma_start3A_1158 : memref<128xf32, #tpu.memory_space<vmem>>) offsets(%dma_start3A_1160 : memref<128xi32, #tpu.memory_space<vmem>>) semaphore(%arg9 : memref<!tpu.dma_semaphore, #tpu.memory_space<semaphore_mem>>)
    %dma_start3A_1163 = arith.constant 108 : i32
    %dma_start3A_1164 = arith.constant 0 : i32
    %dma_start3A_1165 = tpu.memref_slice %arg8[%dma_start3A_1163, %dma_start3A_1164] : memref<128x128xf32, #tpu.memory_space<vmem>> -> memref<1x128xf32, #tpu.memory_space<vmem>>
    %dma_start3A_1166 = tpu.memref_squeeze %dma_start3A_1165 : memref<1x128xf32, #tpu.memory_space<vmem>> -> memref<128xf32, #tpu.memory_space<vmem>>
    %dma_start3A_1167 = arith.constant 13824 : i32
    %dma_start3A_1168 = tpu.memref_slice %arg7[%dma_start3A_1167] : memref<16384xi32, #tpu.memory_space<vmem>> -> memref<128xi32, #tpu.memory_space<vmem>>
    %dma_start3A_1169 = arith.constant 0 : i32
    %dma_start3A_1170 = tpu.memref_slice %arg3[%dma_start3A_1169] : memref<128000000xf32, #tpu.memory_space<hbm>> -> memref<128000000xf32, #tpu.memory_space<hbm>>
    tpu.enqueue_indirect_dma source(%dma_start3A_1170 : memref<128000000xf32, #tpu.memory_space<hbm>>) target(%dma_start3A_1166 : memref<128xf32, #tpu.memory_space<vmem>>) offsets(%dma_start3A_1168 : memref<128xi32, #tpu.memory_space<vmem>>) semaphore(%arg9 : memref<!tpu.dma_semaphore, #tpu.memory_space<semaphore_mem>>)
    %dma_start3A_1171 = arith.constant 109 : i32
    %dma_start3A_1172 = arith.constant 0 : i32
    %dma_start3A_1173 = tpu.memref_slice %arg8[%dma_start3A_1171, %dma_start3A_1172] : memref<128x128xf32, #tpu.memory_space<vmem>> -> memref<1x128xf32, #tpu.memory_space<vmem>>
    %dma_start3A_1174 = tpu.memref_squeeze %dma_start3A_1173 : memref<1x128xf32, #tpu.memory_space<vmem>> -> memref<128xf32, #tpu.memory_space<vmem>>
    %dma_start3A_1175 = arith.constant 13952 : i32
    %dma_start3A_1176 = tpu.memref_slice %arg7[%dma_start3A_1175] : memref<16384xi32, #tpu.memory_space<vmem>> -> memref<128xi32, #tpu.memory_space<vmem>>
    %dma_start3A_1177 = arith.constant 0 : i32
    %dma_start3A_1178 = tpu.memref_slice %arg3[%dma_start3A_1177] : memref<128000000xf32, #tpu.memory_space<hbm>> -> memref<128000000xf32, #tpu.memory_space<hbm>>
    tpu.enqueue_indirect_dma source(%dma_start3A_1178 : memref<128000000xf32, #tpu.memory_space<hbm>>) target(%dma_start3A_1174 : memref<128xf32, #tpu.memory_space<vmem>>) offsets(%dma_start3A_1176 : memref<128xi32, #tpu.memory_space<vmem>>) semaphore(%arg9 : memref<!tpu.dma_semaphore, #tpu.memory_space<semaphore_mem>>)
    %dma_start3A_1179 = arith.constant 110 : i32
    %dma_start3A_1180 = arith.constant 0 : i32
    %dma_start3A_1181 = tpu.memref_slice %arg8[%dma_start3A_1179, %dma_start3A_1180] : memref<128x128xf32, #tpu.memory_space<vmem>> -> memref<1x128xf32, #tpu.memory_space<vmem>>
    %dma_start3A_1182 = tpu.memref_squeeze %dma_start3A_1181 : memref<1x128xf32, #tpu.memory_space<vmem>> -> memref<128xf32, #tpu.memory_space<vmem>>
    %dma_start3A_1183 = arith.constant 14080 : i32
    %dma_start3A_1184 = tpu.memref_slice %arg7[%dma_start3A_1183] : memref<16384xi32, #tpu.memory_space<vmem>> -> memref<128xi32, #tpu.memory_space<vmem>>
    %dma_start3A_1185 = arith.constant 0 : i32
    %dma_start3A_1186 = tpu.memref_slice %arg3[%dma_start3A_1185] : memref<128000000xf32, #tpu.memory_space<hbm>> -> memref<128000000xf32, #tpu.memory_space<hbm>>
    tpu.enqueue_indirect_dma source(%dma_start3A_1186 : memref<128000000xf32, #tpu.memory_space<hbm>>) target(%dma_start3A_1182 : memref<128xf32, #tpu.memory_space<vmem>>) offsets(%dma_start3A_1184 : memref<128xi32, #tpu.memory_space<vmem>>) semaphore(%arg9 : memref<!tpu.dma_semaphore, #tpu.memory_space<semaphore_mem>>)
    %dma_start3A_1187 = arith.constant 111 : i32
    %dma_start3A_1188 = arith.constant 0 : i32
    %dma_start3A_1189 = tpu.memref_slice %arg8[%dma_start3A_1187, %dma_start3A_1188] : memref<128x128xf32, #tpu.memory_space<vmem>> -> memref<1x128xf32, #tpu.memory_space<vmem>>
    %dma_start3A_1190 = tpu.memref_squeeze %dma_start3A_1189 : memref<1x128xf32, #tpu.memory_space<vmem>> -> memref<128xf32, #tpu.memory_space<vmem>>
    %dma_start3A_1191 = arith.constant 14208 : i32
    %dma_start3A_1192 = tpu.memref_slice %arg7[%dma_start3A_1191] : memref<16384xi32, #tpu.memory_space<vmem>> -> memref<128xi32, #tpu.memory_space<vmem>>
    %dma_start3A_1193 = arith.constant 0 : i32
    %dma_start3A_1194 = tpu.memref_slice %arg3[%dma_start3A_1193] : memref<128000000xf32, #tpu.memory_space<hbm>> -> memref<128000000xf32, #tpu.memory_space<hbm>>
    tpu.enqueue_indirect_dma source(%dma_start3A_1194 : memref<128000000xf32, #tpu.memory_space<hbm>>) target(%dma_start3A_1190 : memref<128xf32, #tpu.memory_space<vmem>>) offsets(%dma_start3A_1192 : memref<128xi32, #tpu.memory_space<vmem>>) semaphore(%arg9 : memref<!tpu.dma_semaphore, #tpu.memory_space<semaphore_mem>>)
    %dma_start3A_1195 = arith.constant 112 : i32
    %dma_start3A_1196 = arith.constant 0 : i32
    %dma_start3A_1197 = tpu.memref_slice %arg8[%dma_start3A_1195, %dma_start3A_1196] : memref<128x128xf32, #tpu.memory_space<vmem>> -> memref<1x128xf32, #tpu.memory_space<vmem>>
    %dma_start3A_1198 = tpu.memref_squeeze %dma_start3A_1197 : memref<1x128xf32, #tpu.memory_space<vmem>> -> memref<128xf32, #tpu.memory_space<vmem>>
    %dma_start3A_1199 = arith.constant 14336 : i32
    %dma_start3A_1200 = tpu.memref_slice %arg7[%dma_start3A_1199] : memref<16384xi32, #tpu.memory_space<vmem>> -> memref<128xi32, #tpu.memory_space<vmem>>
    %dma_start3A_1201 = arith.constant 0 : i32
    %dma_start3A_1202 = tpu.memref_slice %arg3[%dma_start3A_1201] : memref<128000000xf32, #tpu.memory_space<hbm>> -> memref<128000000xf32, #tpu.memory_space<hbm>>
    tpu.enqueue_indirect_dma source(%dma_start3A_1202 : memref<128000000xf32, #tpu.memory_space<hbm>>) target(%dma_start3A_1198 : memref<128xf32, #tpu.memory_space<vmem>>) offsets(%dma_start3A_1200 : memref<128xi32, #tpu.memory_space<vmem>>) semaphore(%arg9 : memref<!tpu.dma_semaphore, #tpu.memory_space<semaphore_mem>>)
    %dma_start3A_1203 = arith.constant 113 : i32
    %dma_start3A_1204 = arith.constant 0 : i32
    %dma_start3A_1205 = tpu.memref_slice %arg8[%dma_start3A_1203, %dma_start3A_1204] : memref<128x128xf32, #tpu.memory_space<vmem>> -> memref<1x128xf32, #tpu.memory_space<vmem>>
    %dma_start3A_1206 = tpu.memref_squeeze %dma_start3A_1205 : memref<1x128xf32, #tpu.memory_space<vmem>> -> memref<128xf32, #tpu.memory_space<vmem>>
    %dma_start3A_1207 = arith.constant 14464 : i32
    %dma_start3A_1208 = tpu.memref_slice %arg7[%dma_start3A_1207] : memref<16384xi32, #tpu.memory_space<vmem>> -> memref<128xi32, #tpu.memory_space<vmem>>
    %dma_start3A_1209 = arith.constant 0 : i32
    %dma_start3A_1210 = tpu.memref_slice %arg3[%dma_start3A_1209] : memref<128000000xf32, #tpu.memory_space<hbm>> -> memref<128000000xf32, #tpu.memory_space<hbm>>
    tpu.enqueue_indirect_dma source(%dma_start3A_1210 : memref<128000000xf32, #tpu.memory_space<hbm>>) target(%dma_start3A_1206 : memref<128xf32, #tpu.memory_space<vmem>>) offsets(%dma_start3A_1208 : memref<128xi32, #tpu.memory_space<vmem>>) semaphore(%arg9 : memref<!tpu.dma_semaphore, #tpu.memory_space<semaphore_mem>>)
    %dma_start3A_1211 = arith.constant 114 : i32
    %dma_start3A_1212 = arith.constant 0 : i32
    %dma_start3A_1213 = tpu.memref_slice %arg8[%dma_start3A_1211, %dma_start3A_1212] : memref<128x128xf32, #tpu.memory_space<vmem>> -> memref<1x128xf32, #tpu.memory_space<vmem>>
    %dma_start3A_1214 = tpu.memref_squeeze %dma_start3A_1213 : memref<1x128xf32, #tpu.memory_space<vmem>> -> memref<128xf32, #tpu.memory_space<vmem>>
    %dma_start3A_1215 = arith.constant 14592 : i32
    %dma_start3A_1216 = tpu.memref_slice %arg7[%dma_start3A_1215] : memref<16384xi32, #tpu.memory_space<vmem>> -> memref<128xi32, #tpu.memory_space<vmem>>
    %dma_start3A_1217 = arith.constant 0 : i32
    %dma_start3A_1218 = tpu.memref_slice %arg3[%dma_start3A_1217] : memref<128000000xf32, #tpu.memory_space<hbm>> -> memref<128000000xf32, #tpu.memory_space<hbm>>
    tpu.enqueue_indirect_dma source(%dma_start3A_1218 : memref<128000000xf32, #tpu.memory_space<hbm>>) target(%dma_start3A_1214 : memref<128xf32, #tpu.memory_space<vmem>>) offsets(%dma_start3A_1216 : memref<128xi32, #tpu.memory_space<vmem>>) semaphore(%arg9 : memref<!tpu.dma_semaphore, #tpu.memory_space<semaphore_mem>>)
    %dma_start3A_1219 = arith.constant 115 : i32
    %dma_start3A_1220 = arith.constant 0 : i32
    %dma_start3A_1221 = tpu.memref_slice %arg8[%dma_start3A_1219, %dma_start3A_1220] : memref<128x128xf32, #tpu.memory_space<vmem>> -> memref<1x128xf32, #tpu.memory_space<vmem>>
    %dma_start3A_1222 = tpu.memref_squeeze %dma_start3A_1221 : memref<1x128xf32, #tpu.memory_space<vmem>> -> memref<128xf32, #tpu.memory_space<vmem>>
    %dma_start3A_1223 = arith.constant 14720 : i32
    %dma_start3A_1224 = tpu.memref_slice %arg7[%dma_start3A_1223] : memref<16384xi32, #tpu.memory_space<vmem>> -> memref<128xi32, #tpu.memory_space<vmem>>
    %dma_start3A_1225 = arith.constant 0 : i32
    %dma_start3A_1226 = tpu.memref_slice %arg3[%dma_start3A_1225] : memref<128000000xf32, #tpu.memory_space<hbm>> -> memref<128000000xf32, #tpu.memory_space<hbm>>
    tpu.enqueue_indirect_dma source(%dma_start3A_1226 : memref<128000000xf32, #tpu.memory_space<hbm>>) target(%dma_start3A_1222 : memref<128xf32, #tpu.memory_space<vmem>>) offsets(%dma_start3A_1224 : memref<128xi32, #tpu.memory_space<vmem>>) semaphore(%arg9 : memref<!tpu.dma_semaphore, #tpu.memory_space<semaphore_mem>>)
    %dma_start3A_1227 = arith.constant 116 : i32
    %dma_start3A_1228 = arith.constant 0 : i32
    %dma_start3A_1229 = tpu.memref_slice %arg8[%dma_start3A_1227, %dma_start3A_1228] : memref<128x128xf32, #tpu.memory_space<vmem>> -> memref<1x128xf32, #tpu.memory_space<vmem>>
    %dma_start3A_1230 = tpu.memref_squeeze %dma_start3A_1229 : memref<1x128xf32, #tpu.memory_space<vmem>> -> memref<128xf32, #tpu.memory_space<vmem>>
    %dma_start3A_1231 = arith.constant 14848 : i32
    %dma_start3A_1232 = tpu.memref_slice %arg7[%dma_start3A_1231] : memref<16384xi32, #tpu.memory_space<vmem>> -> memref<128xi32, #tpu.memory_space<vmem>>
    %dma_start3A_1233 = arith.constant 0 : i32
    %dma_start3A_1234 = tpu.memref_slice %arg3[%dma_start3A_1233] : memref<128000000xf32, #tpu.memory_space<hbm>> -> memref<128000000xf32, #tpu.memory_space<hbm>>
    tpu.enqueue_indirect_dma source(%dma_start3A_1234 : memref<128000000xf32, #tpu.memory_space<hbm>>) target(%dma_start3A_1230 : memref<128xf32, #tpu.memory_space<vmem>>) offsets(%dma_start3A_1232 : memref<128xi32, #tpu.memory_space<vmem>>) semaphore(%arg9 : memref<!tpu.dma_semaphore, #tpu.memory_space<semaphore_mem>>)
    %dma_start3A_1235 = arith.constant 117 : i32
    %dma_start3A_1236 = arith.constant 0 : i32
    %dma_start3A_1237 = tpu.memref_slice %arg8[%dma_start3A_1235, %dma_start3A_1236] : memref<128x128xf32, #tpu.memory_space<vmem>> -> memref<1x128xf32, #tpu.memory_space<vmem>>
    %dma_start3A_1238 = tpu.memref_squeeze %dma_start3A_1237 : memref<1x128xf32, #tpu.memory_space<vmem>> -> memref<128xf32, #tpu.memory_space<vmem>>
    %dma_start3A_1239 = arith.constant 14976 : i32
    %dma_start3A_1240 = tpu.memref_slice %arg7[%dma_start3A_1239] : memref<16384xi32, #tpu.memory_space<vmem>> -> memref<128xi32, #tpu.memory_space<vmem>>
    %dma_start3A_1241 = arith.constant 0 : i32
    %dma_start3A_1242 = tpu.memref_slice %arg3[%dma_start3A_1241] : memref<128000000xf32, #tpu.memory_space<hbm>> -> memref<128000000xf32, #tpu.memory_space<hbm>>
    tpu.enqueue_indirect_dma source(%dma_start3A_1242 : memref<128000000xf32, #tpu.memory_space<hbm>>) target(%dma_start3A_1238 : memref<128xf32, #tpu.memory_space<vmem>>) offsets(%dma_start3A_1240 : memref<128xi32, #tpu.memory_space<vmem>>) semaphore(%arg9 : memref<!tpu.dma_semaphore, #tpu.memory_space<semaphore_mem>>)
    %dma_start3A_1243 = arith.constant 118 : i32
    %dma_start3A_1244 = arith.constant 0 : i32
    %dma_start3A_1245 = tpu.memref_slice %arg8[%dma_start3A_1243, %dma_start3A_1244] : memref<128x128xf32, #tpu.memory_space<vmem>> -> memref<1x128xf32, #tpu.memory_space<vmem>>
    %dma_start3A_1246 = tpu.memref_squeeze %dma_start3A_1245 : memref<1x128xf32, #tpu.memory_space<vmem>> -> memref<128xf32, #tpu.memory_space<vmem>>
    %dma_start3A_1247 = arith.constant 15104 : i32
    %dma_start3A_1248 = tpu.memref_slice %arg7[%dma_start3A_1247] : memref<16384xi32, #tpu.memory_space<vmem>> -> memref<128xi32, #tpu.memory_space<vmem>>
    %dma_start3A_1249 = arith.constant 0 : i32
    %dma_start3A_1250 = tpu.memref_slice %arg3[%dma_start3A_1249] : memref<128000000xf32, #tpu.memory_space<hbm>> -> memref<128000000xf32, #tpu.memory_space<hbm>>
    tpu.enqueue_indirect_dma source(%dma_start3A_1250 : memref<128000000xf32, #tpu.memory_space<hbm>>) target(%dma_start3A_1246 : memref<128xf32, #tpu.memory_space<vmem>>) offsets(%dma_start3A_1248 : memref<128xi32, #tpu.memory_space<vmem>>) semaphore(%arg9 : memref<!tpu.dma_semaphore, #tpu.memory_space<semaphore_mem>>)
    %dma_start3A_1251 = arith.constant 119 : i32
    %dma_start3A_1252 = arith.constant 0 : i32
    %dma_start3A_1253 = tpu.memref_slice %arg8[%dma_start3A_1251, %dma_start3A_1252] : memref<128x128xf32, #tpu.memory_space<vmem>> -> memref<1x128xf32, #tpu.memory_space<vmem>>
    %dma_start3A_1254 = tpu.memref_squeeze %dma_start3A_1253 : memref<1x128xf32, #tpu.memory_space<vmem>> -> memref<128xf32, #tpu.memory_space<vmem>>
    %dma_start3A_1255 = arith.constant 15232 : i32
    %dma_start3A_1256 = tpu.memref_slice %arg7[%dma_start3A_1255] : memref<16384xi32, #tpu.memory_space<vmem>> -> memref<128xi32, #tpu.memory_space<vmem>>
    %dma_start3A_1257 = arith.constant 0 : i32
    %dma_start3A_1258 = tpu.memref_slice %arg3[%dma_start3A_1257] : memref<128000000xf32, #tpu.memory_space<hbm>> -> memref<128000000xf32, #tpu.memory_space<hbm>>
    tpu.enqueue_indirect_dma source(%dma_start3A_1258 : memref<128000000xf32, #tpu.memory_space<hbm>>) target(%dma_start3A_1254 : memref<128xf32, #tpu.memory_space<vmem>>) offsets(%dma_start3A_1256 : memref<128xi32, #tpu.memory_space<vmem>>) semaphore(%arg9 : memref<!tpu.dma_semaphore, #tpu.memory_space<semaphore_mem>>)
    %dma_start3A_1259 = arith.constant 120 : i32
    %dma_start3A_1260 = arith.constant 0 : i32
    %dma_start3A_1261 = tpu.memref_slice %arg8[%dma_start3A_1259, %dma_start3A_1260] : memref<128x128xf32, #tpu.memory_space<vmem>> -> memref<1x128xf32, #tpu.memory_space<vmem>>
    %dma_start3A_1262 = tpu.memref_squeeze %dma_start3A_1261 : memref<1x128xf32, #tpu.memory_space<vmem>> -> memref<128xf32, #tpu.memory_space<vmem>>
    %dma_start3A_1263 = arith.constant 15360 : i32
    %dma_start3A_1264 = tpu.memref_slice %arg7[%dma_start3A_1263] : memref<16384xi32, #tpu.memory_space<vmem>> -> memref<128xi32, #tpu.memory_space<vmem>>
    %dma_start3A_1265 = arith.constant 0 : i32
    %dma_start3A_1266 = tpu.memref_slice %arg3[%dma_start3A_1265] : memref<128000000xf32, #tpu.memory_space<hbm>> -> memref<128000000xf32, #tpu.memory_space<hbm>>
    tpu.enqueue_indirect_dma source(%dma_start3A_1266 : memref<128000000xf32, #tpu.memory_space<hbm>>) target(%dma_start3A_1262 : memref<128xf32, #tpu.memory_space<vmem>>) offsets(%dma_start3A_1264 : memref<128xi32, #tpu.memory_space<vmem>>) semaphore(%arg9 : memref<!tpu.dma_semaphore, #tpu.memory_space<semaphore_mem>>)
    %dma_start3A_1267 = arith.constant 121 : i32
    %dma_start3A_1268 = arith.constant 0 : i32
    %dma_start3A_1269 = tpu.memref_slice %arg8[%dma_start3A_1267, %dma_start3A_1268] : memref<128x128xf32, #tpu.memory_space<vmem>> -> memref<1x128xf32, #tpu.memory_space<vmem>>
    %dma_start3A_1270 = tpu.memref_squeeze %dma_start3A_1269 : memref<1x128xf32, #tpu.memory_space<vmem>> -> memref<128xf32, #tpu.memory_space<vmem>>
    %dma_start3A_1271 = arith.constant 15488 : i32
    %dma_start3A_1272 = tpu.memref_slice %arg7[%dma_start3A_1271] : memref<16384xi32, #tpu.memory_space<vmem>> -> memref<128xi32, #tpu.memory_space<vmem>>
    %dma_start3A_1273 = arith.constant 0 : i32
    %dma_start3A_1274 = tpu.memref_slice %arg3[%dma_start3A_1273] : memref<128000000xf32, #tpu.memory_space<hbm>> -> memref<128000000xf32, #tpu.memory_space<hbm>>
    tpu.enqueue_indirect_dma source(%dma_start3A_1274 : memref<128000000xf32, #tpu.memory_space<hbm>>) target(%dma_start3A_1270 : memref<128xf32, #tpu.memory_space<vmem>>) offsets(%dma_start3A_1272 : memref<128xi32, #tpu.memory_space<vmem>>) semaphore(%arg9 : memref<!tpu.dma_semaphore, #tpu.memory_space<semaphore_mem>>)
    %dma_start3A_1275 = arith.constant 122 : i32
    %dma_start3A_1276 = arith.constant 0 : i32
    %dma_start3A_1277 = tpu.memref_slice %arg8[%dma_start3A_1275, %dma_start3A_1276] : memref<128x128xf32, #tpu.memory_space<vmem>> -> memref<1x128xf32, #tpu.memory_space<vmem>>
    %dma_start3A_1278 = tpu.memref_squeeze %dma_start3A_1277 : memref<1x128xf32, #tpu.memory_space<vmem>> -> memref<128xf32, #tpu.memory_space<vmem>>
    %dma_start3A_1279 = arith.constant 15616 : i32
    %dma_start3A_1280 = tpu.memref_slice %arg7[%dma_start3A_1279] : memref<16384xi32, #tpu.memory_space<vmem>> -> memref<128xi32, #tpu.memory_space<vmem>>
    %dma_start3A_1281 = arith.constant 0 : i32
    %dma_start3A_1282 = tpu.memref_slice %arg3[%dma_start3A_1281] : memref<128000000xf32, #tpu.memory_space<hbm>> -> memref<128000000xf32, #tpu.memory_space<hbm>>
    tpu.enqueue_indirect_dma source(%dma_start3A_1282 : memref<128000000xf32, #tpu.memory_space<hbm>>) target(%dma_start3A_1278 : memref<128xf32, #tpu.memory_space<vmem>>) offsets(%dma_start3A_1280 : memref<128xi32, #tpu.memory_space<vmem>>) semaphore(%arg9 : memref<!tpu.dma_semaphore, #tpu.memory_space<semaphore_mem>>)
    %dma_start3A_1283 = arith.constant 123 : i32
    %dma_start3A_1284 = arith.constant 0 : i32
    %dma_start3A_1285 = tpu.memref_slice %arg8[%dma_start3A_1283, %dma_start3A_1284] : memref<128x128xf32, #tpu.memory_space<vmem>> -> memref<1x128xf32, #tpu.memory_space<vmem>>
    %dma_start3A_1286 = tpu.memref_squeeze %dma_start3A_1285 : memref<1x128xf32, #tpu.memory_space<vmem>> -> memref<128xf32, #tpu.memory_space<vmem>>
    %dma_start3A_1287 = arith.constant 15744 : i32
    %dma_start3A_1288 = tpu.memref_slice %arg7[%dma_start3A_1287] : memref<16384xi32, #tpu.memory_space<vmem>> -> memref<128xi32, #tpu.memory_space<vmem>>
    %dma_start3A_1289 = arith.constant 0 : i32
    %dma_start3A_1290 = tpu.memref_slice %arg3[%dma_start3A_1289] : memref<128000000xf32, #tpu.memory_space<hbm>> -> memref<128000000xf32, #tpu.memory_space<hbm>>
    tpu.enqueue_indirect_dma source(%dma_start3A_1290 : memref<128000000xf32, #tpu.memory_space<hbm>>) target(%dma_start3A_1286 : memref<128xf32, #tpu.memory_space<vmem>>) offsets(%dma_start3A_1288 : memref<128xi32, #tpu.memory_space<vmem>>) semaphore(%arg9 : memref<!tpu.dma_semaphore, #tpu.memory_space<semaphore_mem>>)
    %dma_start3A_1291 = arith.constant 124 : i32
    %dma_start3A_1292 = arith.constant 0 : i32
    %dma_start3A_1293 = tpu.memref_slice %arg8[%dma_start3A_1291, %dma_start3A_1292] : memref<128x128xf32, #tpu.memory_space<vmem>> -> memref<1x128xf32, #tpu.memory_space<vmem>>
    %dma_start3A_1294 = tpu.memref_squeeze %dma_start3A_1293 : memref<1x128xf32, #tpu.memory_space<vmem>> -> memref<128xf32, #tpu.memory_space<vmem>>
    %dma_start3A_1295 = arith.constant 15872 : i32
    %dma_start3A_1296 = tpu.memref_slice %arg7[%dma_start3A_1295] : memref<16384xi32, #tpu.memory_space<vmem>> -> memref<128xi32, #tpu.memory_space<vmem>>
    %dma_start3A_1297 = arith.constant 0 : i32
    %dma_start3A_1298 = tpu.memref_slice %arg3[%dma_start3A_1297] : memref<128000000xf32, #tpu.memory_space<hbm>> -> memref<128000000xf32, #tpu.memory_space<hbm>>
    tpu.enqueue_indirect_dma source(%dma_start3A_1298 : memref<128000000xf32, #tpu.memory_space<hbm>>) target(%dma_start3A_1294 : memref<128xf32, #tpu.memory_space<vmem>>) offsets(%dma_start3A_1296 : memref<128xi32, #tpu.memory_space<vmem>>) semaphore(%arg9 : memref<!tpu.dma_semaphore, #tpu.memory_space<semaphore_mem>>)
    %dma_start3A_1299 = arith.constant 125 : i32
    %dma_start3A_1300 = arith.constant 0 : i32
    %dma_start3A_1301 = tpu.memref_slice %arg8[%dma_start3A_1299, %dma_start3A_1300] : memref<128x128xf32, #tpu.memory_space<vmem>> -> memref<1x128xf32, #tpu.memory_space<vmem>>
    %dma_start3A_1302 = tpu.memref_squeeze %dma_start3A_1301 : memref<1x128xf32, #tpu.memory_space<vmem>> -> memref<128xf32, #tpu.memory_space<vmem>>
    %dma_start3A_1303 = arith.constant 16000 : i32
    %dma_start3A_1304 = tpu.memref_slice %arg7[%dma_start3A_1303] : memref<16384xi32, #tpu.memory_space<vmem>> -> memref<128xi32, #tpu.memory_space<vmem>>
    %dma_start3A_1305 = arith.constant 0 : i32
    %dma_start3A_1306 = tpu.memref_slice %arg3[%dma_start3A_1305] : memref<128000000xf32, #tpu.memory_space<hbm>> -> memref<128000000xf32, #tpu.memory_space<hbm>>
    tpu.enqueue_indirect_dma source(%dma_start3A_1306 : memref<128000000xf32, #tpu.memory_space<hbm>>) target(%dma_start3A_1302 : memref<128xf32, #tpu.memory_space<vmem>>) offsets(%dma_start3A_1304 : memref<128xi32, #tpu.memory_space<vmem>>) semaphore(%arg9 : memref<!tpu.dma_semaphore, #tpu.memory_space<semaphore_mem>>)
    %dma_start3A_1307 = arith.constant 126 : i32
    %dma_start3A_1308 = arith.constant 0 : i32
    %dma_start3A_1309 = tpu.memref_slice %arg8[%dma_start3A_1307, %dma_start3A_1308] : memref<128x128xf32, #tpu.memory_space<vmem>> -> memref<1x128xf32, #tpu.memory_space<vmem>>
    %dma_start3A_1310 = tpu.memref_squeeze %dma_start3A_1309 : memref<1x128xf32, #tpu.memory_space<vmem>> -> memref<128xf32, #tpu.memory_space<vmem>>
    %dma_start3A_1311 = arith.constant 16128 : i32
    %dma_start3A_1312 = tpu.memref_slice %arg7[%dma_start3A_1311] : memref<16384xi32, #tpu.memory_space<vmem>> -> memref<128xi32, #tpu.memory_space<vmem>>
    %dma_start3A_1313 = arith.constant 0 : i32
    %dma_start3A_1314 = tpu.memref_slice %arg3[%dma_start3A_1313] : memref<128000000xf32, #tpu.memory_space<hbm>> -> memref<128000000xf32, #tpu.memory_space<hbm>>
    tpu.enqueue_indirect_dma source(%dma_start3A_1314 : memref<128000000xf32, #tpu.memory_space<hbm>>) target(%dma_start3A_1310 : memref<128xf32, #tpu.memory_space<vmem>>) offsets(%dma_start3A_1312 : memref<128xi32, #tpu.memory_space<vmem>>) semaphore(%arg9 : memref<!tpu.dma_semaphore, #tpu.memory_space<semaphore_mem>>)
    %dma_start3A_1315 = arith.constant 127 : i32
    %dma_start3A_1316 = arith.constant 0 : i32
    %dma_start3A_1317 = tpu.memref_slice %arg8[%dma_start3A_1315, %dma_start3A_1316] : memref<128x128xf32, #tpu.memory_space<vmem>> -> memref<1x128xf32, #tpu.memory_space<vmem>>
    %dma_start3A_1318 = tpu.memref_squeeze %dma_start3A_1317 : memref<1x128xf32, #tpu.memory_space<vmem>> -> memref<128xf32, #tpu.memory_space<vmem>>
    %dma_start3A_1319 = arith.constant 16256 : i32
    %dma_start3A_1320 = tpu.memref_slice %arg7[%dma_start3A_1319] : memref<16384xi32, #tpu.memory_space<vmem>> -> memref<128xi32, #tpu.memory_space<vmem>>
    %dma_start3A_1321 = arith.constant 0 : i32
    %dma_start3A_1322 = tpu.memref_slice %arg3[%dma_start3A_1321] : memref<128000000xf32, #tpu.memory_space<hbm>> -> memref<128000000xf32, #tpu.memory_space<hbm>>
    tpu.enqueue_indirect_dma source(%dma_start3A_1322 : memref<128000000xf32, #tpu.memory_space<hbm>>) target(%dma_start3A_1318 : memref<128xf32, #tpu.memory_space<vmem>>) offsets(%dma_start3A_1320 : memref<128xi32, #tpu.memory_space<vmem>>) semaphore(%arg9 : memref<!tpu.dma_semaphore, #tpu.memory_space<semaphore_mem>>)
    %dma_wait3A = arith.constant 0 : i32
    %dma_wait3A_1323 = arith.constant 0 : i32
    %dma_wait3A_1324 = tpu.memref_slice %arg8[%dma_wait3A, %dma_wait3A_1323] : memref<128x128xf32, #tpu.memory_space<vmem>> -> memref<1x128xf32, #tpu.memory_space<vmem>>
    %dma_wait3A_1325 = tpu.memref_squeeze %dma_wait3A_1324 : memref<1x128xf32, #tpu.memory_space<vmem>> -> memref<128xf32, #tpu.memory_space<vmem>>
    %dma_wait3A_1326 = arith.constant 0 : i32
    %dma_wait3A_1327 = tpu.memref_slice %arg7[%dma_wait3A_1326] : memref<16384xi32, #tpu.memory_space<vmem>> -> memref<128xi32, #tpu.memory_space<vmem>>
    %dma_wait3A_1328 = arith.constant 0 : i32
    %dma_wait3A_1329 = tpu.memref_slice %arg3[%dma_wait3A_1328] : memref<128000000xf32, #tpu.memory_space<hbm>> -> memref<128000000xf32, #tpu.memory_space<hbm>>
    tpu.wait_indirect_dma semaphore(%arg9 : memref<!tpu.dma_semaphore, #tpu.memory_space<semaphore_mem>>) src(%dma_wait3A_1329 : memref<128000000xf32, #tpu.memory_space<hbm>>) dst(%dma_wait3A_1325 : memref<128xf32, #tpu.memory_space<vmem>>)
    %dma_wait3A_1330 = arith.constant 1 : i32
    %dma_wait3A_1331 = arith.constant 0 : i32
    %dma_wait3A_1332 = tpu.memref_slice %arg8[%dma_wait3A_1330, %dma_wait3A_1331] : memref<128x128xf32, #tpu.memory_space<vmem>> -> memref<1x128xf32, #tpu.memory_space<vmem>>
    %dma_wait3A_1333 = tpu.memref_squeeze %dma_wait3A_1332 : memref<1x128xf32, #tpu.memory_space<vmem>> -> memref<128xf32, #tpu.memory_space<vmem>>
    %dma_wait3A_1334 = arith.constant 128 : i32
    %dma_wait3A_1335 = tpu.memref_slice %arg7[%dma_wait3A_1334] : memref<16384xi32, #tpu.memory_space<vmem>> -> memref<128xi32, #tpu.memory_space<vmem>>
    %dma_wait3A_1336 = arith.constant 0 : i32
    %dma_wait3A_1337 = tpu.memref_slice %arg3[%dma_wait3A_1336] : memref<128000000xf32, #tpu.memory_space<hbm>> -> memref<128000000xf32, #tpu.memory_space<hbm>>
    tpu.wait_indirect_dma semaphore(%arg9 : memref<!tpu.dma_semaphore, #tpu.memory_space<semaphore_mem>>) src(%dma_wait3A_1337 : memref<128000000xf32, #tpu.memory_space<hbm>>) dst(%dma_wait3A_1333 : memref<128xf32, #tpu.memory_space<vmem>>)
    %dma_wait3A_1338 = arith.constant 2 : i32
    %dma_wait3A_1339 = arith.constant 0 : i32
    %dma_wait3A_1340 = tpu.memref_slice %arg8[%dma_wait3A_1338, %dma_wait3A_1339] : memref<128x128xf32, #tpu.memory_space<vmem>> -> memref<1x128xf32, #tpu.memory_space<vmem>>
    %dma_wait3A_1341 = tpu.memref_squeeze %dma_wait3A_1340 : memref<1x128xf32, #tpu.memory_space<vmem>> -> memref<128xf32, #tpu.memory_space<vmem>>
    %dma_wait3A_1342 = arith.constant 256 : i32
    %dma_wait3A_1343 = tpu.memref_slice %arg7[%dma_wait3A_1342] : memref<16384xi32, #tpu.memory_space<vmem>> -> memref<128xi32, #tpu.memory_space<vmem>>
    %dma_wait3A_1344 = arith.constant 0 : i32
    %dma_wait3A_1345 = tpu.memref_slice %arg3[%dma_wait3A_1344] : memref<128000000xf32, #tpu.memory_space<hbm>> -> memref<128000000xf32, #tpu.memory_space<hbm>>
    tpu.wait_indirect_dma semaphore(%arg9 : memref<!tpu.dma_semaphore, #tpu.memory_space<semaphore_mem>>) src(%dma_wait3A_1345 : memref<128000000xf32, #tpu.memory_space<hbm>>) dst(%dma_wait3A_1341 : memref<128xf32, #tpu.memory_space<vmem>>)
    %dma_wait3A_1346 = arith.constant 3 : i32
    %dma_wait3A_1347 = arith.constant 0 : i32
    %dma_wait3A_1348 = tpu.memref_slice %arg8[%dma_wait3A_1346, %dma_wait3A_1347] : memref<128x128xf32, #tpu.memory_space<vmem>> -> memref<1x128xf32, #tpu.memory_space<vmem>>
    %dma_wait3A_1349 = tpu.memref_squeeze %dma_wait3A_1348 : memref<1x128xf32, #tpu.memory_space<vmem>> -> memref<128xf32, #tpu.memory_space<vmem>>
    %dma_wait3A_1350 = arith.constant 384 : i32
    %dma_wait3A_1351 = tpu.memref_slice %arg7[%dma_wait3A_1350] : memref<16384xi32, #tpu.memory_space<vmem>> -> memref<128xi32, #tpu.memory_space<vmem>>
    %dma_wait3A_1352 = arith.constant 0 : i32
    %dma_wait3A_1353 = tpu.memref_slice %arg3[%dma_wait3A_1352] : memref<128000000xf32, #tpu.memory_space<hbm>> -> memref<128000000xf32, #tpu.memory_space<hbm>>
    tpu.wait_indirect_dma semaphore(%arg9 : memref<!tpu.dma_semaphore, #tpu.memory_space<semaphore_mem>>) src(%dma_wait3A_1353 : memref<128000000xf32, #tpu.memory_space<hbm>>) dst(%dma_wait3A_1349 : memref<128xf32, #tpu.memory_space<vmem>>)
    %dma_wait3A_1354 = arith.constant 4 : i32
    %dma_wait3A_1355 = arith.constant 0 : i32
    %dma_wait3A_1356 = tpu.memref_slice %arg8[%dma_wait3A_1354, %dma_wait3A_1355] : memref<128x128xf32, #tpu.memory_space<vmem>> -> memref<1x128xf32, #tpu.memory_space<vmem>>
    %dma_wait3A_1357 = tpu.memref_squeeze %dma_wait3A_1356 : memref<1x128xf32, #tpu.memory_space<vmem>> -> memref<128xf32, #tpu.memory_space<vmem>>
    %dma_wait3A_1358 = arith.constant 512 : i32
    %dma_wait3A_1359 = tpu.memref_slice %arg7[%dma_wait3A_1358] : memref<16384xi32, #tpu.memory_space<vmem>> -> memref<128xi32, #tpu.memory_space<vmem>>
    %dma_wait3A_1360 = arith.constant 0 : i32
    %dma_wait3A_1361 = tpu.memref_slice %arg3[%dma_wait3A_1360] : memref<128000000xf32, #tpu.memory_space<hbm>> -> memref<128000000xf32, #tpu.memory_space<hbm>>
    tpu.wait_indirect_dma semaphore(%arg9 : memref<!tpu.dma_semaphore, #tpu.memory_space<semaphore_mem>>) src(%dma_wait3A_1361 : memref<128000000xf32, #tpu.memory_space<hbm>>) dst(%dma_wait3A_1357 : memref<128xf32, #tpu.memory_space<vmem>>)
    %dma_wait3A_1362 = arith.constant 5 : i32
    %dma_wait3A_1363 = arith.constant 0 : i32
    %dma_wait3A_1364 = tpu.memref_slice %arg8[%dma_wait3A_1362, %dma_wait3A_1363] : memref<128x128xf32, #tpu.memory_space<vmem>> -> memref<1x128xf32, #tpu.memory_space<vmem>>
    %dma_wait3A_1365 = tpu.memref_squeeze %dma_wait3A_1364 : memref<1x128xf32, #tpu.memory_space<vmem>> -> memref<128xf32, #tpu.memory_space<vmem>>
    %dma_wait3A_1366 = arith.constant 640 : i32
    %dma_wait3A_1367 = tpu.memref_slice %arg7[%dma_wait3A_1366] : memref<16384xi32, #tpu.memory_space<vmem>> -> memref<128xi32, #tpu.memory_space<vmem>>
    %dma_wait3A_1368 = arith.constant 0 : i32
    %dma_wait3A_1369 = tpu.memref_slice %arg3[%dma_wait3A_1368] : memref<128000000xf32, #tpu.memory_space<hbm>> -> memref<128000000xf32, #tpu.memory_space<hbm>>
    tpu.wait_indirect_dma semaphore(%arg9 : memref<!tpu.dma_semaphore, #tpu.memory_space<semaphore_mem>>) src(%dma_wait3A_1369 : memref<128000000xf32, #tpu.memory_space<hbm>>) dst(%dma_wait3A_1365 : memref<128xf32, #tpu.memory_space<vmem>>)
    %dma_wait3A_1370 = arith.constant 6 : i32
    %dma_wait3A_1371 = arith.constant 0 : i32
    %dma_wait3A_1372 = tpu.memref_slice %arg8[%dma_wait3A_1370, %dma_wait3A_1371] : memref<128x128xf32, #tpu.memory_space<vmem>> -> memref<1x128xf32, #tpu.memory_space<vmem>>
    %dma_wait3A_1373 = tpu.memref_squeeze %dma_wait3A_1372 : memref<1x128xf32, #tpu.memory_space<vmem>> -> memref<128xf32, #tpu.memory_space<vmem>>
    %dma_wait3A_1374 = arith.constant 768 : i32
    %dma_wait3A_1375 = tpu.memref_slice %arg7[%dma_wait3A_1374] : memref<16384xi32, #tpu.memory_space<vmem>> -> memref<128xi32, #tpu.memory_space<vmem>>
    %dma_wait3A_1376 = arith.constant 0 : i32
    %dma_wait3A_1377 = tpu.memref_slice %arg3[%dma_wait3A_1376] : memref<128000000xf32, #tpu.memory_space<hbm>> -> memref<128000000xf32, #tpu.memory_space<hbm>>
    tpu.wait_indirect_dma semaphore(%arg9 : memref<!tpu.dma_semaphore, #tpu.memory_space<semaphore_mem>>) src(%dma_wait3A_1377 : memref<128000000xf32, #tpu.memory_space<hbm>>) dst(%dma_wait3A_1373 : memref<128xf32, #tpu.memory_space<vmem>>)
    %dma_wait3A_1378 = arith.constant 7 : i32
    %dma_wait3A_1379 = arith.constant 0 : i32
    %dma_wait3A_1380 = tpu.memref_slice %arg8[%dma_wait3A_1378, %dma_wait3A_1379] : memref<128x128xf32, #tpu.memory_space<vmem>> -> memref<1x128xf32, #tpu.memory_space<vmem>>
    %dma_wait3A_1381 = tpu.memref_squeeze %dma_wait3A_1380 : memref<1x128xf32, #tpu.memory_space<vmem>> -> memref<128xf32, #tpu.memory_space<vmem>>
    %dma_wait3A_1382 = arith.constant 896 : i32
    %dma_wait3A_1383 = tpu.memref_slice %arg7[%dma_wait3A_1382] : memref<16384xi32, #tpu.memory_space<vmem>> -> memref<128xi32, #tpu.memory_space<vmem>>
    %dma_wait3A_1384 = arith.constant 0 : i32
    %dma_wait3A_1385 = tpu.memref_slice %arg3[%dma_wait3A_1384] : memref<128000000xf32, #tpu.memory_space<hbm>> -> memref<128000000xf32, #tpu.memory_space<hbm>>
    tpu.wait_indirect_dma semaphore(%arg9 : memref<!tpu.dma_semaphore, #tpu.memory_space<semaphore_mem>>) src(%dma_wait3A_1385 : memref<128000000xf32, #tpu.memory_space<hbm>>) dst(%dma_wait3A_1381 : memref<128xf32, #tpu.memory_space<vmem>>)
    %dma_wait3A_1386 = arith.constant 8 : i32
    %dma_wait3A_1387 = arith.constant 0 : i32
    %dma_wait3A_1388 = tpu.memref_slice %arg8[%dma_wait3A_1386, %dma_wait3A_1387] : memref<128x128xf32, #tpu.memory_space<vmem>> -> memref<1x128xf32, #tpu.memory_space<vmem>>
    %dma_wait3A_1389 = tpu.memref_squeeze %dma_wait3A_1388 : memref<1x128xf32, #tpu.memory_space<vmem>> -> memref<128xf32, #tpu.memory_space<vmem>>
    %dma_wait3A_1390 = arith.constant 1024 : i32
    %dma_wait3A_1391 = tpu.memref_slice %arg7[%dma_wait3A_1390] : memref<16384xi32, #tpu.memory_space<vmem>> -> memref<128xi32, #tpu.memory_space<vmem>>
    %dma_wait3A_1392 = arith.constant 0 : i32
    %dma_wait3A_1393 = tpu.memref_slice %arg3[%dma_wait3A_1392] : memref<128000000xf32, #tpu.memory_space<hbm>> -> memref<128000000xf32, #tpu.memory_space<hbm>>
    tpu.wait_indirect_dma semaphore(%arg9 : memref<!tpu.dma_semaphore, #tpu.memory_space<semaphore_mem>>) src(%dma_wait3A_1393 : memref<128000000xf32, #tpu.memory_space<hbm>>) dst(%dma_wait3A_1389 : memref<128xf32, #tpu.memory_space<vmem>>)
    %dma_wait3A_1394 = arith.constant 9 : i32
    %dma_wait3A_1395 = arith.constant 0 : i32
    %dma_wait3A_1396 = tpu.memref_slice %arg8[%dma_wait3A_1394, %dma_wait3A_1395] : memref<128x128xf32, #tpu.memory_space<vmem>> -> memref<1x128xf32, #tpu.memory_space<vmem>>
    %dma_wait3A_1397 = tpu.memref_squeeze %dma_wait3A_1396 : memref<1x128xf32, #tpu.memory_space<vmem>> -> memref<128xf32, #tpu.memory_space<vmem>>
    %dma_wait3A_1398 = arith.constant 1152 : i32
    %dma_wait3A_1399 = tpu.memref_slice %arg7[%dma_wait3A_1398] : memref<16384xi32, #tpu.memory_space<vmem>> -> memref<128xi32, #tpu.memory_space<vmem>>
    %dma_wait3A_1400 = arith.constant 0 : i32
    %dma_wait3A_1401 = tpu.memref_slice %arg3[%dma_wait3A_1400] : memref<128000000xf32, #tpu.memory_space<hbm>> -> memref<128000000xf32, #tpu.memory_space<hbm>>
    tpu.wait_indirect_dma semaphore(%arg9 : memref<!tpu.dma_semaphore, #tpu.memory_space<semaphore_mem>>) src(%dma_wait3A_1401 : memref<128000000xf32, #tpu.memory_space<hbm>>) dst(%dma_wait3A_1397 : memref<128xf32, #tpu.memory_space<vmem>>)
    %dma_wait3A_1402 = arith.constant 10 : i32
    %dma_wait3A_1403 = arith.constant 0 : i32
    %dma_wait3A_1404 = tpu.memref_slice %arg8[%dma_wait3A_1402, %dma_wait3A_1403] : memref<128x128xf32, #tpu.memory_space<vmem>> -> memref<1x128xf32, #tpu.memory_space<vmem>>
    %dma_wait3A_1405 = tpu.memref_squeeze %dma_wait3A_1404 : memref<1x128xf32, #tpu.memory_space<vmem>> -> memref<128xf32, #tpu.memory_space<vmem>>
    %dma_wait3A_1406 = arith.constant 1280 : i32
    %dma_wait3A_1407 = tpu.memref_slice %arg7[%dma_wait3A_1406] : memref<16384xi32, #tpu.memory_space<vmem>> -> memref<128xi32, #tpu.memory_space<vmem>>
    %dma_wait3A_1408 = arith.constant 0 : i32
    %dma_wait3A_1409 = tpu.memref_slice %arg3[%dma_wait3A_1408] : memref<128000000xf32, #tpu.memory_space<hbm>> -> memref<128000000xf32, #tpu.memory_space<hbm>>
    tpu.wait_indirect_dma semaphore(%arg9 : memref<!tpu.dma_semaphore, #tpu.memory_space<semaphore_mem>>) src(%dma_wait3A_1409 : memref<128000000xf32, #tpu.memory_space<hbm>>) dst(%dma_wait3A_1405 : memref<128xf32, #tpu.memory_space<vmem>>)
    %dma_wait3A_1410 = arith.constant 11 : i32
    %dma_wait3A_1411 = arith.constant 0 : i32
    %dma_wait3A_1412 = tpu.memref_slice %arg8[%dma_wait3A_1410, %dma_wait3A_1411] : memref<128x128xf32, #tpu.memory_space<vmem>> -> memref<1x128xf32, #tpu.memory_space<vmem>>
    %dma_wait3A_1413 = tpu.memref_squeeze %dma_wait3A_1412 : memref<1x128xf32, #tpu.memory_space<vmem>> -> memref<128xf32, #tpu.memory_space<vmem>>
    %dma_wait3A_1414 = arith.constant 1408 : i32
    %dma_wait3A_1415 = tpu.memref_slice %arg7[%dma_wait3A_1414] : memref<16384xi32, #tpu.memory_space<vmem>> -> memref<128xi32, #tpu.memory_space<vmem>>
    %dma_wait3A_1416 = arith.constant 0 : i32
    %dma_wait3A_1417 = tpu.memref_slice %arg3[%dma_wait3A_1416] : memref<128000000xf32, #tpu.memory_space<hbm>> -> memref<128000000xf32, #tpu.memory_space<hbm>>
    tpu.wait_indirect_dma semaphore(%arg9 : memref<!tpu.dma_semaphore, #tpu.memory_space<semaphore_mem>>) src(%dma_wait3A_1417 : memref<128000000xf32, #tpu.memory_space<hbm>>) dst(%dma_wait3A_1413 : memref<128xf32, #tpu.memory_space<vmem>>)
    %dma_wait3A_1418 = arith.constant 12 : i32
    %dma_wait3A_1419 = arith.constant 0 : i32
    %dma_wait3A_1420 = tpu.memref_slice %arg8[%dma_wait3A_1418, %dma_wait3A_1419] : memref<128x128xf32, #tpu.memory_space<vmem>> -> memref<1x128xf32, #tpu.memory_space<vmem>>
    %dma_wait3A_1421 = tpu.memref_squeeze %dma_wait3A_1420 : memref<1x128xf32, #tpu.memory_space<vmem>> -> memref<128xf32, #tpu.memory_space<vmem>>
    %dma_wait3A_1422 = arith.constant 1536 : i32
    %dma_wait3A_1423 = tpu.memref_slice %arg7[%dma_wait3A_1422] : memref<16384xi32, #tpu.memory_space<vmem>> -> memref<128xi32, #tpu.memory_space<vmem>>
    %dma_wait3A_1424 = arith.constant 0 : i32
    %dma_wait3A_1425 = tpu.memref_slice %arg3[%dma_wait3A_1424] : memref<128000000xf32, #tpu.memory_space<hbm>> -> memref<128000000xf32, #tpu.memory_space<hbm>>
    tpu.wait_indirect_dma semaphore(%arg9 : memref<!tpu.dma_semaphore, #tpu.memory_space<semaphore_mem>>) src(%dma_wait3A_1425 : memref<128000000xf32, #tpu.memory_space<hbm>>) dst(%dma_wait3A_1421 : memref<128xf32, #tpu.memory_space<vmem>>)
    %dma_wait3A_1426 = arith.constant 13 : i32
    %dma_wait3A_1427 = arith.constant 0 : i32
    %dma_wait3A_1428 = tpu.memref_slice %arg8[%dma_wait3A_1426, %dma_wait3A_1427] : memref<128x128xf32, #tpu.memory_space<vmem>> -> memref<1x128xf32, #tpu.memory_space<vmem>>
    %dma_wait3A_1429 = tpu.memref_squeeze %dma_wait3A_1428 : memref<1x128xf32, #tpu.memory_space<vmem>> -> memref<128xf32, #tpu.memory_space<vmem>>
    %dma_wait3A_1430 = arith.constant 1664 : i32
    %dma_wait3A_1431 = tpu.memref_slice %arg7[%dma_wait3A_1430] : memref<16384xi32, #tpu.memory_space<vmem>> -> memref<128xi32, #tpu.memory_space<vmem>>
    %dma_wait3A_1432 = arith.constant 0 : i32
    %dma_wait3A_1433 = tpu.memref_slice %arg3[%dma_wait3A_1432] : memref<128000000xf32, #tpu.memory_space<hbm>> -> memref<128000000xf32, #tpu.memory_space<hbm>>
    tpu.wait_indirect_dma semaphore(%arg9 : memref<!tpu.dma_semaphore, #tpu.memory_space<semaphore_mem>>) src(%dma_wait3A_1433 : memref<128000000xf32, #tpu.memory_space<hbm>>) dst(%dma_wait3A_1429 : memref<128xf32, #tpu.memory_space<vmem>>)
    %dma_wait3A_1434 = arith.constant 14 : i32
    %dma_wait3A_1435 = arith.constant 0 : i32
    %dma_wait3A_1436 = tpu.memref_slice %arg8[%dma_wait3A_1434, %dma_wait3A_1435] : memref<128x128xf32, #tpu.memory_space<vmem>> -> memref<1x128xf32, #tpu.memory_space<vmem>>
    %dma_wait3A_1437 = tpu.memref_squeeze %dma_wait3A_1436 : memref<1x128xf32, #tpu.memory_space<vmem>> -> memref<128xf32, #tpu.memory_space<vmem>>
    %dma_wait3A_1438 = arith.constant 1792 : i32
    %dma_wait3A_1439 = tpu.memref_slice %arg7[%dma_wait3A_1438] : memref<16384xi32, #tpu.memory_space<vmem>> -> memref<128xi32, #tpu.memory_space<vmem>>
    %dma_wait3A_1440 = arith.constant 0 : i32
    %dma_wait3A_1441 = tpu.memref_slice %arg3[%dma_wait3A_1440] : memref<128000000xf32, #tpu.memory_space<hbm>> -> memref<128000000xf32, #tpu.memory_space<hbm>>
    tpu.wait_indirect_dma semaphore(%arg9 : memref<!tpu.dma_semaphore, #tpu.memory_space<semaphore_mem>>) src(%dma_wait3A_1441 : memref<128000000xf32, #tpu.memory_space<hbm>>) dst(%dma_wait3A_1437 : memref<128xf32, #tpu.memory_space<vmem>>)
    %dma_wait3A_1442 = arith.constant 15 : i32
    %dma_wait3A_1443 = arith.constant 0 : i32
    %dma_wait3A_1444 = tpu.memref_slice %arg8[%dma_wait3A_1442, %dma_wait3A_1443] : memref<128x128xf32, #tpu.memory_space<vmem>> -> memref<1x128xf32, #tpu.memory_space<vmem>>
    %dma_wait3A_1445 = tpu.memref_squeeze %dma_wait3A_1444 : memref<1x128xf32, #tpu.memory_space<vmem>> -> memref<128xf32, #tpu.memory_space<vmem>>
    %dma_wait3A_1446 = arith.constant 1920 : i32
    %dma_wait3A_1447 = tpu.memref_slice %arg7[%dma_wait3A_1446] : memref<16384xi32, #tpu.memory_space<vmem>> -> memref<128xi32, #tpu.memory_space<vmem>>
    %dma_wait3A_1448 = arith.constant 0 : i32
    %dma_wait3A_1449 = tpu.memref_slice %arg3[%dma_wait3A_1448] : memref<128000000xf32, #tpu.memory_space<hbm>> -> memref<128000000xf32, #tpu.memory_space<hbm>>
    tpu.wait_indirect_dma semaphore(%arg9 : memref<!tpu.dma_semaphore, #tpu.memory_space<semaphore_mem>>) src(%dma_wait3A_1449 : memref<128000000xf32, #tpu.memory_space<hbm>>) dst(%dma_wait3A_1445 : memref<128xf32, #tpu.memory_space<vmem>>)
    %dma_wait3A_1450 = arith.constant 16 : i32
    %dma_wait3A_1451 = arith.constant 0 : i32
    %dma_wait3A_1452 = tpu.memref_slice %arg8[%dma_wait3A_1450, %dma_wait3A_1451] : memref<128x128xf32, #tpu.memory_space<vmem>> -> memref<1x128xf32, #tpu.memory_space<vmem>>
    %dma_wait3A_1453 = tpu.memref_squeeze %dma_wait3A_1452 : memref<1x128xf32, #tpu.memory_space<vmem>> -> memref<128xf32, #tpu.memory_space<vmem>>
    %dma_wait3A_1454 = arith.constant 2048 : i32
    %dma_wait3A_1455 = tpu.memref_slice %arg7[%dma_wait3A_1454] : memref<16384xi32, #tpu.memory_space<vmem>> -> memref<128xi32, #tpu.memory_space<vmem>>
    %dma_wait3A_1456 = arith.constant 0 : i32
    %dma_wait3A_1457 = tpu.memref_slice %arg3[%dma_wait3A_1456] : memref<128000000xf32, #tpu.memory_space<hbm>> -> memref<128000000xf32, #tpu.memory_space<hbm>>
    tpu.wait_indirect_dma semaphore(%arg9 : memref<!tpu.dma_semaphore, #tpu.memory_space<semaphore_mem>>) src(%dma_wait3A_1457 : memref<128000000xf32, #tpu.memory_space<hbm>>) dst(%dma_wait3A_1453 : memref<128xf32, #tpu.memory_space<vmem>>)
    %dma_wait3A_1458 = arith.constant 17 : i32
    %dma_wait3A_1459 = arith.constant 0 : i32
    %dma_wait3A_1460 = tpu.memref_slice %arg8[%dma_wait3A_1458, %dma_wait3A_1459] : memref<128x128xf32, #tpu.memory_space<vmem>> -> memref<1x128xf32, #tpu.memory_space<vmem>>
    %dma_wait3A_1461 = tpu.memref_squeeze %dma_wait3A_1460 : memref<1x128xf32, #tpu.memory_space<vmem>> -> memref<128xf32, #tpu.memory_space<vmem>>
    %dma_wait3A_1462 = arith.constant 2176 : i32
    %dma_wait3A_1463 = tpu.memref_slice %arg7[%dma_wait3A_1462] : memref<16384xi32, #tpu.memory_space<vmem>> -> memref<128xi32, #tpu.memory_space<vmem>>
    %dma_wait3A_1464 = arith.constant 0 : i32
    %dma_wait3A_1465 = tpu.memref_slice %arg3[%dma_wait3A_1464] : memref<128000000xf32, #tpu.memory_space<hbm>> -> memref<128000000xf32, #tpu.memory_space<hbm>>
    tpu.wait_indirect_dma semaphore(%arg9 : memref<!tpu.dma_semaphore, #tpu.memory_space<semaphore_mem>>) src(%dma_wait3A_1465 : memref<128000000xf32, #tpu.memory_space<hbm>>) dst(%dma_wait3A_1461 : memref<128xf32, #tpu.memory_space<vmem>>)
    %dma_wait3A_1466 = arith.constant 18 : i32
    %dma_wait3A_1467 = arith.constant 0 : i32
    %dma_wait3A_1468 = tpu.memref_slice %arg8[%dma_wait3A_1466, %dma_wait3A_1467] : memref<128x128xf32, #tpu.memory_space<vmem>> -> memref<1x128xf32, #tpu.memory_space<vmem>>
    %dma_wait3A_1469 = tpu.memref_squeeze %dma_wait3A_1468 : memref<1x128xf32, #tpu.memory_space<vmem>> -> memref<128xf32, #tpu.memory_space<vmem>>
    %dma_wait3A_1470 = arith.constant 2304 : i32
    %dma_wait3A_1471 = tpu.memref_slice %arg7[%dma_wait3A_1470] : memref<16384xi32, #tpu.memory_space<vmem>> -> memref<128xi32, #tpu.memory_space<vmem>>
    %dma_wait3A_1472 = arith.constant 0 : i32
    %dma_wait3A_1473 = tpu.memref_slice %arg3[%dma_wait3A_1472] : memref<128000000xf32, #tpu.memory_space<hbm>> -> memref<128000000xf32, #tpu.memory_space<hbm>>
    tpu.wait_indirect_dma semaphore(%arg9 : memref<!tpu.dma_semaphore, #tpu.memory_space<semaphore_mem>>) src(%dma_wait3A_1473 : memref<128000000xf32, #tpu.memory_space<hbm>>) dst(%dma_wait3A_1469 : memref<128xf32, #tpu.memory_space<vmem>>)
    %dma_wait3A_1474 = arith.constant 19 : i32
    %dma_wait3A_1475 = arith.constant 0 : i32
    %dma_wait3A_1476 = tpu.memref_slice %arg8[%dma_wait3A_1474, %dma_wait3A_1475] : memref<128x128xf32, #tpu.memory_space<vmem>> -> memref<1x128xf32, #tpu.memory_space<vmem>>
    %dma_wait3A_1477 = tpu.memref_squeeze %dma_wait3A_1476 : memref<1x128xf32, #tpu.memory_space<vmem>> -> memref<128xf32, #tpu.memory_space<vmem>>
    %dma_wait3A_1478 = arith.constant 2432 : i32
    %dma_wait3A_1479 = tpu.memref_slice %arg7[%dma_wait3A_1478] : memref<16384xi32, #tpu.memory_space<vmem>> -> memref<128xi32, #tpu.memory_space<vmem>>
    %dma_wait3A_1480 = arith.constant 0 : i32
    %dma_wait3A_1481 = tpu.memref_slice %arg3[%dma_wait3A_1480] : memref<128000000xf32, #tpu.memory_space<hbm>> -> memref<128000000xf32, #tpu.memory_space<hbm>>
    tpu.wait_indirect_dma semaphore(%arg9 : memref<!tpu.dma_semaphore, #tpu.memory_space<semaphore_mem>>) src(%dma_wait3A_1481 : memref<128000000xf32, #tpu.memory_space<hbm>>) dst(%dma_wait3A_1477 : memref<128xf32, #tpu.memory_space<vmem>>)
    %dma_wait3A_1482 = arith.constant 20 : i32
    %dma_wait3A_1483 = arith.constant 0 : i32
    %dma_wait3A_1484 = tpu.memref_slice %arg8[%dma_wait3A_1482, %dma_wait3A_1483] : memref<128x128xf32, #tpu.memory_space<vmem>> -> memref<1x128xf32, #tpu.memory_space<vmem>>
    %dma_wait3A_1485 = tpu.memref_squeeze %dma_wait3A_1484 : memref<1x128xf32, #tpu.memory_space<vmem>> -> memref<128xf32, #tpu.memory_space<vmem>>
    %dma_wait3A_1486 = arith.constant 2560 : i32
    %dma_wait3A_1487 = tpu.memref_slice %arg7[%dma_wait3A_1486] : memref<16384xi32, #tpu.memory_space<vmem>> -> memref<128xi32, #tpu.memory_space<vmem>>
    %dma_wait3A_1488 = arith.constant 0 : i32
    %dma_wait3A_1489 = tpu.memref_slice %arg3[%dma_wait3A_1488] : memref<128000000xf32, #tpu.memory_space<hbm>> -> memref<128000000xf32, #tpu.memory_space<hbm>>
    tpu.wait_indirect_dma semaphore(%arg9 : memref<!tpu.dma_semaphore, #tpu.memory_space<semaphore_mem>>) src(%dma_wait3A_1489 : memref<128000000xf32, #tpu.memory_space<hbm>>) dst(%dma_wait3A_1485 : memref<128xf32, #tpu.memory_space<vmem>>)
    %dma_wait3A_1490 = arith.constant 21 : i32
    %dma_wait3A_1491 = arith.constant 0 : i32
    %dma_wait3A_1492 = tpu.memref_slice %arg8[%dma_wait3A_1490, %dma_wait3A_1491] : memref<128x128xf32, #tpu.memory_space<vmem>> -> memref<1x128xf32, #tpu.memory_space<vmem>>
    %dma_wait3A_1493 = tpu.memref_squeeze %dma_wait3A_1492 : memref<1x128xf32, #tpu.memory_space<vmem>> -> memref<128xf32, #tpu.memory_space<vmem>>
    %dma_wait3A_1494 = arith.constant 2688 : i32
    %dma_wait3A_1495 = tpu.memref_slice %arg7[%dma_wait3A_1494] : memref<16384xi32, #tpu.memory_space<vmem>> -> memref<128xi32, #tpu.memory_space<vmem>>
    %dma_wait3A_1496 = arith.constant 0 : i32
    %dma_wait3A_1497 = tpu.memref_slice %arg3[%dma_wait3A_1496] : memref<128000000xf32, #tpu.memory_space<hbm>> -> memref<128000000xf32, #tpu.memory_space<hbm>>
    tpu.wait_indirect_dma semaphore(%arg9 : memref<!tpu.dma_semaphore, #tpu.memory_space<semaphore_mem>>) src(%dma_wait3A_1497 : memref<128000000xf32, #tpu.memory_space<hbm>>) dst(%dma_wait3A_1493 : memref<128xf32, #tpu.memory_space<vmem>>)
    %dma_wait3A_1498 = arith.constant 22 : i32
    %dma_wait3A_1499 = arith.constant 0 : i32
    %dma_wait3A_1500 = tpu.memref_slice %arg8[%dma_wait3A_1498, %dma_wait3A_1499] : memref<128x128xf32, #tpu.memory_space<vmem>> -> memref<1x128xf32, #tpu.memory_space<vmem>>
    %dma_wait3A_1501 = tpu.memref_squeeze %dma_wait3A_1500 : memref<1x128xf32, #tpu.memory_space<vmem>> -> memref<128xf32, #tpu.memory_space<vmem>>
    %dma_wait3A_1502 = arith.constant 2816 : i32
    %dma_wait3A_1503 = tpu.memref_slice %arg7[%dma_wait3A_1502] : memref<16384xi32, #tpu.memory_space<vmem>> -> memref<128xi32, #tpu.memory_space<vmem>>
    %dma_wait3A_1504 = arith.constant 0 : i32
    %dma_wait3A_1505 = tpu.memref_slice %arg3[%dma_wait3A_1504] : memref<128000000xf32, #tpu.memory_space<hbm>> -> memref<128000000xf32, #tpu.memory_space<hbm>>
    tpu.wait_indirect_dma semaphore(%arg9 : memref<!tpu.dma_semaphore, #tpu.memory_space<semaphore_mem>>) src(%dma_wait3A_1505 : memref<128000000xf32, #tpu.memory_space<hbm>>) dst(%dma_wait3A_1501 : memref<128xf32, #tpu.memory_space<vmem>>)
    %dma_wait3A_1506 = arith.constant 23 : i32
    %dma_wait3A_1507 = arith.constant 0 : i32
    %dma_wait3A_1508 = tpu.memref_slice %arg8[%dma_wait3A_1506, %dma_wait3A_1507] : memref<128x128xf32, #tpu.memory_space<vmem>> -> memref<1x128xf32, #tpu.memory_space<vmem>>
    %dma_wait3A_1509 = tpu.memref_squeeze %dma_wait3A_1508 : memref<1x128xf32, #tpu.memory_space<vmem>> -> memref<128xf32, #tpu.memory_space<vmem>>
    %dma_wait3A_1510 = arith.constant 2944 : i32
    %dma_wait3A_1511 = tpu.memref_slice %arg7[%dma_wait3A_1510] : memref<16384xi32, #tpu.memory_space<vmem>> -> memref<128xi32, #tpu.memory_space<vmem>>
    %dma_wait3A_1512 = arith.constant 0 : i32
    %dma_wait3A_1513 = tpu.memref_slice %arg3[%dma_wait3A_1512] : memref<128000000xf32, #tpu.memory_space<hbm>> -> memref<128000000xf32, #tpu.memory_space<hbm>>
    tpu.wait_indirect_dma semaphore(%arg9 : memref<!tpu.dma_semaphore, #tpu.memory_space<semaphore_mem>>) src(%dma_wait3A_1513 : memref<128000000xf32, #tpu.memory_space<hbm>>) dst(%dma_wait3A_1509 : memref<128xf32, #tpu.memory_space<vmem>>)
    %dma_wait3A_1514 = arith.constant 24 : i32
    %dma_wait3A_1515 = arith.constant 0 : i32
    %dma_wait3A_1516 = tpu.memref_slice %arg8[%dma_wait3A_1514, %dma_wait3A_1515] : memref<128x128xf32, #tpu.memory_space<vmem>> -> memref<1x128xf32, #tpu.memory_space<vmem>>
    %dma_wait3A_1517 = tpu.memref_squeeze %dma_wait3A_1516 : memref<1x128xf32, #tpu.memory_space<vmem>> -> memref<128xf32, #tpu.memory_space<vmem>>
    %dma_wait3A_1518 = arith.constant 3072 : i32
    %dma_wait3A_1519 = tpu.memref_slice %arg7[%dma_wait3A_1518] : memref<16384xi32, #tpu.memory_space<vmem>> -> memref<128xi32, #tpu.memory_space<vmem>>
    %dma_wait3A_1520 = arith.constant 0 : i32
    %dma_wait3A_1521 = tpu.memref_slice %arg3[%dma_wait3A_1520] : memref<128000000xf32, #tpu.memory_space<hbm>> -> memref<128000000xf32, #tpu.memory_space<hbm>>
    tpu.wait_indirect_dma semaphore(%arg9 : memref<!tpu.dma_semaphore, #tpu.memory_space<semaphore_mem>>) src(%dma_wait3A_1521 : memref<128000000xf32, #tpu.memory_space<hbm>>) dst(%dma_wait3A_1517 : memref<128xf32, #tpu.memory_space<vmem>>)
    %dma_wait3A_1522 = arith.constant 25 : i32
    %dma_wait3A_1523 = arith.constant 0 : i32
    %dma_wait3A_1524 = tpu.memref_slice %arg8[%dma_wait3A_1522, %dma_wait3A_1523] : memref<128x128xf32, #tpu.memory_space<vmem>> -> memref<1x128xf32, #tpu.memory_space<vmem>>
    %dma_wait3A_1525 = tpu.memref_squeeze %dma_wait3A_1524 : memref<1x128xf32, #tpu.memory_space<vmem>> -> memref<128xf32, #tpu.memory_space<vmem>>
    %dma_wait3A_1526 = arith.constant 3200 : i32
    %dma_wait3A_1527 = tpu.memref_slice %arg7[%dma_wait3A_1526] : memref<16384xi32, #tpu.memory_space<vmem>> -> memref<128xi32, #tpu.memory_space<vmem>>
    %dma_wait3A_1528 = arith.constant 0 : i32
    %dma_wait3A_1529 = tpu.memref_slice %arg3[%dma_wait3A_1528] : memref<128000000xf32, #tpu.memory_space<hbm>> -> memref<128000000xf32, #tpu.memory_space<hbm>>
    tpu.wait_indirect_dma semaphore(%arg9 : memref<!tpu.dma_semaphore, #tpu.memory_space<semaphore_mem>>) src(%dma_wait3A_1529 : memref<128000000xf32, #tpu.memory_space<hbm>>) dst(%dma_wait3A_1525 : memref<128xf32, #tpu.memory_space<vmem>>)
    %dma_wait3A_1530 = arith.constant 26 : i32
    %dma_wait3A_1531 = arith.constant 0 : i32
    %dma_wait3A_1532 = tpu.memref_slice %arg8[%dma_wait3A_1530, %dma_wait3A_1531] : memref<128x128xf32, #tpu.memory_space<vmem>> -> memref<1x128xf32, #tpu.memory_space<vmem>>
    %dma_wait3A_1533 = tpu.memref_squeeze %dma_wait3A_1532 : memref<1x128xf32, #tpu.memory_space<vmem>> -> memref<128xf32, #tpu.memory_space<vmem>>
    %dma_wait3A_1534 = arith.constant 3328 : i32
    %dma_wait3A_1535 = tpu.memref_slice %arg7[%dma_wait3A_1534] : memref<16384xi32, #tpu.memory_space<vmem>> -> memref<128xi32, #tpu.memory_space<vmem>>
    %dma_wait3A_1536 = arith.constant 0 : i32
    %dma_wait3A_1537 = tpu.memref_slice %arg3[%dma_wait3A_1536] : memref<128000000xf32, #tpu.memory_space<hbm>> -> memref<128000000xf32, #tpu.memory_space<hbm>>
    tpu.wait_indirect_dma semaphore(%arg9 : memref<!tpu.dma_semaphore, #tpu.memory_space<semaphore_mem>>) src(%dma_wait3A_1537 : memref<128000000xf32, #tpu.memory_space<hbm>>) dst(%dma_wait3A_1533 : memref<128xf32, #tpu.memory_space<vmem>>)
    %dma_wait3A_1538 = arith.constant 27 : i32
    %dma_wait3A_1539 = arith.constant 0 : i32
    %dma_wait3A_1540 = tpu.memref_slice %arg8[%dma_wait3A_1538, %dma_wait3A_1539] : memref<128x128xf32, #tpu.memory_space<vmem>> -> memref<1x128xf32, #tpu.memory_space<vmem>>
    %dma_wait3A_1541 = tpu.memref_squeeze %dma_wait3A_1540 : memref<1x128xf32, #tpu.memory_space<vmem>> -> memref<128xf32, #tpu.memory_space<vmem>>
    %dma_wait3A_1542 = arith.constant 3456 : i32
    %dma_wait3A_1543 = tpu.memref_slice %arg7[%dma_wait3A_1542] : memref<16384xi32, #tpu.memory_space<vmem>> -> memref<128xi32, #tpu.memory_space<vmem>>
    %dma_wait3A_1544 = arith.constant 0 : i32
    %dma_wait3A_1545 = tpu.memref_slice %arg3[%dma_wait3A_1544] : memref<128000000xf32, #tpu.memory_space<hbm>> -> memref<128000000xf32, #tpu.memory_space<hbm>>
    tpu.wait_indirect_dma semaphore(%arg9 : memref<!tpu.dma_semaphore, #tpu.memory_space<semaphore_mem>>) src(%dma_wait3A_1545 : memref<128000000xf32, #tpu.memory_space<hbm>>) dst(%dma_wait3A_1541 : memref<128xf32, #tpu.memory_space<vmem>>)
    %dma_wait3A_1546 = arith.constant 28 : i32
    %dma_wait3A_1547 = arith.constant 0 : i32
    %dma_wait3A_1548 = tpu.memref_slice %arg8[%dma_wait3A_1546, %dma_wait3A_1547] : memref<128x128xf32, #tpu.memory_space<vmem>> -> memref<1x128xf32, #tpu.memory_space<vmem>>
    %dma_wait3A_1549 = tpu.memref_squeeze %dma_wait3A_1548 : memref<1x128xf32, #tpu.memory_space<vmem>> -> memref<128xf32, #tpu.memory_space<vmem>>
    %dma_wait3A_1550 = arith.constant 3584 : i32
    %dma_wait3A_1551 = tpu.memref_slice %arg7[%dma_wait3A_1550] : memref<16384xi32, #tpu.memory_space<vmem>> -> memref<128xi32, #tpu.memory_space<vmem>>
    %dma_wait3A_1552 = arith.constant 0 : i32
    %dma_wait3A_1553 = tpu.memref_slice %arg3[%dma_wait3A_1552] : memref<128000000xf32, #tpu.memory_space<hbm>> -> memref<128000000xf32, #tpu.memory_space<hbm>>
    tpu.wait_indirect_dma semaphore(%arg9 : memref<!tpu.dma_semaphore, #tpu.memory_space<semaphore_mem>>) src(%dma_wait3A_1553 : memref<128000000xf32, #tpu.memory_space<hbm>>) dst(%dma_wait3A_1549 : memref<128xf32, #tpu.memory_space<vmem>>)
    %dma_wait3A_1554 = arith.constant 29 : i32
    %dma_wait3A_1555 = arith.constant 0 : i32
    %dma_wait3A_1556 = tpu.memref_slice %arg8[%dma_wait3A_1554, %dma_wait3A_1555] : memref<128x128xf32, #tpu.memory_space<vmem>> -> memref<1x128xf32, #tpu.memory_space<vmem>>
    %dma_wait3A_1557 = tpu.memref_squeeze %dma_wait3A_1556 : memref<1x128xf32, #tpu.memory_space<vmem>> -> memref<128xf32, #tpu.memory_space<vmem>>
    %dma_wait3A_1558 = arith.constant 3712 : i32
    %dma_wait3A_1559 = tpu.memref_slice %arg7[%dma_wait3A_1558] : memref<16384xi32, #tpu.memory_space<vmem>> -> memref<128xi32, #tpu.memory_space<vmem>>
    %dma_wait3A_1560 = arith.constant 0 : i32
    %dma_wait3A_1561 = tpu.memref_slice %arg3[%dma_wait3A_1560] : memref<128000000xf32, #tpu.memory_space<hbm>> -> memref<128000000xf32, #tpu.memory_space<hbm>>
    tpu.wait_indirect_dma semaphore(%arg9 : memref<!tpu.dma_semaphore, #tpu.memory_space<semaphore_mem>>) src(%dma_wait3A_1561 : memref<128000000xf32, #tpu.memory_space<hbm>>) dst(%dma_wait3A_1557 : memref<128xf32, #tpu.memory_space<vmem>>)
    %dma_wait3A_1562 = arith.constant 30 : i32
    %dma_wait3A_1563 = arith.constant 0 : i32
    %dma_wait3A_1564 = tpu.memref_slice %arg8[%dma_wait3A_1562, %dma_wait3A_1563] : memref<128x128xf32, #tpu.memory_space<vmem>> -> memref<1x128xf32, #tpu.memory_space<vmem>>
    %dma_wait3A_1565 = tpu.memref_squeeze %dma_wait3A_1564 : memref<1x128xf32, #tpu.memory_space<vmem>> -> memref<128xf32, #tpu.memory_space<vmem>>
    %dma_wait3A_1566 = arith.constant 3840 : i32
    %dma_wait3A_1567 = tpu.memref_slice %arg7[%dma_wait3A_1566] : memref<16384xi32, #tpu.memory_space<vmem>> -> memref<128xi32, #tpu.memory_space<vmem>>
    %dma_wait3A_1568 = arith.constant 0 : i32
    %dma_wait3A_1569 = tpu.memref_slice %arg3[%dma_wait3A_1568] : memref<128000000xf32, #tpu.memory_space<hbm>> -> memref<128000000xf32, #tpu.memory_space<hbm>>
    tpu.wait_indirect_dma semaphore(%arg9 : memref<!tpu.dma_semaphore, #tpu.memory_space<semaphore_mem>>) src(%dma_wait3A_1569 : memref<128000000xf32, #tpu.memory_space<hbm>>) dst(%dma_wait3A_1565 : memref<128xf32, #tpu.memory_space<vmem>>)
    %dma_wait3A_1570 = arith.constant 31 : i32
    %dma_wait3A_1571 = arith.constant 0 : i32
    %dma_wait3A_1572 = tpu.memref_slice %arg8[%dma_wait3A_1570, %dma_wait3A_1571] : memref<128x128xf32, #tpu.memory_space<vmem>> -> memref<1x128xf32, #tpu.memory_space<vmem>>
    %dma_wait3A_1573 = tpu.memref_squeeze %dma_wait3A_1572 : memref<1x128xf32, #tpu.memory_space<vmem>> -> memref<128xf32, #tpu.memory_space<vmem>>
    %dma_wait3A_1574 = arith.constant 3968 : i32
    %dma_wait3A_1575 = tpu.memref_slice %arg7[%dma_wait3A_1574] : memref<16384xi32, #tpu.memory_space<vmem>> -> memref<128xi32, #tpu.memory_space<vmem>>
    %dma_wait3A_1576 = arith.constant 0 : i32
    %dma_wait3A_1577 = tpu.memref_slice %arg3[%dma_wait3A_1576] : memref<128000000xf32, #tpu.memory_space<hbm>> -> memref<128000000xf32, #tpu.memory_space<hbm>>
    tpu.wait_indirect_dma semaphore(%arg9 : memref<!tpu.dma_semaphore, #tpu.memory_space<semaphore_mem>>) src(%dma_wait3A_1577 : memref<128000000xf32, #tpu.memory_space<hbm>>) dst(%dma_wait3A_1573 : memref<128xf32, #tpu.memory_space<vmem>>)
    %dma_wait3A_1578 = arith.constant 32 : i32
    %dma_wait3A_1579 = arith.constant 0 : i32
    %dma_wait3A_1580 = tpu.memref_slice %arg8[%dma_wait3A_1578, %dma_wait3A_1579] : memref<128x128xf32, #tpu.memory_space<vmem>> -> memref<1x128xf32, #tpu.memory_space<vmem>>
    %dma_wait3A_1581 = tpu.memref_squeeze %dma_wait3A_1580 : memref<1x128xf32, #tpu.memory_space<vmem>> -> memref<128xf32, #tpu.memory_space<vmem>>
    %dma_wait3A_1582 = arith.constant 4096 : i32
    %dma_wait3A_1583 = tpu.memref_slice %arg7[%dma_wait3A_1582] : memref<16384xi32, #tpu.memory_space<vmem>> -> memref<128xi32, #tpu.memory_space<vmem>>
    %dma_wait3A_1584 = arith.constant 0 : i32
    %dma_wait3A_1585 = tpu.memref_slice %arg3[%dma_wait3A_1584] : memref<128000000xf32, #tpu.memory_space<hbm>> -> memref<128000000xf32, #tpu.memory_space<hbm>>
    tpu.wait_indirect_dma semaphore(%arg9 : memref<!tpu.dma_semaphore, #tpu.memory_space<semaphore_mem>>) src(%dma_wait3A_1585 : memref<128000000xf32, #tpu.memory_space<hbm>>) dst(%dma_wait3A_1581 : memref<128xf32, #tpu.memory_space<vmem>>)
    %dma_wait3A_1586 = arith.constant 33 : i32
    %dma_wait3A_1587 = arith.constant 0 : i32
    %dma_wait3A_1588 = tpu.memref_slice %arg8[%dma_wait3A_1586, %dma_wait3A_1587] : memref<128x128xf32, #tpu.memory_space<vmem>> -> memref<1x128xf32, #tpu.memory_space<vmem>>
    %dma_wait3A_1589 = tpu.memref_squeeze %dma_wait3A_1588 : memref<1x128xf32, #tpu.memory_space<vmem>> -> memref<128xf32, #tpu.memory_space<vmem>>
    %dma_wait3A_1590 = arith.constant 4224 : i32
    %dma_wait3A_1591 = tpu.memref_slice %arg7[%dma_wait3A_1590] : memref<16384xi32, #tpu.memory_space<vmem>> -> memref<128xi32, #tpu.memory_space<vmem>>
    %dma_wait3A_1592 = arith.constant 0 : i32
    %dma_wait3A_1593 = tpu.memref_slice %arg3[%dma_wait3A_1592] : memref<128000000xf32, #tpu.memory_space<hbm>> -> memref<128000000xf32, #tpu.memory_space<hbm>>
    tpu.wait_indirect_dma semaphore(%arg9 : memref<!tpu.dma_semaphore, #tpu.memory_space<semaphore_mem>>) src(%dma_wait3A_1593 : memref<128000000xf32, #tpu.memory_space<hbm>>) dst(%dma_wait3A_1589 : memref<128xf32, #tpu.memory_space<vmem>>)
    %dma_wait3A_1594 = arith.constant 34 : i32
    %dma_wait3A_1595 = arith.constant 0 : i32
    %dma_wait3A_1596 = tpu.memref_slice %arg8[%dma_wait3A_1594, %dma_wait3A_1595] : memref<128x128xf32, #tpu.memory_space<vmem>> -> memref<1x128xf32, #tpu.memory_space<vmem>>
    %dma_wait3A_1597 = tpu.memref_squeeze %dma_wait3A_1596 : memref<1x128xf32, #tpu.memory_space<vmem>> -> memref<128xf32, #tpu.memory_space<vmem>>
    %dma_wait3A_1598 = arith.constant 4352 : i32
    %dma_wait3A_1599 = tpu.memref_slice %arg7[%dma_wait3A_1598] : memref<16384xi32, #tpu.memory_space<vmem>> -> memref<128xi32, #tpu.memory_space<vmem>>
    %dma_wait3A_1600 = arith.constant 0 : i32
    %dma_wait3A_1601 = tpu.memref_slice %arg3[%dma_wait3A_1600] : memref<128000000xf32, #tpu.memory_space<hbm>> -> memref<128000000xf32, #tpu.memory_space<hbm>>
    tpu.wait_indirect_dma semaphore(%arg9 : memref<!tpu.dma_semaphore, #tpu.memory_space<semaphore_mem>>) src(%dma_wait3A_1601 : memref<128000000xf32, #tpu.memory_space<hbm>>) dst(%dma_wait3A_1597 : memref<128xf32, #tpu.memory_space<vmem>>)
    %dma_wait3A_1602 = arith.constant 35 : i32
    %dma_wait3A_1603 = arith.constant 0 : i32
    %dma_wait3A_1604 = tpu.memref_slice %arg8[%dma_wait3A_1602, %dma_wait3A_1603] : memref<128x128xf32, #tpu.memory_space<vmem>> -> memref<1x128xf32, #tpu.memory_space<vmem>>
    %dma_wait3A_1605 = tpu.memref_squeeze %dma_wait3A_1604 : memref<1x128xf32, #tpu.memory_space<vmem>> -> memref<128xf32, #tpu.memory_space<vmem>>
    %dma_wait3A_1606 = arith.constant 4480 : i32
    %dma_wait3A_1607 = tpu.memref_slice %arg7[%dma_wait3A_1606] : memref<16384xi32, #tpu.memory_space<vmem>> -> memref<128xi32, #tpu.memory_space<vmem>>
    %dma_wait3A_1608 = arith.constant 0 : i32
    %dma_wait3A_1609 = tpu.memref_slice %arg3[%dma_wait3A_1608] : memref<128000000xf32, #tpu.memory_space<hbm>> -> memref<128000000xf32, #tpu.memory_space<hbm>>
    tpu.wait_indirect_dma semaphore(%arg9 : memref<!tpu.dma_semaphore, #tpu.memory_space<semaphore_mem>>) src(%dma_wait3A_1609 : memref<128000000xf32, #tpu.memory_space<hbm>>) dst(%dma_wait3A_1605 : memref<128xf32, #tpu.memory_space<vmem>>)
    %dma_wait3A_1610 = arith.constant 36 : i32
    %dma_wait3A_1611 = arith.constant 0 : i32
    %dma_wait3A_1612 = tpu.memref_slice %arg8[%dma_wait3A_1610, %dma_wait3A_1611] : memref<128x128xf32, #tpu.memory_space<vmem>> -> memref<1x128xf32, #tpu.memory_space<vmem>>
    %dma_wait3A_1613 = tpu.memref_squeeze %dma_wait3A_1612 : memref<1x128xf32, #tpu.memory_space<vmem>> -> memref<128xf32, #tpu.memory_space<vmem>>
    %dma_wait3A_1614 = arith.constant 4608 : i32
    %dma_wait3A_1615 = tpu.memref_slice %arg7[%dma_wait3A_1614] : memref<16384xi32, #tpu.memory_space<vmem>> -> memref<128xi32, #tpu.memory_space<vmem>>
    %dma_wait3A_1616 = arith.constant 0 : i32
    %dma_wait3A_1617 = tpu.memref_slice %arg3[%dma_wait3A_1616] : memref<128000000xf32, #tpu.memory_space<hbm>> -> memref<128000000xf32, #tpu.memory_space<hbm>>
    tpu.wait_indirect_dma semaphore(%arg9 : memref<!tpu.dma_semaphore, #tpu.memory_space<semaphore_mem>>) src(%dma_wait3A_1617 : memref<128000000xf32, #tpu.memory_space<hbm>>) dst(%dma_wait3A_1613 : memref<128xf32, #tpu.memory_space<vmem>>)
    %dma_wait3A_1618 = arith.constant 37 : i32
    %dma_wait3A_1619 = arith.constant 0 : i32
    %dma_wait3A_1620 = tpu.memref_slice %arg8[%dma_wait3A_1618, %dma_wait3A_1619] : memref<128x128xf32, #tpu.memory_space<vmem>> -> memref<1x128xf32, #tpu.memory_space<vmem>>
    %dma_wait3A_1621 = tpu.memref_squeeze %dma_wait3A_1620 : memref<1x128xf32, #tpu.memory_space<vmem>> -> memref<128xf32, #tpu.memory_space<vmem>>
    %dma_wait3A_1622 = arith.constant 4736 : i32
    %dma_wait3A_1623 = tpu.memref_slice %arg7[%dma_wait3A_1622] : memref<16384xi32, #tpu.memory_space<vmem>> -> memref<128xi32, #tpu.memory_space<vmem>>
    %dma_wait3A_1624 = arith.constant 0 : i32
    %dma_wait3A_1625 = tpu.memref_slice %arg3[%dma_wait3A_1624] : memref<128000000xf32, #tpu.memory_space<hbm>> -> memref<128000000xf32, #tpu.memory_space<hbm>>
    tpu.wait_indirect_dma semaphore(%arg9 : memref<!tpu.dma_semaphore, #tpu.memory_space<semaphore_mem>>) src(%dma_wait3A_1625 : memref<128000000xf32, #tpu.memory_space<hbm>>) dst(%dma_wait3A_1621 : memref<128xf32, #tpu.memory_space<vmem>>)
    %dma_wait3A_1626 = arith.constant 38 : i32
    %dma_wait3A_1627 = arith.constant 0 : i32
    %dma_wait3A_1628 = tpu.memref_slice %arg8[%dma_wait3A_1626, %dma_wait3A_1627] : memref<128x128xf32, #tpu.memory_space<vmem>> -> memref<1x128xf32, #tpu.memory_space<vmem>>
    %dma_wait3A_1629 = tpu.memref_squeeze %dma_wait3A_1628 : memref<1x128xf32, #tpu.memory_space<vmem>> -> memref<128xf32, #tpu.memory_space<vmem>>
    %dma_wait3A_1630 = arith.constant 4864 : i32
    %dma_wait3A_1631 = tpu.memref_slice %arg7[%dma_wait3A_1630] : memref<16384xi32, #tpu.memory_space<vmem>> -> memref<128xi32, #tpu.memory_space<vmem>>
    %dma_wait3A_1632 = arith.constant 0 : i32
    %dma_wait3A_1633 = tpu.memref_slice %arg3[%dma_wait3A_1632] : memref<128000000xf32, #tpu.memory_space<hbm>> -> memref<128000000xf32, #tpu.memory_space<hbm>>
    tpu.wait_indirect_dma semaphore(%arg9 : memref<!tpu.dma_semaphore, #tpu.memory_space<semaphore_mem>>) src(%dma_wait3A_1633 : memref<128000000xf32, #tpu.memory_space<hbm>>) dst(%dma_wait3A_1629 : memref<128xf32, #tpu.memory_space<vmem>>)
    %dma_wait3A_1634 = arith.constant 39 : i32
    %dma_wait3A_1635 = arith.constant 0 : i32
    %dma_wait3A_1636 = tpu.memref_slice %arg8[%dma_wait3A_1634, %dma_wait3A_1635] : memref<128x128xf32, #tpu.memory_space<vmem>> -> memref<1x128xf32, #tpu.memory_space<vmem>>
    %dma_wait3A_1637 = tpu.memref_squeeze %dma_wait3A_1636 : memref<1x128xf32, #tpu.memory_space<vmem>> -> memref<128xf32, #tpu.memory_space<vmem>>
    %dma_wait3A_1638 = arith.constant 4992 : i32
    %dma_wait3A_1639 = tpu.memref_slice %arg7[%dma_wait3A_1638] : memref<16384xi32, #tpu.memory_space<vmem>> -> memref<128xi32, #tpu.memory_space<vmem>>
    %dma_wait3A_1640 = arith.constant 0 : i32
    %dma_wait3A_1641 = tpu.memref_slice %arg3[%dma_wait3A_1640] : memref<128000000xf32, #tpu.memory_space<hbm>> -> memref<128000000xf32, #tpu.memory_space<hbm>>
    tpu.wait_indirect_dma semaphore(%arg9 : memref<!tpu.dma_semaphore, #tpu.memory_space<semaphore_mem>>) src(%dma_wait3A_1641 : memref<128000000xf32, #tpu.memory_space<hbm>>) dst(%dma_wait3A_1637 : memref<128xf32, #tpu.memory_space<vmem>>)
    %dma_wait3A_1642 = arith.constant 40 : i32
    %dma_wait3A_1643 = arith.constant 0 : i32
    %dma_wait3A_1644 = tpu.memref_slice %arg8[%dma_wait3A_1642, %dma_wait3A_1643] : memref<128x128xf32, #tpu.memory_space<vmem>> -> memref<1x128xf32, #tpu.memory_space<vmem>>
    %dma_wait3A_1645 = tpu.memref_squeeze %dma_wait3A_1644 : memref<1x128xf32, #tpu.memory_space<vmem>> -> memref<128xf32, #tpu.memory_space<vmem>>
    %dma_wait3A_1646 = arith.constant 5120 : i32
    %dma_wait3A_1647 = tpu.memref_slice %arg7[%dma_wait3A_1646] : memref<16384xi32, #tpu.memory_space<vmem>> -> memref<128xi32, #tpu.memory_space<vmem>>
    %dma_wait3A_1648 = arith.constant 0 : i32
    %dma_wait3A_1649 = tpu.memref_slice %arg3[%dma_wait3A_1648] : memref<128000000xf32, #tpu.memory_space<hbm>> -> memref<128000000xf32, #tpu.memory_space<hbm>>
    tpu.wait_indirect_dma semaphore(%arg9 : memref<!tpu.dma_semaphore, #tpu.memory_space<semaphore_mem>>) src(%dma_wait3A_1649 : memref<128000000xf32, #tpu.memory_space<hbm>>) dst(%dma_wait3A_1645 : memref<128xf32, #tpu.memory_space<vmem>>)
    %dma_wait3A_1650 = arith.constant 41 : i32
    %dma_wait3A_1651 = arith.constant 0 : i32
    %dma_wait3A_1652 = tpu.memref_slice %arg8[%dma_wait3A_1650, %dma_wait3A_1651] : memref<128x128xf32, #tpu.memory_space<vmem>> -> memref<1x128xf32, #tpu.memory_space<vmem>>
    %dma_wait3A_1653 = tpu.memref_squeeze %dma_wait3A_1652 : memref<1x128xf32, #tpu.memory_space<vmem>> -> memref<128xf32, #tpu.memory_space<vmem>>
    %dma_wait3A_1654 = arith.constant 5248 : i32
    %dma_wait3A_1655 = tpu.memref_slice %arg7[%dma_wait3A_1654] : memref<16384xi32, #tpu.memory_space<vmem>> -> memref<128xi32, #tpu.memory_space<vmem>>
    %dma_wait3A_1656 = arith.constant 0 : i32
    %dma_wait3A_1657 = tpu.memref_slice %arg3[%dma_wait3A_1656] : memref<128000000xf32, #tpu.memory_space<hbm>> -> memref<128000000xf32, #tpu.memory_space<hbm>>
    tpu.wait_indirect_dma semaphore(%arg9 : memref<!tpu.dma_semaphore, #tpu.memory_space<semaphore_mem>>) src(%dma_wait3A_1657 : memref<128000000xf32, #tpu.memory_space<hbm>>) dst(%dma_wait3A_1653 : memref<128xf32, #tpu.memory_space<vmem>>)
    %dma_wait3A_1658 = arith.constant 42 : i32
    %dma_wait3A_1659 = arith.constant 0 : i32
    %dma_wait3A_1660 = tpu.memref_slice %arg8[%dma_wait3A_1658, %dma_wait3A_1659] : memref<128x128xf32, #tpu.memory_space<vmem>> -> memref<1x128xf32, #tpu.memory_space<vmem>>
    %dma_wait3A_1661 = tpu.memref_squeeze %dma_wait3A_1660 : memref<1x128xf32, #tpu.memory_space<vmem>> -> memref<128xf32, #tpu.memory_space<vmem>>
    %dma_wait3A_1662 = arith.constant 5376 : i32
    %dma_wait3A_1663 = tpu.memref_slice %arg7[%dma_wait3A_1662] : memref<16384xi32, #tpu.memory_space<vmem>> -> memref<128xi32, #tpu.memory_space<vmem>>
    %dma_wait3A_1664 = arith.constant 0 : i32
    %dma_wait3A_1665 = tpu.memref_slice %arg3[%dma_wait3A_1664] : memref<128000000xf32, #tpu.memory_space<hbm>> -> memref<128000000xf32, #tpu.memory_space<hbm>>
    tpu.wait_indirect_dma semaphore(%arg9 : memref<!tpu.dma_semaphore, #tpu.memory_space<semaphore_mem>>) src(%dma_wait3A_1665 : memref<128000000xf32, #tpu.memory_space<hbm>>) dst(%dma_wait3A_1661 : memref<128xf32, #tpu.memory_space<vmem>>)
    %dma_wait3A_1666 = arith.constant 43 : i32
    %dma_wait3A_1667 = arith.constant 0 : i32
    %dma_wait3A_1668 = tpu.memref_slice %arg8[%dma_wait3A_1666, %dma_wait3A_1667] : memref<128x128xf32, #tpu.memory_space<vmem>> -> memref<1x128xf32, #tpu.memory_space<vmem>>
    %dma_wait3A_1669 = tpu.memref_squeeze %dma_wait3A_1668 : memref<1x128xf32, #tpu.memory_space<vmem>> -> memref<128xf32, #tpu.memory_space<vmem>>
    %dma_wait3A_1670 = arith.constant 5504 : i32
    %dma_wait3A_1671 = tpu.memref_slice %arg7[%dma_wait3A_1670] : memref<16384xi32, #tpu.memory_space<vmem>> -> memref<128xi32, #tpu.memory_space<vmem>>
    %dma_wait3A_1672 = arith.constant 0 : i32
    %dma_wait3A_1673 = tpu.memref_slice %arg3[%dma_wait3A_1672] : memref<128000000xf32, #tpu.memory_space<hbm>> -> memref<128000000xf32, #tpu.memory_space<hbm>>
    tpu.wait_indirect_dma semaphore(%arg9 : memref<!tpu.dma_semaphore, #tpu.memory_space<semaphore_mem>>) src(%dma_wait3A_1673 : memref<128000000xf32, #tpu.memory_space<hbm>>) dst(%dma_wait3A_1669 : memref<128xf32, #tpu.memory_space<vmem>>)
    %dma_wait3A_1674 = arith.constant 44 : i32
    %dma_wait3A_1675 = arith.constant 0 : i32
    %dma_wait3A_1676 = tpu.memref_slice %arg8[%dma_wait3A_1674, %dma_wait3A_1675] : memref<128x128xf32, #tpu.memory_space<vmem>> -> memref<1x128xf32, #tpu.memory_space<vmem>>
    %dma_wait3A_1677 = tpu.memref_squeeze %dma_wait3A_1676 : memref<1x128xf32, #tpu.memory_space<vmem>> -> memref<128xf32, #tpu.memory_space<vmem>>
    %dma_wait3A_1678 = arith.constant 5632 : i32
    %dma_wait3A_1679 = tpu.memref_slice %arg7[%dma_wait3A_1678] : memref<16384xi32, #tpu.memory_space<vmem>> -> memref<128xi32, #tpu.memory_space<vmem>>
    %dma_wait3A_1680 = arith.constant 0 : i32
    %dma_wait3A_1681 = tpu.memref_slice %arg3[%dma_wait3A_1680] : memref<128000000xf32, #tpu.memory_space<hbm>> -> memref<128000000xf32, #tpu.memory_space<hbm>>
    tpu.wait_indirect_dma semaphore(%arg9 : memref<!tpu.dma_semaphore, #tpu.memory_space<semaphore_mem>>) src(%dma_wait3A_1681 : memref<128000000xf32, #tpu.memory_space<hbm>>) dst(%dma_wait3A_1677 : memref<128xf32, #tpu.memory_space<vmem>>)
    %dma_wait3A_1682 = arith.constant 45 : i32
    %dma_wait3A_1683 = arith.constant 0 : i32
    %dma_wait3A_1684 = tpu.memref_slice %arg8[%dma_wait3A_1682, %dma_wait3A_1683] : memref<128x128xf32, #tpu.memory_space<vmem>> -> memref<1x128xf32, #tpu.memory_space<vmem>>
    %dma_wait3A_1685 = tpu.memref_squeeze %dma_wait3A_1684 : memref<1x128xf32, #tpu.memory_space<vmem>> -> memref<128xf32, #tpu.memory_space<vmem>>
    %dma_wait3A_1686 = arith.constant 5760 : i32
    %dma_wait3A_1687 = tpu.memref_slice %arg7[%dma_wait3A_1686] : memref<16384xi32, #tpu.memory_space<vmem>> -> memref<128xi32, #tpu.memory_space<vmem>>
    %dma_wait3A_1688 = arith.constant 0 : i32
    %dma_wait3A_1689 = tpu.memref_slice %arg3[%dma_wait3A_1688] : memref<128000000xf32, #tpu.memory_space<hbm>> -> memref<128000000xf32, #tpu.memory_space<hbm>>
    tpu.wait_indirect_dma semaphore(%arg9 : memref<!tpu.dma_semaphore, #tpu.memory_space<semaphore_mem>>) src(%dma_wait3A_1689 : memref<128000000xf32, #tpu.memory_space<hbm>>) dst(%dma_wait3A_1685 : memref<128xf32, #tpu.memory_space<vmem>>)
    %dma_wait3A_1690 = arith.constant 46 : i32
    %dma_wait3A_1691 = arith.constant 0 : i32
    %dma_wait3A_1692 = tpu.memref_slice %arg8[%dma_wait3A_1690, %dma_wait3A_1691] : memref<128x128xf32, #tpu.memory_space<vmem>> -> memref<1x128xf32, #tpu.memory_space<vmem>>
    %dma_wait3A_1693 = tpu.memref_squeeze %dma_wait3A_1692 : memref<1x128xf32, #tpu.memory_space<vmem>> -> memref<128xf32, #tpu.memory_space<vmem>>
    %dma_wait3A_1694 = arith.constant 5888 : i32
    %dma_wait3A_1695 = tpu.memref_slice %arg7[%dma_wait3A_1694] : memref<16384xi32, #tpu.memory_space<vmem>> -> memref<128xi32, #tpu.memory_space<vmem>>
    %dma_wait3A_1696 = arith.constant 0 : i32
    %dma_wait3A_1697 = tpu.memref_slice %arg3[%dma_wait3A_1696] : memref<128000000xf32, #tpu.memory_space<hbm>> -> memref<128000000xf32, #tpu.memory_space<hbm>>
    tpu.wait_indirect_dma semaphore(%arg9 : memref<!tpu.dma_semaphore, #tpu.memory_space<semaphore_mem>>) src(%dma_wait3A_1697 : memref<128000000xf32, #tpu.memory_space<hbm>>) dst(%dma_wait3A_1693 : memref<128xf32, #tpu.memory_space<vmem>>)
    %dma_wait3A_1698 = arith.constant 47 : i32
    %dma_wait3A_1699 = arith.constant 0 : i32
    %dma_wait3A_1700 = tpu.memref_slice %arg8[%dma_wait3A_1698, %dma_wait3A_1699] : memref<128x128xf32, #tpu.memory_space<vmem>> -> memref<1x128xf32, #tpu.memory_space<vmem>>
    %dma_wait3A_1701 = tpu.memref_squeeze %dma_wait3A_1700 : memref<1x128xf32, #tpu.memory_space<vmem>> -> memref<128xf32, #tpu.memory_space<vmem>>
    %dma_wait3A_1702 = arith.constant 6016 : i32
    %dma_wait3A_1703 = tpu.memref_slice %arg7[%dma_wait3A_1702] : memref<16384xi32, #tpu.memory_space<vmem>> -> memref<128xi32, #tpu.memory_space<vmem>>
    %dma_wait3A_1704 = arith.constant 0 : i32
    %dma_wait3A_1705 = tpu.memref_slice %arg3[%dma_wait3A_1704] : memref<128000000xf32, #tpu.memory_space<hbm>> -> memref<128000000xf32, #tpu.memory_space<hbm>>
    tpu.wait_indirect_dma semaphore(%arg9 : memref<!tpu.dma_semaphore, #tpu.memory_space<semaphore_mem>>) src(%dma_wait3A_1705 : memref<128000000xf32, #tpu.memory_space<hbm>>) dst(%dma_wait3A_1701 : memref<128xf32, #tpu.memory_space<vmem>>)
    %dma_wait3A_1706 = arith.constant 48 : i32
    %dma_wait3A_1707 = arith.constant 0 : i32
    %dma_wait3A_1708 = tpu.memref_slice %arg8[%dma_wait3A_1706, %dma_wait3A_1707] : memref<128x128xf32, #tpu.memory_space<vmem>> -> memref<1x128xf32, #tpu.memory_space<vmem>>
    %dma_wait3A_1709 = tpu.memref_squeeze %dma_wait3A_1708 : memref<1x128xf32, #tpu.memory_space<vmem>> -> memref<128xf32, #tpu.memory_space<vmem>>
    %dma_wait3A_1710 = arith.constant 6144 : i32
    %dma_wait3A_1711 = tpu.memref_slice %arg7[%dma_wait3A_1710] : memref<16384xi32, #tpu.memory_space<vmem>> -> memref<128xi32, #tpu.memory_space<vmem>>
    %dma_wait3A_1712 = arith.constant 0 : i32
    %dma_wait3A_1713 = tpu.memref_slice %arg3[%dma_wait3A_1712] : memref<128000000xf32, #tpu.memory_space<hbm>> -> memref<128000000xf32, #tpu.memory_space<hbm>>
    tpu.wait_indirect_dma semaphore(%arg9 : memref<!tpu.dma_semaphore, #tpu.memory_space<semaphore_mem>>) src(%dma_wait3A_1713 : memref<128000000xf32, #tpu.memory_space<hbm>>) dst(%dma_wait3A_1709 : memref<128xf32, #tpu.memory_space<vmem>>)
    %dma_wait3A_1714 = arith.constant 49 : i32
    %dma_wait3A_1715 = arith.constant 0 : i32
    %dma_wait3A_1716 = tpu.memref_slice %arg8[%dma_wait3A_1714, %dma_wait3A_1715] : memref<128x128xf32, #tpu.memory_space<vmem>> -> memref<1x128xf32, #tpu.memory_space<vmem>>
    %dma_wait3A_1717 = tpu.memref_squeeze %dma_wait3A_1716 : memref<1x128xf32, #tpu.memory_space<vmem>> -> memref<128xf32, #tpu.memory_space<vmem>>
    %dma_wait3A_1718 = arith.constant 6272 : i32
    %dma_wait3A_1719 = tpu.memref_slice %arg7[%dma_wait3A_1718] : memref<16384xi32, #tpu.memory_space<vmem>> -> memref<128xi32, #tpu.memory_space<vmem>>
    %dma_wait3A_1720 = arith.constant 0 : i32
    %dma_wait3A_1721 = tpu.memref_slice %arg3[%dma_wait3A_1720] : memref<128000000xf32, #tpu.memory_space<hbm>> -> memref<128000000xf32, #tpu.memory_space<hbm>>
    tpu.wait_indirect_dma semaphore(%arg9 : memref<!tpu.dma_semaphore, #tpu.memory_space<semaphore_mem>>) src(%dma_wait3A_1721 : memref<128000000xf32, #tpu.memory_space<hbm>>) dst(%dma_wait3A_1717 : memref<128xf32, #tpu.memory_space<vmem>>)
    %dma_wait3A_1722 = arith.constant 50 : i32
    %dma_wait3A_1723 = arith.constant 0 : i32
    %dma_wait3A_1724 = tpu.memref_slice %arg8[%dma_wait3A_1722, %dma_wait3A_1723] : memref<128x128xf32, #tpu.memory_space<vmem>> -> memref<1x128xf32, #tpu.memory_space<vmem>>
    %dma_wait3A_1725 = tpu.memref_squeeze %dma_wait3A_1724 : memref<1x128xf32, #tpu.memory_space<vmem>> -> memref<128xf32, #tpu.memory_space<vmem>>
    %dma_wait3A_1726 = arith.constant 6400 : i32
    %dma_wait3A_1727 = tpu.memref_slice %arg7[%dma_wait3A_1726] : memref<16384xi32, #tpu.memory_space<vmem>> -> memref<128xi32, #tpu.memory_space<vmem>>
    %dma_wait3A_1728 = arith.constant 0 : i32
    %dma_wait3A_1729 = tpu.memref_slice %arg3[%dma_wait3A_1728] : memref<128000000xf32, #tpu.memory_space<hbm>> -> memref<128000000xf32, #tpu.memory_space<hbm>>
    tpu.wait_indirect_dma semaphore(%arg9 : memref<!tpu.dma_semaphore, #tpu.memory_space<semaphore_mem>>) src(%dma_wait3A_1729 : memref<128000000xf32, #tpu.memory_space<hbm>>) dst(%dma_wait3A_1725 : memref<128xf32, #tpu.memory_space<vmem>>)
    %dma_wait3A_1730 = arith.constant 51 : i32
    %dma_wait3A_1731 = arith.constant 0 : i32
    %dma_wait3A_1732 = tpu.memref_slice %arg8[%dma_wait3A_1730, %dma_wait3A_1731] : memref<128x128xf32, #tpu.memory_space<vmem>> -> memref<1x128xf32, #tpu.memory_space<vmem>>
    %dma_wait3A_1733 = tpu.memref_squeeze %dma_wait3A_1732 : memref<1x128xf32, #tpu.memory_space<vmem>> -> memref<128xf32, #tpu.memory_space<vmem>>
    %dma_wait3A_1734 = arith.constant 6528 : i32
    %dma_wait3A_1735 = tpu.memref_slice %arg7[%dma_wait3A_1734] : memref<16384xi32, #tpu.memory_space<vmem>> -> memref<128xi32, #tpu.memory_space<vmem>>
    %dma_wait3A_1736 = arith.constant 0 : i32
    %dma_wait3A_1737 = tpu.memref_slice %arg3[%dma_wait3A_1736] : memref<128000000xf32, #tpu.memory_space<hbm>> -> memref<128000000xf32, #tpu.memory_space<hbm>>
    tpu.wait_indirect_dma semaphore(%arg9 : memref<!tpu.dma_semaphore, #tpu.memory_space<semaphore_mem>>) src(%dma_wait3A_1737 : memref<128000000xf32, #tpu.memory_space<hbm>>) dst(%dma_wait3A_1733 : memref<128xf32, #tpu.memory_space<vmem>>)
    %dma_wait3A_1738 = arith.constant 52 : i32
    %dma_wait3A_1739 = arith.constant 0 : i32
    %dma_wait3A_1740 = tpu.memref_slice %arg8[%dma_wait3A_1738, %dma_wait3A_1739] : memref<128x128xf32, #tpu.memory_space<vmem>> -> memref<1x128xf32, #tpu.memory_space<vmem>>
    %dma_wait3A_1741 = tpu.memref_squeeze %dma_wait3A_1740 : memref<1x128xf32, #tpu.memory_space<vmem>> -> memref<128xf32, #tpu.memory_space<vmem>>
    %dma_wait3A_1742 = arith.constant 6656 : i32
    %dma_wait3A_1743 = tpu.memref_slice %arg7[%dma_wait3A_1742] : memref<16384xi32, #tpu.memory_space<vmem>> -> memref<128xi32, #tpu.memory_space<vmem>>
    %dma_wait3A_1744 = arith.constant 0 : i32
    %dma_wait3A_1745 = tpu.memref_slice %arg3[%dma_wait3A_1744] : memref<128000000xf32, #tpu.memory_space<hbm>> -> memref<128000000xf32, #tpu.memory_space<hbm>>
    tpu.wait_indirect_dma semaphore(%arg9 : memref<!tpu.dma_semaphore, #tpu.memory_space<semaphore_mem>>) src(%dma_wait3A_1745 : memref<128000000xf32, #tpu.memory_space<hbm>>) dst(%dma_wait3A_1741 : memref<128xf32, #tpu.memory_space<vmem>>)
    %dma_wait3A_1746 = arith.constant 53 : i32
    %dma_wait3A_1747 = arith.constant 0 : i32
    %dma_wait3A_1748 = tpu.memref_slice %arg8[%dma_wait3A_1746, %dma_wait3A_1747] : memref<128x128xf32, #tpu.memory_space<vmem>> -> memref<1x128xf32, #tpu.memory_space<vmem>>
    %dma_wait3A_1749 = tpu.memref_squeeze %dma_wait3A_1748 : memref<1x128xf32, #tpu.memory_space<vmem>> -> memref<128xf32, #tpu.memory_space<vmem>>
    %dma_wait3A_1750 = arith.constant 6784 : i32
    %dma_wait3A_1751 = tpu.memref_slice %arg7[%dma_wait3A_1750] : memref<16384xi32, #tpu.memory_space<vmem>> -> memref<128xi32, #tpu.memory_space<vmem>>
    %dma_wait3A_1752 = arith.constant 0 : i32
    %dma_wait3A_1753 = tpu.memref_slice %arg3[%dma_wait3A_1752] : memref<128000000xf32, #tpu.memory_space<hbm>> -> memref<128000000xf32, #tpu.memory_space<hbm>>
    tpu.wait_indirect_dma semaphore(%arg9 : memref<!tpu.dma_semaphore, #tpu.memory_space<semaphore_mem>>) src(%dma_wait3A_1753 : memref<128000000xf32, #tpu.memory_space<hbm>>) dst(%dma_wait3A_1749 : memref<128xf32, #tpu.memory_space<vmem>>)
    %dma_wait3A_1754 = arith.constant 54 : i32
    %dma_wait3A_1755 = arith.constant 0 : i32
    %dma_wait3A_1756 = tpu.memref_slice %arg8[%dma_wait3A_1754, %dma_wait3A_1755] : memref<128x128xf32, #tpu.memory_space<vmem>> -> memref<1x128xf32, #tpu.memory_space<vmem>>
    %dma_wait3A_1757 = tpu.memref_squeeze %dma_wait3A_1756 : memref<1x128xf32, #tpu.memory_space<vmem>> -> memref<128xf32, #tpu.memory_space<vmem>>
    %dma_wait3A_1758 = arith.constant 6912 : i32
    %dma_wait3A_1759 = tpu.memref_slice %arg7[%dma_wait3A_1758] : memref<16384xi32, #tpu.memory_space<vmem>> -> memref<128xi32, #tpu.memory_space<vmem>>
    %dma_wait3A_1760 = arith.constant 0 : i32
    %dma_wait3A_1761 = tpu.memref_slice %arg3[%dma_wait3A_1760] : memref<128000000xf32, #tpu.memory_space<hbm>> -> memref<128000000xf32, #tpu.memory_space<hbm>>
    tpu.wait_indirect_dma semaphore(%arg9 : memref<!tpu.dma_semaphore, #tpu.memory_space<semaphore_mem>>) src(%dma_wait3A_1761 : memref<128000000xf32, #tpu.memory_space<hbm>>) dst(%dma_wait3A_1757 : memref<128xf32, #tpu.memory_space<vmem>>)
    %dma_wait3A_1762 = arith.constant 55 : i32
    %dma_wait3A_1763 = arith.constant 0 : i32
    %dma_wait3A_1764 = tpu.memref_slice %arg8[%dma_wait3A_1762, %dma_wait3A_1763] : memref<128x128xf32, #tpu.memory_space<vmem>> -> memref<1x128xf32, #tpu.memory_space<vmem>>
    %dma_wait3A_1765 = tpu.memref_squeeze %dma_wait3A_1764 : memref<1x128xf32, #tpu.memory_space<vmem>> -> memref<128xf32, #tpu.memory_space<vmem>>
    %dma_wait3A_1766 = arith.constant 7040 : i32
    %dma_wait3A_1767 = tpu.memref_slice %arg7[%dma_wait3A_1766] : memref<16384xi32, #tpu.memory_space<vmem>> -> memref<128xi32, #tpu.memory_space<vmem>>
    %dma_wait3A_1768 = arith.constant 0 : i32
    %dma_wait3A_1769 = tpu.memref_slice %arg3[%dma_wait3A_1768] : memref<128000000xf32, #tpu.memory_space<hbm>> -> memref<128000000xf32, #tpu.memory_space<hbm>>
    tpu.wait_indirect_dma semaphore(%arg9 : memref<!tpu.dma_semaphore, #tpu.memory_space<semaphore_mem>>) src(%dma_wait3A_1769 : memref<128000000xf32, #tpu.memory_space<hbm>>) dst(%dma_wait3A_1765 : memref<128xf32, #tpu.memory_space<vmem>>)
    %dma_wait3A_1770 = arith.constant 56 : i32
    %dma_wait3A_1771 = arith.constant 0 : i32
    %dma_wait3A_1772 = tpu.memref_slice %arg8[%dma_wait3A_1770, %dma_wait3A_1771] : memref<128x128xf32, #tpu.memory_space<vmem>> -> memref<1x128xf32, #tpu.memory_space<vmem>>
    %dma_wait3A_1773 = tpu.memref_squeeze %dma_wait3A_1772 : memref<1x128xf32, #tpu.memory_space<vmem>> -> memref<128xf32, #tpu.memory_space<vmem>>
    %dma_wait3A_1774 = arith.constant 7168 : i32
    %dma_wait3A_1775 = tpu.memref_slice %arg7[%dma_wait3A_1774] : memref<16384xi32, #tpu.memory_space<vmem>> -> memref<128xi32, #tpu.memory_space<vmem>>
    %dma_wait3A_1776 = arith.constant 0 : i32
    %dma_wait3A_1777 = tpu.memref_slice %arg3[%dma_wait3A_1776] : memref<128000000xf32, #tpu.memory_space<hbm>> -> memref<128000000xf32, #tpu.memory_space<hbm>>
    tpu.wait_indirect_dma semaphore(%arg9 : memref<!tpu.dma_semaphore, #tpu.memory_space<semaphore_mem>>) src(%dma_wait3A_1777 : memref<128000000xf32, #tpu.memory_space<hbm>>) dst(%dma_wait3A_1773 : memref<128xf32, #tpu.memory_space<vmem>>)
    %dma_wait3A_1778 = arith.constant 57 : i32
    %dma_wait3A_1779 = arith.constant 0 : i32
    %dma_wait3A_1780 = tpu.memref_slice %arg8[%dma_wait3A_1778, %dma_wait3A_1779] : memref<128x128xf32, #tpu.memory_space<vmem>> -> memref<1x128xf32, #tpu.memory_space<vmem>>
    %dma_wait3A_1781 = tpu.memref_squeeze %dma_wait3A_1780 : memref<1x128xf32, #tpu.memory_space<vmem>> -> memref<128xf32, #tpu.memory_space<vmem>>
    %dma_wait3A_1782 = arith.constant 7296 : i32
    %dma_wait3A_1783 = tpu.memref_slice %arg7[%dma_wait3A_1782] : memref<16384xi32, #tpu.memory_space<vmem>> -> memref<128xi32, #tpu.memory_space<vmem>>
    %dma_wait3A_1784 = arith.constant 0 : i32
    %dma_wait3A_1785 = tpu.memref_slice %arg3[%dma_wait3A_1784] : memref<128000000xf32, #tpu.memory_space<hbm>> -> memref<128000000xf32, #tpu.memory_space<hbm>>
    tpu.wait_indirect_dma semaphore(%arg9 : memref<!tpu.dma_semaphore, #tpu.memory_space<semaphore_mem>>) src(%dma_wait3A_1785 : memref<128000000xf32, #tpu.memory_space<hbm>>) dst(%dma_wait3A_1781 : memref<128xf32, #tpu.memory_space<vmem>>)
    %dma_wait3A_1786 = arith.constant 58 : i32
    %dma_wait3A_1787 = arith.constant 0 : i32
    %dma_wait3A_1788 = tpu.memref_slice %arg8[%dma_wait3A_1786, %dma_wait3A_1787] : memref<128x128xf32, #tpu.memory_space<vmem>> -> memref<1x128xf32, #tpu.memory_space<vmem>>
    %dma_wait3A_1789 = tpu.memref_squeeze %dma_wait3A_1788 : memref<1x128xf32, #tpu.memory_space<vmem>> -> memref<128xf32, #tpu.memory_space<vmem>>
    %dma_wait3A_1790 = arith.constant 7424 : i32
    %dma_wait3A_1791 = tpu.memref_slice %arg7[%dma_wait3A_1790] : memref<16384xi32, #tpu.memory_space<vmem>> -> memref<128xi32, #tpu.memory_space<vmem>>
    %dma_wait3A_1792 = arith.constant 0 : i32
    %dma_wait3A_1793 = tpu.memref_slice %arg3[%dma_wait3A_1792] : memref<128000000xf32, #tpu.memory_space<hbm>> -> memref<128000000xf32, #tpu.memory_space<hbm>>
    tpu.wait_indirect_dma semaphore(%arg9 : memref<!tpu.dma_semaphore, #tpu.memory_space<semaphore_mem>>) src(%dma_wait3A_1793 : memref<128000000xf32, #tpu.memory_space<hbm>>) dst(%dma_wait3A_1789 : memref<128xf32, #tpu.memory_space<vmem>>)
    %dma_wait3A_1794 = arith.constant 59 : i32
    %dma_wait3A_1795 = arith.constant 0 : i32
    %dma_wait3A_1796 = tpu.memref_slice %arg8[%dma_wait3A_1794, %dma_wait3A_1795] : memref<128x128xf32, #tpu.memory_space<vmem>> -> memref<1x128xf32, #tpu.memory_space<vmem>>
    %dma_wait3A_1797 = tpu.memref_squeeze %dma_wait3A_1796 : memref<1x128xf32, #tpu.memory_space<vmem>> -> memref<128xf32, #tpu.memory_space<vmem>>
    %dma_wait3A_1798 = arith.constant 7552 : i32
    %dma_wait3A_1799 = tpu.memref_slice %arg7[%dma_wait3A_1798] : memref<16384xi32, #tpu.memory_space<vmem>> -> memref<128xi32, #tpu.memory_space<vmem>>
    %dma_wait3A_1800 = arith.constant 0 : i32
    %dma_wait3A_1801 = tpu.memref_slice %arg3[%dma_wait3A_1800] : memref<128000000xf32, #tpu.memory_space<hbm>> -> memref<128000000xf32, #tpu.memory_space<hbm>>
    tpu.wait_indirect_dma semaphore(%arg9 : memref<!tpu.dma_semaphore, #tpu.memory_space<semaphore_mem>>) src(%dma_wait3A_1801 : memref<128000000xf32, #tpu.memory_space<hbm>>) dst(%dma_wait3A_1797 : memref<128xf32, #tpu.memory_space<vmem>>)
    %dma_wait3A_1802 = arith.constant 60 : i32
    %dma_wait3A_1803 = arith.constant 0 : i32
    %dma_wait3A_1804 = tpu.memref_slice %arg8[%dma_wait3A_1802, %dma_wait3A_1803] : memref<128x128xf32, #tpu.memory_space<vmem>> -> memref<1x128xf32, #tpu.memory_space<vmem>>
    %dma_wait3A_1805 = tpu.memref_squeeze %dma_wait3A_1804 : memref<1x128xf32, #tpu.memory_space<vmem>> -> memref<128xf32, #tpu.memory_space<vmem>>
    %dma_wait3A_1806 = arith.constant 7680 : i32
    %dma_wait3A_1807 = tpu.memref_slice %arg7[%dma_wait3A_1806] : memref<16384xi32, #tpu.memory_space<vmem>> -> memref<128xi32, #tpu.memory_space<vmem>>
    %dma_wait3A_1808 = arith.constant 0 : i32
    %dma_wait3A_1809 = tpu.memref_slice %arg3[%dma_wait3A_1808] : memref<128000000xf32, #tpu.memory_space<hbm>> -> memref<128000000xf32, #tpu.memory_space<hbm>>
    tpu.wait_indirect_dma semaphore(%arg9 : memref<!tpu.dma_semaphore, #tpu.memory_space<semaphore_mem>>) src(%dma_wait3A_1809 : memref<128000000xf32, #tpu.memory_space<hbm>>) dst(%dma_wait3A_1805 : memref<128xf32, #tpu.memory_space<vmem>>)
    %dma_wait3A_1810 = arith.constant 61 : i32
    %dma_wait3A_1811 = arith.constant 0 : i32
    %dma_wait3A_1812 = tpu.memref_slice %arg8[%dma_wait3A_1810, %dma_wait3A_1811] : memref<128x128xf32, #tpu.memory_space<vmem>> -> memref<1x128xf32, #tpu.memory_space<vmem>>
    %dma_wait3A_1813 = tpu.memref_squeeze %dma_wait3A_1812 : memref<1x128xf32, #tpu.memory_space<vmem>> -> memref<128xf32, #tpu.memory_space<vmem>>
    %dma_wait3A_1814 = arith.constant 7808 : i32
    %dma_wait3A_1815 = tpu.memref_slice %arg7[%dma_wait3A_1814] : memref<16384xi32, #tpu.memory_space<vmem>> -> memref<128xi32, #tpu.memory_space<vmem>>
    %dma_wait3A_1816 = arith.constant 0 : i32
    %dma_wait3A_1817 = tpu.memref_slice %arg3[%dma_wait3A_1816] : memref<128000000xf32, #tpu.memory_space<hbm>> -> memref<128000000xf32, #tpu.memory_space<hbm>>
    tpu.wait_indirect_dma semaphore(%arg9 : memref<!tpu.dma_semaphore, #tpu.memory_space<semaphore_mem>>) src(%dma_wait3A_1817 : memref<128000000xf32, #tpu.memory_space<hbm>>) dst(%dma_wait3A_1813 : memref<128xf32, #tpu.memory_space<vmem>>)
    %dma_wait3A_1818 = arith.constant 62 : i32
    %dma_wait3A_1819 = arith.constant 0 : i32
    %dma_wait3A_1820 = tpu.memref_slice %arg8[%dma_wait3A_1818, %dma_wait3A_1819] : memref<128x128xf32, #tpu.memory_space<vmem>> -> memref<1x128xf32, #tpu.memory_space<vmem>>
    %dma_wait3A_1821 = tpu.memref_squeeze %dma_wait3A_1820 : memref<1x128xf32, #tpu.memory_space<vmem>> -> memref<128xf32, #tpu.memory_space<vmem>>
    %dma_wait3A_1822 = arith.constant 7936 : i32
    %dma_wait3A_1823 = tpu.memref_slice %arg7[%dma_wait3A_1822] : memref<16384xi32, #tpu.memory_space<vmem>> -> memref<128xi32, #tpu.memory_space<vmem>>
    %dma_wait3A_1824 = arith.constant 0 : i32
    %dma_wait3A_1825 = tpu.memref_slice %arg3[%dma_wait3A_1824] : memref<128000000xf32, #tpu.memory_space<hbm>> -> memref<128000000xf32, #tpu.memory_space<hbm>>
    tpu.wait_indirect_dma semaphore(%arg9 : memref<!tpu.dma_semaphore, #tpu.memory_space<semaphore_mem>>) src(%dma_wait3A_1825 : memref<128000000xf32, #tpu.memory_space<hbm>>) dst(%dma_wait3A_1821 : memref<128xf32, #tpu.memory_space<vmem>>)
    %dma_wait3A_1826 = arith.constant 63 : i32
    %dma_wait3A_1827 = arith.constant 0 : i32
    %dma_wait3A_1828 = tpu.memref_slice %arg8[%dma_wait3A_1826, %dma_wait3A_1827] : memref<128x128xf32, #tpu.memory_space<vmem>> -> memref<1x128xf32, #tpu.memory_space<vmem>>
    %dma_wait3A_1829 = tpu.memref_squeeze %dma_wait3A_1828 : memref<1x128xf32, #tpu.memory_space<vmem>> -> memref<128xf32, #tpu.memory_space<vmem>>
    %dma_wait3A_1830 = arith.constant 8064 : i32
    %dma_wait3A_1831 = tpu.memref_slice %arg7[%dma_wait3A_1830] : memref<16384xi32, #tpu.memory_space<vmem>> -> memref<128xi32, #tpu.memory_space<vmem>>
    %dma_wait3A_1832 = arith.constant 0 : i32
    %dma_wait3A_1833 = tpu.memref_slice %arg3[%dma_wait3A_1832] : memref<128000000xf32, #tpu.memory_space<hbm>> -> memref<128000000xf32, #tpu.memory_space<hbm>>
    tpu.wait_indirect_dma semaphore(%arg9 : memref<!tpu.dma_semaphore, #tpu.memory_space<semaphore_mem>>) src(%dma_wait3A_1833 : memref<128000000xf32, #tpu.memory_space<hbm>>) dst(%dma_wait3A_1829 : memref<128xf32, #tpu.memory_space<vmem>>)
    %dma_wait3A_1834 = arith.constant 64 : i32
    %dma_wait3A_1835 = arith.constant 0 : i32
    %dma_wait3A_1836 = tpu.memref_slice %arg8[%dma_wait3A_1834, %dma_wait3A_1835] : memref<128x128xf32, #tpu.memory_space<vmem>> -> memref<1x128xf32, #tpu.memory_space<vmem>>
    %dma_wait3A_1837 = tpu.memref_squeeze %dma_wait3A_1836 : memref<1x128xf32, #tpu.memory_space<vmem>> -> memref<128xf32, #tpu.memory_space<vmem>>
    %dma_wait3A_1838 = arith.constant 8192 : i32
    %dma_wait3A_1839 = tpu.memref_slice %arg7[%dma_wait3A_1838] : memref<16384xi32, #tpu.memory_space<vmem>> -> memref<128xi32, #tpu.memory_space<vmem>>
    %dma_wait3A_1840 = arith.constant 0 : i32
    %dma_wait3A_1841 = tpu.memref_slice %arg3[%dma_wait3A_1840] : memref<128000000xf32, #tpu.memory_space<hbm>> -> memref<128000000xf32, #tpu.memory_space<hbm>>
    tpu.wait_indirect_dma semaphore(%arg9 : memref<!tpu.dma_semaphore, #tpu.memory_space<semaphore_mem>>) src(%dma_wait3A_1841 : memref<128000000xf32, #tpu.memory_space<hbm>>) dst(%dma_wait3A_1837 : memref<128xf32, #tpu.memory_space<vmem>>)
    %dma_wait3A_1842 = arith.constant 65 : i32
    %dma_wait3A_1843 = arith.constant 0 : i32
    %dma_wait3A_1844 = tpu.memref_slice %arg8[%dma_wait3A_1842, %dma_wait3A_1843] : memref<128x128xf32, #tpu.memory_space<vmem>> -> memref<1x128xf32, #tpu.memory_space<vmem>>
    %dma_wait3A_1845 = tpu.memref_squeeze %dma_wait3A_1844 : memref<1x128xf32, #tpu.memory_space<vmem>> -> memref<128xf32, #tpu.memory_space<vmem>>
    %dma_wait3A_1846 = arith.constant 8320 : i32
    %dma_wait3A_1847 = tpu.memref_slice %arg7[%dma_wait3A_1846] : memref<16384xi32, #tpu.memory_space<vmem>> -> memref<128xi32, #tpu.memory_space<vmem>>
    %dma_wait3A_1848 = arith.constant 0 : i32
    %dma_wait3A_1849 = tpu.memref_slice %arg3[%dma_wait3A_1848] : memref<128000000xf32, #tpu.memory_space<hbm>> -> memref<128000000xf32, #tpu.memory_space<hbm>>
    tpu.wait_indirect_dma semaphore(%arg9 : memref<!tpu.dma_semaphore, #tpu.memory_space<semaphore_mem>>) src(%dma_wait3A_1849 : memref<128000000xf32, #tpu.memory_space<hbm>>) dst(%dma_wait3A_1845 : memref<128xf32, #tpu.memory_space<vmem>>)
    %dma_wait3A_1850 = arith.constant 66 : i32
    %dma_wait3A_1851 = arith.constant 0 : i32
    %dma_wait3A_1852 = tpu.memref_slice %arg8[%dma_wait3A_1850, %dma_wait3A_1851] : memref<128x128xf32, #tpu.memory_space<vmem>> -> memref<1x128xf32, #tpu.memory_space<vmem>>
    %dma_wait3A_1853 = tpu.memref_squeeze %dma_wait3A_1852 : memref<1x128xf32, #tpu.memory_space<vmem>> -> memref<128xf32, #tpu.memory_space<vmem>>
    %dma_wait3A_1854 = arith.constant 8448 : i32
    %dma_wait3A_1855 = tpu.memref_slice %arg7[%dma_wait3A_1854] : memref<16384xi32, #tpu.memory_space<vmem>> -> memref<128xi32, #tpu.memory_space<vmem>>
    %dma_wait3A_1856 = arith.constant 0 : i32
    %dma_wait3A_1857 = tpu.memref_slice %arg3[%dma_wait3A_1856] : memref<128000000xf32, #tpu.memory_space<hbm>> -> memref<128000000xf32, #tpu.memory_space<hbm>>
    tpu.wait_indirect_dma semaphore(%arg9 : memref<!tpu.dma_semaphore, #tpu.memory_space<semaphore_mem>>) src(%dma_wait3A_1857 : memref<128000000xf32, #tpu.memory_space<hbm>>) dst(%dma_wait3A_1853 : memref<128xf32, #tpu.memory_space<vmem>>)
    %dma_wait3A_1858 = arith.constant 67 : i32
    %dma_wait3A_1859 = arith.constant 0 : i32
    %dma_wait3A_1860 = tpu.memref_slice %arg8[%dma_wait3A_1858, %dma_wait3A_1859] : memref<128x128xf32, #tpu.memory_space<vmem>> -> memref<1x128xf32, #tpu.memory_space<vmem>>
    %dma_wait3A_1861 = tpu.memref_squeeze %dma_wait3A_1860 : memref<1x128xf32, #tpu.memory_space<vmem>> -> memref<128xf32, #tpu.memory_space<vmem>>
    %dma_wait3A_1862 = arith.constant 8576 : i32
    %dma_wait3A_1863 = tpu.memref_slice %arg7[%dma_wait3A_1862] : memref<16384xi32, #tpu.memory_space<vmem>> -> memref<128xi32, #tpu.memory_space<vmem>>
    %dma_wait3A_1864 = arith.constant 0 : i32
    %dma_wait3A_1865 = tpu.memref_slice %arg3[%dma_wait3A_1864] : memref<128000000xf32, #tpu.memory_space<hbm>> -> memref<128000000xf32, #tpu.memory_space<hbm>>
    tpu.wait_indirect_dma semaphore(%arg9 : memref<!tpu.dma_semaphore, #tpu.memory_space<semaphore_mem>>) src(%dma_wait3A_1865 : memref<128000000xf32, #tpu.memory_space<hbm>>) dst(%dma_wait3A_1861 : memref<128xf32, #tpu.memory_space<vmem>>)
    %dma_wait3A_1866 = arith.constant 68 : i32
    %dma_wait3A_1867 = arith.constant 0 : i32
    %dma_wait3A_1868 = tpu.memref_slice %arg8[%dma_wait3A_1866, %dma_wait3A_1867] : memref<128x128xf32, #tpu.memory_space<vmem>> -> memref<1x128xf32, #tpu.memory_space<vmem>>
    %dma_wait3A_1869 = tpu.memref_squeeze %dma_wait3A_1868 : memref<1x128xf32, #tpu.memory_space<vmem>> -> memref<128xf32, #tpu.memory_space<vmem>>
    %dma_wait3A_1870 = arith.constant 8704 : i32
    %dma_wait3A_1871 = tpu.memref_slice %arg7[%dma_wait3A_1870] : memref<16384xi32, #tpu.memory_space<vmem>> -> memref<128xi32, #tpu.memory_space<vmem>>
    %dma_wait3A_1872 = arith.constant 0 : i32
    %dma_wait3A_1873 = tpu.memref_slice %arg3[%dma_wait3A_1872] : memref<128000000xf32, #tpu.memory_space<hbm>> -> memref<128000000xf32, #tpu.memory_space<hbm>>
    tpu.wait_indirect_dma semaphore(%arg9 : memref<!tpu.dma_semaphore, #tpu.memory_space<semaphore_mem>>) src(%dma_wait3A_1873 : memref<128000000xf32, #tpu.memory_space<hbm>>) dst(%dma_wait3A_1869 : memref<128xf32, #tpu.memory_space<vmem>>)
    %dma_wait3A_1874 = arith.constant 69 : i32
    %dma_wait3A_1875 = arith.constant 0 : i32
    %dma_wait3A_1876 = tpu.memref_slice %arg8[%dma_wait3A_1874, %dma_wait3A_1875] : memref<128x128xf32, #tpu.memory_space<vmem>> -> memref<1x128xf32, #tpu.memory_space<vmem>>
    %dma_wait3A_1877 = tpu.memref_squeeze %dma_wait3A_1876 : memref<1x128xf32, #tpu.memory_space<vmem>> -> memref<128xf32, #tpu.memory_space<vmem>>
    %dma_wait3A_1878 = arith.constant 8832 : i32
    %dma_wait3A_1879 = tpu.memref_slice %arg7[%dma_wait3A_1878] : memref<16384xi32, #tpu.memory_space<vmem>> -> memref<128xi32, #tpu.memory_space<vmem>>
    %dma_wait3A_1880 = arith.constant 0 : i32
    %dma_wait3A_1881 = tpu.memref_slice %arg3[%dma_wait3A_1880] : memref<128000000xf32, #tpu.memory_space<hbm>> -> memref<128000000xf32, #tpu.memory_space<hbm>>
    tpu.wait_indirect_dma semaphore(%arg9 : memref<!tpu.dma_semaphore, #tpu.memory_space<semaphore_mem>>) src(%dma_wait3A_1881 : memref<128000000xf32, #tpu.memory_space<hbm>>) dst(%dma_wait3A_1877 : memref<128xf32, #tpu.memory_space<vmem>>)
    %dma_wait3A_1882 = arith.constant 70 : i32
    %dma_wait3A_1883 = arith.constant 0 : i32
    %dma_wait3A_1884 = tpu.memref_slice %arg8[%dma_wait3A_1882, %dma_wait3A_1883] : memref<128x128xf32, #tpu.memory_space<vmem>> -> memref<1x128xf32, #tpu.memory_space<vmem>>
    %dma_wait3A_1885 = tpu.memref_squeeze %dma_wait3A_1884 : memref<1x128xf32, #tpu.memory_space<vmem>> -> memref<128xf32, #tpu.memory_space<vmem>>
    %dma_wait3A_1886 = arith.constant 8960 : i32
    %dma_wait3A_1887 = tpu.memref_slice %arg7[%dma_wait3A_1886] : memref<16384xi32, #tpu.memory_space<vmem>> -> memref<128xi32, #tpu.memory_space<vmem>>
    %dma_wait3A_1888 = arith.constant 0 : i32
    %dma_wait3A_1889 = tpu.memref_slice %arg3[%dma_wait3A_1888] : memref<128000000xf32, #tpu.memory_space<hbm>> -> memref<128000000xf32, #tpu.memory_space<hbm>>
    tpu.wait_indirect_dma semaphore(%arg9 : memref<!tpu.dma_semaphore, #tpu.memory_space<semaphore_mem>>) src(%dma_wait3A_1889 : memref<128000000xf32, #tpu.memory_space<hbm>>) dst(%dma_wait3A_1885 : memref<128xf32, #tpu.memory_space<vmem>>)
    %dma_wait3A_1890 = arith.constant 71 : i32
    %dma_wait3A_1891 = arith.constant 0 : i32
    %dma_wait3A_1892 = tpu.memref_slice %arg8[%dma_wait3A_1890, %dma_wait3A_1891] : memref<128x128xf32, #tpu.memory_space<vmem>> -> memref<1x128xf32, #tpu.memory_space<vmem>>
    %dma_wait3A_1893 = tpu.memref_squeeze %dma_wait3A_1892 : memref<1x128xf32, #tpu.memory_space<vmem>> -> memref<128xf32, #tpu.memory_space<vmem>>
    %dma_wait3A_1894 = arith.constant 9088 : i32
    %dma_wait3A_1895 = tpu.memref_slice %arg7[%dma_wait3A_1894] : memref<16384xi32, #tpu.memory_space<vmem>> -> memref<128xi32, #tpu.memory_space<vmem>>
    %dma_wait3A_1896 = arith.constant 0 : i32
    %dma_wait3A_1897 = tpu.memref_slice %arg3[%dma_wait3A_1896] : memref<128000000xf32, #tpu.memory_space<hbm>> -> memref<128000000xf32, #tpu.memory_space<hbm>>
    tpu.wait_indirect_dma semaphore(%arg9 : memref<!tpu.dma_semaphore, #tpu.memory_space<semaphore_mem>>) src(%dma_wait3A_1897 : memref<128000000xf32, #tpu.memory_space<hbm>>) dst(%dma_wait3A_1893 : memref<128xf32, #tpu.memory_space<vmem>>)
    %dma_wait3A_1898 = arith.constant 72 : i32
    %dma_wait3A_1899 = arith.constant 0 : i32
    %dma_wait3A_1900 = tpu.memref_slice %arg8[%dma_wait3A_1898, %dma_wait3A_1899] : memref<128x128xf32, #tpu.memory_space<vmem>> -> memref<1x128xf32, #tpu.memory_space<vmem>>
    %dma_wait3A_1901 = tpu.memref_squeeze %dma_wait3A_1900 : memref<1x128xf32, #tpu.memory_space<vmem>> -> memref<128xf32, #tpu.memory_space<vmem>>
    %dma_wait3A_1902 = arith.constant 9216 : i32
    %dma_wait3A_1903 = tpu.memref_slice %arg7[%dma_wait3A_1902] : memref<16384xi32, #tpu.memory_space<vmem>> -> memref<128xi32, #tpu.memory_space<vmem>>
    %dma_wait3A_1904 = arith.constant 0 : i32
    %dma_wait3A_1905 = tpu.memref_slice %arg3[%dma_wait3A_1904] : memref<128000000xf32, #tpu.memory_space<hbm>> -> memref<128000000xf32, #tpu.memory_space<hbm>>
    tpu.wait_indirect_dma semaphore(%arg9 : memref<!tpu.dma_semaphore, #tpu.memory_space<semaphore_mem>>) src(%dma_wait3A_1905 : memref<128000000xf32, #tpu.memory_space<hbm>>) dst(%dma_wait3A_1901 : memref<128xf32, #tpu.memory_space<vmem>>)
    %dma_wait3A_1906 = arith.constant 73 : i32
    %dma_wait3A_1907 = arith.constant 0 : i32
    %dma_wait3A_1908 = tpu.memref_slice %arg8[%dma_wait3A_1906, %dma_wait3A_1907] : memref<128x128xf32, #tpu.memory_space<vmem>> -> memref<1x128xf32, #tpu.memory_space<vmem>>
    %dma_wait3A_1909 = tpu.memref_squeeze %dma_wait3A_1908 : memref<1x128xf32, #tpu.memory_space<vmem>> -> memref<128xf32, #tpu.memory_space<vmem>>
    %dma_wait3A_1910 = arith.constant 9344 : i32
    %dma_wait3A_1911 = tpu.memref_slice %arg7[%dma_wait3A_1910] : memref<16384xi32, #tpu.memory_space<vmem>> -> memref<128xi32, #tpu.memory_space<vmem>>
    %dma_wait3A_1912 = arith.constant 0 : i32
    %dma_wait3A_1913 = tpu.memref_slice %arg3[%dma_wait3A_1912] : memref<128000000xf32, #tpu.memory_space<hbm>> -> memref<128000000xf32, #tpu.memory_space<hbm>>
    tpu.wait_indirect_dma semaphore(%arg9 : memref<!tpu.dma_semaphore, #tpu.memory_space<semaphore_mem>>) src(%dma_wait3A_1913 : memref<128000000xf32, #tpu.memory_space<hbm>>) dst(%dma_wait3A_1909 : memref<128xf32, #tpu.memory_space<vmem>>)
    %dma_wait3A_1914 = arith.constant 74 : i32
    %dma_wait3A_1915 = arith.constant 0 : i32
    %dma_wait3A_1916 = tpu.memref_slice %arg8[%dma_wait3A_1914, %dma_wait3A_1915] : memref<128x128xf32, #tpu.memory_space<vmem>> -> memref<1x128xf32, #tpu.memory_space<vmem>>
    %dma_wait3A_1917 = tpu.memref_squeeze %dma_wait3A_1916 : memref<1x128xf32, #tpu.memory_space<vmem>> -> memref<128xf32, #tpu.memory_space<vmem>>
    %dma_wait3A_1918 = arith.constant 9472 : i32
    %dma_wait3A_1919 = tpu.memref_slice %arg7[%dma_wait3A_1918] : memref<16384xi32, #tpu.memory_space<vmem>> -> memref<128xi32, #tpu.memory_space<vmem>>
    %dma_wait3A_1920 = arith.constant 0 : i32
    %dma_wait3A_1921 = tpu.memref_slice %arg3[%dma_wait3A_1920] : memref<128000000xf32, #tpu.memory_space<hbm>> -> memref<128000000xf32, #tpu.memory_space<hbm>>
    tpu.wait_indirect_dma semaphore(%arg9 : memref<!tpu.dma_semaphore, #tpu.memory_space<semaphore_mem>>) src(%dma_wait3A_1921 : memref<128000000xf32, #tpu.memory_space<hbm>>) dst(%dma_wait3A_1917 : memref<128xf32, #tpu.memory_space<vmem>>)
    %dma_wait3A_1922 = arith.constant 75 : i32
    %dma_wait3A_1923 = arith.constant 0 : i32
    %dma_wait3A_1924 = tpu.memref_slice %arg8[%dma_wait3A_1922, %dma_wait3A_1923] : memref<128x128xf32, #tpu.memory_space<vmem>> -> memref<1x128xf32, #tpu.memory_space<vmem>>
    %dma_wait3A_1925 = tpu.memref_squeeze %dma_wait3A_1924 : memref<1x128xf32, #tpu.memory_space<vmem>> -> memref<128xf32, #tpu.memory_space<vmem>>
    %dma_wait3A_1926 = arith.constant 9600 : i32
    %dma_wait3A_1927 = tpu.memref_slice %arg7[%dma_wait3A_1926] : memref<16384xi32, #tpu.memory_space<vmem>> -> memref<128xi32, #tpu.memory_space<vmem>>
    %dma_wait3A_1928 = arith.constant 0 : i32
    %dma_wait3A_1929 = tpu.memref_slice %arg3[%dma_wait3A_1928] : memref<128000000xf32, #tpu.memory_space<hbm>> -> memref<128000000xf32, #tpu.memory_space<hbm>>
    tpu.wait_indirect_dma semaphore(%arg9 : memref<!tpu.dma_semaphore, #tpu.memory_space<semaphore_mem>>) src(%dma_wait3A_1929 : memref<128000000xf32, #tpu.memory_space<hbm>>) dst(%dma_wait3A_1925 : memref<128xf32, #tpu.memory_space<vmem>>)
    %dma_wait3A_1930 = arith.constant 76 : i32
    %dma_wait3A_1931 = arith.constant 0 : i32
    %dma_wait3A_1932 = tpu.memref_slice %arg8[%dma_wait3A_1930, %dma_wait3A_1931] : memref<128x128xf32, #tpu.memory_space<vmem>> -> memref<1x128xf32, #tpu.memory_space<vmem>>
    %dma_wait3A_1933 = tpu.memref_squeeze %dma_wait3A_1932 : memref<1x128xf32, #tpu.memory_space<vmem>> -> memref<128xf32, #tpu.memory_space<vmem>>
    %dma_wait3A_1934 = arith.constant 9728 : i32
    %dma_wait3A_1935 = tpu.memref_slice %arg7[%dma_wait3A_1934] : memref<16384xi32, #tpu.memory_space<vmem>> -> memref<128xi32, #tpu.memory_space<vmem>>
    %dma_wait3A_1936 = arith.constant 0 : i32
    %dma_wait3A_1937 = tpu.memref_slice %arg3[%dma_wait3A_1936] : memref<128000000xf32, #tpu.memory_space<hbm>> -> memref<128000000xf32, #tpu.memory_space<hbm>>
    tpu.wait_indirect_dma semaphore(%arg9 : memref<!tpu.dma_semaphore, #tpu.memory_space<semaphore_mem>>) src(%dma_wait3A_1937 : memref<128000000xf32, #tpu.memory_space<hbm>>) dst(%dma_wait3A_1933 : memref<128xf32, #tpu.memory_space<vmem>>)
    %dma_wait3A_1938 = arith.constant 77 : i32
    %dma_wait3A_1939 = arith.constant 0 : i32
    %dma_wait3A_1940 = tpu.memref_slice %arg8[%dma_wait3A_1938, %dma_wait3A_1939] : memref<128x128xf32, #tpu.memory_space<vmem>> -> memref<1x128xf32, #tpu.memory_space<vmem>>
    %dma_wait3A_1941 = tpu.memref_squeeze %dma_wait3A_1940 : memref<1x128xf32, #tpu.memory_space<vmem>> -> memref<128xf32, #tpu.memory_space<vmem>>
    %dma_wait3A_1942 = arith.constant 9856 : i32
    %dma_wait3A_1943 = tpu.memref_slice %arg7[%dma_wait3A_1942] : memref<16384xi32, #tpu.memory_space<vmem>> -> memref<128xi32, #tpu.memory_space<vmem>>
    %dma_wait3A_1944 = arith.constant 0 : i32
    %dma_wait3A_1945 = tpu.memref_slice %arg3[%dma_wait3A_1944] : memref<128000000xf32, #tpu.memory_space<hbm>> -> memref<128000000xf32, #tpu.memory_space<hbm>>
    tpu.wait_indirect_dma semaphore(%arg9 : memref<!tpu.dma_semaphore, #tpu.memory_space<semaphore_mem>>) src(%dma_wait3A_1945 : memref<128000000xf32, #tpu.memory_space<hbm>>) dst(%dma_wait3A_1941 : memref<128xf32, #tpu.memory_space<vmem>>)
    %dma_wait3A_1946 = arith.constant 78 : i32
    %dma_wait3A_1947 = arith.constant 0 : i32
    %dma_wait3A_1948 = tpu.memref_slice %arg8[%dma_wait3A_1946, %dma_wait3A_1947] : memref<128x128xf32, #tpu.memory_space<vmem>> -> memref<1x128xf32, #tpu.memory_space<vmem>>
    %dma_wait3A_1949 = tpu.memref_squeeze %dma_wait3A_1948 : memref<1x128xf32, #tpu.memory_space<vmem>> -> memref<128xf32, #tpu.memory_space<vmem>>
    %dma_wait3A_1950 = arith.constant 9984 : i32
    %dma_wait3A_1951 = tpu.memref_slice %arg7[%dma_wait3A_1950] : memref<16384xi32, #tpu.memory_space<vmem>> -> memref<128xi32, #tpu.memory_space<vmem>>
    %dma_wait3A_1952 = arith.constant 0 : i32
    %dma_wait3A_1953 = tpu.memref_slice %arg3[%dma_wait3A_1952] : memref<128000000xf32, #tpu.memory_space<hbm>> -> memref<128000000xf32, #tpu.memory_space<hbm>>
    tpu.wait_indirect_dma semaphore(%arg9 : memref<!tpu.dma_semaphore, #tpu.memory_space<semaphore_mem>>) src(%dma_wait3A_1953 : memref<128000000xf32, #tpu.memory_space<hbm>>) dst(%dma_wait3A_1949 : memref<128xf32, #tpu.memory_space<vmem>>)
    %dma_wait3A_1954 = arith.constant 79 : i32
    %dma_wait3A_1955 = arith.constant 0 : i32
    %dma_wait3A_1956 = tpu.memref_slice %arg8[%dma_wait3A_1954, %dma_wait3A_1955] : memref<128x128xf32, #tpu.memory_space<vmem>> -> memref<1x128xf32, #tpu.memory_space<vmem>>
    %dma_wait3A_1957 = tpu.memref_squeeze %dma_wait3A_1956 : memref<1x128xf32, #tpu.memory_space<vmem>> -> memref<128xf32, #tpu.memory_space<vmem>>
    %dma_wait3A_1958 = arith.constant 10112 : i32
    %dma_wait3A_1959 = tpu.memref_slice %arg7[%dma_wait3A_1958] : memref<16384xi32, #tpu.memory_space<vmem>> -> memref<128xi32, #tpu.memory_space<vmem>>
    %dma_wait3A_1960 = arith.constant 0 : i32
    %dma_wait3A_1961 = tpu.memref_slice %arg3[%dma_wait3A_1960] : memref<128000000xf32, #tpu.memory_space<hbm>> -> memref<128000000xf32, #tpu.memory_space<hbm>>
    tpu.wait_indirect_dma semaphore(%arg9 : memref<!tpu.dma_semaphore, #tpu.memory_space<semaphore_mem>>) src(%dma_wait3A_1961 : memref<128000000xf32, #tpu.memory_space<hbm>>) dst(%dma_wait3A_1957 : memref<128xf32, #tpu.memory_space<vmem>>)
    %dma_wait3A_1962 = arith.constant 80 : i32
    %dma_wait3A_1963 = arith.constant 0 : i32
    %dma_wait3A_1964 = tpu.memref_slice %arg8[%dma_wait3A_1962, %dma_wait3A_1963] : memref<128x128xf32, #tpu.memory_space<vmem>> -> memref<1x128xf32, #tpu.memory_space<vmem>>
    %dma_wait3A_1965 = tpu.memref_squeeze %dma_wait3A_1964 : memref<1x128xf32, #tpu.memory_space<vmem>> -> memref<128xf32, #tpu.memory_space<vmem>>
    %dma_wait3A_1966 = arith.constant 10240 : i32
    %dma_wait3A_1967 = tpu.memref_slice %arg7[%dma_wait3A_1966] : memref<16384xi32, #tpu.memory_space<vmem>> -> memref<128xi32, #tpu.memory_space<vmem>>
    %dma_wait3A_1968 = arith.constant 0 : i32
    %dma_wait3A_1969 = tpu.memref_slice %arg3[%dma_wait3A_1968] : memref<128000000xf32, #tpu.memory_space<hbm>> -> memref<128000000xf32, #tpu.memory_space<hbm>>
    tpu.wait_indirect_dma semaphore(%arg9 : memref<!tpu.dma_semaphore, #tpu.memory_space<semaphore_mem>>) src(%dma_wait3A_1969 : memref<128000000xf32, #tpu.memory_space<hbm>>) dst(%dma_wait3A_1965 : memref<128xf32, #tpu.memory_space<vmem>>)
    %dma_wait3A_1970 = arith.constant 81 : i32
    %dma_wait3A_1971 = arith.constant 0 : i32
    %dma_wait3A_1972 = tpu.memref_slice %arg8[%dma_wait3A_1970, %dma_wait3A_1971] : memref<128x128xf32, #tpu.memory_space<vmem>> -> memref<1x128xf32, #tpu.memory_space<vmem>>
    %dma_wait3A_1973 = tpu.memref_squeeze %dma_wait3A_1972 : memref<1x128xf32, #tpu.memory_space<vmem>> -> memref<128xf32, #tpu.memory_space<vmem>>
    %dma_wait3A_1974 = arith.constant 10368 : i32
    %dma_wait3A_1975 = tpu.memref_slice %arg7[%dma_wait3A_1974] : memref<16384xi32, #tpu.memory_space<vmem>> -> memref<128xi32, #tpu.memory_space<vmem>>
    %dma_wait3A_1976 = arith.constant 0 : i32
    %dma_wait3A_1977 = tpu.memref_slice %arg3[%dma_wait3A_1976] : memref<128000000xf32, #tpu.memory_space<hbm>> -> memref<128000000xf32, #tpu.memory_space<hbm>>
    tpu.wait_indirect_dma semaphore(%arg9 : memref<!tpu.dma_semaphore, #tpu.memory_space<semaphore_mem>>) src(%dma_wait3A_1977 : memref<128000000xf32, #tpu.memory_space<hbm>>) dst(%dma_wait3A_1973 : memref<128xf32, #tpu.memory_space<vmem>>)
    %dma_wait3A_1978 = arith.constant 82 : i32
    %dma_wait3A_1979 = arith.constant 0 : i32
    %dma_wait3A_1980 = tpu.memref_slice %arg8[%dma_wait3A_1978, %dma_wait3A_1979] : memref<128x128xf32, #tpu.memory_space<vmem>> -> memref<1x128xf32, #tpu.memory_space<vmem>>
    %dma_wait3A_1981 = tpu.memref_squeeze %dma_wait3A_1980 : memref<1x128xf32, #tpu.memory_space<vmem>> -> memref<128xf32, #tpu.memory_space<vmem>>
    %dma_wait3A_1982 = arith.constant 10496 : i32
    %dma_wait3A_1983 = tpu.memref_slice %arg7[%dma_wait3A_1982] : memref<16384xi32, #tpu.memory_space<vmem>> -> memref<128xi32, #tpu.memory_space<vmem>>
    %dma_wait3A_1984 = arith.constant 0 : i32
    %dma_wait3A_1985 = tpu.memref_slice %arg3[%dma_wait3A_1984] : memref<128000000xf32, #tpu.memory_space<hbm>> -> memref<128000000xf32, #tpu.memory_space<hbm>>
    tpu.wait_indirect_dma semaphore(%arg9 : memref<!tpu.dma_semaphore, #tpu.memory_space<semaphore_mem>>) src(%dma_wait3A_1985 : memref<128000000xf32, #tpu.memory_space<hbm>>) dst(%dma_wait3A_1981 : memref<128xf32, #tpu.memory_space<vmem>>)
    %dma_wait3A_1986 = arith.constant 83 : i32
    %dma_wait3A_1987 = arith.constant 0 : i32
    %dma_wait3A_1988 = tpu.memref_slice %arg8[%dma_wait3A_1986, %dma_wait3A_1987] : memref<128x128xf32, #tpu.memory_space<vmem>> -> memref<1x128xf32, #tpu.memory_space<vmem>>
    %dma_wait3A_1989 = tpu.memref_squeeze %dma_wait3A_1988 : memref<1x128xf32, #tpu.memory_space<vmem>> -> memref<128xf32, #tpu.memory_space<vmem>>
    %dma_wait3A_1990 = arith.constant 10624 : i32
    %dma_wait3A_1991 = tpu.memref_slice %arg7[%dma_wait3A_1990] : memref<16384xi32, #tpu.memory_space<vmem>> -> memref<128xi32, #tpu.memory_space<vmem>>
    %dma_wait3A_1992 = arith.constant 0 : i32
    %dma_wait3A_1993 = tpu.memref_slice %arg3[%dma_wait3A_1992] : memref<128000000xf32, #tpu.memory_space<hbm>> -> memref<128000000xf32, #tpu.memory_space<hbm>>
    tpu.wait_indirect_dma semaphore(%arg9 : memref<!tpu.dma_semaphore, #tpu.memory_space<semaphore_mem>>) src(%dma_wait3A_1993 : memref<128000000xf32, #tpu.memory_space<hbm>>) dst(%dma_wait3A_1989 : memref<128xf32, #tpu.memory_space<vmem>>)
    %dma_wait3A_1994 = arith.constant 84 : i32
    %dma_wait3A_1995 = arith.constant 0 : i32
    %dma_wait3A_1996 = tpu.memref_slice %arg8[%dma_wait3A_1994, %dma_wait3A_1995] : memref<128x128xf32, #tpu.memory_space<vmem>> -> memref<1x128xf32, #tpu.memory_space<vmem>>
    %dma_wait3A_1997 = tpu.memref_squeeze %dma_wait3A_1996 : memref<1x128xf32, #tpu.memory_space<vmem>> -> memref<128xf32, #tpu.memory_space<vmem>>
    %dma_wait3A_1998 = arith.constant 10752 : i32
    %dma_wait3A_1999 = tpu.memref_slice %arg7[%dma_wait3A_1998] : memref<16384xi32, #tpu.memory_space<vmem>> -> memref<128xi32, #tpu.memory_space<vmem>>
    %dma_wait3A_2000 = arith.constant 0 : i32
    %dma_wait3A_2001 = tpu.memref_slice %arg3[%dma_wait3A_2000] : memref<128000000xf32, #tpu.memory_space<hbm>> -> memref<128000000xf32, #tpu.memory_space<hbm>>
    tpu.wait_indirect_dma semaphore(%arg9 : memref<!tpu.dma_semaphore, #tpu.memory_space<semaphore_mem>>) src(%dma_wait3A_2001 : memref<128000000xf32, #tpu.memory_space<hbm>>) dst(%dma_wait3A_1997 : memref<128xf32, #tpu.memory_space<vmem>>)
    %dma_wait3A_2002 = arith.constant 85 : i32
    %dma_wait3A_2003 = arith.constant 0 : i32
    %dma_wait3A_2004 = tpu.memref_slice %arg8[%dma_wait3A_2002, %dma_wait3A_2003] : memref<128x128xf32, #tpu.memory_space<vmem>> -> memref<1x128xf32, #tpu.memory_space<vmem>>
    %dma_wait3A_2005 = tpu.memref_squeeze %dma_wait3A_2004 : memref<1x128xf32, #tpu.memory_space<vmem>> -> memref<128xf32, #tpu.memory_space<vmem>>
    %dma_wait3A_2006 = arith.constant 10880 : i32
    %dma_wait3A_2007 = tpu.memref_slice %arg7[%dma_wait3A_2006] : memref<16384xi32, #tpu.memory_space<vmem>> -> memref<128xi32, #tpu.memory_space<vmem>>
    %dma_wait3A_2008 = arith.constant 0 : i32
    %dma_wait3A_2009 = tpu.memref_slice %arg3[%dma_wait3A_2008] : memref<128000000xf32, #tpu.memory_space<hbm>> -> memref<128000000xf32, #tpu.memory_space<hbm>>
    tpu.wait_indirect_dma semaphore(%arg9 : memref<!tpu.dma_semaphore, #tpu.memory_space<semaphore_mem>>) src(%dma_wait3A_2009 : memref<128000000xf32, #tpu.memory_space<hbm>>) dst(%dma_wait3A_2005 : memref<128xf32, #tpu.memory_space<vmem>>)
    %dma_wait3A_2010 = arith.constant 86 : i32
    %dma_wait3A_2011 = arith.constant 0 : i32
    %dma_wait3A_2012 = tpu.memref_slice %arg8[%dma_wait3A_2010, %dma_wait3A_2011] : memref<128x128xf32, #tpu.memory_space<vmem>> -> memref<1x128xf32, #tpu.memory_space<vmem>>
    %dma_wait3A_2013 = tpu.memref_squeeze %dma_wait3A_2012 : memref<1x128xf32, #tpu.memory_space<vmem>> -> memref<128xf32, #tpu.memory_space<vmem>>
    %dma_wait3A_2014 = arith.constant 11008 : i32
    %dma_wait3A_2015 = tpu.memref_slice %arg7[%dma_wait3A_2014] : memref<16384xi32, #tpu.memory_space<vmem>> -> memref<128xi32, #tpu.memory_space<vmem>>
    %dma_wait3A_2016 = arith.constant 0 : i32
    %dma_wait3A_2017 = tpu.memref_slice %arg3[%dma_wait3A_2016] : memref<128000000xf32, #tpu.memory_space<hbm>> -> memref<128000000xf32, #tpu.memory_space<hbm>>
    tpu.wait_indirect_dma semaphore(%arg9 : memref<!tpu.dma_semaphore, #tpu.memory_space<semaphore_mem>>) src(%dma_wait3A_2017 : memref<128000000xf32, #tpu.memory_space<hbm>>) dst(%dma_wait3A_2013 : memref<128xf32, #tpu.memory_space<vmem>>)
    %dma_wait3A_2018 = arith.constant 87 : i32
    %dma_wait3A_2019 = arith.constant 0 : i32
    %dma_wait3A_2020 = tpu.memref_slice %arg8[%dma_wait3A_2018, %dma_wait3A_2019] : memref<128x128xf32, #tpu.memory_space<vmem>> -> memref<1x128xf32, #tpu.memory_space<vmem>>
    %dma_wait3A_2021 = tpu.memref_squeeze %dma_wait3A_2020 : memref<1x128xf32, #tpu.memory_space<vmem>> -> memref<128xf32, #tpu.memory_space<vmem>>
    %dma_wait3A_2022 = arith.constant 11136 : i32
    %dma_wait3A_2023 = tpu.memref_slice %arg7[%dma_wait3A_2022] : memref<16384xi32, #tpu.memory_space<vmem>> -> memref<128xi32, #tpu.memory_space<vmem>>
    %dma_wait3A_2024 = arith.constant 0 : i32
    %dma_wait3A_2025 = tpu.memref_slice %arg3[%dma_wait3A_2024] : memref<128000000xf32, #tpu.memory_space<hbm>> -> memref<128000000xf32, #tpu.memory_space<hbm>>
    tpu.wait_indirect_dma semaphore(%arg9 : memref<!tpu.dma_semaphore, #tpu.memory_space<semaphore_mem>>) src(%dma_wait3A_2025 : memref<128000000xf32, #tpu.memory_space<hbm>>) dst(%dma_wait3A_2021 : memref<128xf32, #tpu.memory_space<vmem>>)
    %dma_wait3A_2026 = arith.constant 88 : i32
    %dma_wait3A_2027 = arith.constant 0 : i32
    %dma_wait3A_2028 = tpu.memref_slice %arg8[%dma_wait3A_2026, %dma_wait3A_2027] : memref<128x128xf32, #tpu.memory_space<vmem>> -> memref<1x128xf32, #tpu.memory_space<vmem>>
    %dma_wait3A_2029 = tpu.memref_squeeze %dma_wait3A_2028 : memref<1x128xf32, #tpu.memory_space<vmem>> -> memref<128xf32, #tpu.memory_space<vmem>>
    %dma_wait3A_2030 = arith.constant 11264 : i32
    %dma_wait3A_2031 = tpu.memref_slice %arg7[%dma_wait3A_2030] : memref<16384xi32, #tpu.memory_space<vmem>> -> memref<128xi32, #tpu.memory_space<vmem>>
    %dma_wait3A_2032 = arith.constant 0 : i32
    %dma_wait3A_2033 = tpu.memref_slice %arg3[%dma_wait3A_2032] : memref<128000000xf32, #tpu.memory_space<hbm>> -> memref<128000000xf32, #tpu.memory_space<hbm>>
    tpu.wait_indirect_dma semaphore(%arg9 : memref<!tpu.dma_semaphore, #tpu.memory_space<semaphore_mem>>) src(%dma_wait3A_2033 : memref<128000000xf32, #tpu.memory_space<hbm>>) dst(%dma_wait3A_2029 : memref<128xf32, #tpu.memory_space<vmem>>)
    %dma_wait3A_2034 = arith.constant 89 : i32
    %dma_wait3A_2035 = arith.constant 0 : i32
    %dma_wait3A_2036 = tpu.memref_slice %arg8[%dma_wait3A_2034, %dma_wait3A_2035] : memref<128x128xf32, #tpu.memory_space<vmem>> -> memref<1x128xf32, #tpu.memory_space<vmem>>
    %dma_wait3A_2037 = tpu.memref_squeeze %dma_wait3A_2036 : memref<1x128xf32, #tpu.memory_space<vmem>> -> memref<128xf32, #tpu.memory_space<vmem>>
    %dma_wait3A_2038 = arith.constant 11392 : i32
    %dma_wait3A_2039 = tpu.memref_slice %arg7[%dma_wait3A_2038] : memref<16384xi32, #tpu.memory_space<vmem>> -> memref<128xi32, #tpu.memory_space<vmem>>
    %dma_wait3A_2040 = arith.constant 0 : i32
    %dma_wait3A_2041 = tpu.memref_slice %arg3[%dma_wait3A_2040] : memref<128000000xf32, #tpu.memory_space<hbm>> -> memref<128000000xf32, #tpu.memory_space<hbm>>
    tpu.wait_indirect_dma semaphore(%arg9 : memref<!tpu.dma_semaphore, #tpu.memory_space<semaphore_mem>>) src(%dma_wait3A_2041 : memref<128000000xf32, #tpu.memory_space<hbm>>) dst(%dma_wait3A_2037 : memref<128xf32, #tpu.memory_space<vmem>>)
    %dma_wait3A_2042 = arith.constant 90 : i32
    %dma_wait3A_2043 = arith.constant 0 : i32
    %dma_wait3A_2044 = tpu.memref_slice %arg8[%dma_wait3A_2042, %dma_wait3A_2043] : memref<128x128xf32, #tpu.memory_space<vmem>> -> memref<1x128xf32, #tpu.memory_space<vmem>>
    %dma_wait3A_2045 = tpu.memref_squeeze %dma_wait3A_2044 : memref<1x128xf32, #tpu.memory_space<vmem>> -> memref<128xf32, #tpu.memory_space<vmem>>
    %dma_wait3A_2046 = arith.constant 11520 : i32
    %dma_wait3A_2047 = tpu.memref_slice %arg7[%dma_wait3A_2046] : memref<16384xi32, #tpu.memory_space<vmem>> -> memref<128xi32, #tpu.memory_space<vmem>>
    %dma_wait3A_2048 = arith.constant 0 : i32
    %dma_wait3A_2049 = tpu.memref_slice %arg3[%dma_wait3A_2048] : memref<128000000xf32, #tpu.memory_space<hbm>> -> memref<128000000xf32, #tpu.memory_space<hbm>>
    tpu.wait_indirect_dma semaphore(%arg9 : memref<!tpu.dma_semaphore, #tpu.memory_space<semaphore_mem>>) src(%dma_wait3A_2049 : memref<128000000xf32, #tpu.memory_space<hbm>>) dst(%dma_wait3A_2045 : memref<128xf32, #tpu.memory_space<vmem>>)
    %dma_wait3A_2050 = arith.constant 91 : i32
    %dma_wait3A_2051 = arith.constant 0 : i32
    %dma_wait3A_2052 = tpu.memref_slice %arg8[%dma_wait3A_2050, %dma_wait3A_2051] : memref<128x128xf32, #tpu.memory_space<vmem>> -> memref<1x128xf32, #tpu.memory_space<vmem>>
    %dma_wait3A_2053 = tpu.memref_squeeze %dma_wait3A_2052 : memref<1x128xf32, #tpu.memory_space<vmem>> -> memref<128xf32, #tpu.memory_space<vmem>>
    %dma_wait3A_2054 = arith.constant 11648 : i32
    %dma_wait3A_2055 = tpu.memref_slice %arg7[%dma_wait3A_2054] : memref<16384xi32, #tpu.memory_space<vmem>> -> memref<128xi32, #tpu.memory_space<vmem>>
    %dma_wait3A_2056 = arith.constant 0 : i32
    %dma_wait3A_2057 = tpu.memref_slice %arg3[%dma_wait3A_2056] : memref<128000000xf32, #tpu.memory_space<hbm>> -> memref<128000000xf32, #tpu.memory_space<hbm>>
    tpu.wait_indirect_dma semaphore(%arg9 : memref<!tpu.dma_semaphore, #tpu.memory_space<semaphore_mem>>) src(%dma_wait3A_2057 : memref<128000000xf32, #tpu.memory_space<hbm>>) dst(%dma_wait3A_2053 : memref<128xf32, #tpu.memory_space<vmem>>)
    %dma_wait3A_2058 = arith.constant 92 : i32
    %dma_wait3A_2059 = arith.constant 0 : i32
    %dma_wait3A_2060 = tpu.memref_slice %arg8[%dma_wait3A_2058, %dma_wait3A_2059] : memref<128x128xf32, #tpu.memory_space<vmem>> -> memref<1x128xf32, #tpu.memory_space<vmem>>
    %dma_wait3A_2061 = tpu.memref_squeeze %dma_wait3A_2060 : memref<1x128xf32, #tpu.memory_space<vmem>> -> memref<128xf32, #tpu.memory_space<vmem>>
    %dma_wait3A_2062 = arith.constant 11776 : i32
    %dma_wait3A_2063 = tpu.memref_slice %arg7[%dma_wait3A_2062] : memref<16384xi32, #tpu.memory_space<vmem>> -> memref<128xi32, #tpu.memory_space<vmem>>
    %dma_wait3A_2064 = arith.constant 0 : i32
    %dma_wait3A_2065 = tpu.memref_slice %arg3[%dma_wait3A_2064] : memref<128000000xf32, #tpu.memory_space<hbm>> -> memref<128000000xf32, #tpu.memory_space<hbm>>
    tpu.wait_indirect_dma semaphore(%arg9 : memref<!tpu.dma_semaphore, #tpu.memory_space<semaphore_mem>>) src(%dma_wait3A_2065 : memref<128000000xf32, #tpu.memory_space<hbm>>) dst(%dma_wait3A_2061 : memref<128xf32, #tpu.memory_space<vmem>>)
    %dma_wait3A_2066 = arith.constant 93 : i32
    %dma_wait3A_2067 = arith.constant 0 : i32
    %dma_wait3A_2068 = tpu.memref_slice %arg8[%dma_wait3A_2066, %dma_wait3A_2067] : memref<128x128xf32, #tpu.memory_space<vmem>> -> memref<1x128xf32, #tpu.memory_space<vmem>>
    %dma_wait3A_2069 = tpu.memref_squeeze %dma_wait3A_2068 : memref<1x128xf32, #tpu.memory_space<vmem>> -> memref<128xf32, #tpu.memory_space<vmem>>
    %dma_wait3A_2070 = arith.constant 11904 : i32
    %dma_wait3A_2071 = tpu.memref_slice %arg7[%dma_wait3A_2070] : memref<16384xi32, #tpu.memory_space<vmem>> -> memref<128xi32, #tpu.memory_space<vmem>>
    %dma_wait3A_2072 = arith.constant 0 : i32
    %dma_wait3A_2073 = tpu.memref_slice %arg3[%dma_wait3A_2072] : memref<128000000xf32, #tpu.memory_space<hbm>> -> memref<128000000xf32, #tpu.memory_space<hbm>>
    tpu.wait_indirect_dma semaphore(%arg9 : memref<!tpu.dma_semaphore, #tpu.memory_space<semaphore_mem>>) src(%dma_wait3A_2073 : memref<128000000xf32, #tpu.memory_space<hbm>>) dst(%dma_wait3A_2069 : memref<128xf32, #tpu.memory_space<vmem>>)
    %dma_wait3A_2074 = arith.constant 94 : i32
    %dma_wait3A_2075 = arith.constant 0 : i32
    %dma_wait3A_2076 = tpu.memref_slice %arg8[%dma_wait3A_2074, %dma_wait3A_2075] : memref<128x128xf32, #tpu.memory_space<vmem>> -> memref<1x128xf32, #tpu.memory_space<vmem>>
    %dma_wait3A_2077 = tpu.memref_squeeze %dma_wait3A_2076 : memref<1x128xf32, #tpu.memory_space<vmem>> -> memref<128xf32, #tpu.memory_space<vmem>>
    %dma_wait3A_2078 = arith.constant 12032 : i32
    %dma_wait3A_2079 = tpu.memref_slice %arg7[%dma_wait3A_2078] : memref<16384xi32, #tpu.memory_space<vmem>> -> memref<128xi32, #tpu.memory_space<vmem>>
    %dma_wait3A_2080 = arith.constant 0 : i32
    %dma_wait3A_2081 = tpu.memref_slice %arg3[%dma_wait3A_2080] : memref<128000000xf32, #tpu.memory_space<hbm>> -> memref<128000000xf32, #tpu.memory_space<hbm>>
    tpu.wait_indirect_dma semaphore(%arg9 : memref<!tpu.dma_semaphore, #tpu.memory_space<semaphore_mem>>) src(%dma_wait3A_2081 : memref<128000000xf32, #tpu.memory_space<hbm>>) dst(%dma_wait3A_2077 : memref<128xf32, #tpu.memory_space<vmem>>)
    %dma_wait3A_2082 = arith.constant 95 : i32
    %dma_wait3A_2083 = arith.constant 0 : i32
    %dma_wait3A_2084 = tpu.memref_slice %arg8[%dma_wait3A_2082, %dma_wait3A_2083] : memref<128x128xf32, #tpu.memory_space<vmem>> -> memref<1x128xf32, #tpu.memory_space<vmem>>
    %dma_wait3A_2085 = tpu.memref_squeeze %dma_wait3A_2084 : memref<1x128xf32, #tpu.memory_space<vmem>> -> memref<128xf32, #tpu.memory_space<vmem>>
    %dma_wait3A_2086 = arith.constant 12160 : i32
    %dma_wait3A_2087 = tpu.memref_slice %arg7[%dma_wait3A_2086] : memref<16384xi32, #tpu.memory_space<vmem>> -> memref<128xi32, #tpu.memory_space<vmem>>
    %dma_wait3A_2088 = arith.constant 0 : i32
    %dma_wait3A_2089 = tpu.memref_slice %arg3[%dma_wait3A_2088] : memref<128000000xf32, #tpu.memory_space<hbm>> -> memref<128000000xf32, #tpu.memory_space<hbm>>
    tpu.wait_indirect_dma semaphore(%arg9 : memref<!tpu.dma_semaphore, #tpu.memory_space<semaphore_mem>>) src(%dma_wait3A_2089 : memref<128000000xf32, #tpu.memory_space<hbm>>) dst(%dma_wait3A_2085 : memref<128xf32, #tpu.memory_space<vmem>>)
    %dma_wait3A_2090 = arith.constant 96 : i32
    %dma_wait3A_2091 = arith.constant 0 : i32
    %dma_wait3A_2092 = tpu.memref_slice %arg8[%dma_wait3A_2090, %dma_wait3A_2091] : memref<128x128xf32, #tpu.memory_space<vmem>> -> memref<1x128xf32, #tpu.memory_space<vmem>>
    %dma_wait3A_2093 = tpu.memref_squeeze %dma_wait3A_2092 : memref<1x128xf32, #tpu.memory_space<vmem>> -> memref<128xf32, #tpu.memory_space<vmem>>
    %dma_wait3A_2094 = arith.constant 12288 : i32
    %dma_wait3A_2095 = tpu.memref_slice %arg7[%dma_wait3A_2094] : memref<16384xi32, #tpu.memory_space<vmem>> -> memref<128xi32, #tpu.memory_space<vmem>>
    %dma_wait3A_2096 = arith.constant 0 : i32
    %dma_wait3A_2097 = tpu.memref_slice %arg3[%dma_wait3A_2096] : memref<128000000xf32, #tpu.memory_space<hbm>> -> memref<128000000xf32, #tpu.memory_space<hbm>>
    tpu.wait_indirect_dma semaphore(%arg9 : memref<!tpu.dma_semaphore, #tpu.memory_space<semaphore_mem>>) src(%dma_wait3A_2097 : memref<128000000xf32, #tpu.memory_space<hbm>>) dst(%dma_wait3A_2093 : memref<128xf32, #tpu.memory_space<vmem>>)
    %dma_wait3A_2098 = arith.constant 97 : i32
    %dma_wait3A_2099 = arith.constant 0 : i32
    %dma_wait3A_2100 = tpu.memref_slice %arg8[%dma_wait3A_2098, %dma_wait3A_2099] : memref<128x128xf32, #tpu.memory_space<vmem>> -> memref<1x128xf32, #tpu.memory_space<vmem>>
    %dma_wait3A_2101 = tpu.memref_squeeze %dma_wait3A_2100 : memref<1x128xf32, #tpu.memory_space<vmem>> -> memref<128xf32, #tpu.memory_space<vmem>>
    %dma_wait3A_2102 = arith.constant 12416 : i32
    %dma_wait3A_2103 = tpu.memref_slice %arg7[%dma_wait3A_2102] : memref<16384xi32, #tpu.memory_space<vmem>> -> memref<128xi32, #tpu.memory_space<vmem>>
    %dma_wait3A_2104 = arith.constant 0 : i32
    %dma_wait3A_2105 = tpu.memref_slice %arg3[%dma_wait3A_2104] : memref<128000000xf32, #tpu.memory_space<hbm>> -> memref<128000000xf32, #tpu.memory_space<hbm>>
    tpu.wait_indirect_dma semaphore(%arg9 : memref<!tpu.dma_semaphore, #tpu.memory_space<semaphore_mem>>) src(%dma_wait3A_2105 : memref<128000000xf32, #tpu.memory_space<hbm>>) dst(%dma_wait3A_2101 : memref<128xf32, #tpu.memory_space<vmem>>)
    %dma_wait3A_2106 = arith.constant 98 : i32
    %dma_wait3A_2107 = arith.constant 0 : i32
    %dma_wait3A_2108 = tpu.memref_slice %arg8[%dma_wait3A_2106, %dma_wait3A_2107] : memref<128x128xf32, #tpu.memory_space<vmem>> -> memref<1x128xf32, #tpu.memory_space<vmem>>
    %dma_wait3A_2109 = tpu.memref_squeeze %dma_wait3A_2108 : memref<1x128xf32, #tpu.memory_space<vmem>> -> memref<128xf32, #tpu.memory_space<vmem>>
    %dma_wait3A_2110 = arith.constant 12544 : i32
    %dma_wait3A_2111 = tpu.memref_slice %arg7[%dma_wait3A_2110] : memref<16384xi32, #tpu.memory_space<vmem>> -> memref<128xi32, #tpu.memory_space<vmem>>
    %dma_wait3A_2112 = arith.constant 0 : i32
    %dma_wait3A_2113 = tpu.memref_slice %arg3[%dma_wait3A_2112] : memref<128000000xf32, #tpu.memory_space<hbm>> -> memref<128000000xf32, #tpu.memory_space<hbm>>
    tpu.wait_indirect_dma semaphore(%arg9 : memref<!tpu.dma_semaphore, #tpu.memory_space<semaphore_mem>>) src(%dma_wait3A_2113 : memref<128000000xf32, #tpu.memory_space<hbm>>) dst(%dma_wait3A_2109 : memref<128xf32, #tpu.memory_space<vmem>>)
    %dma_wait3A_2114 = arith.constant 99 : i32
    %dma_wait3A_2115 = arith.constant 0 : i32
    %dma_wait3A_2116 = tpu.memref_slice %arg8[%dma_wait3A_2114, %dma_wait3A_2115] : memref<128x128xf32, #tpu.memory_space<vmem>> -> memref<1x128xf32, #tpu.memory_space<vmem>>
    %dma_wait3A_2117 = tpu.memref_squeeze %dma_wait3A_2116 : memref<1x128xf32, #tpu.memory_space<vmem>> -> memref<128xf32, #tpu.memory_space<vmem>>
    %dma_wait3A_2118 = arith.constant 12672 : i32
    %dma_wait3A_2119 = tpu.memref_slice %arg7[%dma_wait3A_2118] : memref<16384xi32, #tpu.memory_space<vmem>> -> memref<128xi32, #tpu.memory_space<vmem>>
    %dma_wait3A_2120 = arith.constant 0 : i32
    %dma_wait3A_2121 = tpu.memref_slice %arg3[%dma_wait3A_2120] : memref<128000000xf32, #tpu.memory_space<hbm>> -> memref<128000000xf32, #tpu.memory_space<hbm>>
    tpu.wait_indirect_dma semaphore(%arg9 : memref<!tpu.dma_semaphore, #tpu.memory_space<semaphore_mem>>) src(%dma_wait3A_2121 : memref<128000000xf32, #tpu.memory_space<hbm>>) dst(%dma_wait3A_2117 : memref<128xf32, #tpu.memory_space<vmem>>)
    %dma_wait3A_2122 = arith.constant 100 : i32
    %dma_wait3A_2123 = arith.constant 0 : i32
    %dma_wait3A_2124 = tpu.memref_slice %arg8[%dma_wait3A_2122, %dma_wait3A_2123] : memref<128x128xf32, #tpu.memory_space<vmem>> -> memref<1x128xf32, #tpu.memory_space<vmem>>
    %dma_wait3A_2125 = tpu.memref_squeeze %dma_wait3A_2124 : memref<1x128xf32, #tpu.memory_space<vmem>> -> memref<128xf32, #tpu.memory_space<vmem>>
    %dma_wait3A_2126 = arith.constant 12800 : i32
    %dma_wait3A_2127 = tpu.memref_slice %arg7[%dma_wait3A_2126] : memref<16384xi32, #tpu.memory_space<vmem>> -> memref<128xi32, #tpu.memory_space<vmem>>
    %dma_wait3A_2128 = arith.constant 0 : i32
    %dma_wait3A_2129 = tpu.memref_slice %arg3[%dma_wait3A_2128] : memref<128000000xf32, #tpu.memory_space<hbm>> -> memref<128000000xf32, #tpu.memory_space<hbm>>
    tpu.wait_indirect_dma semaphore(%arg9 : memref<!tpu.dma_semaphore, #tpu.memory_space<semaphore_mem>>) src(%dma_wait3A_2129 : memref<128000000xf32, #tpu.memory_space<hbm>>) dst(%dma_wait3A_2125 : memref<128xf32, #tpu.memory_space<vmem>>)
    %dma_wait3A_2130 = arith.constant 101 : i32
    %dma_wait3A_2131 = arith.constant 0 : i32
    %dma_wait3A_2132 = tpu.memref_slice %arg8[%dma_wait3A_2130, %dma_wait3A_2131] : memref<128x128xf32, #tpu.memory_space<vmem>> -> memref<1x128xf32, #tpu.memory_space<vmem>>
    %dma_wait3A_2133 = tpu.memref_squeeze %dma_wait3A_2132 : memref<1x128xf32, #tpu.memory_space<vmem>> -> memref<128xf32, #tpu.memory_space<vmem>>
    %dma_wait3A_2134 = arith.constant 12928 : i32
    %dma_wait3A_2135 = tpu.memref_slice %arg7[%dma_wait3A_2134] : memref<16384xi32, #tpu.memory_space<vmem>> -> memref<128xi32, #tpu.memory_space<vmem>>
    %dma_wait3A_2136 = arith.constant 0 : i32
    %dma_wait3A_2137 = tpu.memref_slice %arg3[%dma_wait3A_2136] : memref<128000000xf32, #tpu.memory_space<hbm>> -> memref<128000000xf32, #tpu.memory_space<hbm>>
    tpu.wait_indirect_dma semaphore(%arg9 : memref<!tpu.dma_semaphore, #tpu.memory_space<semaphore_mem>>) src(%dma_wait3A_2137 : memref<128000000xf32, #tpu.memory_space<hbm>>) dst(%dma_wait3A_2133 : memref<128xf32, #tpu.memory_space<vmem>>)
    %dma_wait3A_2138 = arith.constant 102 : i32
    %dma_wait3A_2139 = arith.constant 0 : i32
    %dma_wait3A_2140 = tpu.memref_slice %arg8[%dma_wait3A_2138, %dma_wait3A_2139] : memref<128x128xf32, #tpu.memory_space<vmem>> -> memref<1x128xf32, #tpu.memory_space<vmem>>
    %dma_wait3A_2141 = tpu.memref_squeeze %dma_wait3A_2140 : memref<1x128xf32, #tpu.memory_space<vmem>> -> memref<128xf32, #tpu.memory_space<vmem>>
    %dma_wait3A_2142 = arith.constant 13056 : i32
    %dma_wait3A_2143 = tpu.memref_slice %arg7[%dma_wait3A_2142] : memref<16384xi32, #tpu.memory_space<vmem>> -> memref<128xi32, #tpu.memory_space<vmem>>
    %dma_wait3A_2144 = arith.constant 0 : i32
    %dma_wait3A_2145 = tpu.memref_slice %arg3[%dma_wait3A_2144] : memref<128000000xf32, #tpu.memory_space<hbm>> -> memref<128000000xf32, #tpu.memory_space<hbm>>
    tpu.wait_indirect_dma semaphore(%arg9 : memref<!tpu.dma_semaphore, #tpu.memory_space<semaphore_mem>>) src(%dma_wait3A_2145 : memref<128000000xf32, #tpu.memory_space<hbm>>) dst(%dma_wait3A_2141 : memref<128xf32, #tpu.memory_space<vmem>>)
    %dma_wait3A_2146 = arith.constant 103 : i32
    %dma_wait3A_2147 = arith.constant 0 : i32
    %dma_wait3A_2148 = tpu.memref_slice %arg8[%dma_wait3A_2146, %dma_wait3A_2147] : memref<128x128xf32, #tpu.memory_space<vmem>> -> memref<1x128xf32, #tpu.memory_space<vmem>>
    %dma_wait3A_2149 = tpu.memref_squeeze %dma_wait3A_2148 : memref<1x128xf32, #tpu.memory_space<vmem>> -> memref<128xf32, #tpu.memory_space<vmem>>
    %dma_wait3A_2150 = arith.constant 13184 : i32
    %dma_wait3A_2151 = tpu.memref_slice %arg7[%dma_wait3A_2150] : memref<16384xi32, #tpu.memory_space<vmem>> -> memref<128xi32, #tpu.memory_space<vmem>>
    %dma_wait3A_2152 = arith.constant 0 : i32
    %dma_wait3A_2153 = tpu.memref_slice %arg3[%dma_wait3A_2152] : memref<128000000xf32, #tpu.memory_space<hbm>> -> memref<128000000xf32, #tpu.memory_space<hbm>>
    tpu.wait_indirect_dma semaphore(%arg9 : memref<!tpu.dma_semaphore, #tpu.memory_space<semaphore_mem>>) src(%dma_wait3A_2153 : memref<128000000xf32, #tpu.memory_space<hbm>>) dst(%dma_wait3A_2149 : memref<128xf32, #tpu.memory_space<vmem>>)
    %dma_wait3A_2154 = arith.constant 104 : i32
    %dma_wait3A_2155 = arith.constant 0 : i32
    %dma_wait3A_2156 = tpu.memref_slice %arg8[%dma_wait3A_2154, %dma_wait3A_2155] : memref<128x128xf32, #tpu.memory_space<vmem>> -> memref<1x128xf32, #tpu.memory_space<vmem>>
    %dma_wait3A_2157 = tpu.memref_squeeze %dma_wait3A_2156 : memref<1x128xf32, #tpu.memory_space<vmem>> -> memref<128xf32, #tpu.memory_space<vmem>>
    %dma_wait3A_2158 = arith.constant 13312 : i32
    %dma_wait3A_2159 = tpu.memref_slice %arg7[%dma_wait3A_2158] : memref<16384xi32, #tpu.memory_space<vmem>> -> memref<128xi32, #tpu.memory_space<vmem>>
    %dma_wait3A_2160 = arith.constant 0 : i32
    %dma_wait3A_2161 = tpu.memref_slice %arg3[%dma_wait3A_2160] : memref<128000000xf32, #tpu.memory_space<hbm>> -> memref<128000000xf32, #tpu.memory_space<hbm>>
    tpu.wait_indirect_dma semaphore(%arg9 : memref<!tpu.dma_semaphore, #tpu.memory_space<semaphore_mem>>) src(%dma_wait3A_2161 : memref<128000000xf32, #tpu.memory_space<hbm>>) dst(%dma_wait3A_2157 : memref<128xf32, #tpu.memory_space<vmem>>)
    %dma_wait3A_2162 = arith.constant 105 : i32
    %dma_wait3A_2163 = arith.constant 0 : i32
    %dma_wait3A_2164 = tpu.memref_slice %arg8[%dma_wait3A_2162, %dma_wait3A_2163] : memref<128x128xf32, #tpu.memory_space<vmem>> -> memref<1x128xf32, #tpu.memory_space<vmem>>
    %dma_wait3A_2165 = tpu.memref_squeeze %dma_wait3A_2164 : memref<1x128xf32, #tpu.memory_space<vmem>> -> memref<128xf32, #tpu.memory_space<vmem>>
    %dma_wait3A_2166 = arith.constant 13440 : i32
    %dma_wait3A_2167 = tpu.memref_slice %arg7[%dma_wait3A_2166] : memref<16384xi32, #tpu.memory_space<vmem>> -> memref<128xi32, #tpu.memory_space<vmem>>
    %dma_wait3A_2168 = arith.constant 0 : i32
    %dma_wait3A_2169 = tpu.memref_slice %arg3[%dma_wait3A_2168] : memref<128000000xf32, #tpu.memory_space<hbm>> -> memref<128000000xf32, #tpu.memory_space<hbm>>
    tpu.wait_indirect_dma semaphore(%arg9 : memref<!tpu.dma_semaphore, #tpu.memory_space<semaphore_mem>>) src(%dma_wait3A_2169 : memref<128000000xf32, #tpu.memory_space<hbm>>) dst(%dma_wait3A_2165 : memref<128xf32, #tpu.memory_space<vmem>>)
    %dma_wait3A_2170 = arith.constant 106 : i32
    %dma_wait3A_2171 = arith.constant 0 : i32
    %dma_wait3A_2172 = tpu.memref_slice %arg8[%dma_wait3A_2170, %dma_wait3A_2171] : memref<128x128xf32, #tpu.memory_space<vmem>> -> memref<1x128xf32, #tpu.memory_space<vmem>>
    %dma_wait3A_2173 = tpu.memref_squeeze %dma_wait3A_2172 : memref<1x128xf32, #tpu.memory_space<vmem>> -> memref<128xf32, #tpu.memory_space<vmem>>
    %dma_wait3A_2174 = arith.constant 13568 : i32
    %dma_wait3A_2175 = tpu.memref_slice %arg7[%dma_wait3A_2174] : memref<16384xi32, #tpu.memory_space<vmem>> -> memref<128xi32, #tpu.memory_space<vmem>>
    %dma_wait3A_2176 = arith.constant 0 : i32
    %dma_wait3A_2177 = tpu.memref_slice %arg3[%dma_wait3A_2176] : memref<128000000xf32, #tpu.memory_space<hbm>> -> memref<128000000xf32, #tpu.memory_space<hbm>>
    tpu.wait_indirect_dma semaphore(%arg9 : memref<!tpu.dma_semaphore, #tpu.memory_space<semaphore_mem>>) src(%dma_wait3A_2177 : memref<128000000xf32, #tpu.memory_space<hbm>>) dst(%dma_wait3A_2173 : memref<128xf32, #tpu.memory_space<vmem>>)
    %dma_wait3A_2178 = arith.constant 107 : i32
    %dma_wait3A_2179 = arith.constant 0 : i32
    %dma_wait3A_2180 = tpu.memref_slice %arg8[%dma_wait3A_2178, %dma_wait3A_2179] : memref<128x128xf32, #tpu.memory_space<vmem>> -> memref<1x128xf32, #tpu.memory_space<vmem>>
    %dma_wait3A_2181 = tpu.memref_squeeze %dma_wait3A_2180 : memref<1x128xf32, #tpu.memory_space<vmem>> -> memref<128xf32, #tpu.memory_space<vmem>>
    %dma_wait3A_2182 = arith.constant 13696 : i32
    %dma_wait3A_2183 = tpu.memref_slice %arg7[%dma_wait3A_2182] : memref<16384xi32, #tpu.memory_space<vmem>> -> memref<128xi32, #tpu.memory_space<vmem>>
    %dma_wait3A_2184 = arith.constant 0 : i32
    %dma_wait3A_2185 = tpu.memref_slice %arg3[%dma_wait3A_2184] : memref<128000000xf32, #tpu.memory_space<hbm>> -> memref<128000000xf32, #tpu.memory_space<hbm>>
    tpu.wait_indirect_dma semaphore(%arg9 : memref<!tpu.dma_semaphore, #tpu.memory_space<semaphore_mem>>) src(%dma_wait3A_2185 : memref<128000000xf32, #tpu.memory_space<hbm>>) dst(%dma_wait3A_2181 : memref<128xf32, #tpu.memory_space<vmem>>)
    %dma_wait3A_2186 = arith.constant 108 : i32
    %dma_wait3A_2187 = arith.constant 0 : i32
    %dma_wait3A_2188 = tpu.memref_slice %arg8[%dma_wait3A_2186, %dma_wait3A_2187] : memref<128x128xf32, #tpu.memory_space<vmem>> -> memref<1x128xf32, #tpu.memory_space<vmem>>
    %dma_wait3A_2189 = tpu.memref_squeeze %dma_wait3A_2188 : memref<1x128xf32, #tpu.memory_space<vmem>> -> memref<128xf32, #tpu.memory_space<vmem>>
    %dma_wait3A_2190 = arith.constant 13824 : i32
    %dma_wait3A_2191 = tpu.memref_slice %arg7[%dma_wait3A_2190] : memref<16384xi32, #tpu.memory_space<vmem>> -> memref<128xi32, #tpu.memory_space<vmem>>
    %dma_wait3A_2192 = arith.constant 0 : i32
    %dma_wait3A_2193 = tpu.memref_slice %arg3[%dma_wait3A_2192] : memref<128000000xf32, #tpu.memory_space<hbm>> -> memref<128000000xf32, #tpu.memory_space<hbm>>
    tpu.wait_indirect_dma semaphore(%arg9 : memref<!tpu.dma_semaphore, #tpu.memory_space<semaphore_mem>>) src(%dma_wait3A_2193 : memref<128000000xf32, #tpu.memory_space<hbm>>) dst(%dma_wait3A_2189 : memref<128xf32, #tpu.memory_space<vmem>>)
    %dma_wait3A_2194 = arith.constant 109 : i32
    %dma_wait3A_2195 = arith.constant 0 : i32
    %dma_wait3A_2196 = tpu.memref_slice %arg8[%dma_wait3A_2194, %dma_wait3A_2195] : memref<128x128xf32, #tpu.memory_space<vmem>> -> memref<1x128xf32, #tpu.memory_space<vmem>>
    %dma_wait3A_2197 = tpu.memref_squeeze %dma_wait3A_2196 : memref<1x128xf32, #tpu.memory_space<vmem>> -> memref<128xf32, #tpu.memory_space<vmem>>
    %dma_wait3A_2198 = arith.constant 13952 : i32
    %dma_wait3A_2199 = tpu.memref_slice %arg7[%dma_wait3A_2198] : memref<16384xi32, #tpu.memory_space<vmem>> -> memref<128xi32, #tpu.memory_space<vmem>>
    %dma_wait3A_2200 = arith.constant 0 : i32
    %dma_wait3A_2201 = tpu.memref_slice %arg3[%dma_wait3A_2200] : memref<128000000xf32, #tpu.memory_space<hbm>> -> memref<128000000xf32, #tpu.memory_space<hbm>>
    tpu.wait_indirect_dma semaphore(%arg9 : memref<!tpu.dma_semaphore, #tpu.memory_space<semaphore_mem>>) src(%dma_wait3A_2201 : memref<128000000xf32, #tpu.memory_space<hbm>>) dst(%dma_wait3A_2197 : memref<128xf32, #tpu.memory_space<vmem>>)
    %dma_wait3A_2202 = arith.constant 110 : i32
    %dma_wait3A_2203 = arith.constant 0 : i32
    %dma_wait3A_2204 = tpu.memref_slice %arg8[%dma_wait3A_2202, %dma_wait3A_2203] : memref<128x128xf32, #tpu.memory_space<vmem>> -> memref<1x128xf32, #tpu.memory_space<vmem>>
    %dma_wait3A_2205 = tpu.memref_squeeze %dma_wait3A_2204 : memref<1x128xf32, #tpu.memory_space<vmem>> -> memref<128xf32, #tpu.memory_space<vmem>>
    %dma_wait3A_2206 = arith.constant 14080 : i32
    %dma_wait3A_2207 = tpu.memref_slice %arg7[%dma_wait3A_2206] : memref<16384xi32, #tpu.memory_space<vmem>> -> memref<128xi32, #tpu.memory_space<vmem>>
    %dma_wait3A_2208 = arith.constant 0 : i32
    %dma_wait3A_2209 = tpu.memref_slice %arg3[%dma_wait3A_2208] : memref<128000000xf32, #tpu.memory_space<hbm>> -> memref<128000000xf32, #tpu.memory_space<hbm>>
    tpu.wait_indirect_dma semaphore(%arg9 : memref<!tpu.dma_semaphore, #tpu.memory_space<semaphore_mem>>) src(%dma_wait3A_2209 : memref<128000000xf32, #tpu.memory_space<hbm>>) dst(%dma_wait3A_2205 : memref<128xf32, #tpu.memory_space<vmem>>)
    %dma_wait3A_2210 = arith.constant 111 : i32
    %dma_wait3A_2211 = arith.constant 0 : i32
    %dma_wait3A_2212 = tpu.memref_slice %arg8[%dma_wait3A_2210, %dma_wait3A_2211] : memref<128x128xf32, #tpu.memory_space<vmem>> -> memref<1x128xf32, #tpu.memory_space<vmem>>
    %dma_wait3A_2213 = tpu.memref_squeeze %dma_wait3A_2212 : memref<1x128xf32, #tpu.memory_space<vmem>> -> memref<128xf32, #tpu.memory_space<vmem>>
    %dma_wait3A_2214 = arith.constant 14208 : i32
    %dma_wait3A_2215 = tpu.memref_slice %arg7[%dma_wait3A_2214] : memref<16384xi32, #tpu.memory_space<vmem>> -> memref<128xi32, #tpu.memory_space<vmem>>
    %dma_wait3A_2216 = arith.constant 0 : i32
    %dma_wait3A_2217 = tpu.memref_slice %arg3[%dma_wait3A_2216] : memref<128000000xf32, #tpu.memory_space<hbm>> -> memref<128000000xf32, #tpu.memory_space<hbm>>
    tpu.wait_indirect_dma semaphore(%arg9 : memref<!tpu.dma_semaphore, #tpu.memory_space<semaphore_mem>>) src(%dma_wait3A_2217 : memref<128000000xf32, #tpu.memory_space<hbm>>) dst(%dma_wait3A_2213 : memref<128xf32, #tpu.memory_space<vmem>>)
    %dma_wait3A_2218 = arith.constant 112 : i32
    %dma_wait3A_2219 = arith.constant 0 : i32
    %dma_wait3A_2220 = tpu.memref_slice %arg8[%dma_wait3A_2218, %dma_wait3A_2219] : memref<128x128xf32, #tpu.memory_space<vmem>> -> memref<1x128xf32, #tpu.memory_space<vmem>>
    %dma_wait3A_2221 = tpu.memref_squeeze %dma_wait3A_2220 : memref<1x128xf32, #tpu.memory_space<vmem>> -> memref<128xf32, #tpu.memory_space<vmem>>
    %dma_wait3A_2222 = arith.constant 14336 : i32
    %dma_wait3A_2223 = tpu.memref_slice %arg7[%dma_wait3A_2222] : memref<16384xi32, #tpu.memory_space<vmem>> -> memref<128xi32, #tpu.memory_space<vmem>>
    %dma_wait3A_2224 = arith.constant 0 : i32
    %dma_wait3A_2225 = tpu.memref_slice %arg3[%dma_wait3A_2224] : memref<128000000xf32, #tpu.memory_space<hbm>> -> memref<128000000xf32, #tpu.memory_space<hbm>>
    tpu.wait_indirect_dma semaphore(%arg9 : memref<!tpu.dma_semaphore, #tpu.memory_space<semaphore_mem>>) src(%dma_wait3A_2225 : memref<128000000xf32, #tpu.memory_space<hbm>>) dst(%dma_wait3A_2221 : memref<128xf32, #tpu.memory_space<vmem>>)
    %dma_wait3A_2226 = arith.constant 113 : i32
    %dma_wait3A_2227 = arith.constant 0 : i32
    %dma_wait3A_2228 = tpu.memref_slice %arg8[%dma_wait3A_2226, %dma_wait3A_2227] : memref<128x128xf32, #tpu.memory_space<vmem>> -> memref<1x128xf32, #tpu.memory_space<vmem>>
    %dma_wait3A_2229 = tpu.memref_squeeze %dma_wait3A_2228 : memref<1x128xf32, #tpu.memory_space<vmem>> -> memref<128xf32, #tpu.memory_space<vmem>>
    %dma_wait3A_2230 = arith.constant 14464 : i32
    %dma_wait3A_2231 = tpu.memref_slice %arg7[%dma_wait3A_2230] : memref<16384xi32, #tpu.memory_space<vmem>> -> memref<128xi32, #tpu.memory_space<vmem>>
    %dma_wait3A_2232 = arith.constant 0 : i32
    %dma_wait3A_2233 = tpu.memref_slice %arg3[%dma_wait3A_2232] : memref<128000000xf32, #tpu.memory_space<hbm>> -> memref<128000000xf32, #tpu.memory_space<hbm>>
    tpu.wait_indirect_dma semaphore(%arg9 : memref<!tpu.dma_semaphore, #tpu.memory_space<semaphore_mem>>) src(%dma_wait3A_2233 : memref<128000000xf32, #tpu.memory_space<hbm>>) dst(%dma_wait3A_2229 : memref<128xf32, #tpu.memory_space<vmem>>)
    %dma_wait3A_2234 = arith.constant 114 : i32
    %dma_wait3A_2235 = arith.constant 0 : i32
    %dma_wait3A_2236 = tpu.memref_slice %arg8[%dma_wait3A_2234, %dma_wait3A_2235] : memref<128x128xf32, #tpu.memory_space<vmem>> -> memref<1x128xf32, #tpu.memory_space<vmem>>
    %dma_wait3A_2237 = tpu.memref_squeeze %dma_wait3A_2236 : memref<1x128xf32, #tpu.memory_space<vmem>> -> memref<128xf32, #tpu.memory_space<vmem>>
    %dma_wait3A_2238 = arith.constant 14592 : i32
    %dma_wait3A_2239 = tpu.memref_slice %arg7[%dma_wait3A_2238] : memref<16384xi32, #tpu.memory_space<vmem>> -> memref<128xi32, #tpu.memory_space<vmem>>
    %dma_wait3A_2240 = arith.constant 0 : i32
    %dma_wait3A_2241 = tpu.memref_slice %arg3[%dma_wait3A_2240] : memref<128000000xf32, #tpu.memory_space<hbm>> -> memref<128000000xf32, #tpu.memory_space<hbm>>
    tpu.wait_indirect_dma semaphore(%arg9 : memref<!tpu.dma_semaphore, #tpu.memory_space<semaphore_mem>>) src(%dma_wait3A_2241 : memref<128000000xf32, #tpu.memory_space<hbm>>) dst(%dma_wait3A_2237 : memref<128xf32, #tpu.memory_space<vmem>>)
    %dma_wait3A_2242 = arith.constant 115 : i32
    %dma_wait3A_2243 = arith.constant 0 : i32
    %dma_wait3A_2244 = tpu.memref_slice %arg8[%dma_wait3A_2242, %dma_wait3A_2243] : memref<128x128xf32, #tpu.memory_space<vmem>> -> memref<1x128xf32, #tpu.memory_space<vmem>>
    %dma_wait3A_2245 = tpu.memref_squeeze %dma_wait3A_2244 : memref<1x128xf32, #tpu.memory_space<vmem>> -> memref<128xf32, #tpu.memory_space<vmem>>
    %dma_wait3A_2246 = arith.constant 14720 : i32
    %dma_wait3A_2247 = tpu.memref_slice %arg7[%dma_wait3A_2246] : memref<16384xi32, #tpu.memory_space<vmem>> -> memref<128xi32, #tpu.memory_space<vmem>>
    %dma_wait3A_2248 = arith.constant 0 : i32
    %dma_wait3A_2249 = tpu.memref_slice %arg3[%dma_wait3A_2248] : memref<128000000xf32, #tpu.memory_space<hbm>> -> memref<128000000xf32, #tpu.memory_space<hbm>>
    tpu.wait_indirect_dma semaphore(%arg9 : memref<!tpu.dma_semaphore, #tpu.memory_space<semaphore_mem>>) src(%dma_wait3A_2249 : memref<128000000xf32, #tpu.memory_space<hbm>>) dst(%dma_wait3A_2245 : memref<128xf32, #tpu.memory_space<vmem>>)
    %dma_wait3A_2250 = arith.constant 116 : i32
    %dma_wait3A_2251 = arith.constant 0 : i32
    %dma_wait3A_2252 = tpu.memref_slice %arg8[%dma_wait3A_2250, %dma_wait3A_2251] : memref<128x128xf32, #tpu.memory_space<vmem>> -> memref<1x128xf32, #tpu.memory_space<vmem>>
    %dma_wait3A_2253 = tpu.memref_squeeze %dma_wait3A_2252 : memref<1x128xf32, #tpu.memory_space<vmem>> -> memref<128xf32, #tpu.memory_space<vmem>>
    %dma_wait3A_2254 = arith.constant 14848 : i32
    %dma_wait3A_2255 = tpu.memref_slice %arg7[%dma_wait3A_2254] : memref<16384xi32, #tpu.memory_space<vmem>> -> memref<128xi32, #tpu.memory_space<vmem>>
    %dma_wait3A_2256 = arith.constant 0 : i32
    %dma_wait3A_2257 = tpu.memref_slice %arg3[%dma_wait3A_2256] : memref<128000000xf32, #tpu.memory_space<hbm>> -> memref<128000000xf32, #tpu.memory_space<hbm>>
    tpu.wait_indirect_dma semaphore(%arg9 : memref<!tpu.dma_semaphore, #tpu.memory_space<semaphore_mem>>) src(%dma_wait3A_2257 : memref<128000000xf32, #tpu.memory_space<hbm>>) dst(%dma_wait3A_2253 : memref<128xf32, #tpu.memory_space<vmem>>)
    %dma_wait3A_2258 = arith.constant 117 : i32
    %dma_wait3A_2259 = arith.constant 0 : i32
    %dma_wait3A_2260 = tpu.memref_slice %arg8[%dma_wait3A_2258, %dma_wait3A_2259] : memref<128x128xf32, #tpu.memory_space<vmem>> -> memref<1x128xf32, #tpu.memory_space<vmem>>
    %dma_wait3A_2261 = tpu.memref_squeeze %dma_wait3A_2260 : memref<1x128xf32, #tpu.memory_space<vmem>> -> memref<128xf32, #tpu.memory_space<vmem>>
    %dma_wait3A_2262 = arith.constant 14976 : i32
    %dma_wait3A_2263 = tpu.memref_slice %arg7[%dma_wait3A_2262] : memref<16384xi32, #tpu.memory_space<vmem>> -> memref<128xi32, #tpu.memory_space<vmem>>
    %dma_wait3A_2264 = arith.constant 0 : i32
    %dma_wait3A_2265 = tpu.memref_slice %arg3[%dma_wait3A_2264] : memref<128000000xf32, #tpu.memory_space<hbm>> -> memref<128000000xf32, #tpu.memory_space<hbm>>
    tpu.wait_indirect_dma semaphore(%arg9 : memref<!tpu.dma_semaphore, #tpu.memory_space<semaphore_mem>>) src(%dma_wait3A_2265 : memref<128000000xf32, #tpu.memory_space<hbm>>) dst(%dma_wait3A_2261 : memref<128xf32, #tpu.memory_space<vmem>>)
    %dma_wait3A_2266 = arith.constant 118 : i32
    %dma_wait3A_2267 = arith.constant 0 : i32
    %dma_wait3A_2268 = tpu.memref_slice %arg8[%dma_wait3A_2266, %dma_wait3A_2267] : memref<128x128xf32, #tpu.memory_space<vmem>> -> memref<1x128xf32, #tpu.memory_space<vmem>>
    %dma_wait3A_2269 = tpu.memref_squeeze %dma_wait3A_2268 : memref<1x128xf32, #tpu.memory_space<vmem>> -> memref<128xf32, #tpu.memory_space<vmem>>
    %dma_wait3A_2270 = arith.constant 15104 : i32
    %dma_wait3A_2271 = tpu.memref_slice %arg7[%dma_wait3A_2270] : memref<16384xi32, #tpu.memory_space<vmem>> -> memref<128xi32, #tpu.memory_space<vmem>>
    %dma_wait3A_2272 = arith.constant 0 : i32
    %dma_wait3A_2273 = tpu.memref_slice %arg3[%dma_wait3A_2272] : memref<128000000xf32, #tpu.memory_space<hbm>> -> memref<128000000xf32, #tpu.memory_space<hbm>>
    tpu.wait_indirect_dma semaphore(%arg9 : memref<!tpu.dma_semaphore, #tpu.memory_space<semaphore_mem>>) src(%dma_wait3A_2273 : memref<128000000xf32, #tpu.memory_space<hbm>>) dst(%dma_wait3A_2269 : memref<128xf32, #tpu.memory_space<vmem>>)
    %dma_wait3A_2274 = arith.constant 119 : i32
    %dma_wait3A_2275 = arith.constant 0 : i32
    %dma_wait3A_2276 = tpu.memref_slice %arg8[%dma_wait3A_2274, %dma_wait3A_2275] : memref<128x128xf32, #tpu.memory_space<vmem>> -> memref<1x128xf32, #tpu.memory_space<vmem>>
    %dma_wait3A_2277 = tpu.memref_squeeze %dma_wait3A_2276 : memref<1x128xf32, #tpu.memory_space<vmem>> -> memref<128xf32, #tpu.memory_space<vmem>>
    %dma_wait3A_2278 = arith.constant 15232 : i32
    %dma_wait3A_2279 = tpu.memref_slice %arg7[%dma_wait3A_2278] : memref<16384xi32, #tpu.memory_space<vmem>> -> memref<128xi32, #tpu.memory_space<vmem>>
    %dma_wait3A_2280 = arith.constant 0 : i32
    %dma_wait3A_2281 = tpu.memref_slice %arg3[%dma_wait3A_2280] : memref<128000000xf32, #tpu.memory_space<hbm>> -> memref<128000000xf32, #tpu.memory_space<hbm>>
    tpu.wait_indirect_dma semaphore(%arg9 : memref<!tpu.dma_semaphore, #tpu.memory_space<semaphore_mem>>) src(%dma_wait3A_2281 : memref<128000000xf32, #tpu.memory_space<hbm>>) dst(%dma_wait3A_2277 : memref<128xf32, #tpu.memory_space<vmem>>)
    %dma_wait3A_2282 = arith.constant 120 : i32
    %dma_wait3A_2283 = arith.constant 0 : i32
    %dma_wait3A_2284 = tpu.memref_slice %arg8[%dma_wait3A_2282, %dma_wait3A_2283] : memref<128x128xf32, #tpu.memory_space<vmem>> -> memref<1x128xf32, #tpu.memory_space<vmem>>
    %dma_wait3A_2285 = tpu.memref_squeeze %dma_wait3A_2284 : memref<1x128xf32, #tpu.memory_space<vmem>> -> memref<128xf32, #tpu.memory_space<vmem>>
    %dma_wait3A_2286 = arith.constant 15360 : i32
    %dma_wait3A_2287 = tpu.memref_slice %arg7[%dma_wait3A_2286] : memref<16384xi32, #tpu.memory_space<vmem>> -> memref<128xi32, #tpu.memory_space<vmem>>
    %dma_wait3A_2288 = arith.constant 0 : i32
    %dma_wait3A_2289 = tpu.memref_slice %arg3[%dma_wait3A_2288] : memref<128000000xf32, #tpu.memory_space<hbm>> -> memref<128000000xf32, #tpu.memory_space<hbm>>
    tpu.wait_indirect_dma semaphore(%arg9 : memref<!tpu.dma_semaphore, #tpu.memory_space<semaphore_mem>>) src(%dma_wait3A_2289 : memref<128000000xf32, #tpu.memory_space<hbm>>) dst(%dma_wait3A_2285 : memref<128xf32, #tpu.memory_space<vmem>>)
    %dma_wait3A_2290 = arith.constant 121 : i32
    %dma_wait3A_2291 = arith.constant 0 : i32
    %dma_wait3A_2292 = tpu.memref_slice %arg8[%dma_wait3A_2290, %dma_wait3A_2291] : memref<128x128xf32, #tpu.memory_space<vmem>> -> memref<1x128xf32, #tpu.memory_space<vmem>>
    %dma_wait3A_2293 = tpu.memref_squeeze %dma_wait3A_2292 : memref<1x128xf32, #tpu.memory_space<vmem>> -> memref<128xf32, #tpu.memory_space<vmem>>
    %dma_wait3A_2294 = arith.constant 15488 : i32
    %dma_wait3A_2295 = tpu.memref_slice %arg7[%dma_wait3A_2294] : memref<16384xi32, #tpu.memory_space<vmem>> -> memref<128xi32, #tpu.memory_space<vmem>>
    %dma_wait3A_2296 = arith.constant 0 : i32
    %dma_wait3A_2297 = tpu.memref_slice %arg3[%dma_wait3A_2296] : memref<128000000xf32, #tpu.memory_space<hbm>> -> memref<128000000xf32, #tpu.memory_space<hbm>>
    tpu.wait_indirect_dma semaphore(%arg9 : memref<!tpu.dma_semaphore, #tpu.memory_space<semaphore_mem>>) src(%dma_wait3A_2297 : memref<128000000xf32, #tpu.memory_space<hbm>>) dst(%dma_wait3A_2293 : memref<128xf32, #tpu.memory_space<vmem>>)
    %dma_wait3A_2298 = arith.constant 122 : i32
    %dma_wait3A_2299 = arith.constant 0 : i32
    %dma_wait3A_2300 = tpu.memref_slice %arg8[%dma_wait3A_2298, %dma_wait3A_2299] : memref<128x128xf32, #tpu.memory_space<vmem>> -> memref<1x128xf32, #tpu.memory_space<vmem>>
    %dma_wait3A_2301 = tpu.memref_squeeze %dma_wait3A_2300 : memref<1x128xf32, #tpu.memory_space<vmem>> -> memref<128xf32, #tpu.memory_space<vmem>>
    %dma_wait3A_2302 = arith.constant 15616 : i32
    %dma_wait3A_2303 = tpu.memref_slice %arg7[%dma_wait3A_2302] : memref<16384xi32, #tpu.memory_space<vmem>> -> memref<128xi32, #tpu.memory_space<vmem>>
    %dma_wait3A_2304 = arith.constant 0 : i32
    %dma_wait3A_2305 = tpu.memref_slice %arg3[%dma_wait3A_2304] : memref<128000000xf32, #tpu.memory_space<hbm>> -> memref<128000000xf32, #tpu.memory_space<hbm>>
    tpu.wait_indirect_dma semaphore(%arg9 : memref<!tpu.dma_semaphore, #tpu.memory_space<semaphore_mem>>) src(%dma_wait3A_2305 : memref<128000000xf32, #tpu.memory_space<hbm>>) dst(%dma_wait3A_2301 : memref<128xf32, #tpu.memory_space<vmem>>)
    %dma_wait3A_2306 = arith.constant 123 : i32
    %dma_wait3A_2307 = arith.constant 0 : i32
    %dma_wait3A_2308 = tpu.memref_slice %arg8[%dma_wait3A_2306, %dma_wait3A_2307] : memref<128x128xf32, #tpu.memory_space<vmem>> -> memref<1x128xf32, #tpu.memory_space<vmem>>
    %dma_wait3A_2309 = tpu.memref_squeeze %dma_wait3A_2308 : memref<1x128xf32, #tpu.memory_space<vmem>> -> memref<128xf32, #tpu.memory_space<vmem>>
    %dma_wait3A_2310 = arith.constant 15744 : i32
    %dma_wait3A_2311 = tpu.memref_slice %arg7[%dma_wait3A_2310] : memref<16384xi32, #tpu.memory_space<vmem>> -> memref<128xi32, #tpu.memory_space<vmem>>
    %dma_wait3A_2312 = arith.constant 0 : i32
    %dma_wait3A_2313 = tpu.memref_slice %arg3[%dma_wait3A_2312] : memref<128000000xf32, #tpu.memory_space<hbm>> -> memref<128000000xf32, #tpu.memory_space<hbm>>
    tpu.wait_indirect_dma semaphore(%arg9 : memref<!tpu.dma_semaphore, #tpu.memory_space<semaphore_mem>>) src(%dma_wait3A_2313 : memref<128000000xf32, #tpu.memory_space<hbm>>) dst(%dma_wait3A_2309 : memref<128xf32, #tpu.memory_space<vmem>>)
    %dma_wait3A_2314 = arith.constant 124 : i32
    %dma_wait3A_2315 = arith.constant 0 : i32
    %dma_wait3A_2316 = tpu.memref_slice %arg8[%dma_wait3A_2314, %dma_wait3A_2315] : memref<128x128xf32, #tpu.memory_space<vmem>> -> memref<1x128xf32, #tpu.memory_space<vmem>>
    %dma_wait3A_2317 = tpu.memref_squeeze %dma_wait3A_2316 : memref<1x128xf32, #tpu.memory_space<vmem>> -> memref<128xf32, #tpu.memory_space<vmem>>
    %dma_wait3A_2318 = arith.constant 15872 : i32
    %dma_wait3A_2319 = tpu.memref_slice %arg7[%dma_wait3A_2318] : memref<16384xi32, #tpu.memory_space<vmem>> -> memref<128xi32, #tpu.memory_space<vmem>>
    %dma_wait3A_2320 = arith.constant 0 : i32
    %dma_wait3A_2321 = tpu.memref_slice %arg3[%dma_wait3A_2320] : memref<128000000xf32, #tpu.memory_space<hbm>> -> memref<128000000xf32, #tpu.memory_space<hbm>>
    tpu.wait_indirect_dma semaphore(%arg9 : memref<!tpu.dma_semaphore, #tpu.memory_space<semaphore_mem>>) src(%dma_wait3A_2321 : memref<128000000xf32, #tpu.memory_space<hbm>>) dst(%dma_wait3A_2317 : memref<128xf32, #tpu.memory_space<vmem>>)
    %dma_wait3A_2322 = arith.constant 125 : i32
    %dma_wait3A_2323 = arith.constant 0 : i32
    %dma_wait3A_2324 = tpu.memref_slice %arg8[%dma_wait3A_2322, %dma_wait3A_2323] : memref<128x128xf32, #tpu.memory_space<vmem>> -> memref<1x128xf32, #tpu.memory_space<vmem>>
    %dma_wait3A_2325 = tpu.memref_squeeze %dma_wait3A_2324 : memref<1x128xf32, #tpu.memory_space<vmem>> -> memref<128xf32, #tpu.memory_space<vmem>>
    %dma_wait3A_2326 = arith.constant 16000 : i32
    %dma_wait3A_2327 = tpu.memref_slice %arg7[%dma_wait3A_2326] : memref<16384xi32, #tpu.memory_space<vmem>> -> memref<128xi32, #tpu.memory_space<vmem>>
    %dma_wait3A_2328 = arith.constant 0 : i32
    %dma_wait3A_2329 = tpu.memref_slice %arg3[%dma_wait3A_2328] : memref<128000000xf32, #tpu.memory_space<hbm>> -> memref<128000000xf32, #tpu.memory_space<hbm>>
    tpu.wait_indirect_dma semaphore(%arg9 : memref<!tpu.dma_semaphore, #tpu.memory_space<semaphore_mem>>) src(%dma_wait3A_2329 : memref<128000000xf32, #tpu.memory_space<hbm>>) dst(%dma_wait3A_2325 : memref<128xf32, #tpu.memory_space<vmem>>)
    %dma_wait3A_2330 = arith.constant 126 : i32
    %dma_wait3A_2331 = arith.constant 0 : i32
    %dma_wait3A_2332 = tpu.memref_slice %arg8[%dma_wait3A_2330, %dma_wait3A_2331] : memref<128x128xf32, #tpu.memory_space<vmem>> -> memref<1x128xf32, #tpu.memory_space<vmem>>
    %dma_wait3A_2333 = tpu.memref_squeeze %dma_wait3A_2332 : memref<1x128xf32, #tpu.memory_space<vmem>> -> memref<128xf32, #tpu.memory_space<vmem>>
    %dma_wait3A_2334 = arith.constant 16128 : i32
    %dma_wait3A_2335 = tpu.memref_slice %arg7[%dma_wait3A_2334] : memref<16384xi32, #tpu.memory_space<vmem>> -> memref<128xi32, #tpu.memory_space<vmem>>
    %dma_wait3A_2336 = arith.constant 0 : i32
    %dma_wait3A_2337 = tpu.memref_slice %arg3[%dma_wait3A_2336] : memref<128000000xf32, #tpu.memory_space<hbm>> -> memref<128000000xf32, #tpu.memory_space<hbm>>
    tpu.wait_indirect_dma semaphore(%arg9 : memref<!tpu.dma_semaphore, #tpu.memory_space<semaphore_mem>>) src(%dma_wait3A_2337 : memref<128000000xf32, #tpu.memory_space<hbm>>) dst(%dma_wait3A_2333 : memref<128xf32, #tpu.memory_space<vmem>>)
    %dma_wait3A_2338 = arith.constant 127 : i32
    %dma_wait3A_2339 = arith.constant 0 : i32
    %dma_wait3A_2340 = tpu.memref_slice %arg8[%dma_wait3A_2338, %dma_wait3A_2339] : memref<128x128xf32, #tpu.memory_space<vmem>> -> memref<1x128xf32, #tpu.memory_space<vmem>>
    %dma_wait3A_2341 = tpu.memref_squeeze %dma_wait3A_2340 : memref<1x128xf32, #tpu.memory_space<vmem>> -> memref<128xf32, #tpu.memory_space<vmem>>
    %dma_wait3A_2342 = arith.constant 16256 : i32
    %dma_wait3A_2343 = tpu.memref_slice %arg7[%dma_wait3A_2342] : memref<16384xi32, #tpu.memory_space<vmem>> -> memref<128xi32, #tpu.memory_space<vmem>>
    %dma_wait3A_2344 = arith.constant 0 : i32
    %dma_wait3A_2345 = tpu.memref_slice %arg3[%dma_wait3A_2344] : memref<128000000xf32, #tpu.memory_space<hbm>> -> memref<128000000xf32, #tpu.memory_space<hbm>>
    tpu.wait_indirect_dma semaphore(%arg9 : memref<!tpu.dma_semaphore, #tpu.memory_space<semaphore_mem>>) src(%dma_wait3A_2345 : memref<128000000xf32, #tpu.memory_space<hbm>>) dst(%dma_wait3A_2341 : memref<128xf32, #tpu.memory_space<vmem>>)
    "tpu.region"() ({
      %run_scoped3A_2346 = tpu.sem_alloc : memref<!tpu.dma_semaphore, #tpu.memory_space<semaphore_mem>>
      %dma_start3A_2347 = arith.constant 0 : i32
      %dma_start3A_2348 = tpu.memref_slice %arg4[%dma_start3A_2347, %mul3A_2] : memref<128x4096xf32, #tpu.memory_space<hbm>> -> memref<128x128xf32, #tpu.memory_space<hbm>>
      %dma_start3A_2349 = arith.constant 0 : i32
      %dma_start3A_2350 = tpu.memref_slice %arg4[%dma_start3A_2349, %mul3A_2] : memref<128x4096xf32, #tpu.memory_space<hbm>> -> memref<128x128xf32, #tpu.memory_space<hbm>>
      tpu.enqueue_dma source(%arg8 : memref<128x128xf32, #tpu.memory_space<vmem>>) target(%dma_start3A_2350 : memref<128x128xf32, #tpu.memory_space<hbm>>) target_semaphore(%run_scoped3A_2346 : memref<!tpu.dma_semaphore, #tpu.memory_space<semaphore_mem>>)
      %dma_wait3A_2351 = arith.constant 0 : i32
      %dma_wait3A_2352 = tpu.memref_slice %arg4[%dma_wait3A_2351, %mul3A_2] : memref<128x4096xf32, #tpu.memory_space<hbm>> -> memref<128x128xf32, #tpu.memory_space<hbm>>
      %dma_wait3A_2353 = arith.constant 0 : i32
      %dma_wait3A_2354 = tpu.memref_slice %arg4[%dma_wait3A_2353, %mul3A_2] : memref<128x4096xf32, #tpu.memory_space<hbm>> -> memref<128x128xf32, #tpu.memory_space<hbm>>
      tpu.wait_dma2 semaphore(%run_scoped3A_2346 : memref<!tpu.dma_semaphore, #tpu.memory_space<semaphore_mem>>) src(%arg8 : memref<128x128xf32, #tpu.memory_space<vmem>>) dst(%dma_wait3A_2354 : memref<128x128xf32, #tpu.memory_space<hbm>>)
      tpu.yield
    }) : () -> ()
    return
  }
}

module attributes {stable_mosaic.version = 14 : i64} {
  func.func @_tc1_body(%arg0: i32, %arg1: memref<512x2048xf32, #tpu.memory_space<vmem>>, %arg2: memref<512x2048xf32, #tpu.memory_space<vmem>>, %arg3: memref<64x2048xf32, #tpu.memory_space<vmem>>, %arg4: memref<1x64xf32, #tpu.memory_space<vmem>>, %arg5: memref<64x2048xf32, #tpu.memory_space<vmem>>, %arg6: memref<1x64xf32, #tpu.memory_space<vmem>>, %arg7: memref<256x256xf32, #tpu.memory_space<vmem>>, %arg8: memref<1x256xf32, #tpu.memory_space<vmem>>, %arg9: memref<512x256xf32, #tpu.memory_space<vmem>>) attributes {dimension_semantics = [#tpu.dimension_semantics<arbitrary>], iteration_bounds = array<i64: 8>, scalar_prefetch = 0 : i64, scratch_operands = 0 : i64, tpu.core_type = #tpu.core_type<tc>, window_params = [{transform_indices = @transform_0, window_bounds = array<i64: 512, 2048>}, {transform_indices = @transform_1, window_bounds = array<i64: 512, 2048>}, {pipeline_mode = #tpu.pipeline_mode<synchronous>, transform_indices = @transform_2, window_bounds = array<i64: 64, 2048>}, {pipeline_mode = #tpu.pipeline_mode<synchronous>, transform_indices = @transform_3, window_bounds = array<i64: 1, 64>}, {pipeline_mode = #tpu.pipeline_mode<synchronous>, transform_indices = @transform_4, window_bounds = array<i64: 64, 2048>}, {pipeline_mode = #tpu.pipeline_mode<synchronous>, transform_indices = @transform_5, window_bounds = array<i64: 1, 64>}, {pipeline_mode = #tpu.pipeline_mode<synchronous>, transform_indices = @transform_6, window_bounds = array<i64: 256, 256>}, {pipeline_mode = #tpu.pipeline_mode<synchronous>, transform_indices = @transform_7, window_bounds = array<i64: 1, 256>}, {transform_indices = @transform_8, window_bounds = array<i64: 512, 256>}]} {
    %get3A = arith.constant 0 : index
    %get3A_0 = arith.constant 0 : index
    %get3A_1 = vector.load %arg1[%get3A, %get3A_0] : memref<512x2048xf32, #tpu.memory_space<vmem>>, vector<512x2048xf32>
    %get3A_2 = arith.constant 0 : index
    %get3A_3 = arith.constant 0 : index
    %get3A_4 = vector.load %arg3[%get3A_2, %get3A_3] : memref<64x2048xf32, #tpu.memory_space<vmem>>, vector<64x2048xf32>
    %dot_general3A = arith.constant dense<0.000000e+00> : vector<512x64xf32>
    %dot_general3A_5 = tpu.matmul %get3A_1, %get3A_4, %dot_general3A {dimension_numbers = #tpu.dot_dimension_numbers<[1], [1], [0], [0], [0, 0, 1, 0], [], []>, transpose_lhs_hint = false} : vector<512x2048xf32>, vector<64x2048xf32>, vector<512x64xf32> -> vector<512x64xf32>
    %get3A_6 = arith.constant 0 : index
    %get3A_7 = arith.constant 0 : index
    %get3A_8 = vector.load %arg4[%get3A_6, %get3A_7] : memref<1x64xf32, #tpu.memory_space<vmem>>, vector<1x64xf32>
    %add3A = vector.broadcast %get3A_8 : vector<1x64xf32> to vector<512x64xf32>
    %add3A_9 = arith.addf %dot_general3A_5, %add3A : vector<512x64xf32>
    %max3A = arith.constant 0.000000e+00 : f32
    %max3A_10 = vector.broadcast %max3A : f32 to vector<512x64xf32>
    %max3A_11 = arith.maximumf %add3A_9, %max3A_10 : vector<512x64xf32>
    %get3A_12 = arith.constant 0 : index
    %get3A_13 = arith.constant 0 : index
    %get3A_14 = vector.load %arg2[%get3A_12, %get3A_13] : memref<512x2048xf32, #tpu.memory_space<vmem>>, vector<512x2048xf32>
    %get3A_15 = arith.constant 0 : index
    %get3A_16 = arith.constant 0 : index
    %get3A_17 = vector.load %arg5[%get3A_15, %get3A_16] : memref<64x2048xf32, #tpu.memory_space<vmem>>, vector<64x2048xf32>
    %dot_general3A_18 = arith.constant dense<0.000000e+00> : vector<512x64xf32>
    %dot_general3A_19 = tpu.matmul %get3A_14, %get3A_17, %dot_general3A_18 {dimension_numbers = #tpu.dot_dimension_numbers<[1], [1], [0], [0], [0, 0, 1, 0], [], []>, transpose_lhs_hint = false} : vector<512x2048xf32>, vector<64x2048xf32>, vector<512x64xf32> -> vector<512x64xf32>
    %get3A_20 = arith.constant 0 : index
    %get3A_21 = arith.constant 0 : index
    %get3A_22 = vector.load %arg6[%get3A_20, %get3A_21] : memref<1x64xf32, #tpu.memory_space<vmem>>, vector<1x64xf32>
    %add3A_23 = vector.broadcast %get3A_22 : vector<1x64xf32> to vector<512x64xf32>
    %add3A_24 = arith.addf %dot_general3A_19, %add3A_23 : vector<512x64xf32>
    %max3A_25 = arith.constant 0.000000e+00 : f32
    %max3A_26 = vector.broadcast %max3A_25 : f32 to vector<512x64xf32>
    %max3A_27 = arith.maximumf %add3A_24, %max3A_26 : vector<512x64xf32>
    %get3A_28 = arith.constant 0 : index
    %get3A_29 = arith.constant 0 : index
    %get3A_30 = vector.load %arg7[%get3A_28, %get3A_29] : memref<256x256xf32, #tpu.memory_space<vmem>>, vector<64x256xf32>
    %dot_general3A_31 = arith.constant dense<0.000000e+00> : vector<512x256xf32>
    %dot_general3A_32 = tpu.matmul %max3A_11, %get3A_30, %dot_general3A_31 {dimension_numbers = #tpu.dot_dimension_numbers<[1], [0], [0], [1], [0, 0, 1, 1], [], []>, transpose_lhs_hint = false} : vector<512x64xf32>, vector<64x256xf32>, vector<512x256xf32> -> vector<512x256xf32>
    %get3A_33 = arith.constant 128 : index
    %get3A_34 = arith.constant 0 : index
    %get3A_35 = vector.load %arg7[%get3A_33, %get3A_34] : memref<256x256xf32, #tpu.memory_space<vmem>>, vector<64x256xf32>
    %dot_general3A_36 = arith.constant dense<0.000000e+00> : vector<512x256xf32>
    %dot_general3A_37 = tpu.matmul %max3A_27, %get3A_35, %dot_general3A_36 {dimension_numbers = #tpu.dot_dimension_numbers<[1], [0], [0], [1], [0, 0, 1, 1], [], []>, transpose_lhs_hint = false} : vector<512x64xf32>, vector<64x256xf32>, vector<512x256xf32> -> vector<512x256xf32>
    %add3A_38 = arith.addf %dot_general3A_32, %dot_general3A_37 : vector<512x256xf32>
    %get3A_39 = arith.constant 0 : index
    %get3A_40 = arith.constant 0 : index
    %get3A_41 = vector.load %arg8[%get3A_39, %get3A_40] : memref<1x256xf32, #tpu.memory_space<vmem>>, vector<1x256xf32>
    %add3A_42 = vector.broadcast %get3A_41 : vector<1x256xf32> to vector<512x256xf32>
    %add3A_43 = arith.addf %add3A_38, %add3A_42 : vector<512x256xf32>
    %swap3A = arith.constant 0 : index
    %swap3A_44 = arith.constant 0 : index
    %swap3A_45 = vector.load %arg9[%swap3A, %swap3A_44] : memref<512x256xf32, #tpu.memory_space<vmem>>, vector<512x256xf32>
    tpu.vector_store %arg9[%swap3A, %swap3A_44], %add3A_43 {strides = array<i32>} : memref<512x256xf32, #tpu.memory_space<vmem>>, vector<512x256xf32>,
    return
  }
  func.func @transform_0(%arg0: i32) -> (i32, i32) {
    %c0_i32 = arith.constant 0 : i32
    %c0_i32_0 = arith.constant 0 : i32
    return %arg0, %c0_i32 : i32, i32
  }
  func.func @transform_1(%arg0: i32) -> (i32, i32) {
    %c0_i32 = arith.constant 0 : i32
    %c0_i32_0 = arith.constant 0 : i32
    return %arg0, %c0_i32 : i32, i32
  }
  func.func @transform_2(%arg0: i32) -> (i32, i32) {
    %c0_i32 = arith.constant 0 : i32
    %c0_i32_0 = arith.constant 0 : i32
    %c0_i32_1 = arith.constant 0 : i32
    return %c0_i32, %c0_i32_0 : i32, i32
  }
  func.func @transform_3(%arg0: i32) -> (i32, i32) {
    %c0_i32 = arith.constant 0 : i32
    %c0_i32_0 = arith.constant 0 : i32
    %c0_i32_1 = arith.constant 0 : i32
    return %c0_i32, %c0_i32_0 : i32, i32
  }
  func.func @transform_4(%arg0: i32) -> (i32, i32) {
    %c0_i32 = arith.constant 0 : i32
    %c0_i32_0 = arith.constant 0 : i32
    %c0_i32_1 = arith.constant 0 : i32
    return %c0_i32, %c0_i32_0 : i32, i32
  }
  func.func @transform_5(%arg0: i32) -> (i32, i32) {
    %c0_i32 = arith.constant 0 : i32
    %c0_i32_0 = arith.constant 0 : i32
    %c0_i32_1 = arith.constant 0 : i32
    return %c0_i32, %c0_i32_0 : i32, i32
  }
  func.func @transform_6(%arg0: i32) -> (i32, i32) {
    %c0_i32 = arith.constant 0 : i32
    %c0_i32_0 = arith.constant 0 : i32
    %c0_i32_1 = arith.constant 0 : i32
    return %c0_i32, %c0_i32_0 : i32, i32
  }
  func.func @transform_7(%arg0: i32) -> (i32, i32) {
    %c0_i32 = arith.constant 0 : i32
    %c0_i32_0 = arith.constant 0 : i32
    %c0_i32_1 = arith.constant 0 : i32
    return %c0_i32, %c0_i32_0 : i32, i32
  }
  func.func @transform_8(%arg0: i32) -> (i32, i32) {
    %c0_i32 = arith.constant 0 : i32
    %c0_i32_0 = arith.constant 0 : i32
    return %arg0, %c0_i32 : i32, i32
  }
}

module attributes {stable_mosaic.version = 14 : i64} {
  func.func @_tc2_body(%arg0: memref<4096x256xf32, #tpu.memory_space<vmem>>, %arg1: memref<128x4096xf32, #tpu.memory_space<vmem>>, %arg2: memref<256x256xf32, #tpu.memory_space<vmem>>, %arg3: memref<1x256xf32, #tpu.memory_space<vmem>>, %arg4: memref<1x256xf32, #tpu.memory_space<vmem>>, %arg5: memref<256x128xf32, #tpu.memory_space<vmem>>, %arg6: memref<1x128xf32, #tpu.memory_space<vmem>>, %arg7: memref<1x128xf32, #tpu.memory_space<vmem>>, %arg8: memref<1x128xf32, #tpu.memory_space<vmem>>, %arg9: memref<128x1xf32, #tpu.memory_space<vmem>>, %arg10: memref<1x1xf32, #tpu.memory_space<vmem>>, %arg11: memref<1x4096xf32, #tpu.memory_space<vmem>>) attributes {dimension_semantics = [], scalar_prefetch = 0 : i64, scratch_operands = 0 : i64, tpu.core_type = #tpu.core_type<tc>} {
    %get3A = arith.constant 0 : index
    %get3A_0 = arith.constant 0 : index
    %get3A_1 = vector.load %arg1[%get3A, %get3A_0] : memref<128x4096xf32, #tpu.memory_space<vmem>>, vector<64x4096xf32>
    %convert_element_type3A = arith.truncf %get3A_1 : vector<64x4096xf32> to vector<64x4096xbf16>
    %get3A_2 = arith.constant 64 : index
    %get3A_3 = arith.constant 0 : index
    %get3A_4 = vector.load %arg2[%get3A_2, %get3A_3] : memref<256x256xf32, #tpu.memory_space<vmem>>, vector<64x256xf32>
    %convert_element_type3A_5 = arith.truncf %get3A_4 : vector<64x256xf32> to vector<64x256xbf16>
    %dot_general3A = arith.constant dense<0.000000e+00> : vector<4096x256xf32>
    %dot_general3A_6 = tpu.matmul %convert_element_type3A, %convert_element_type3A_5, %dot_general3A {dimension_numbers = #tpu.dot_dimension_numbers<[0], [0], [1], [1], [0, 1, 1, 1], [], []>, transpose_lhs_hint = false} : vector<64x4096xbf16>, vector<64x256xbf16>, vector<4096x256xf32> -> vector<4096x256xf32>
    %get3A_7 = arith.constant 64 : index
    %get3A_8 = arith.constant 0 : index
    %get3A_9 = vector.load %arg1[%get3A_7, %get3A_8] : memref<128x4096xf32, #tpu.memory_space<vmem>>, vector<64x4096xf32>
    %convert_element_type3A_10 = arith.truncf %get3A_9 : vector<64x4096xf32> to vector<64x4096xbf16>
    %get3A_11 = arith.constant 192 : index
    %get3A_12 = arith.constant 0 : index
    %get3A_13 = vector.load %arg2[%get3A_11, %get3A_12] : memref<256x256xf32, #tpu.memory_space<vmem>>, vector<64x256xf32>
    %convert_element_type3A_14 = arith.truncf %get3A_13 : vector<64x256xf32> to vector<64x256xbf16>
    %dot_general3A_15 = arith.constant dense<0.000000e+00> : vector<4096x256xf32>
    %dot_general3A_16 = tpu.matmul %convert_element_type3A_10, %convert_element_type3A_14, %dot_general3A_15 {dimension_numbers = #tpu.dot_dimension_numbers<[0], [0], [1], [1], [0, 1, 1, 1], [], []>, transpose_lhs_hint = false} : vector<64x4096xbf16>, vector<64x256xbf16>, vector<4096x256xf32> -> vector<4096x256xf32>
    %add3A = arith.addf %dot_general3A_6, %dot_general3A_16 : vector<4096x256xf32>
    %get3A_17 = arith.constant 0 : index
    %get3A_18 = arith.constant 0 : index
    %get3A_19 = vector.load %arg0[%get3A_17, %get3A_18] : memref<4096x256xf32, #tpu.memory_space<vmem>>, vector<4096x256xf32>
    %add3A_20 = arith.addf %get3A_19, %add3A : vector<4096x256xf32>
    %reduce_sum3A = arith.constant dense<0.000000e+00> : vector<256xf32>
    %reduce_sum3A_21 = vector.multi_reduction <add>, %add3A_20, %reduce_sum3A [0] : vector<4096x256xf32> to vector<256xf32>
    %broadcast_in_dim3A = vector.shape_cast %reduce_sum3A_21 : vector<256xf32> to vector<1x256xf32>
    %div3A = arith.constant 4.096000e+03 : f32
    %div3A_22 = vector.broadcast %div3A : f32 to vector<1x256xf32>
    %div3A_23 = arith.divf %broadcast_in_dim3A, %div3A_22 : vector<1x256xf32>
    %sub3A = vector.broadcast %div3A_23 : vector<1x256xf32> to vector<4096x256xf32>
    %sub3A_24 = arith.subf %add3A_20, %sub3A : vector<4096x256xf32>
    %integer_pow3A = arith.mulf %sub3A_24, %sub3A_24 : vector<4096x256xf32>
    %reduce_sum3A_25 = arith.constant dense<0.000000e+00> : vector<256xf32>
    %reduce_sum3A_26 = vector.multi_reduction <add>, %integer_pow3A, %reduce_sum3A_25 [0] : vector<4096x256xf32> to vector<256xf32>
    %broadcast_in_dim3A_27 = vector.shape_cast %reduce_sum3A_26 : vector<256xf32> to vector<1x256xf32>
    %div3A_28 = arith.constant 4.096000e+03 : f32
    %div3A_29 = vector.broadcast %div3A_28 : f32 to vector<1x256xf32>
    %div3A_30 = arith.divf %broadcast_in_dim3A_27, %div3A_29 : vector<1x256xf32>
    %get3A_31 = arith.constant 0 : index
    %get3A_32 = arith.constant 0 : index
    %get3A_33 = vector.load %arg3[%get3A_31, %get3A_32] : memref<1x256xf32, #tpu.memory_space<vmem>>, vector<1x256xf32>
    %sub3A_34 = vector.broadcast %div3A_23 : vector<1x256xf32> to vector<4096x256xf32>
    %sub3A_35 = arith.subf %add3A_20, %sub3A_34 : vector<4096x256xf32>
    %mul3A = vector.broadcast %get3A_33 : vector<1x256xf32> to vector<4096x256xf32>
    %mul3A_36 = arith.mulf %mul3A, %sub3A_35 : vector<4096x256xf32>
    %add3A_37 = arith.constant 9.99999974E-6 : f32
    %add3A_38 = vector.broadcast %add3A_37 : f32 to vector<1x256xf32>
    %add3A_39 = arith.addf %div3A_30, %add3A_38 : vector<1x256xf32>
    %rsqrt3A = math.rsqrt %add3A_39 : vector<1x256xf32>
    %mul3A_40 = vector.broadcast %rsqrt3A : vector<1x256xf32> to vector<4096x256xf32>
    %mul3A_41 = arith.mulf %mul3A_36, %mul3A_40 : vector<4096x256xf32>
    %get3A_42 = arith.constant 0 : index
    %get3A_43 = arith.constant 0 : index
    %get3A_44 = vector.load %arg4[%get3A_42, %get3A_43] : memref<1x256xf32, #tpu.memory_space<vmem>>, vector<1x256xf32>
    %add3A_45 = vector.broadcast %get3A_44 : vector<1x256xf32> to vector<4096x256xf32>
    %add3A_46 = arith.addf %mul3A_41, %add3A_45 : vector<4096x256xf32>
    %max3A = arith.constant 0.000000e+00 : f32
    %max3A_47 = vector.broadcast %max3A : f32 to vector<4096x256xf32>
    %max3A_48 = arith.maximumf %add3A_46, %max3A_47 : vector<4096x256xf32>
    %convert_element_type3A_49 = arith.truncf %max3A_48 : vector<4096x256xf32> to vector<4096x256xbf16>
    %get3A_50 = arith.constant 0 : index
    %get3A_51 = arith.constant 0 : index
    %get3A_52 = vector.load %arg5[%get3A_50, %get3A_51] : memref<256x128xf32, #tpu.memory_space<vmem>>, vector<256x128xf32>
    %convert_element_type3A_53 = arith.truncf %get3A_52 : vector<256x128xf32> to vector<256x128xbf16>
    %dot_general3A_54 = arith.constant dense<0.000000e+00> : vector<4096x128xf32>
    %dot_general3A_55 = tpu.matmul %convert_element_type3A_49, %convert_element_type3A_53, %dot_general3A_54 {dimension_numbers = #tpu.dot_dimension_numbers<[1], [0], [0], [1], [0, 0, 1, 1], [], []>, transpose_lhs_hint = false} : vector<4096x256xbf16>, vector<256x128xbf16>, vector<4096x128xf32> -> vector<4096x128xf32>
    %get3A_56 = arith.constant 0 : index
    %get3A_57 = arith.constant 0 : index
    %get3A_58 = vector.load %arg6[%get3A_56, %get3A_57] : memref<1x128xf32, #tpu.memory_space<vmem>>, vector<1x128xf32>
    %add3A_59 = vector.broadcast %get3A_58 : vector<1x128xf32> to vector<4096x128xf32>
    %add3A_60 = arith.addf %dot_general3A_55, %add3A_59 : vector<4096x128xf32>
    %reduce_sum3A_61 = arith.constant dense<0.000000e+00> : vector<128xf32>
    %reduce_sum3A_62 = vector.multi_reduction <add>, %add3A_60, %reduce_sum3A_61 [0] : vector<4096x128xf32> to vector<128xf32>
    %broadcast_in_dim3A_63 = vector.shape_cast %reduce_sum3A_62 : vector<128xf32> to vector<1x128xf32>
    %div3A_64 = arith.constant 4.096000e+03 : f32
    %div3A_65 = vector.broadcast %div3A_64 : f32 to vector<1x128xf32>
    %div3A_66 = arith.divf %broadcast_in_dim3A_63, %div3A_65 : vector<1x128xf32>
    %sub3A_67 = vector.broadcast %div3A_66 : vector<1x128xf32> to vector<4096x128xf32>
    %sub3A_68 = arith.subf %add3A_60, %sub3A_67 : vector<4096x128xf32>
    %integer_pow3A_69 = arith.mulf %sub3A_68, %sub3A_68 : vector<4096x128xf32>
    %reduce_sum3A_70 = arith.constant dense<0.000000e+00> : vector<128xf32>
    %reduce_sum3A_71 = vector.multi_reduction <add>, %integer_pow3A_69, %reduce_sum3A_70 [0] : vector<4096x128xf32> to vector<128xf32>
    %broadcast_in_dim3A_72 = vector.shape_cast %reduce_sum3A_71 : vector<128xf32> to vector<1x128xf32>
    %div3A_73 = arith.constant 4.096000e+03 : f32
    %div3A_74 = vector.broadcast %div3A_73 : f32 to vector<1x128xf32>
    %div3A_75 = arith.divf %broadcast_in_dim3A_72, %div3A_74 : vector<1x128xf32>
    %get3A_76 = arith.constant 0 : index
    %get3A_77 = arith.constant 0 : index
    %get3A_78 = vector.load %arg7[%get3A_76, %get3A_77] : memref<1x128xf32, #tpu.memory_space<vmem>>, vector<1x128xf32>
    %sub3A_79 = vector.broadcast %div3A_66 : vector<1x128xf32> to vector<4096x128xf32>
    %sub3A_80 = arith.subf %add3A_60, %sub3A_79 : vector<4096x128xf32>
    %mul3A_81 = vector.broadcast %get3A_78 : vector<1x128xf32> to vector<4096x128xf32>
    %mul3A_82 = arith.mulf %mul3A_81, %sub3A_80 : vector<4096x128xf32>
    %add3A_83 = arith.constant 9.99999974E-6 : f32
    %add3A_84 = vector.broadcast %add3A_83 : f32 to vector<1x128xf32>
    %add3A_85 = arith.addf %div3A_75, %add3A_84 : vector<1x128xf32>
    %rsqrt3A_86 = math.rsqrt %add3A_85 : vector<1x128xf32>
    %mul3A_87 = vector.broadcast %rsqrt3A_86 : vector<1x128xf32> to vector<4096x128xf32>
    %mul3A_88 = arith.mulf %mul3A_82, %mul3A_87 : vector<4096x128xf32>
    %get3A_89 = arith.constant 0 : index
    %get3A_90 = arith.constant 0 : index
    %get3A_91 = vector.load %arg8[%get3A_89, %get3A_90] : memref<1x128xf32, #tpu.memory_space<vmem>>, vector<1x128xf32>
    %add3A_92 = vector.broadcast %get3A_91 : vector<1x128xf32> to vector<4096x128xf32>
    %add3A_93 = arith.addf %mul3A_88, %add3A_92 : vector<4096x128xf32>
    %max3A_94 = arith.constant 0.000000e+00 : f32
    %max3A_95 = vector.broadcast %max3A_94 : f32 to vector<4096x128xf32>
    %max3A_96 = arith.maximumf %add3A_93, %max3A_95 : vector<4096x128xf32>
    %get3A_97 = arith.constant 0 : index
    %get3A_98 = arith.constant 0 : index
    %get3A_99 = vector.load %arg9[%get3A_97, %get3A_98] : memref<128x1xf32, #tpu.memory_space<vmem>>, vector<128x1xf32>
    %dot_general3A_100 = arith.constant dense<0.000000e+00> : vector<1x4096xf32>
    %dot_general3A_101 = tpu.matmul %get3A_99, %max3A_96, %dot_general3A_100 {dimension_numbers = #tpu.dot_dimension_numbers<[0], [1], [1], [0], [0, 1, 1, 0], [], []>, transpose_lhs_hint = false} : vector<128x1xf32>, vector<4096x128xf32>, vector<1x4096xf32> -> vector<1x4096xf32>
    %get3A_102 = arith.constant 0 : index
    %get3A_103 = arith.constant 0 : index
    %get3A_104 = vector.load %arg10[%get3A_102, %get3A_103] : memref<1x1xf32, #tpu.memory_space<vmem>>, vector<1x1xf32>
    %add3A_105 = vector.broadcast %get3A_104 : vector<1x1xf32> to vector<1x4096xf32>
    %add3A_106 = arith.addf %dot_general3A_101, %add3A_105 : vector<1x4096xf32>
    %max3A_107 = arith.constant 0.000000e+00 : f32
    %max3A_108 = vector.broadcast %max3A_107 : f32 to vector<1x4096xf32>
    %max3A_109 = arith.maximumf %add3A_106, %max3A_108 : vector<1x4096xf32>
    %swap3A = arith.constant 0 : index
    %swap3A_110 = arith.constant 0 : index
    %swap3A_111 = vector.load %arg11[%swap3A, %swap3A_110] : memref<1x4096xf32, #tpu.memory_space<vmem>>, vector<1x4096xf32>
    tpu.vector_store %arg11[%swap3A, %swap3A_110], %max3A_109 {strides = array<i32>} : memref<1x4096xf32, #tpu.memory_space<vmem>>, vector<1x4096xf32>,
    return
  }
}

</mosaic_0001>

<sc_bundles>
// kernel: kernel.5.cloned.1.call-start
scs
__scs_entry_jumppad:
0x0: {  	(pc) =	sbr.rel $0x88, $3  }
0x1: {  	(tag) =	ssettag $0x0;
	lr =	simm.s32 $0x1  }
0x2: {  	[smem:$0x3F8F] =	sst lr;
	_ =	strace $0xD0000000  }
0x3: {  	_ = 	snop  }
0x4: {  	_ = 	snop  }
0x5: {  	_ = 	snop  }
0x6: {  	_ = 	snop  }
0x7: {  	_ = 	snop  }
__scs_overlays_trampoline_lowered:
0x8: {  	[smem:$0x3F9E] =	sst s0  }
0x9: {  	[smem:$0x3F9F] =	sst s1  }
0xa: {  	[smem:$0x3FA0] =	sst s2  }
0xb: {  	[smem:$0x3FA1] =	sst s3  }
0xc: {  	[smem:$0x3FA2] =	sst s4  }
0xd: {  	[smem:$0x3FA3] =	sst s5  }
0xe: {  	[smem:$0x3FA4] =	sst s6  }
0xf: {  	[smem:$0x3FA5] =	sst s7  }
0x10: {  	[smem:$0x3FA6] =	sst s8  }
0x11: {  	[smem:$0x3FA7] =	sst s9;
	s0 =	simm.s32 @!p0 $0x0  }
0x12: {  	s1 =	sld [smem:$0x3F8D];
	s0 =	simm.s32 @p0 $0x1  }
0x13: {  	[smem:$0x3FA8] =	sst s0;
	s0 =	simm.s32 @!p1 $0x0  }
0x14: {  	s2 =	sld [smem:$0x3F8C];
	s0 =	simm.s32 @p1 $0x1  }
0x15: {  	[smem:$0x3FA9] =	sst s0;
	s0 =	simm.s32 @!p2 $0x0  }
0x16: {  	s3 =	sld [smem:$0x3FDB];
	s0 =	simm.s32 @p2 $0x1  }
0x17: {  	s4 =	simm.s32 $0x1BF5;
	[smem:$0x3FAB] =	sst s0  }
0x18: {  	s0 =	sld [smem:$0x3F8E];
	_ =	swait.ge [sflag:s4], $0x0  }
0x19: {  	s7 =	sld [smem:$0x3F8F]  }
0x1a: {  	s8 =	sadd.s32 $0xFFFFE003, lr  }
0x1b: {  	s9 =	sadd.s32 $0xFFFFFEF7, lr;
	s5 =	simm.s32 $0xFFFFFFFF;
	p2 =	slt.u32 s8, $0xFFFFF086  }
0x1c: {  	p1 =	slt.u32 s9, $0xF7A;
	s5 =	simm.s32 @!p2 $0x0  }
0x1d: {  	s5 =	simm.s32 @p1 $0x1;
	p0 =	seq.s32 s7, s2  }
0x1e: {  	s7 =	smul.u32 @!p0 $0xF7A, s2;
	p2 =	seq.s32 @!p0 s5, $0x0  }
0x1f: {  	s9 =	smul.u32 $0xF7A, s1;
	s8 =	simm.s32 @!p0 $0x1BF5;
	p2 =	por !p2, p0  }
0x20: {  	[sflag:s8] =	ssyncset.s32 @!p0 $0xFFFFF086;
	s6 =	sadd.s32 @!p0 s3, s7;
	s7 =	simm.s32 @!p0 $0x108  }
0x21: {  	s3 =	sadd.s32 s3, s9;
	s6 =	sadd.s32 @!p0 $0x88, s6;
	s7 =	simm.s32 @p2 $0x1082  }
0x22: {  	[simem:s7], [sflag:s8] =	dma.local @!p0 [hbm:s6], $0xF7A  }
0x23: {  	s9 =	sor.u32 $0xD0000000, s2;
	s6 =	simm.s32 $0x108;
	_ =	swait.ge @!p0 [sflag:s8], $0x0  }
0x24: {  	s3 =	sadd.s32 $0x88, s3;
	s6 =	simm.s32 @!p1 $0x1082;
	[sflag:s4] =	ssyncset.s32 $0xFFFFF086  }
0x25: {  	[simem:s6], [sflag:s4] =	dma.local [hbm:s3], $0xF7A  }
0x26: {  	[smem:$0x3F8F] =	sst s1;
	(tag) =	ssettag s2;
	_ =	strace s9  }
0x27: {  	s1 =	sld [smem:$0x3F9F]  }
0x28: {  	s2 =	sld [smem:$0x3FA0]  }
0x29: {  	s4 =	sld [smem:$0x3FA2]  }
0x2a: {  	p0 =	seq.s32 s5, $0x0;
	s5 =	sld [smem:$0x3FA3]  }
0x2b: {  	s6 =	sld [smem:$0x3FA4]  }
0x2c: {  	s7 =	sld [smem:$0x3FA5]  }
0x2d: {  	s3 =	simm.s32 $0x108;
	s8 =	sld [smem:$0x3FA6]  }
0x2e: {  	s3 =	simm.s32 @!p0 $0x1082;
	s9 =	sld [smem:$0x3FA7]  }
0x2f: {  	lr =	sadd.s32 s0, s3;
	s0 =	sld [smem:$0x3F9E]  }
0x30: {  	s3 =	sld [smem:$0x3FA1]  }
0x31: {  	[smem:$0x3FAA] =	sst s10  }
0x32: {  	s10 =	sld [smem:$0x3FA8];
	_ =	sdelay $0x3  }
0x33: {  	p0 =	seq.s32 s10, $0x1;
	s10 =	sld [smem:$0x3FAA];
	_ =	sdelay $0x3  }
0x34: {  	[smem:$0x3FAA] =	sst s10  }
0x35: {  	s10 =	sld [smem:$0x3FA9];
	_ =	sdelay $0x3  }
0x36: {  	p1 =	seq.s32 s10, $0x1;
	s10 =	sld [smem:$0x3FAA];
	_ =	sdelay $0x3  }
0x37: {  	[smem:$0x3FAA] =	sst s10  }
0x38: {  	s10 =	sld [smem:$0x3FAB]  }
0x39: {  	_ = 	snop;
	(pc) =	sbr.ind lr, $3  }
0x3a: {  	_ = 	snop  }
0x3b: {  	_ = 	snop  }
0x3c: {  	p2 =	seq.s32 s10, $0x1;
	s10 =	sld [smem:$0x3FAA]  }
0x3d: {  	_ =	shalt  }
0x3e: {  	_ =	shalt  }
0x3f: {  	_ =	shalt  }
0x40: {  	_ =	shalt  }
0x41: {  	_ =	shalt  }
0x42: {  	_ =	shalt  }
0x43: {  	_ =	shalt  }
0x44: {  	_ =	shalt  }
0x45: {  	_ =	shalt  }
0x46: {  	_ =	shalt  }
0x47: {  	_ =	shalt  }
0x48: {  	_ =	shalt  }
0x49: {  	_ =	shalt  }
0x4a: {  	_ =	shalt  }
0x4b: {  	_ =	shalt  }
0x4c: {  	_ =	shalt  }
0x4d: {  	_ =	shalt  }
0x4e: {  	_ =	shalt  }
0x4f: {  	_ =	shalt  }
0x50: {  	_ =	shalt  }
0x51: {  	_ =	shalt  }
0x52: {  	_ =	shalt  }
0x53: {  	_ =	shalt  }
0x54: {  	_ =	shalt  }
0x55: {  	_ =	shalt  }
0x56: {  	_ =	shalt  }
0x57: {  	_ =	shalt  }
0x58: {  	_ =	shalt  }
0x59: {  	_ =	shalt  }
0x5a: {  	_ =	shalt  }
0x5b: {  	_ =	shalt  }
0x5c: {  	_ =	shalt  }
0x5d: {  	_ =	shalt  }
0x5e: {  	_ =	shalt  }
0x5f: {  	_ =	shalt  }
0x60: {  	_ =	shalt  }
0x61: {  	_ =	shalt  }
0x62: {  	_ =	shalt  }
0x63: {  	_ =	shalt  }
0x64: {  	_ =	shalt  }
0x65: {  	_ =	shalt  }
0x66: {  	_ =	shalt  }
0x67: {  	_ =	shalt  }
0x68: {  	_ =	shalt  }
0x69: {  	_ =	shalt  }
0x6a: {  	_ =	shalt  }
0x6b: {  	_ =	shalt  }
0x6c: {  	_ =	shalt  }
0x6d: {  	_ =	shalt  }
0x6e: {  	_ =	shalt  }
0x6f: {  	_ =	shalt  }
0x70: {  	_ =	shalt  }
0x71: {  	_ =	shalt  }
0x72: {  	_ =	shalt  }
0x73: {  	_ =	shalt  }
0x74: {  	_ =	shalt  }
0x75: {  	_ =	shalt  }
0x76: {  	_ =	shalt  }
0x77: {  	_ =	shalt  }
0x78: {  	_ =	shalt  }
0x79: {  	_ =	shalt  }
0x7a: {  	_ =	shalt  }
0x7b: {  	_ =	shalt  }
0x7c: {  	_ =	shalt  }
0x7d: {  	_ =	shalt  }
0x7e: {  	_ =	shalt  }
0x7f: {  	_ =	shalt  }
0x80: {  	_ =	shalt  }
0x81: {  	_ =	shalt  }
0x82: {  	_ =	shalt  }
0x83: {  	_ =	shalt  }
0x84: {  	_ =	shalt  }
0x85: {  	_ =	shalt  }
0x86: {  	_ =	shalt  }
0x87: {  	_ =	shalt  }
.Lfunc_end0:
.L_simem_size_0:
called_computation_lowered:
.L_overlay_start_0:
0x88: {  	s2 =	sld [smem:$0x3FD9]  }
0x89: {  	s3 =	sld [smem:$0x3FFE];
	_ =	sdelay $0x1  }
0x8a: {  	s1 =	srdreg.scid  }
0x8b: {  	s0 =	sand.u32 $0x1, s1  }
0x8c: {  	s17 =	sshll.u32 s0, $0xA;
	s2 =	sadd.s32 s3, s2  }
0x8d: {  	s2 =	sadd.s32 s2, s17  }
0x8e: {  	[smem:$0x3FB6] =	sst s2  }
0x8f: {  	_ = 	snop  }
0x90: {  	s2 =	sld [smem:$0x3FC9]  }
0x91: {  	s18 =	sld [smem:$0x3FC6];
	(tm) =	ssettm $0x1  }
0x92: {  	s4 =	sld [smem:$0x3FFB];
	_ =	sdelay $0x3  }
0x93: {  	_ =	strace s4  }
0x94: {  	s4 =	sld [smem:$0x3FFC];
	_ =	sdelay $0x3  }
0x95: {  	_ =	strace s4  }
0x96: {  	s4 =	sld [smem:$0x3FFD];
	_ =	sdelay $0x3  }
0x97: {  	_ =	strace s4  }
0x98: {  	_ =	strace $0x8FFFFFFF  }
0x99: {  	s19 =	sld [smem:$0x3FDB];
	_ =	sdelay $0x1  }
0x9a: {  	s5 =	simm.s32 $_scs_section_size  }
0x9b: {  	s6 =	simm.s32 $_size__tile_overlayer_lowered;
	s7 =	simm.s32 $_tile_overlayer_lowered  }
0x9c: {  	s22 =	simm.s32 $0x1BFF;
	s21 =	sshll.u32 s7, $0x1;
	s4 =	sadd.s32 s5, s19  }
0x9d: {  	s8 =	simm.s32 $0x0;
	s20 =	sshll.u32 s6, $0x1;
	s6 =	sadd.s32 s21, s4  }
0x9e: {  	[timem:s8], [sflag:s22] =	dma.local [hbm:s6], s20  }
0x9f: {  	_ =	swait.ge [sflag:s22], s20  }
0xa0: {  	s5 =	ssub.s32 $0x0, s20;
	[sflag:s22] =	ssyncset.done $0x0  }
0xa1: {  	[sflag:s22] =	ssyncadd.s32 s5;
	_ =	sdelay $0x1  }
0xa2: {  	s23 =	simm.s32 $0x1B8B  }
0xa3: {  	_ =	swait.ge [sflag:s23], $0x1  }
0xa4: {  	[sflag:s23] =	ssyncset.done $0x0  }
0xa5: {  	s25 =	simm.s32 $0x1B8E;
	s24 =	sld [smem:$0x3FFE];
	[sflag:s23] =	ssyncadd.s32 $0xFFFFFFFF  }
0xa6: {  	s26 =	simm.s32 $execute0_lowered;
	[smem:$0x3FD2] =	sst s25  }
0xa7: {  	s6 =	sshll.u32 s26, $0x1;
	_ =	strace $0x80000046;
	[dreg:$0x1] =	wrdreg $0xFFFFFFFF  }
0xa8: {  	s28 =	simm.s32 $_size_execute0_lowered;
	s4 =	sadd.s32 s4, s6;
	[dreg:$0x0] =	wrdreg $0x0  }
0xa9: {  	s6 =	sshll.u32 s28, $0x1;
	[dreg:$0x2] =	wrdreg s4  }
0xaa: {  	[dreg:$0x3] =	wrdreg s6  }
0xab: {  	[dreg:$0x4] =	wrdreg $0xC0  }
0xac: {  	_ =	task [dreg:s8], $0x5FFFF  }
0xad: {  	[dreg:$0x1] =	wrdreg $0xFFFFFFFF  }
0xae: {  	[dreg:$0x0] =	wrdreg $0x60  }
0xaf: {  	[dreg:$0x2] =	wrdreg s2  }
0xb0: {  	[dreg:$0x3] =	wrdreg s18  }
0xb1: {  	[dreg:$0x4] =	wrdreg s24  }
0xb2: {  	[dreg:$0x5] =	wrdreg $0x9  }
0xb3: {  	_ =	task.clear_ibuf [dreg:s8], $0x6FFFF;
	_ =	strace $0x90000046  }
0xb4: {  	s29 =	simm.s32 $0x9;
	_ =	strace $0x80000048  }
0xb5: {  	_ =	swait.ge [sflag:s29], $0x1  }
0xb6: {  	[sflag:s29] =	ssyncadd.s32 $0xFFFFFFFF  }
0xb7: {  	_ =	strace $0x90000048  }
0xb8: {  	_ =	sfence  }
0xb9: {  	s30 =	sld [smem:$0x0];
	_ =	sdelay $0x2  }
0xba: {  	s31 =	sshll.u32 s1, $0xD;
	s1 =	sshrl.u32 s1, $0x2  }
0xbb: {  	s3 =	sand.u32 $0x4000, s31;
	s1 =	sadd.s32 s1, s30  }
0xbc: {  	s0 =	sor.u32 s3, s0;
	s1 =	sshll.u32 s1, $0x11  }
0xbd: {  	s0 =	sor.u32 s1, s0  }
0xbe: {  	s0 =	sadd.s32 $0x8F2B, s0  }
0xbf: {  	[sflag:s0] =	ssyncadd.remote.s32 $0x1  }
0xc0: {  	_ =	sfence.sel $0xFFFF  }
0xc1: {  	[dreg:$0x0] =	wrdreg $0xFFFFFFFF;
	(pc) =	sbr.abs _section_cstart, $3  }
0xc2: {  	[dreg:$0x1] =	wrdreg $0xFFFFFFFF  }
0xc3: {  	_ =	task.clear_ibuf [dreg:s8], $0x2FFFF;
	_ =	strace $0x9FFFFFFF  }
0xc4: {  	(tm) =	ssettm $0x7FFFFFFF  }
0xc5: {  	_ =	shalt  }
tec
execute0_lowered:
.L_overlay_start_1:
0x0: {  	(tag) =	ssettag $0x1  }
0x1: {  	s0 =	rddreg [dreg:$0x0]  }
0x2: {  	s1 =	rddreg [dreg:$0x1]  }
0x3: {  	s2 =	rddreg [dreg:$0x2];
	s3 =	simm.s32 $0x0  }
0x4: {  	s4 =	srdreg.scid;
	s5 =	stileid.u32;
	s8 =	simm.s32 $0x2  }
0x5: {  	s9 =	simm.s32 $0x80;
	s11 =	simm.s32 $0x4100;
	s22 =	simm.s32 $0x400  }
0x6: {  	s21 =	simm.s32 $0x7D80;
	s23 =	simm.s32 $0x3E00;
	s28 =	simm.s32 $0x3F00  }
0x7: {  	s29 =	simm.s32 $0x7F00;
	s30 =	simm.s32 $0x3F80;
	s31 =	simm.s32 $0x7F80  }
0x8: {  	s10 =	simm.s32 $0x4080;
	s12 =	simm.s32 $0x8080;
	s13 =	simm.s32 $0x1  }
0x9: {  	[smem:$0x7FF] =	sst s3;
	s4 =	sand.u32 $0x1, s4;
	s5 =	sshll.u32 s5, $0x1  }
0xa: {  	s14 =	simm.s32 $0x0;
	_ =	strace $0x80000047;
	s5 =	sor.u32 s4, s5  }
0xb: {  	s7 =	ssub.s32 $0x2, s4;
	s6 =	sshll.u32 s5, $0x7;
	s24 =	sshll.u32 s5, $0x5  }
0xc: {  	s25 =	sshrl.u32 s7, $0x1;
	s2 =	sadd.s32 s6, s2;
	s4 =	sadd.s32 s0, s24  }
0xd: {  	s26 =	ssub.s32 s7, s25;
	s24 =	simm.s32 $0x7E00;
	s25 =	simm.s32 $0x3E80  }
0xe: {  	s0 =	simm.s32 $0x4000;
	s5 =	sadd.s32 $0x10, s4;
	s6 =	sadd.s32 $0x2000, s2  }
0xf: {  	s7 =	smax.u32 s26, $0x1;
	s26 =	simm.s32 $0x7E80;
	s2 =	simm.s32 $0x8000  }
.LBB2_1:
0x10: {  	[tilespmem:s3], [sflag:$0x2] =	stream.linear.gather [hbm4b:s4+s3], $0x80, $0x38;
	[tilespmem:$0x8100] =	vst v63  }
0x11: {  	_ =	swait.ge [sflag:s8], $0x80  }
0x12: {  	[sflag:s8] =	ssyncset.done $0x0  }
0x13: {  	[sflag:s8] =	ssyncadd.s32 $0xFFFFFF80  }
0x14: {  	[tilespmem:s9], [sflag:$0x2] =	stream.linear.gather [hbm4b:s5+s3], $0x80, $0x38;
	[tilespmem:$0x8100] =	vst v63  }
0x15: {  	_ =	swait.ge [sflag:s8], $0x80  }
0x16: {  	[sflag:s8] =	ssyncset.done $0x0  }
0x17: {  	[sflag:s8] =	ssyncadd.s32 $0xFFFFFF80  }
0x18: {  	v0 =	vld [tilespmem:$0x0]  }
0x19: {  	v1 =	vld [tilespmem:$0x80]  }
0x1a: {  	v2 =	vld [tilespmem:$0x10]  }
0x1b: {  	v3 =	vld [tilespmem:$0x90]  }
0x1c: {  	v5 =	vld [tilespmem:$0x20]  }
0x1d: {  	v7 =	vld [tilespmem:$0xA0]  }
0x1e: {  	v39 =	vld [tilespmem:$0x30]  }
0x1f: {  	v9 =	vld [tilespmem:$0xB0]  }
0x20: {  	v11 =	vld [tilespmem:$0xC0]  }
0x21: {  	v45 =	vld [tilespmem:$0x50]  }
0x22: {  	v12 =	vld [tilespmem:$0xD0]  }
0x23: {  	v51 =	vld [tilespmem:$0xE0];
	v4 =	vshll.u32 v0, $0x3;
	v1 =	vadd.s32 $0xF4240, v1  }
0x24: {  	v0 =	vand.u32 $0x7F, v0;
	v38 =	vshll.u32 v2, $0x3;
	v3 =	vadd.s32 $0xF4240, v3  }
0x25: {  	v2 =	vand.u32 $0x7F, v2;
	v41 =	vshll.u32 v5, $0x3;
	v7 =	vadd.s32 $0xF4240, v7  }
0x26: {  	v5 =	vand.u32 $0x7F, v5;
	v44 =	vshll.u32 v39, $0x3;
	v9 =	vadd.s32 $0xF4240, v9  }
0x27: {  	v48 =	vadd.s32 $0xF4240, v11;
	v53 =	vshll.u32 v45, $0x3;
	v54 =	vadd.s32 $0xF4240, v12  }
0x28: {  	v56 =	vand.u32 $0x7F, v45;
	v60 =	vadd.s32 $0xF4240, v51;
	v4 =	vand.u32 $0xFFFFFC00, v4  }
0x29: {  	v6 =	vshll.u32 v1, $0x3;
	v1 =	vand.u32 $0x7F, v1;
	v8 =	vshll.u32 v3, $0x3  }
0x2a: {  	v3 =	vand.u32 $0x7F, v3;
	v10 =	vshll.u32 v7, $0x3;
	v7 =	vand.u32 $0x7F, v7  }
0x2b: {  	v46 =	vshll.u32 v9, $0x3;
	v47 =	vand.u32 $0x7F, v9;
	v50 =	vshll.u32 v48, $0x3  }
0x2c: {  	v52 =	vand.u32 $0x7F, v48;
	v0 =	vor.u32 v0, v4;
	v37 =	vand.u32 $0xFFFFFC00, v6  }
0x2d: {  	v42 =	vld [tilespmem:$0x40];
	v57 =	vshll.u32 v54, $0x3;
	v4 =	vand.u32 $0xFFFFFC00, v38;
	v1 =	vor.u32 v1, v37;
	[tilespmem:$0x0] =	vst v0  }
0x2e: {  	v59 =	vand.u32 $0x7F, v54;
	v40 =	vand.u32 $0xFFFFFC00, v8;
	v2 =	vor.u32 v2, v4;
	[tilespmem:$0x80] =	vst v1  }
0x2f: {  	v43 =	vand.u32 $0xFFFFFC00, v10;
	v3 =	vor.u32 v3, v40;
	v4 =	vand.u32 $0xFFFFFC00, v41;
	[tilespmem:$0x10] =	vst v2  }
0x30: {  	v49 =	vld [tilespmem:$0x60];
	v6 =	vand.u32 $0x7F, v39;
	v0 =	vand.u32 $0xFFFFFC00, v44;
	v4 =	vor.u32 v5, v4;
	[tilespmem:$0x90] =	vst v3  }
0x31: {  	v61 =	vshll.u32 v60, $0x3;
	v5 =	vor.u32 v7, v43;
	v0 =	vor.u32 v6, v0;
	[tilespmem:$0x20] =	vst v4  }
0x32: {  	v55 =	vld [tilespmem:$0x70];
	v1 =	vand.u32 $0xFFFFFC00, v46;
	v2 =	vshll.u32 v42, $0x3;
	v3 =	vand.u32 $0x7F, v42;
	[tilespmem:$0xA0] =	vst v5  }
0x33: {  	v58 =	vld [tilespmem:$0xF0];
	v1 =	vor.u32 v47, v1;
	v2 =	vand.u32 $0xFFFFFC00, v2;
	[tilespmem:$0x30] =	vst v0;
	v0 =	vand.u32 $0xFFFFFC00, v53  }
0x34: {  	v2 =	vor.u32 v3, v2;
	v3 =	vand.u32 $0xFFFFFC00, v50;
	[tilespmem:$0xB0] =	vst v1;
	v0 =	vor.u32 v56, v0  }
0x35: {  	v1 =	vand.u32 $0xFFFFFC00, v57;
	v3 =	vor.u32 v52, v3;
	[tilespmem:$0x40] =	vst v2;
	v2 =	vshll.u32 v49, $0x3  }
0x36: {  	v1 =	vor.u32 v59, v1;
	[tilespmem:$0xC0] =	vst v3;
	v2 =	vand.u32 $0xFFFFFC00, v2;
	v3 =	vand.u32 $0x7F, v49  }
0x37: {  	v62 =	vld [tilespmem:$0x0];
	[tilespmem:$0x50] =	vst v0;
	v0 =	vor.u32 v3, v2;
	v2 =	vand.u32 $0xFFFFFC00, v61;
	v3 =	vand.u32 $0x7F, v60  }
0x38: {  	s15 =	simm.s32 $0x0;
	[tilespmem:$0xD0] =	vst v1;
	v1 =	vor.u32 v3, v2;
	v2 =	vshll.u32 v55, $0x3;
	v3 =	vadd.s32 $0xF4240, v58  }
0x39: {  	s15 =	smul.u32 $0xF42400, s15;
	[tilespmem:$0x60] =	vst v0;
	v0 =	vand.u32 $0xFFFFFC00, v2;
	v2 =	vand.u32 $0x7F, v55;
	v63 =	vshll.u32 v3, $0x3  }
0x3a: {  	s16 =	sand.u32 $0x380, s3;
	[tilespmem:$0xE0] =	vst v1;
	v0 =	vor.u32 v2, v0;
	v1 =	vand.u32 $0xFFFFFC00, v63;
	v2 =	vand.u32 $0x7F, v3  }
0x3b: {  	s15 =	sor.u32 s16, s15;
	[tilespmem:$0x70] =	vst v0;
	v0 =	vor.u32 v2, v1  }
0x3c: {  	s20 =	simm.s32 $0x0;
	[tilespmem:$0xF0] =	vst v0;
	v0 =	vadd.s32 s15, v62  }
0x3d: {  	[tilespmem:s20+$0x100] =	vst v0  }
0x3e: {  	v0 =	vld [tilespmem:$0x80];
	_ =	sdelay $0x4  }
0x3f: {  	v0 =	vadd.s32 s15, v0  }
0x40: {  	[tilespmem:s20+$0x2100] =	vst v0  }
0x41: {  	v0 =	vld [tilespmem:$0x10];
	_ =	sdelay $0x4  }
0x42: {  	v0 =	vadd.s32 s15, v0  }
0x43: {  	[tilespmem:s20+$0x110] =	vst v0  }
0x44: {  	v0 =	vld [tilespmem:$0x90];
	_ =	sdelay $0x4  }
0x45: {  	v0 =	vadd.s32 s15, v0  }
0x46: {  	[tilespmem:s20+$0x2110] =	vst v0  }
0x47: {  	v0 =	vld [tilespmem:$0x20];
	_ =	sdelay $0x4  }
0x48: {  	v0 =	vadd.s32 s15, v0  }
0x49: {  	[tilespmem:s20+$0x120] =	vst v0  }
0x4a: {  	v0 =	vld [tilespmem:$0xA0];
	_ =	sdelay $0x4  }
0x4b: {  	v0 =	vadd.s32 s15, v0  }
0x4c: {  	[tilespmem:s20+$0x2120] =	vst v0  }
0x4d: {  	v0 =	vld [tilespmem:$0x30];
	_ =	sdelay $0x4  }
0x4e: {  	v0 =	vadd.s32 s15, v0  }
0x4f: {  	[tilespmem:s20+$0x130] =	vst v0  }
0x50: {  	v0 =	vld [tilespmem:$0xB0];
	_ =	sdelay $0x4  }
0x51: {  	v0 =	vadd.s32 s15, v0  }
0x52: {  	[tilespmem:s20+$0x2130] =	vst v0  }
0x53: {  	v0 =	vld [tilespmem:$0x40];
	_ =	sdelay $0x4  }
0x54: {  	v0 =	vadd.s32 s15, v0  }
0x55: {  	[tilespmem:s20+$0x140] =	vst v0  }
0x56: {  	v0 =	vld [tilespmem:$0xC0];
	_ =	sdelay $0x4  }
0x57: {  	v0 =	vadd.s32 s15, v0  }
0x58: {  	[tilespmem:s20+$0x2140] =	vst v0  }
0x59: {  	v0 =	vld [tilespmem:$0x50];
	_ =	sdelay $0x4  }
0x5a: {  	v0 =	vadd.s32 s15, v0  }
0x5b: {  	[tilespmem:s20+$0x150] =	vst v0  }
0x5c: {  	v0 =	vld [tilespmem:$0xD0];
	_ =	sdelay $0x4  }
0x5d: {  	v0 =	vadd.s32 s15, v0  }
0x5e: {  	[tilespmem:s20+$0x2150] =	vst v0  }
0x5f: {  	v0 =	vld [tilespmem:$0x60];
	_ =	sdelay $0x4  }
0x60: {  	v0 =	vadd.s32 s15, v0  }
0x61: {  	[tilespmem:s20+$0x160] =	vst v0  }
0x62: {  	v0 =	vld [tilespmem:$0xE0];
	_ =	sdelay $0x4  }
0x63: {  	v0 =	vadd.s32 s15, v0  }
0x64: {  	[tilespmem:s20+$0x2160] =	vst v0  }
0x65: {  	v0 =	vld [tilespmem:$0x70];
	_ =	sdelay $0x4  }
0x66: {  	v0 =	vadd.s32 s15, v0  }
0x67: {  	[tilespmem:s20+$0x170] =	vst v0  }
0x68: {  	v0 =	vld [tilespmem:$0xF0];
	_ =	sdelay $0x4  }
0x69: {  	v0 =	vadd.s32 s15, v0  }
0x6a: {  	s18 =	simm.s32 $0x400;
	[tilespmem:s20+$0x2170] =	vst v0  }
0x6b: {  	s17 =	simm.s32 $0x1;
	s16 =	simm.s32 $0x0;
	s15 =	simm.s32 $0x200;
	v0 =	vld [tilespmem:$0x0]  }
.LBB2_2:
0x6c: {  	p0 =	sne.s32 s18, $0x7E00;
	s19 =	sshrl.u32 s17, $0x3  }
0x6d: {  	s16 =	sadd.s32 $0x80, s16;
	s19 =	smul.u32 $0xF42400, s19  }
0x6e: {  	s20 =	sand.u32 $0x380, s16  }
0x6f: {  	s19 =	sor.u32 s20, s19  }
0x70: {  	s20 =	sshra.s32 s15, $0x2;
	s15 =	smov.u32 s18;
	v0 =	vadd.s32 s19, v0  }
0x71: {  	[tilespmem:s20+$0x100] =	vst v0  }
0x72: {  	v0 =	vld [tilespmem:$0x80];
	_ =	sdelay $0x4  }
0x73: {  	v0 =	vadd.s32 s19, v0  }
0x74: {  	[tilespmem:s20+$0x2100] =	vst v0  }
0x75: {  	v0 =	vld [tilespmem:$0x10];
	_ =	sdelay $0x4  }
0x76: {  	v0 =	vadd.s32 s19, v0  }
0x77: {  	[tilespmem:s20+$0x110] =	vst v0  }
0x78: {  	v0 =	vld [tilespmem:$0x90];
	_ =	sdelay $0x4  }
0x79: {  	v0 =	vadd.s32 s19, v0  }
0x7a: {  	[tilespmem:s20+$0x2110] =	vst v0  }
0x7b: {  	v0 =	vld [tilespmem:$0x20];
	_ =	sdelay $0x4  }
0x7c: {  	v0 =	vadd.s32 s19, v0  }
0x7d: {  	[tilespmem:s20+$0x120] =	vst v0  }
0x7e: {  	v0 =	vld [tilespmem:$0xA0];
	_ =	sdelay $0x4  }
0x7f: {  	v0 =	vadd.s32 s19, v0  }
0x80: {  	[tilespmem:s20+$0x2120] =	vst v0  }
0x81: {  	v0 =	vld [tilespmem:$0x30];
	_ =	sdelay $0x4  }
0x82: {  	v0 =	vadd.s32 s19, v0  }
0x83: {  	[tilespmem:s20+$0x130] =	vst v0  }
0x84: {  	v0 =	vld [tilespmem:$0xB0];
	_ =	sdelay $0x4  }
0x85: {  	v0 =	vadd.s32 s19, v0  }
0x86: {  	[tilespmem:s20+$0x2130] =	vst v0  }
0x87: {  	v0 =	vld [tilespmem:$0x40];
	_ =	sdelay $0x4  }
0x88: {  	v0 =	vadd.s32 s19, v0  }
0x89: {  	[tilespmem:s20+$0x140] =	vst v0  }
0x8a: {  	v0 =	vld [tilespmem:$0xC0];
	_ =	sdelay $0x4  }
0x8b: {  	v0 =	vadd.s32 s19, v0  }
0x8c: {  	[tilespmem:s20+$0x2140] =	vst v0  }
0x8d: {  	v0 =	vld [tilespmem:$0x50];
	_ =	sdelay $0x4  }
0x8e: {  	v0 =	vadd.s32 s19, v0  }
0x8f: {  	[tilespmem:s20+$0x150] =	vst v0  }
0x90: {  	v0 =	vld [tilespmem:$0xD0];
	_ =	sdelay $0x4  }
0x91: {  	v0 =	vadd.s32 s19, v0  }
0x92: {  	[tilespmem:s20+$0x2150] =	vst v0  }
0x93: {  	v0 =	vld [tilespmem:$0x60];
	_ =	sdelay $0x4  }
0x94: {  	v0 =	vadd.s32 s19, v0  }
0x95: {  	[tilespmem:s20+$0x160] =	vst v0  }
0x96: {  	v0 =	vld [tilespmem:$0xE0];
	_ =	sdelay $0x4  }
0x97: {  	v0 =	vadd.s32 s19, v0  }
0x98: {  	[tilespmem:s20+$0x2160] =	vst v0  }
0x99: {  	v0 =	vld [tilespmem:$0x70];
	_ =	sdelay $0x4  }
0x9a: {  	v0 =	vadd.s32 s19, v0  }
0x9b: {  	[tilespmem:s20+$0x170] =	vst v0  }
0x9c: {  	v0 =	vld [tilespmem:$0xF0];
	_ =	sdelay $0x2  }
.Ltmp0:
0x9d: {  	(pc) =	sbr.rel @p0 .LBB2_2-.Ltmp0, $4  }
0x9e: {  	_ = 	snop  }
0x9f: {  	v0 =	vadd.s32 s19, v0  }
0xa0: {  	[tilespmem:s20+$0x2170] =	vst v0  }
0xa1: {  	s17 =	sadd.s32 $0x1, s17;
	s18 =	sadd.s32 $0x200, s18;
	v0 =	vld [tilespmem:$0x0]  }
0xa2: {  	s17 =	sshrl.u32 s17, $0x3  }
0xa3: {  	s16 =	sadd.s32 $0x80, s16;
	s17 =	smul.u32 $0xF42400, s17  }
0xa4: {  	s16 =	sand.u32 $0x380, s16  }
0xa5: {  	s16 =	sor.u32 s16, s17  }
0xa6: {  	s15 =	sshra.s32 s15, $0x2;
	v0 =	vadd.s32 s16, v0  }
0xa7: {  	[tilespmem:s15+$0x100] =	vst v0  }
0xa8: {  	v0 =	vld [tilespmem:$0x80];
	_ =	sdelay $0x4  }
0xa9: {  	v0 =	vadd.s32 s16, v0  }
0xaa: {  	[tilespmem:s15+$0x2100] =	vst v0  }
0xab: {  	v0 =	vld [tilespmem:$0x10];
	_ =	sdelay $0x4  }
0xac: {  	v0 =	vadd.s32 s16, v0  }
0xad: {  	[tilespmem:s15+$0x110] =	vst v0  }
0xae: {  	v0 =	vld [tilespmem:$0x90];
	_ =	sdelay $0x4  }
0xaf: {  	v0 =	vadd.s32 s16, v0  }
0xb0: {  	[tilespmem:s15+$0x2110] =	vst v0  }
0xb1: {  	v0 =	vld [tilespmem:$0x20];
	_ =	sdelay $0x4  }
0xb2: {  	v0 =	vadd.s32 s16, v0  }
0xb3: {  	[tilespmem:s15+$0x120] =	vst v0  }
0xb4: {  	v0 =	vld [tilespmem:$0xA0];
	_ =	sdelay $0x4  }
0xb5: {  	v0 =	vadd.s32 s16, v0  }
0xb6: {  	[tilespmem:s15+$0x2120] =	vst v0  }
0xb7: {  	v0 =	vld [tilespmem:$0x30];
	_ =	sdelay $0x4  }
0xb8: {  	v0 =	vadd.s32 s16, v0  }
0xb9: {  	[tilespmem:s15+$0x130] =	vst v0  }
0xba: {  	v0 =	vld [tilespmem:$0xB0];
	_ =	sdelay $0x4  }
0xbb: {  	v0 =	vadd.s32 s16, v0  }
0xbc: {  	[tilespmem:s15+$0x2130] =	vst v0  }
0xbd: {  	v0 =	vld [tilespmem:$0x40];
	_ =	sdelay $0x4  }
0xbe: {  	v0 =	vadd.s32 s16, v0  }
0xbf: {  	[tilespmem:s15+$0x140] =	vst v0  }
0xc0: {  	v0 =	vld [tilespmem:$0xC0];
	_ =	sdelay $0x4  }
0xc1: {  	v0 =	vadd.s32 s16, v0  }
0xc2: {  	[tilespmem:s15+$0x2140] =	vst v0  }
0xc3: {  	v0 =	vld [tilespmem:$0x50];
	_ =	sdelay $0x4  }
0xc4: {  	v0 =	vadd.s32 s16, v0  }
0xc5: {  	[tilespmem:s15+$0x150] =	vst v0  }
0xc6: {  	v0 =	vld [tilespmem:$0xD0];
	_ =	sdelay $0x4  }
0xc7: {  	v0 =	vadd.s32 s16, v0  }
0xc8: {  	[tilespmem:s15+$0x2150] =	vst v0  }
0xc9: {  	v0 =	vld [tilespmem:$0x60];
	_ =	sdelay $0x4  }
0xca: {  	v0 =	vadd.s32 s16, v0  }
0xcb: {  	[tilespmem:s15+$0x160] =	vst v0  }
0xcc: {  	v0 =	vld [tilespmem:$0xE0];
	_ =	sdelay $0x4  }
0xcd: {  	v0 =	vadd.s32 s16, v0  }
0xce: {  	[tilespmem:s15+$0x2160] =	vst v0  }
0xcf: {  	v0 =	vld [tilespmem:$0x70];
	_ =	sdelay $0x4  }
0xd0: {  	v0 =	vadd.s32 s16, v0  }
0xd1: {  	[tilespmem:s15+$0x170] =	vst v0  }
0xd2: {  	v0 =	vld [tilespmem:$0xF0];
	_ =	sdelay $0x4  }
0xd3: {  	v0 =	vadd.s32 s16, v0  }
0xd4: {  	s18 =	simm.s32 $0x100;
	[tilespmem:s15+$0x2170] =	vst v0  }
0xd5: {  	[tilespmem:s11], [sflag:$0x1] =	stream.indirect.gather [hbm4b:s1+s9], $0x1, s18, s9, $0xb8;
	[tilespmem:$0x8100] =	vst v63  }
0xd6: {  	s19 =	simm.s32 $0x180;
	s20 =	simm.s32 $0x4180  }
0xd7: {  	[tilespmem:s20], [sflag:$0x1] =	stream.indirect.gather [hbm4b:s1+s9], $0x1, s19, s9, $0xb8;
	[tilespmem:$0x8100] =	vst v63  }
0xd8: {  	s17 =	simm.s32 $0x200;
	s18 =	simm.s32 $0x4200  }
0xd9: {  	[tilespmem:s18], [sflag:$0x1] =	stream.indirect.gather [hbm4b:s1+s9], $0x1, s17, s9, $0xb8;
	[tilespmem:$0x8100] =	vst v63  }
0xda: {  	s19 =	simm.s32 $0x280;
	s20 =	simm.s32 $0x4280  }
0xdb: {  	[tilespmem:s20], [sflag:$0x1] =	stream.indirect.gather [hbm4b:s1+s9], $0x1, s19, s9, $0xb8;
	[tilespmem:$0x8100] =	vst v63  }
0xdc: {  	s17 =	simm.s32 $0x300;
	s18 =	simm.s32 $0x4300  }
0xdd: {  	[tilespmem:s18], [sflag:$0x1] =	stream.indirect.gather [hbm4b:s1+s9], $0x1, s17, s9, $0xb8;
	[tilespmem:$0x8100] =	vst v63  }
0xde: {  	s19 =	simm.s32 $0x380;
	s20 =	simm.s32 $0x4380  }
0xdf: {  	[tilespmem:s20], [sflag:$0x1] =	stream.indirect.gather [hbm4b:s1+s9], $0x1, s19, s9, $0xb8;
	[tilespmem:$0x8100] =	vst v63  }
0xe0: {  	s16 =	simm.s32 $0x4400  }
0xe1: {  	[tilespmem:s16], [sflag:$0x1] =	stream.indirect.gather [hbm4b:s1+s9], $0x1, s22, s9, $0xb8;
	[tilespmem:$0x8100] =	vst v63  }
0xe2: {  	s17 =	simm.s32 $0x480;
	s18 =	simm.s32 $0x4480  }
0xe3: {  	[tilespmem:s18], [sflag:$0x1] =	stream.indirect.gather [hbm4b:s1+s9], $0x1, s17, s9, $0xb8;
	[tilespmem:$0x8100] =	vst v63  }
0xe4: {  	s19 =	simm.s32 $0x500;
	s20 =	simm.s32 $0x4500  }
0xe5: {  	[tilespmem:s20], [sflag:$0x1] =	stream.indirect.gather [hbm4b:s1+s9], $0x1, s19, s9, $0xb8;
	[tilespmem:$0x8100] =	vst v63  }
0xe6: {  	s17 =	simm.s32 $0x580;
	s18 =	simm.s32 $0x4580  }
0xe7: {  	[tilespmem:s18], [sflag:$0x1] =	stream.indirect.gather [hbm4b:s1+s9], $0x1, s17, s9, $0xb8;
	[tilespmem:$0x8100] =	vst v63  }
0xe8: {  	s19 =	simm.s32 $0x600;
	s20 =	simm.s32 $0x4600  }
0xe9: {  	[tilespmem:s20], [sflag:$0x1] =	stream.indirect.gather [hbm4b:s1+s9], $0x1, s19, s9, $0xb8;
	[tilespmem:$0x8100] =	vst v63  }
0xea: {  	s17 =	simm.s32 $0x680;
	s18 =	simm.s32 $0x4680  }
0xeb: {  	[tilespmem:s18], [sflag:$0x1] =	stream.indirect.gather [hbm4b:s1+s9], $0x1, s17, s9, $0xb8;
	[tilespmem:$0x8100] =	vst v63  }
0xec: {  	s19 =	simm.s32 $0x700;
	s20 =	simm.s32 $0x4700  }
0xed: {  	[tilespmem:s20], [sflag:$0x1] =	stream.indirect.gather [hbm4b:s1+s9], $0x1, s19, s9, $0xb8;
	[tilespmem:$0x8100] =	vst v63  }
0xee: {  	s17 =	simm.s32 $0x780;
	s18 =	simm.s32 $0x4780  }
0xef: {  	[tilespmem:s18], [sflag:$0x1] =	stream.indirect.gather [hbm4b:s1+s9], $0x1, s17, s9, $0xb8;
	[tilespmem:$0x8100] =	vst v63  }
0xf0: {  	s19 =	simm.s32 $0x800;
	s20 =	simm.s32 $0x4800  }
0xf1: {  	[tilespmem:s20], [sflag:$0x1] =	stream.indirect.gather [hbm4b:s1+s9], $0x1, s19, s9, $0xb8;
	[tilespmem:$0x8100] =	vst v63  }
0xf2: {  	s17 =	simm.s32 $0x880;
	s18 =	simm.s32 $0x4880  }
0xf3: {  	[tilespmem:s18], [sflag:$0x1] =	stream.indirect.gather [hbm4b:s1+s9], $0x1, s17, s9, $0xb8;
	[tilespmem:$0x8100] =	vst v63  }
0xf4: {  	s19 =	simm.s32 $0x900;
	s20 =	simm.s32 $0x4900  }
0xf5: {  	[tilespmem:s20], [sflag:$0x1] =	stream.indirect.gather [hbm4b:s1+s9], $0x1, s19, s9, $0xb8;
	[tilespmem:$0x8100] =	vst v63  }
0xf6: {  	s17 =	simm.s32 $0x980;
	s18 =	simm.s32 $0x4980  }
0xf7: {  	[tilespmem:s18], [sflag:$0x1] =	stream.indirect.gather [hbm4b:s1+s9], $0x1, s17, s9, $0xb8;
	[tilespmem:$0x8100] =	vst v63  }
0xf8: {  	s19 =	simm.s32 $0xA00;
	s20 =	simm.s32 $0x4A00  }
0xf9: {  	[tilespmem:s20], [sflag:$0x1] =	stream.indirect.gather [hbm4b:s1+s9], $0x1, s19, s9, $0xb8;
	[tilespmem:$0x8100] =	vst v63  }
0xfa: {  	s17 =	simm.s32 $0xA80;
	s18 =	simm.s32 $0x4A80  }
0xfb: {  	[tilespmem:s18], [sflag:$0x1] =	stream.indirect.gather [hbm4b:s1+s9], $0x1, s17, s9, $0xb8;
	[tilespmem:$0x8100] =	vst v63  }
0xfc: {  	s19 =	simm.s32 $0xB00;
	s20 =	simm.s32 $0x4B00  }
0xfd: {  	[tilespmem:s20], [sflag:$0x1] =	stream.indirect.gather [hbm4b:s1+s9], $0x1, s19, s9, $0xb8;
	[tilespmem:$0x8100] =	vst v63  }
0xfe: {  	s17 =	simm.s32 $0xB80;
	s18 =	simm.s32 $0x4B80  }
0xff: {  	[tilespmem:s18], [sflag:$0x1] =	stream.indirect.gather [hbm4b:s1+s9], $0x1, s17, s9, $0xb8;
	[tilespmem:$0x8100] =	vst v63  }
0x100: {  	s19 =	simm.s32 $0xC00;
	s20 =	simm.s32 $0x4C00  }
0x101: {  	[tilespmem:s20], [sflag:$0x1] =	stream.indirect.gather [hbm4b:s1+s9], $0x1, s19, s9, $0xb8;
	[tilespmem:$0x8100] =	vst v63  }
0x102: {  	s17 =	simm.s32 $0xC80;
	s18 =	simm.s32 $0x4C80  }
0x103: {  	[tilespmem:s18], [sflag:$0x1] =	stream.indirect.gather [hbm4b:s1+s9], $0x1, s17, s9, $0xb8;
	[tilespmem:$0x8100] =	vst v63  }
0x104: {  	s19 =	simm.s32 $0xD00;
	s20 =	simm.s32 $0x4D00  }
0x105: {  	[tilespmem:s20], [sflag:$0x1] =	stream.indirect.gather [hbm4b:s1+s9], $0x1, s19, s9, $0xb8;
	[tilespmem:$0x8100] =	vst v63  }
0x106: {  	s17 =	simm.s32 $0xD80;
	s18 =	simm.s32 $0x4D80  }
0x107: {  	[tilespmem:s18], [sflag:$0x1] =	stream.indirect.gather [hbm4b:s1+s9], $0x1, s17, s9, $0xb8;
	[tilespmem:$0x8100] =	vst v63  }
0x108: {  	s19 =	simm.s32 $0xE00;
	s20 =	simm.s32 $0x4E00  }
0x109: {  	[tilespmem:s20], [sflag:$0x1] =	stream.indirect.gather [hbm4b:s1+s9], $0x1, s19, s9, $0xb8;
	[tilespmem:$0x8100] =	vst v63  }
0x10a: {  	s17 =	simm.s32 $0xE80;
	s18 =	simm.s32 $0x4E80  }
0x10b: {  	[tilespmem:s18], [sflag:$0x1] =	stream.indirect.gather [hbm4b:s1+s9], $0x1, s17, s9, $0xb8;
	[tilespmem:$0x8100] =	vst v63  }
0x10c: {  	s19 =	simm.s32 $0xF00;
	s20 =	simm.s32 $0x4F00  }
0x10d: {  	[tilespmem:s20], [sflag:$0x1] =	stream.indirect.gather [hbm4b:s1+s9], $0x1, s19, s9, $0xb8;
	[tilespmem:$0x8100] =	vst v63  }
0x10e: {  	s17 =	simm.s32 $0xF80;
	s18 =	simm.s32 $0x4F80  }
0x10f: {  	[tilespmem:s18], [sflag:$0x1] =	stream.indirect.gather [hbm4b:s1+s9], $0x1, s17, s9, $0xb8;
	[tilespmem:$0x8100] =	vst v63  }
0x110: {  	s19 =	simm.s32 $0x1000;
	s20 =	simm.s32 $0x5000  }
0x111: {  	[tilespmem:s20], [sflag:$0x1] =	stream.indirect.gather [hbm4b:s1+s9], $0x1, s19, s9, $0xb8;
	[tilespmem:$0x8100] =	vst v63  }
0x112: {  	s17 =	simm.s32 $0x1080;
	s18 =	simm.s32 $0x5080  }
0x113: {  	[tilespmem:s18], [sflag:$0x1] =	stream.indirect.gather [hbm4b:s1+s9], $0x1, s17, s9, $0xb8;
	[tilespmem:$0x8100] =	vst v63  }
0x114: {  	s19 =	simm.s32 $0x1100;
	s20 =	simm.s32 $0x5100  }
0x115: {  	[tilespmem:s20], [sflag:$0x1] =	stream.indirect.gather [hbm4b:s1+s9], $0x1, s19, s9, $0xb8;
	[tilespmem:$0x8100] =	vst v63  }
0x116: {  	s17 =	simm.s32 $0x1180;
	s18 =	simm.s32 $0x5180  }
0x117: {  	[tilespmem:s18], [sflag:$0x1] =	stream.indirect.gather [hbm4b:s1+s9], $0x1, s17, s9, $0xb8;
	[tilespmem:$0x8100] =	vst v63  }
0x118: {  	s19 =	simm.s32 $0x1200;
	s20 =	simm.s32 $0x5200  }
0x119: {  	[tilespmem:s20], [sflag:$0x1] =	stream.indirect.gather [hbm4b:s1+s9], $0x1, s19, s9, $0xb8;
	[tilespmem:$0x8100] =	vst v63  }
0x11a: {  	s17 =	simm.s32 $0x1280;
	s18 =	simm.s32 $0x5280  }
0x11b: {  	[tilespmem:s18], [sflag:$0x1] =	stream.indirect.gather [hbm4b:s1+s9], $0x1, s17, s9, $0xb8;
	[tilespmem:$0x8100] =	vst v63  }
0x11c: {  	s19 =	simm.s32 $0x1300;
	s20 =	simm.s32 $0x5300  }
0x11d: {  	[tilespmem:s20], [sflag:$0x1] =	stream.indirect.gather [hbm4b:s1+s9], $0x1, s19, s9, $0xb8;
	[tilespmem:$0x8100] =	vst v63  }
0x11e: {  	s17 =	simm.s32 $0x1380;
	s18 =	simm.s32 $0x5380  }
0x11f: {  	[tilespmem:s18], [sflag:$0x1] =	stream.indirect.gather [hbm4b:s1+s9], $0x1, s17, s9, $0xb8;
	[tilespmem:$0x8100] =	vst v63  }
0x120: {  	s19 =	simm.s32 $0x1400;
	s20 =	simm.s32 $0x5400  }
0x121: {  	[tilespmem:s20], [sflag:$0x1] =	stream.indirect.gather [hbm4b:s1+s9], $0x1, s19, s9, $0xb8;
	[tilespmem:$0x8100] =	vst v63  }
0x122: {  	s17 =	simm.s32 $0x1480;
	s18 =	simm.s32 $0x5480  }
0x123: {  	[tilespmem:s18], [sflag:$0x1] =	stream.indirect.gather [hbm4b:s1+s9], $0x1, s17, s9, $0xb8;
	[tilespmem:$0x8100] =	vst v63  }
0x124: {  	s19 =	simm.s32 $0x1500;
	s20 =	simm.s32 $0x5500  }
0x125: {  	[tilespmem:s20], [sflag:$0x1] =	stream.indirect.gather [hbm4b:s1+s9], $0x1, s19, s9, $0xb8;
	[tilespmem:$0x8100] =	vst v63  }
0x126: {  	s17 =	simm.s32 $0x1580;
	s18 =	simm.s32 $0x5580  }
0x127: {  	[tilespmem:s18], [sflag:$0x1] =	stream.indirect.gather [hbm4b:s1+s9], $0x1, s17, s9, $0xb8;
	[tilespmem:$0x8100] =	vst v63  }
0x128: {  	s19 =	simm.s32 $0x1600;
	s20 =	simm.s32 $0x5600  }
0x129: {  	[tilespmem:s20], [sflag:$0x1] =	stream.indirect.gather [hbm4b:s1+s9], $0x1, s19, s9, $0xb8;
	[tilespmem:$0x8100] =	vst v63  }
0x12a: {  	s17 =	simm.s32 $0x1680;
	s18 =	simm.s32 $0x5680  }
0x12b: {  	[tilespmem:s18], [sflag:$0x1] =	stream.indirect.gather [hbm4b:s1+s9], $0x1, s17, s9, $0xb8;
	[tilespmem:$0x8100] =	vst v63  }
0x12c: {  	s19 =	simm.s32 $0x1700;
	s20 =	simm.s32 $0x5700  }
0x12d: {  	[tilespmem:s20], [sflag:$0x1] =	stream.indirect.gather [hbm4b:s1+s9], $0x1, s19, s9, $0xb8;
	[tilespmem:$0x8100] =	vst v63  }
0x12e: {  	s17 =	simm.s32 $0x1780;
	s18 =	simm.s32 $0x5780  }
0x12f: {  	[tilespmem:s18], [sflag:$0x1] =	stream.indirect.gather [hbm4b:s1+s9], $0x1, s17, s9, $0xb8;
	[tilespmem:$0x8100] =	vst v63  }
0x130: {  	s19 =	simm.s32 $0x1800;
	s20 =	simm.s32 $0x5800  }
0x131: {  	[tilespmem:s20], [sflag:$0x1] =	stream.indirect.gather [hbm4b:s1+s9], $0x1, s19, s9, $0xb8;
	[tilespmem:$0x8100] =	vst v63  }
0x132: {  	s17 =	simm.s32 $0x1880;
	s18 =	simm.s32 $0x5880  }
0x133: {  	[tilespmem:s18], [sflag:$0x1] =	stream.indirect.gather [hbm4b:s1+s9], $0x1, s17, s9, $0xb8;
	[tilespmem:$0x8100] =	vst v63  }
0x134: {  	s19 =	simm.s32 $0x1900;
	s20 =	simm.s32 $0x5900  }
0x135: {  	[tilespmem:s20], [sflag:$0x1] =	stream.indirect.gather [hbm4b:s1+s9], $0x1, s19, s9, $0xb8;
	[tilespmem:$0x8100] =	vst v63  }
0x136: {  	s17 =	simm.s32 $0x1980;
	s18 =	simm.s32 $0x5980  }
0x137: {  	[tilespmem:s18], [sflag:$0x1] =	stream.indirect.gather [hbm4b:s1+s9], $0x1, s17, s9, $0xb8;
	[tilespmem:$0x8100] =	vst v63  }
0x138: {  	s19 =	simm.s32 $0x1A00;
	s20 =	simm.s32 $0x5A00  }
0x139: {  	[tilespmem:s20], [sflag:$0x1] =	stream.indirect.gather [hbm4b:s1+s9], $0x1, s19, s9, $0xb8;
	[tilespmem:$0x8100] =	vst v63  }
0x13a: {  	s17 =	simm.s32 $0x1A80;
	s18 =	simm.s32 $0x5A80  }
0x13b: {  	[tilespmem:s18], [sflag:$0x1] =	stream.indirect.gather [hbm4b:s1+s9], $0x1, s17, s9, $0xb8;
	[tilespmem:$0x8100] =	vst v63  }
0x13c: {  	s19 =	simm.s32 $0x1B00;
	s20 =	simm.s32 $0x5B00  }
0x13d: {  	[tilespmem:s20], [sflag:$0x1] =	stream.indirect.gather [hbm4b:s1+s9], $0x1, s19, s9, $0xb8;
	[tilespmem:$0x8100] =	vst v63  }
0x13e: {  	s17 =	simm.s32 $0x1B80;
	s18 =	simm.s32 $0x5B80  }
0x13f: {  	[tilespmem:s18], [sflag:$0x1] =	stream.indirect.gather [hbm4b:s1+s9], $0x1, s17, s9, $0xb8;
	[tilespmem:$0x8100] =	vst v63  }
0x140: {  	s19 =	simm.s32 $0x1C00;
	s20 =	simm.s32 $0x5C00  }
0x141: {  	[tilespmem:s20], [sflag:$0x1] =	stream.indirect.gather [hbm4b:s1+s9], $0x1, s19, s9, $0xb8;
	[tilespmem:$0x8100] =	vst v63  }
0x142: {  	s17 =	simm.s32 $0x1C80;
	s18 =	simm.s32 $0x5C80  }
0x143: {  	[tilespmem:s18], [sflag:$0x1] =	stream.indirect.gather [hbm4b:s1+s9], $0x1, s17, s9, $0xb8;
	[tilespmem:$0x8100] =	vst v63  }
0x144: {  	s19 =	simm.s32 $0x1D00;
	s20 =	simm.s32 $0x5D00  }
0x145: {  	[tilespmem:s20], [sflag:$0x1] =	stream.indirect.gather [hbm4b:s1+s9], $0x1, s19, s9, $0xb8;
	[tilespmem:$0x8100] =	vst v63  }
0x146: {  	s17 =	simm.s32 $0x1D80;
	s18 =	simm.s32 $0x5D80  }
0x147: {  	[tilespmem:s18], [sflag:$0x1] =	stream.indirect.gather [hbm4b:s1+s9], $0x1, s17, s9, $0xb8;
	[tilespmem:$0x8100] =	vst v63  }
0x148: {  	s19 =	simm.s32 $0x1E00;
	s20 =	simm.s32 $0x5E00  }
0x149: {  	[tilespmem:s20], [sflag:$0x1] =	stream.indirect.gather [hbm4b:s1+s9], $0x1, s19, s9, $0xb8;
	[tilespmem:$0x8100] =	vst v63  }
0x14a: {  	s17 =	simm.s32 $0x1E80;
	s18 =	simm.s32 $0x5E80  }
0x14b: {  	[tilespmem:s18], [sflag:$0x1] =	stream.indirect.gather [hbm4b:s1+s9], $0x1, s17, s9, $0xb8;
	[tilespmem:$0x8100] =	vst v63  }
0x14c: {  	s19 =	simm.s32 $0x1F00;
	s20 =	simm.s32 $0x5F00  }
0x14d: {  	[tilespmem:s20], [sflag:$0x1] =	stream.indirect.gather [hbm4b:s1+s9], $0x1, s19, s9, $0xb8;
	[tilespmem:$0x8100] =	vst v63  }
0x14e: {  	s17 =	simm.s32 $0x1F80;
	s18 =	simm.s32 $0x5F80  }
0x14f: {  	[tilespmem:s18], [sflag:$0x1] =	stream.indirect.gather [hbm4b:s1+s9], $0x1, s17, s9, $0xb8;
	[tilespmem:$0x8100] =	vst v63  }
0x150: {  	s19 =	simm.s32 $0x2000;
	s20 =	simm.s32 $0x6000  }
0x151: {  	[tilespmem:s20], [sflag:$0x1] =	stream.indirect.gather [hbm4b:s1+s9], $0x1, s19, s9, $0xb8;
	[tilespmem:$0x8100] =	vst v63  }
0x152: {  	s17 =	simm.s32 $0x2080;
	s18 =	simm.s32 $0x6080  }
0x153: {  	[tilespmem:s18], [sflag:$0x1] =	stream.indirect.gather [hbm4b:s1+s9], $0x1, s17, s9, $0xb8;
	[tilespmem:$0x8100] =	vst v63  }
0x154: {  	s19 =	simm.s32 $0x2100;
	s20 =	simm.s32 $0x6100  }
0x155: {  	[tilespmem:s20], [sflag:$0x1] =	stream.indirect.gather [hbm4b:s1+s9], $0x1, s19, s9, $0xb8;
	[tilespmem:$0x8100] =	vst v63  }
0x156: {  	s17 =	simm.s32 $0x2180;
	s18 =	simm.s32 $0x6180  }
0x157: {  	[tilespmem:s18], [sflag:$0x1] =	stream.indirect.gather [hbm4b:s1+s9], $0x1, s17, s9, $0xb8;
	[tilespmem:$0x8100] =	vst v63  }
0x158: {  	s19 =	simm.s32 $0x2200;
	s20 =	simm.s32 $0x6200  }
0x159: {  	[tilespmem:s20], [sflag:$0x1] =	stream.indirect.gather [hbm4b:s1+s9], $0x1, s19, s9, $0xb8;
	[tilespmem:$0x8100] =	vst v63  }
0x15a: {  	s17 =	simm.s32 $0x2280;
	s18 =	simm.s32 $0x6280  }
0x15b: {  	[tilespmem:s18], [sflag:$0x1] =	stream.indirect.gather [hbm4b:s1+s9], $0x1, s17, s9, $0xb8;
	[tilespmem:$0x8100] =	vst v63  }
0x15c: {  	s19 =	simm.s32 $0x2300;
	s20 =	simm.s32 $0x6300  }
0x15d: {  	[tilespmem:s20], [sflag:$0x1] =	stream.indirect.gather [hbm4b:s1+s9], $0x1, s19, s9, $0xb8;
	[tilespmem:$0x8100] =	vst v63  }
0x15e: {  	s17 =	simm.s32 $0x2380;
	s18 =	simm.s32 $0x6380  }
0x15f: {  	[tilespmem:s18], [sflag:$0x1] =	stream.indirect.gather [hbm4b:s1+s9], $0x1, s17, s9, $0xb8;
	[tilespmem:$0x8100] =	vst v63  }
0x160: {  	s19 =	simm.s32 $0x2400;
	s20 =	simm.s32 $0x6400  }
0x161: {  	[tilespmem:s20], [sflag:$0x1] =	stream.indirect.gather [hbm4b:s1+s9], $0x1, s19, s9, $0xb8;
	[tilespmem:$0x8100] =	vst v63  }
0x162: {  	s17 =	simm.s32 $0x2480;
	s18 =	simm.s32 $0x6480  }
0x163: {  	[tilespmem:s18], [sflag:$0x1] =	stream.indirect.gather [hbm4b:s1+s9], $0x1, s17, s9, $0xb8;
	[tilespmem:$0x8100] =	vst v63  }
0x164: {  	s19 =	simm.s32 $0x2500;
	s20 =	simm.s32 $0x6500  }
0x165: {  	[tilespmem:s20], [sflag:$0x1] =	stream.indirect.gather [hbm4b:s1+s9], $0x1, s19, s9, $0xb8;
	[tilespmem:$0x8100] =	vst v63  }
0x166: {  	s17 =	simm.s32 $0x2580;
	s18 =	simm.s32 $0x6580  }
0x167: {  	[tilespmem:s18], [sflag:$0x1] =	stream.indirect.gather [hbm4b:s1+s9], $0x1, s17, s9, $0xb8;
	[tilespmem:$0x8100] =	vst v63  }
0x168: {  	s19 =	simm.s32 $0x2600;
	s20 =	simm.s32 $0x6600  }
0x169: {  	[tilespmem:s20], [sflag:$0x1] =	stream.indirect.gather [hbm4b:s1+s9], $0x1, s19, s9, $0xb8;
	[tilespmem:$0x8100] =	vst v63  }
0x16a: {  	s17 =	simm.s32 $0x2680;
	s18 =	simm.s32 $0x6680  }
0x16b: {  	[tilespmem:s18], [sflag:$0x1] =	stream.indirect.gather [hbm4b:s1+s9], $0x1, s17, s9, $0xb8;
	[tilespmem:$0x8100] =	vst v63  }
0x16c: {  	s19 =	simm.s32 $0x2700;
	s20 =	simm.s32 $0x6700  }
0x16d: {  	[tilespmem:s20], [sflag:$0x1] =	stream.indirect.gather [hbm4b:s1+s9], $0x1, s19, s9, $0xb8;
	[tilespmem:$0x8100] =	vst v63  }
0x16e: {  	s17 =	simm.s32 $0x2780;
	s18 =	simm.s32 $0x6780  }
0x16f: {  	[tilespmem:s18], [sflag:$0x1] =	stream.indirect.gather [hbm4b:s1+s9], $0x1, s17, s9, $0xb8;
	[tilespmem:$0x8100] =	vst v63  }
0x170: {  	s19 =	simm.s32 $0x2800;
	s20 =	simm.s32 $0x6800  }
0x171: {  	[tilespmem:s20], [sflag:$0x1] =	stream.indirect.gather [hbm4b:s1+s9], $0x1, s19, s9, $0xb8;
	[tilespmem:$0x8100] =	vst v63  }
0x172: {  	s17 =	simm.s32 $0x2880;
	s18 =	simm.s32 $0x6880  }
0x173: {  	[tilespmem:s18], [sflag:$0x1] =	stream.indirect.gather [hbm4b:s1+s9], $0x1, s17, s9, $0xb8;
	[tilespmem:$0x8100] =	vst v63  }
0x174: {  	s19 =	simm.s32 $0x2900;
	s20 =	simm.s32 $0x6900  }
0x175: {  	[tilespmem:s20], [sflag:$0x1] =	stream.indirect.gather [hbm4b:s1+s9], $0x1, s19, s9, $0xb8;
	[tilespmem:$0x8100] =	vst v63  }
0x176: {  	s17 =	simm.s32 $0x2980;
	s18 =	simm.s32 $0x6980  }
0x177: {  	[tilespmem:s18], [sflag:$0x1] =	stream.indirect.gather [hbm4b:s1+s9], $0x1, s17, s9, $0xb8;
	[tilespmem:$0x8100] =	vst v63  }
0x178: {  	s19 =	simm.s32 $0x2A00;
	s20 =	simm.s32 $0x6A00  }
0x179: {  	[tilespmem:s20], [sflag:$0x1] =	stream.indirect.gather [hbm4b:s1+s9], $0x1, s19, s9, $0xb8;
	[tilespmem:$0x8100] =	vst v63  }
0x17a: {  	s17 =	simm.s32 $0x2A80;
	s18 =	simm.s32 $0x6A80  }
0x17b: {  	[tilespmem:s18], [sflag:$0x1] =	stream.indirect.gather [hbm4b:s1+s9], $0x1, s17, s9, $0xb8;
	[tilespmem:$0x8100] =	vst v63  }
0x17c: {  	s19 =	simm.s32 $0x2B00;
	s20 =	simm.s32 $0x6B00  }
0x17d: {  	[tilespmem:s20], [sflag:$0x1] =	stream.indirect.gather [hbm4b:s1+s9], $0x1, s19, s9, $0xb8;
	[tilespmem:$0x8100] =	vst v63  }
0x17e: {  	s17 =	simm.s32 $0x2B80;
	s18 =	simm.s32 $0x6B80  }
0x17f: {  	[tilespmem:s18], [sflag:$0x1] =	stream.indirect.gather [hbm4b:s1+s9], $0x1, s17, s9, $0xb8;
	[tilespmem:$0x8100] =	vst v63  }
0x180: {  	s19 =	simm.s32 $0x2C00;
	s20 =	simm.s32 $0x6C00  }
0x181: {  	[tilespmem:s20], [sflag:$0x1] =	stream.indirect.gather [hbm4b:s1+s9], $0x1, s19, s9, $0xb8;
	[tilespmem:$0x8100] =	vst v63  }
0x182: {  	s17 =	simm.s32 $0x2C80;
	s18 =	simm.s32 $0x6C80  }
0x183: {  	[tilespmem:s18], [sflag:$0x1] =	stream.indirect.gather [hbm4b:s1+s9], $0x1, s17, s9, $0xb8;
	[tilespmem:$0x8100] =	vst v63  }
0x184: {  	s19 =	simm.s32 $0x2D00;
	s20 =	simm.s32 $0x6D00  }
0x185: {  	[tilespmem:s20], [sflag:$0x1] =	stream.indirect.gather [hbm4b:s1+s9], $0x1, s19, s9, $0xb8;
	[tilespmem:$0x8100] =	vst v63  }
0x186: {  	s17 =	simm.s32 $0x2D80;
	s18 =	simm.s32 $0x6D80  }
0x187: {  	[tilespmem:s18], [sflag:$0x1] =	stream.indirect.gather [hbm4b:s1+s9], $0x1, s17, s9, $0xb8;
	[tilespmem:$0x8100] =	vst v63  }
0x188: {  	s19 =	simm.s32 $0x2E00;
	s20 =	simm.s32 $0x6E00  }
0x189: {  	[tilespmem:s20], [sflag:$0x1] =	stream.indirect.gather [hbm4b:s1+s9], $0x1, s19, s9, $0xb8;
	[tilespmem:$0x8100] =	vst v63  }
0x18a: {  	s17 =	simm.s32 $0x2E80;
	s18 =	simm.s32 $0x6E80  }
0x18b: {  	[tilespmem:s18], [sflag:$0x1] =	stream.indirect.gather [hbm4b:s1+s9], $0x1, s17, s9, $0xb8;
	[tilespmem:$0x8100] =	vst v63  }
0x18c: {  	s19 =	simm.s32 $0x2F00;
	s20 =	simm.s32 $0x6F00  }
0x18d: {  	[tilespmem:s20], [sflag:$0x1] =	stream.indirect.gather [hbm4b:s1+s9], $0x1, s19, s9, $0xb8;
	[tilespmem:$0x8100] =	vst v63  }
0x18e: {  	s17 =	simm.s32 $0x2F80;
	s18 =	simm.s32 $0x6F80  }
0x18f: {  	[tilespmem:s18], [sflag:$0x1] =	stream.indirect.gather [hbm4b:s1+s9], $0x1, s17, s9, $0xb8;
	[tilespmem:$0x8100] =	vst v63  }
0x190: {  	s19 =	simm.s32 $0x3000;
	s20 =	simm.s32 $0x7000  }
0x191: {  	[tilespmem:s20], [sflag:$0x1] =	stream.indirect.gather [hbm4b:s1+s9], $0x1, s19, s9, $0xb8;
	[tilespmem:$0x8100] =	vst v63  }
0x192: {  	s17 =	simm.s32 $0x3080;
	s18 =	simm.s32 $0x7080  }
0x193: {  	[tilespmem:s18], [sflag:$0x1] =	stream.indirect.gather [hbm4b:s1+s9], $0x1, s17, s9, $0xb8;
	[tilespmem:$0x8100] =	vst v63  }
0x194: {  	s19 =	simm.s32 $0x3100;
	s20 =	simm.s32 $0x7100  }
0x195: {  	[tilespmem:s20], [sflag:$0x1] =	stream.indirect.gather [hbm4b:s1+s9], $0x1, s19, s9, $0xb8;
	[tilespmem:$0x8100] =	vst v63  }
0x196: {  	s17 =	simm.s32 $0x3180;
	s18 =	simm.s32 $0x7180  }
0x197: {  	[tilespmem:s18], [sflag:$0x1] =	stream.indirect.gather [hbm4b:s1+s9], $0x1, s17, s9, $0xb8;
	[tilespmem:$0x8100] =	vst v63  }
0x198: {  	s19 =	simm.s32 $0x3200;
	s20 =	simm.s32 $0x7200  }
0x199: {  	[tilespmem:s20], [sflag:$0x1] =	stream.indirect.gather [hbm4b:s1+s9], $0x1, s19, s9, $0xb8;
	[tilespmem:$0x8100] =	vst v63  }
0x19a: {  	s17 =	simm.s32 $0x3280;
	s18 =	simm.s32 $0x7280  }
0x19b: {  	[tilespmem:s18], [sflag:$0x1] =	stream.indirect.gather [hbm4b:s1+s9], $0x1, s17, s9, $0xb8;
	[tilespmem:$0x8100] =	vst v63  }
0x19c: {  	s19 =	simm.s32 $0x3300;
	s20 =	simm.s32 $0x7300  }
0x19d: {  	[tilespmem:s20], [sflag:$0x1] =	stream.indirect.gather [hbm4b:s1+s9], $0x1, s19, s9, $0xb8;
	[tilespmem:$0x8100] =	vst v63  }
0x19e: {  	s17 =	simm.s32 $0x3380;
	s18 =	simm.s32 $0x7380  }
0x19f: {  	[tilespmem:s18], [sflag:$0x1] =	stream.indirect.gather [hbm4b:s1+s9], $0x1, s17, s9, $0xb8;
	[tilespmem:$0x8100] =	vst v63  }
0x1a0: {  	s19 =	simm.s32 $0x3400;
	s20 =	simm.s32 $0x7400  }
0x1a1: {  	[tilespmem:s20], [sflag:$0x1] =	stream.indirect.gather [hbm4b:s1+s9], $0x1, s19, s9, $0xb8;
	[tilespmem:$0x8100] =	vst v63  }
0x1a2: {  	s17 =	simm.s32 $0x3480;
	s18 =	simm.s32 $0x7480  }
0x1a3: {  	[tilespmem:s18], [sflag:$0x1] =	stream.indirect.gather [hbm4b:s1+s9], $0x1, s17, s9, $0xb8;
	[tilespmem:$0x8100] =	vst v63  }
0x1a4: {  	s19 =	simm.s32 $0x3500;
	s20 =	simm.s32 $0x7500  }
0x1a5: {  	[tilespmem:s20], [sflag:$0x1] =	stream.indirect.gather [hbm4b:s1+s9], $0x1, s19, s9, $0xb8;
	[tilespmem:$0x8100] =	vst v63  }
0x1a6: {  	s17 =	simm.s32 $0x3580;
	s18 =	simm.s32 $0x7580  }
0x1a7: {  	[tilespmem:s18], [sflag:$0x1] =	stream.indirect.gather [hbm4b:s1+s9], $0x1, s17, s9, $0xb8;
	[tilespmem:$0x8100] =	vst v63  }
0x1a8: {  	s19 =	simm.s32 $0x3600;
	s20 =	simm.s32 $0x7600  }
0x1a9: {  	[tilespmem:s20], [sflag:$0x1] =	stream.indirect.gather [hbm4b:s1+s9], $0x1, s19, s9, $0xb8;
	[tilespmem:$0x8100] =	vst v63  }
0x1aa: {  	s17 =	simm.s32 $0x3680;
	s18 =	simm.s32 $0x7680  }
0x1ab: {  	[tilespmem:s18], [sflag:$0x1] =	stream.indirect.gather [hbm4b:s1+s9], $0x1, s17, s9, $0xb8;
	[tilespmem:$0x8100] =	vst v63  }
0x1ac: {  	s19 =	simm.s32 $0x3700;
	s20 =	simm.s32 $0x7700  }
0x1ad: {  	[tilespmem:s20], [sflag:$0x1] =	stream.indirect.gather [hbm4b:s1+s9], $0x1, s19, s9, $0xb8;
	[tilespmem:$0x8100] =	vst v63  }
0x1ae: {  	s17 =	simm.s32 $0x3780;
	s18 =	simm.s32 $0x7780  }
0x1af: {  	[tilespmem:s18], [sflag:$0x1] =	stream.indirect.gather [hbm4b:s1+s9], $0x1, s17, s9, $0xb8;
	[tilespmem:$0x8100] =	vst v63  }
0x1b0: {  	s19 =	simm.s32 $0x3800;
	s20 =	simm.s32 $0x7800  }
0x1b1: {  	[tilespmem:s20], [sflag:$0x1] =	stream.indirect.gather [hbm4b:s1+s9], $0x1, s19, s9, $0xb8;
	[tilespmem:$0x8100] =	vst v63  }
0x1b2: {  	s17 =	simm.s32 $0x3880;
	s18 =	simm.s32 $0x7880  }
0x1b3: {  	[tilespmem:s18], [sflag:$0x1] =	stream.indirect.gather [hbm4b:s1+s9], $0x1, s17, s9, $0xb8;
	[tilespmem:$0x8100] =	vst v63  }
0x1b4: {  	s19 =	simm.s32 $0x3900;
	s20 =	simm.s32 $0x7900  }
0x1b5: {  	[tilespmem:s20], [sflag:$0x1] =	stream.indirect.gather [hbm4b:s1+s9], $0x1, s19, s9, $0xb8;
	[tilespmem:$0x8100] =	vst v63  }
0x1b6: {  	s17 =	simm.s32 $0x3980;
	s18 =	simm.s32 $0x7980  }
0x1b7: {  	[tilespmem:s18], [sflag:$0x1] =	stream.indirect.gather [hbm4b:s1+s9], $0x1, s17, s9, $0xb8;
	[tilespmem:$0x8100] =	vst v63  }
0x1b8: {  	s19 =	simm.s32 $0x3A00;
	s20 =	simm.s32 $0x7A00  }
0x1b9: {  	[tilespmem:s20], [sflag:$0x1] =	stream.indirect.gather [hbm4b:s1+s9], $0x1, s19, s9, $0xb8;
	[tilespmem:$0x8100] =	vst v63  }
0x1ba: {  	s17 =	simm.s32 $0x3A80;
	s18 =	simm.s32 $0x7A80  }
0x1bb: {  	[tilespmem:s18], [sflag:$0x1] =	stream.indirect.gather [hbm4b:s1+s9], $0x1, s17, s9, $0xb8;
	[tilespmem:$0x8100] =	vst v63  }
0x1bc: {  	s19 =	simm.s32 $0x3B00;
	s20 =	simm.s32 $0x7B00  }
0x1bd: {  	[tilespmem:s20], [sflag:$0x1] =	stream.indirect.gather [hbm4b:s1+s9], $0x1, s19, s9, $0xb8;
	[tilespmem:$0x8100] =	vst v63  }
0x1be: {  	s17 =	simm.s32 $0x3B80;
	s18 =	simm.s32 $0x7B80  }
0x1bf: {  	[tilespmem:s18], [sflag:$0x1] =	stream.indirect.gather [hbm4b:s1+s9], $0x1, s17, s9, $0xb8;
	[tilespmem:$0x8100] =	vst v63  }
0x1c0: {  	s19 =	simm.s32 $0x3C00;
	s20 =	simm.s32 $0x7C00  }
0x1c1: {  	[tilespmem:s20], [sflag:$0x1] =	stream.indirect.gather [hbm4b:s1+s9], $0x1, s19, s9, $0xb8;
	[tilespmem:$0x8100] =	vst v63  }
0x1c2: {  	s16 =	simm.s32 $0x3C80;
	s17 =	simm.s32 $0x7C80  }
0x1c3: {  	[tilespmem:s17], [sflag:$0x1] =	stream.indirect.gather [hbm4b:s1+s9], $0x1, s16, s9, $0xb8;
	[tilespmem:$0x8100] =	vst v63  }
0x1c4: {  	s18 =	simm.s32 $0x3D00;
	s19 =	simm.s32 $0x7D00  }
0x1c5: {  	[tilespmem:s19], [sflag:$0x1] =	stream.indirect.gather [hbm4b:s1+s9], $0x1, s18, s9, $0xb8;
	[tilespmem:$0x8100] =	vst v63  }
0x1c6: {  	s20 =	simm.s32 $0x3D80  }
0x1c7: {  	[tilespmem:s21], [sflag:$0x1] =	stream.indirect.gather [hbm4b:s1+s9], $0x1, s20, s9, $0xb8;
	[tilespmem:$0x8100] =	vst v63  }
0x1c8: {  	_ = 	snop  }
0x1c9: {  	[tilespmem:s24], [sflag:$0x1] =	stream.indirect.gather [hbm4b:s1+s9], $0x1, s23, s9, $0xb8;
	[tilespmem:$0x8100] =	vst v63  }
0x1ca: {  	_ = 	snop  }
0x1cb: {  	[tilespmem:s26], [sflag:$0x1] =	stream.indirect.gather [hbm4b:s1+s9], $0x1, s25, s9, $0xb8;
	[tilespmem:$0x8100] =	vst v63  }
0x1cc: {  	_ = 	snop  }
0x1cd: {  	[tilespmem:s29], [sflag:$0x1] =	stream.indirect.gather [hbm4b:s1+s9], $0x1, s28, s9, $0xb8;
	[tilespmem:$0x8100] =	vst v63  }
0x1ce: {  	_ = 	snop  }
0x1cf: {  	[tilespmem:s31], [sflag:$0x1] =	stream.indirect.gather [hbm4b:s1+s9], $0x1, s30, s9, $0xb8;
	[tilespmem:$0x8100] =	vst v63  }
0x1d0: {  	_ = 	snop  }
0x1d1: {  	[tilespmem:s2], [sflag:$0x1] =	stream.indirect.gather [hbm4b:s1+s9], $0x1, s0, s9, $0xb8;
	[tilespmem:$0x8100] =	vst v63  }
0x1d2: {  	_ = 	snop  }
0x1d3: {  	[tilespmem:s12], [sflag:$0x1] =	stream.indirect.gather [hbm4b:s1+s9], $0x1, s10, s9, $0xb8;
	[tilespmem:$0x8100] =	vst v63  }
0x1d4: {  	_ =	swait.ge [sflag:s13], $0x80  }
0x1d5: {  	[sflag:s13] =	ssyncset.done $0x0  }
0x1d6: {  	[sflag:s13] =	ssyncadd.s32 $0xFFFFFF80  }
0x1d7: {  	_ =	swait.ge [sflag:s13], $0x80  }
0x1d8: {  	[sflag:s13] =	ssyncset.done $0x0  }
0x1d9: {  	[sflag:s13] =	ssyncadd.s32 $0xFFFFFF80  }
0x1da: {  	_ =	swait.ge [sflag:s13], $0x80  }
0x1db: {  	[sflag:s13] =	ssyncset.done $0x0  }
0x1dc: {  	[sflag:s13] =	ssyncadd.s32 $0xFFFFFF80  }
0x1dd: {  	_ =	swait.ge [sflag:s13], $0x80  }
0x1de: {  	[sflag:s13] =	ssyncset.done $0x0  }
0x1df: {  	[sflag:s13] =	ssyncadd.s32 $0xFFFFFF80  }
0x1e0: {  	_ =	swait.ge [sflag:s13], $0x80  }
0x1e1: {  	[sflag:s13] =	ssyncset.done $0x0  }
0x1e2: {  	[sflag:s13] =	ssyncadd.s32 $0xFFFFFF80  }
0x1e3: {  	_ =	swait.ge [sflag:s13], $0x80  }
0x1e4: {  	[sflag:s13] =	ssyncset.done $0x0  }
0x1e5: {  	[sflag:s13] =	ssyncadd.s32 $0xFFFFFF80  }
0x1e6: {  	_ =	swait.ge [sflag:s13], $0x80  }
0x1e7: {  	[sflag:s13] =	ssyncset.done $0x0  }
0x1e8: {  	[sflag:s13] =	ssyncadd.s32 $0xFFFFFF80  }
0x1e9: {  	_ =	swait.ge [sflag:s13], $0x80  }
0x1ea: {  	[sflag:s13] =	ssyncset.done $0x0  }
0x1eb: {  	[sflag:s13] =	ssyncadd.s32 $0xFFFFFF80  }
0x1ec: {  	_ =	swait.ge [sflag:s13], $0x80  }
0x1ed: {  	[sflag:s13] =	ssyncset.done $0x0  }
0x1ee: {  	[sflag:s13] =	ssyncadd.s32 $0xFFFFFF80  }
0x1ef: {  	_ =	swait.ge [sflag:s13], $0x80  }
0x1f0: {  	[sflag:s13] =	ssyncset.done $0x0  }
0x1f1: {  	[sflag:s13] =	ssyncadd.s32 $0xFFFFFF80  }
0x1f2: {  	_ =	swait.ge [sflag:s13], $0x80  }
0x1f3: {  	[sflag:s13] =	ssyncset.done $0x0  }
0x1f4: {  	[sflag:s13] =	ssyncadd.s32 $0xFFFFFF80  }
0x1f5: {  	_ =	swait.ge [sflag:s13], $0x80  }
0x1f6: {  	[sflag:s13] =	ssyncset.done $0x0  }
0x1f7: {  	[sflag:s13] =	ssyncadd.s32 $0xFFFFFF80  }
0x1f8: {  	_ =	swait.ge [sflag:s13], $0x80  }
0x1f9: {  	[sflag:s13] =	ssyncset.done $0x0  }
0x1fa: {  	[sflag:s13] =	ssyncadd.s32 $0xFFFFFF80  }
0x1fb: {  	_ =	swait.ge [sflag:s13], $0x80  }
0x1fc: {  	[sflag:s13] =	ssyncset.done $0x0  }
0x1fd: {  	[sflag:s13] =	ssyncadd.s32 $0xFFFFFF80  }
0x1fe: {  	_ =	swait.ge [sflag:s13], $0x80  }
0x1ff: {  	[sflag:s13] =	ssyncset.done $0x0  }
0x200: {  	[sflag:s13] =	ssyncadd.s32 $0xFFFFFF80  }
0x201: {  	_ =	swait.ge [sflag:s13], $0x80  }
0x202: {  	[sflag:s13] =	ssyncset.done $0x0  }
0x203: {  	[sflag:s13] =	ssyncadd.s32 $0xFFFFFF80  }
0x204: {  	_ =	swait.ge [sflag:s13], $0x80  }
0x205: {  	[sflag:s13] =	ssyncset.done $0x0  }
0x206: {  	[sflag:s13] =	ssyncadd.s32 $0xFFFFFF80  }
0x207: {  	_ =	swait.ge [sflag:s13], $0x80  }
0x208: {  	[sflag:s13] =	ssyncset.done $0x0  }
0x209: {  	[sflag:s13] =	ssyncadd.s32 $0xFFFFFF80  }
0x20a: {  	_ =	swait.ge [sflag:s13], $0x80  }
0x20b: {  	[sflag:s13] =	ssyncset.done $0x0  }
0x20c: {  	[sflag:s13] =	ssyncadd.s32 $0xFFFFFF80  }
0x20d: {  	_ =	swait.ge [sflag:s13], $0x80  }
0x20e: {  	[sflag:s13] =	ssyncset.done $0x0  }
0x20f: {  	[sflag:s13] =	ssyncadd.s32 $0xFFFFFF80  }
0x210: {  	_ =	swait.ge [sflag:s13], $0x80  }
0x211: {  	[sflag:s13] =	ssyncset.done $0x0  }
0x212: {  	[sflag:s13] =	ssyncadd.s32 $0xFFFFFF80  }
0x213: {  	_ =	swait.ge [sflag:s13], $0x80  }
0x214: {  	[sflag:s13] =	ssyncset.done $0x0  }
0x215: {  	[sflag:s13] =	ssyncadd.s32 $0xFFFFFF80  }
0x216: {  	_ =	swait.ge [sflag:s13], $0x80  }
0x217: {  	[sflag:s13] =	ssyncset.done $0x0  }
0x218: {  	[sflag:s13] =	ssyncadd.s32 $0xFFFFFF80  }
0x219: {  	_ =	swait.ge [sflag:s13], $0x80  }
0x21a: {  	[sflag:s13] =	ssyncset.done $0x0  }
0x21b: {  	[sflag:s13] =	ssyncadd.s32 $0xFFFFFF80  }
0x21c: {  	_ =	swait.ge [sflag:s13], $0x80  }
0x21d: {  	[sflag:s13] =	ssyncset.done $0x0  }
0x21e: {  	[sflag:s13] =	ssyncadd.s32 $0xFFFFFF80  }
0x21f: {  	_ =	swait.ge [sflag:s13], $0x80  }
0x220: {  	[sflag:s13] =	ssyncset.done $0x0  }
0x221: {  	[sflag:s13] =	ssyncadd.s32 $0xFFFFFF80  }
0x222: {  	_ =	swait.ge [sflag:s13], $0x80  }
0x223: {  	[sflag:s13] =	ssyncset.done $0x0  }
0x224: {  	[sflag:s13] =	ssyncadd.s32 $0xFFFFFF80  }
0x225: {  	_ =	swait.ge [sflag:s13], $0x80  }
0x226: {  	[sflag:s13] =	ssyncset.done $0x0  }
0x227: {  	[sflag:s13] =	ssyncadd.s32 $0xFFFFFF80  }
0x228: {  	_ =	swait.ge [sflag:s13], $0x80  }
0x229: {  	[sflag:s13] =	ssyncset.done $0x0  }
0x22a: {  	[sflag:s13] =	ssyncadd.s32 $0xFFFFFF80  }
0x22b: {  	_ =	swait.ge [sflag:s13], $0x80  }
0x22c: {  	[sflag:s13] =	ssyncset.done $0x0  }
0x22d: {  	[sflag:s13] =	ssyncadd.s32 $0xFFFFFF80  }
0x22e: {  	_ =	swait.ge [sflag:s13], $0x80  }
0x22f: {  	[sflag:s13] =	ssyncset.done $0x0  }
0x230: {  	[sflag:s13] =	ssyncadd.s32 $0xFFFFFF80  }
0x231: {  	_ =	swait.ge [sflag:s13], $0x80  }
0x232: {  	[sflag:s13] =	ssyncset.done $0x0  }
0x233: {  	[sflag:s13] =	ssyncadd.s32 $0xFFFFFF80  }
0x234: {  	_ =	swait.ge [sflag:s13], $0x80  }
0x235: {  	[sflag:s13] =	ssyncset.done $0x0  }
0x236: {  	[sflag:s13] =	ssyncadd.s32 $0xFFFFFF80  }
0x237: {  	_ =	swait.ge [sflag:s13], $0x80  }
0x238: {  	[sflag:s13] =	ssyncset.done $0x0  }
0x239: {  	[sflag:s13] =	ssyncadd.s32 $0xFFFFFF80  }
0x23a: {  	_ =	swait.ge [sflag:s13], $0x80  }
0x23b: {  	[sflag:s13] =	ssyncset.done $0x0  }
0x23c: {  	[sflag:s13] =	ssyncadd.s32 $0xFFFFFF80  }
0x23d: {  	_ =	swait.ge [sflag:s13], $0x80  }
0x23e: {  	[sflag:s13] =	ssyncset.done $0x0  }
0x23f: {  	[sflag:s13] =	ssyncadd.s32 $0xFFFFFF80  }
0x240: {  	_ =	swait.ge [sflag:s13], $0x80  }
0x241: {  	[sflag:s13] =	ssyncset.done $0x0  }
0x242: {  	[sflag:s13] =	ssyncadd.s32 $0xFFFFFF80  }
0x243: {  	_ =	swait.ge [sflag:s13], $0x80  }
0x244: {  	[sflag:s13] =	ssyncset.done $0x0  }
0x245: {  	[sflag:s13] =	ssyncadd.s32 $0xFFFFFF80  }
0x246: {  	_ =	swait.ge [sflag:s13], $0x80  }
0x247: {  	[sflag:s13] =	ssyncset.done $0x0  }
0x248: {  	[sflag:s13] =	ssyncadd.s32 $0xFFFFFF80  }
0x249: {  	_ =	swait.ge [sflag:s13], $0x80  }
0x24a: {  	[sflag:s13] =	ssyncset.done $0x0  }
0x24b: {  	[sflag:s13] =	ssyncadd.s32 $0xFFFFFF80  }
0x24c: {  	_ =	swait.ge [sflag:s13], $0x80  }
0x24d: {  	[sflag:s13] =	ssyncset.done $0x0  }
0x24e: {  	[sflag:s13] =	ssyncadd.s32 $0xFFFFFF80  }
0x24f: {  	_ =	swait.ge [sflag:s13], $0x80  }
0x250: {  	[sflag:s13] =	ssyncset.done $0x0  }
0x251: {  	[sflag:s13] =	ssyncadd.s32 $0xFFFFFF80  }
0x252: {  	_ =	swait.ge [sflag:s13], $0x80  }
0x253: {  	[sflag:s13] =	ssyncset.done $0x0  }
0x254: {  	[sflag:s13] =	ssyncadd.s32 $0xFFFFFF80  }
0x255: {  	_ =	swait.ge [sflag:s13], $0x80  }
0x256: {  	[sflag:s13] =	ssyncset.done $0x0  }
0x257: {  	[sflag:s13] =	ssyncadd.s32 $0xFFFFFF80  }
0x258: {  	_ =	swait.ge [sflag:s13], $0x80  }
0x259: {  	[sflag:s13] =	ssyncset.done $0x0  }
0x25a: {  	[sflag:s13] =	ssyncadd.s32 $0xFFFFFF80  }
0x25b: {  	_ =	swait.ge [sflag:s13], $0x80  }
0x25c: {  	[sflag:s13] =	ssyncset.done $0x0  }
0x25d: {  	[sflag:s13] =	ssyncadd.s32 $0xFFFFFF80  }
0x25e: {  	_ =	swait.ge [sflag:s13], $0x80  }
0x25f: {  	[sflag:s13] =	ssyncset.done $0x0  }
0x260: {  	[sflag:s13] =	ssyncadd.s32 $0xFFFFFF80  }
0x261: {  	_ =	swait.ge [sflag:s13], $0x80  }
0x262: {  	[sflag:s13] =	ssyncset.done $0x0  }
0x263: {  	[sflag:s13] =	ssyncadd.s32 $0xFFFFFF80  }
0x264: {  	_ =	swait.ge [sflag:s13], $0x80  }
0x265: {  	[sflag:s13] =	ssyncset.done $0x0  }
0x266: {  	[sflag:s13] =	ssyncadd.s32 $0xFFFFFF80  }
0x267: {  	_ =	swait.ge [sflag:s13], $0x80  }
0x268: {  	[sflag:s13] =	ssyncset.done $0x0  }
0x269: {  	[sflag:s13] =	ssyncadd.s32 $0xFFFFFF80  }
0x26a: {  	_ =	swait.ge [sflag:s13], $0x80  }
0x26b: {  	[sflag:s13] =	ssyncset.done $0x0  }
0x26c: {  	[sflag:s13] =	ssyncadd.s32 $0xFFFFFF80  }
0x26d: {  	_ =	swait.ge [sflag:s13], $0x80  }
0x26e: {  	[sflag:s13] =	ssyncset.done $0x0  }
0x26f: {  	[sflag:s13] =	ssyncadd.s32 $0xFFFFFF80  }
0x270: {  	_ =	swait.ge [sflag:s13], $0x80  }
0x271: {  	[sflag:s13] =	ssyncset.done $0x0  }
0x272: {  	[sflag:s13] =	ssyncadd.s32 $0xFFFFFF80  }
0x273: {  	_ =	swait.ge [sflag:s13], $0x80  }
0x274: {  	[sflag:s13] =	ssyncset.done $0x0  }
0x275: {  	[sflag:s13] =	ssyncadd.s32 $0xFFFFFF80  }
0x276: {  	_ =	swait.ge [sflag:s13], $0x80  }
0x277: {  	[sflag:s13] =	ssyncset.done $0x0  }
0x278: {  	[sflag:s13] =	ssyncadd.s32 $0xFFFFFF80  }
0x279: {  	_ =	swait.ge [sflag:s13], $0x80  }
0x27a: {  	[sflag:s13] =	ssyncset.done $0x0  }
0x27b: {  	[sflag:s13] =	ssyncadd.s32 $0xFFFFFF80  }
0x27c: {  	_ =	swait.ge [sflag:s13], $0x80  }
0x27d: {  	[sflag:s13] =	ssyncset.done $0x0  }
0x27e: {  	[sflag:s13] =	ssyncadd.s32 $0xFFFFFF80  }
0x27f: {  	_ =	swait.ge [sflag:s13], $0x80  }
0x280: {  	[sflag:s13] =	ssyncset.done $0x0  }
0x281: {  	[sflag:s13] =	ssyncadd.s32 $0xFFFFFF80  }
0x282: {  	_ =	swait.ge [sflag:s13], $0x80  }
0x283: {  	[sflag:s13] =	ssyncset.done $0x0  }
0x284: {  	[sflag:s13] =	ssyncadd.s32 $0xFFFFFF80  }
0x285: {  	_ =	swait.ge [sflag:s13], $0x80  }
0x286: {  	[sflag:s13] =	ssyncset.done $0x0  }
0x287: {  	[sflag:s13] =	ssyncadd.s32 $0xFFFFFF80  }
0x288: {  	_ =	swait.ge [sflag:s13], $0x80  }
0x289: {  	[sflag:s13] =	ssyncset.done $0x0  }
0x28a: {  	[sflag:s13] =	ssyncadd.s32 $0xFFFFFF80  }
0x28b: {  	_ =	swait.ge [sflag:s13], $0x80  }
0x28c: {  	[sflag:s13] =	ssyncset.done $0x0  }
0x28d: {  	[sflag:s13] =	ssyncadd.s32 $0xFFFFFF80  }
0x28e: {  	_ =	swait.ge [sflag:s13], $0x80  }
0x28f: {  	[sflag:s13] =	ssyncset.done $0x0  }
0x290: {  	[sflag:s13] =	ssyncadd.s32 $0xFFFFFF80  }
0x291: {  	_ =	swait.ge [sflag:s13], $0x80  }
0x292: {  	[sflag:s13] =	ssyncset.done $0x0  }
0x293: {  	[sflag:s13] =	ssyncadd.s32 $0xFFFFFF80  }
0x294: {  	_ =	swait.ge [sflag:s13], $0x80  }
0x295: {  	[sflag:s13] =	ssyncset.done $0x0  }
0x296: {  	[sflag:s13] =	ssyncadd.s32 $0xFFFFFF80  }
0x297: {  	_ =	swait.ge [sflag:s13], $0x80  }
0x298: {  	[sflag:s13] =	ssyncset.done $0x0  }
0x299: {  	[sflag:s13] =	ssyncadd.s32 $0xFFFFFF80  }
0x29a: {  	_ =	swait.ge [sflag:s13], $0x80  }
0x29b: {  	[sflag:s13] =	ssyncset.done $0x0  }
0x29c: {  	[sflag:s13] =	ssyncadd.s32 $0xFFFFFF80  }
0x29d: {  	_ =	swait.ge [sflag:s13], $0x80  }
0x29e: {  	[sflag:s13] =	ssyncset.done $0x0  }
0x29f: {  	[sflag:s13] =	ssyncadd.s32 $0xFFFFFF80  }
0x2a0: {  	_ =	swait.ge [sflag:s13], $0x80  }
0x2a1: {  	[sflag:s13] =	ssyncset.done $0x0  }
0x2a2: {  	[sflag:s13] =	ssyncadd.s32 $0xFFFFFF80  }
0x2a3: {  	_ =	swait.ge [sflag:s13], $0x80  }
0x2a4: {  	[sflag:s13] =	ssyncset.done $0x0  }
0x2a5: {  	[sflag:s13] =	ssyncadd.s32 $0xFFFFFF80  }
0x2a6: {  	_ =	swait.ge [sflag:s13], $0x80  }
0x2a7: {  	[sflag:s13] =	ssyncset.done $0x0  }
0x2a8: {  	[sflag:s13] =	ssyncadd.s32 $0xFFFFFF80  }
0x2a9: {  	_ =	swait.ge [sflag:s13], $0x80  }
0x2aa: {  	[sflag:s13] =	ssyncset.done $0x0  }
0x2ab: {  	[sflag:s13] =	ssyncadd.s32 $0xFFFFFF80  }
0x2ac: {  	_ =	swait.ge [sflag:s13], $0x80  }
0x2ad: {  	[sflag:s13] =	ssyncset.done $0x0  }
0x2ae: {  	[sflag:s13] =	ssyncadd.s32 $0xFFFFFF80  }
0x2af: {  	_ =	swait.ge [sflag:s13], $0x80  }
0x2b0: {  	[sflag:s13] =	ssyncset.done $0x0  }
0x2b1: {  	[sflag:s13] =	ssyncadd.s32 $0xFFFFFF80  }
0x2b2: {  	_ =	swait.ge [sflag:s13], $0x80  }
0x2b3: {  	[sflag:s13] =	ssyncset.done $0x0  }
0x2b4: {  	[sflag:s13] =	ssyncadd.s32 $0xFFFFFF80  }
0x2b5: {  	_ =	swait.ge [sflag:s13], $0x80  }
0x2b6: {  	[sflag:s13] =	ssyncset.done $0x0  }
0x2b7: {  	[sflag:s13] =	ssyncadd.s32 $0xFFFFFF80  }
0x2b8: {  	_ =	swait.ge [sflag:s13], $0x80  }
0x2b9: {  	[sflag:s13] =	ssyncset.done $0x0  }
0x2ba: {  	[sflag:s13] =	ssyncadd.s32 $0xFFFFFF80  }
0x2bb: {  	_ =	swait.ge [sflag:s13], $0x80  }
0x2bc: {  	[sflag:s13] =	ssyncset.done $0x0  }
0x2bd: {  	[sflag:s13] =	ssyncadd.s32 $0xFFFFFF80  }
0x2be: {  	_ =	swait.ge [sflag:s13], $0x80  }
0x2bf: {  	[sflag:s13] =	ssyncset.done $0x0  }
0x2c0: {  	[sflag:s13] =	ssyncadd.s32 $0xFFFFFF80  }
0x2c1: {  	_ =	swait.ge [sflag:s13], $0x80  }
0x2c2: {  	[sflag:s13] =	ssyncset.done $0x0  }
0x2c3: {  	[sflag:s13] =	ssyncadd.s32 $0xFFFFFF80  }
0x2c4: {  	_ =	swait.ge [sflag:s13], $0x80  }
0x2c5: {  	[sflag:s13] =	ssyncset.done $0x0  }
0x2c6: {  	[sflag:s13] =	ssyncadd.s32 $0xFFFFFF80  }
0x2c7: {  	_ =	swait.ge [sflag:s13], $0x80  }
0x2c8: {  	[sflag:s13] =	ssyncset.done $0x0  }
0x2c9: {  	[sflag:s13] =	ssyncadd.s32 $0xFFFFFF80  }
0x2ca: {  	_ =	swait.ge [sflag:s13], $0x80  }
0x2cb: {  	[sflag:s13] =	ssyncset.done $0x0  }
0x2cc: {  	[sflag:s13] =	ssyncadd.s32 $0xFFFFFF80  }
0x2cd: {  	_ =	swait.ge [sflag:s13], $0x80  }
0x2ce: {  	[sflag:s13] =	ssyncset.done $0x0  }
0x2cf: {  	[sflag:s13] =	ssyncadd.s32 $0xFFFFFF80  }
0x2d0: {  	_ =	swait.ge [sflag:s13], $0x80  }
0x2d1: {  	[sflag:s13] =	ssyncset.done $0x0  }
0x2d2: {  	[sflag:s13] =	ssyncadd.s32 $0xFFFFFF80  }
0x2d3: {  	_ =	swait.ge [sflag:s13], $0x80  }
0x2d4: {  	[sflag:s13] =	ssyncset.done $0x0  }
0x2d5: {  	[sflag:s13] =	ssyncadd.s32 $0xFFFFFF80  }
0x2d6: {  	_ =	swait.ge [sflag:s13], $0x80  }
0x2d7: {  	[sflag:s13] =	ssyncset.done $0x0  }
0x2d8: {  	[sflag:s13] =	ssyncadd.s32 $0xFFFFFF80  }
0x2d9: {  	_ =	swait.ge [sflag:s13], $0x80  }
0x2da: {  	[sflag:s13] =	ssyncset.done $0x0  }
0x2db: {  	[sflag:s13] =	ssyncadd.s32 $0xFFFFFF80  }
0x2dc: {  	_ =	swait.ge [sflag:s13], $0x80  }
0x2dd: {  	[sflag:s13] =	ssyncset.done $0x0  }
0x2de: {  	[sflag:s13] =	ssyncadd.s32 $0xFFFFFF80  }
0x2df: {  	_ =	swait.ge [sflag:s13], $0x80  }
0x2e0: {  	[sflag:s13] =	ssyncset.done $0x0  }
0x2e1: {  	[sflag:s13] =	ssyncadd.s32 $0xFFFFFF80  }
0x2e2: {  	_ =	swait.ge [sflag:s13], $0x80  }
0x2e3: {  	[sflag:s13] =	ssyncset.done $0x0  }
0x2e4: {  	[sflag:s13] =	ssyncadd.s32 $0xFFFFFF80  }
0x2e5: {  	_ =	swait.ge [sflag:s13], $0x80  }
0x2e6: {  	[sflag:s13] =	ssyncset.done $0x0  }
0x2e7: {  	[sflag:s13] =	ssyncadd.s32 $0xFFFFFF80  }
0x2e8: {  	_ =	swait.ge [sflag:s13], $0x80  }
0x2e9: {  	[sflag:s13] =	ssyncset.done $0x0  }
0x2ea: {  	[sflag:s13] =	ssyncadd.s32 $0xFFFFFF80  }
0x2eb: {  	_ =	swait.ge [sflag:s13], $0x80  }
0x2ec: {  	[sflag:s13] =	ssyncset.done $0x0  }
0x2ed: {  	[sflag:s13] =	ssyncadd.s32 $0xFFFFFF80  }
0x2ee: {  	_ =	swait.ge [sflag:s13], $0x80  }
0x2ef: {  	[sflag:s13] =	ssyncset.done $0x0  }
0x2f0: {  	[sflag:s13] =	ssyncadd.s32 $0xFFFFFF80  }
0x2f1: {  	_ =	swait.ge [sflag:s13], $0x80  }
0x2f2: {  	[sflag:s13] =	ssyncset.done $0x0  }
0x2f3: {  	[sflag:s13] =	ssyncadd.s32 $0xFFFFFF80  }
0x2f4: {  	_ =	swait.ge [sflag:s13], $0x80  }
0x2f5: {  	[sflag:s13] =	ssyncset.done $0x0  }
0x2f6: {  	[sflag:s13] =	ssyncadd.s32 $0xFFFFFF80  }
0x2f7: {  	_ =	swait.ge [sflag:s13], $0x80  }
0x2f8: {  	[sflag:s13] =	ssyncset.done $0x0  }
0x2f9: {  	[sflag:s13] =	ssyncadd.s32 $0xFFFFFF80  }
0x2fa: {  	_ =	swait.ge [sflag:s13], $0x80  }
0x2fb: {  	[sflag:s13] =	ssyncset.done $0x0  }
0x2fc: {  	[sflag:s13] =	ssyncadd.s32 $0xFFFFFF80  }
0x2fd: {  	_ =	swait.ge [sflag:s13], $0x80  }
0x2fe: {  	[sflag:s13] =	ssyncset.done $0x0  }
0x2ff: {  	[sflag:s13] =	ssyncadd.s32 $0xFFFFFF80  }
0x300: {  	_ =	swait.ge [sflag:s13], $0x80  }
0x301: {  	[sflag:s13] =	ssyncset.done $0x0  }
0x302: {  	[sflag:s13] =	ssyncadd.s32 $0xFFFFFF80  }
0x303: {  	_ =	swait.ge [sflag:s13], $0x80  }
0x304: {  	[sflag:s13] =	ssyncset.done $0x0  }
0x305: {  	[sflag:s13] =	ssyncadd.s32 $0xFFFFFF80  }
0x306: {  	_ =	swait.ge [sflag:s13], $0x80  }
0x307: {  	[sflag:s13] =	ssyncset.done $0x0  }
0x308: {  	[sflag:s13] =	ssyncadd.s32 $0xFFFFFF80  }
0x309: {  	_ =	swait.ge [sflag:s13], $0x80  }
0x30a: {  	[sflag:s13] =	ssyncset.done $0x0  }
0x30b: {  	[sflag:s13] =	ssyncadd.s32 $0xFFFFFF80  }
0x30c: {  	_ =	swait.ge [sflag:s13], $0x80  }
0x30d: {  	[sflag:s13] =	ssyncset.done $0x0  }
0x30e: {  	[sflag:s13] =	ssyncadd.s32 $0xFFFFFF80  }
0x30f: {  	_ =	swait.ge [sflag:s13], $0x80  }
0x310: {  	[sflag:s13] =	ssyncset.done $0x0  }
0x311: {  	[sflag:s13] =	ssyncadd.s32 $0xFFFFFF80  }
0x312: {  	_ =	swait.ge [sflag:s13], $0x80  }
0x313: {  	[sflag:s13] =	ssyncset.done $0x0  }
0x314: {  	[sflag:s13] =	ssyncadd.s32 $0xFFFFFF80  }
0x315: {  	_ =	swait.ge [sflag:s13], $0x80  }
0x316: {  	[sflag:s13] =	ssyncset.done $0x0  }
0x317: {  	[sflag:s13] =	ssyncadd.s32 $0xFFFFFF80  }
0x318: {  	_ =	swait.ge [sflag:s13], $0x80  }
0x319: {  	[sflag:s13] =	ssyncset.done $0x0  }
0x31a: {  	[sflag:s13] =	ssyncadd.s32 $0xFFFFFF80  }
0x31b: {  	_ =	swait.ge [sflag:s13], $0x80  }
0x31c: {  	[sflag:s13] =	ssyncset.done $0x0  }
0x31d: {  	[sflag:s13] =	ssyncadd.s32 $0xFFFFFF80  }
0x31e: {  	_ =	swait.ge [sflag:s13], $0x80  }
0x31f: {  	[sflag:s13] =	ssyncset.done $0x0  }
0x320: {  	[sflag:s13] =	ssyncadd.s32 $0xFFFFFF80  }
0x321: {  	_ =	swait.ge [sflag:s13], $0x80  }
0x322: {  	[sflag:s13] =	ssyncset.done $0x0  }
0x323: {  	[sflag:s13] =	ssyncadd.s32 $0xFFFFFF80  }
0x324: {  	_ =	swait.ge [sflag:s13], $0x80  }
0x325: {  	[sflag:s13] =	ssyncset.done $0x0  }
0x326: {  	[sflag:s13] =	ssyncadd.s32 $0xFFFFFF80  }
0x327: {  	_ =	swait.ge [sflag:s13], $0x80  }
0x328: {  	[sflag:s13] =	ssyncset.done $0x0  }
0x329: {  	[sflag:s13] =	ssyncadd.s32 $0xFFFFFF80  }
0x32a: {  	_ =	swait.ge [sflag:s13], $0x80  }
0x32b: {  	[sflag:s13] =	ssyncset.done $0x0  }
0x32c: {  	[sflag:s13] =	ssyncadd.s32 $0xFFFFFF80  }
0x32d: {  	_ =	swait.ge [sflag:s13], $0x80  }
0x32e: {  	[sflag:s13] =	ssyncset.done $0x0  }
0x32f: {  	[sflag:s13] =	ssyncadd.s32 $0xFFFFFF80  }
0x330: {  	_ =	swait.ge [sflag:s13], $0x80  }
0x331: {  	[sflag:s13] =	ssyncset.done $0x0  }
0x332: {  	[sflag:s13] =	ssyncadd.s32 $0xFFFFFF80  }
0x333: {  	_ =	swait.ge [sflag:s13], $0x80  }
0x334: {  	[sflag:s13] =	ssyncset.done $0x0  }
0x335: {  	[sflag:s13] =	ssyncadd.s32 $0xFFFFFF80  }
0x336: {  	_ =	swait.ge [sflag:s13], $0x80  }
0x337: {  	[sflag:s13] =	ssyncset.done $0x0  }
0x338: {  	[sflag:s13] =	ssyncadd.s32 $0xFFFFFF80  }
0x339: {  	_ =	swait.ge [sflag:s13], $0x80  }
0x33a: {  	[sflag:s13] =	ssyncset.done $0x0  }
0x33b: {  	[sflag:s13] =	ssyncadd.s32 $0xFFFFFF80  }
0x33c: {  	_ =	swait.ge [sflag:s13], $0x80  }
0x33d: {  	[sflag:s13] =	ssyncset.done $0x0  }
0x33e: {  	[sflag:s13] =	ssyncadd.s32 $0xFFFFFF80  }
0x33f: {  	_ =	swait.ge [sflag:s13], $0x80  }
0x340: {  	[sflag:s13] =	ssyncset.done $0x0  }
0x341: {  	[sflag:s13] =	ssyncadd.s32 $0xFFFFFF80  }
0x342: {  	_ =	swait.ge [sflag:s13], $0x80  }
0x343: {  	[sflag:s13] =	ssyncset.done $0x0  }
0x344: {  	[sflag:s13] =	ssyncadd.s32 $0xFFFFFF80  }
0x345: {  	_ =	swait.ge [sflag:s13], $0x80  }
0x346: {  	[sflag:s13] =	ssyncset.done $0x0  }
0x347: {  	[sflag:s13] =	ssyncadd.s32 $0xFFFFFF80  }
0x348: {  	_ =	swait.ge [sflag:s13], $0x80  }
0x349: {  	[sflag:s13] =	ssyncset.done $0x0  }
0x34a: {  	[sflag:s13] =	ssyncadd.s32 $0xFFFFFF80  }
0x34b: {  	_ =	swait.ge [sflag:s13], $0x80  }
0x34c: {  	[sflag:s13] =	ssyncset.done $0x0  }
0x34d: {  	[sflag:s13] =	ssyncadd.s32 $0xFFFFFF80  }
0x34e: {  	_ =	swait.ge [sflag:s13], $0x80  }
0x34f: {  	[sflag:s13] =	ssyncset.done $0x0  }
0x350: {  	[sflag:s13] =	ssyncadd.s32 $0xFFFFFF80  }
0x351: {  	s14 =	sadd.s32 $0x1, s14;
	_ =	swait.ge [sflag:s13], $0x80  }
0x352: {  	p0 =	sne.s32 s14, s7;
	[sflag:s13] =	ssyncset.done $0x0  }
.Ltmp1:
0x353: {  	[sflag:s13] =	ssyncadd.s32 $0xFFFFFF80;
	(pc) =	sbr.rel @p0 .LBB2_1-.Ltmp1, $4  }
0x354: {  	[hbm4b:s6+s22] =	stream.strided.scatter [tilespmem:s11], [sflag:$0x2], $0x4000, s2, s22, $0x38;
	[tilespmem:$0x8100] =	vst v63  }
0x355: {  	_ =	swait.ge [sflag:s8], $0x4000  }
0x356: {  	[sflag:s8] =	ssyncset.done $0x0  }
0x357: {  	[sflag:s8] =	ssyncadd.s32 $0xFFFFC000  }
0x358: {  	_ =	sfence.sel $0x180000  }
0x359: {  	[bflag:$0x0] =	sbarrier.arrive $0xFFFF  }
0x35a: {  	_ =	strace $0x90000047  }
0x35b: {  	s0 =	stileid.u32;
	[bflag:$0x2] =	sbarrier.arrive $0xFFFF  }
0x35c: {  	p0 =	sne.s32 s0, $0x0;
	s0 =	rddreg [dreg:$0x3]  }
0x35d: {  	s0 =	sadd.s32 @!p0 $0x100000, s0  }
0x35e: {  	[sflag:s0] =	ssyncadd.tile.s32 @!p0 $0x1;
	_ =	shalt  }
.Lfunc_end2:
_tile_overlayer_lowered:
.L_overlay_start_2:
0x35f: {  	(tag) =	ssettag $0x2  }
0x360: {  	s0 =	rddreg [dreg:$0x0];
	s2 =	stileid.u32  }
0x361: {  	s1 =	rddreg [dreg:$0x1];
	p0 =	sne.s32 s2, $0x0  }
0x362: {  	s3 =	rddreg [dreg:$0x2];
	[bflag:$0x3] =	sbarrier.arrive $0xFFFF;
	s2 =	simm.s32 @!p0 $0x1C02  }
0x363: {  	[timem:s3], [sflag:s2] =	dma.local @!p0 [hbm:s0], s1  }
0x364: {  	s0 =	simm.s32 @!p0 $0x2  }
0x365: {  	_ =	swait.ge @!p0 [sflag:s0], s1  }
0x366: {  	s1 =	ssub.s32 @!p0 $0x0, s1;
	[sflag:s0] =	ssyncset.done @!p0 $0x0  }
0x367: {  	[sflag:s0] =	ssyncadd.s32 @!p0 s1  }
0x368: {  	[bflag:$0x3] =	sbarrier.arrive $0xFFFF  }
0x369: {  	_ =	shalt  }

</sc_bundles>
